<compile_context>
chip_gen: v7x
topology: tpu7x:2x2x1
jax: 0.10.2.dev20260603
libtpu: 0.0.44.dev20260713+nightly
codegen_flags: <defaults>
</compile_context>

<pallas_src>
import functools

import jax
import jax.numpy as jnp
from jax import lax
from jax.experimental import pallas as pl
from jax.experimental.pallas import tpu as pltpu
from jax.experimental.pallas import tpu_sc as plsc

N = 10000
E = 320000
EC = 100000
D = 128
H = 128

NC = 2
NS = 16
NW = NC * NS
EPT = E // NW
K = 125
NCHUNK = EPT // K
RPT = N // NS

PPT = 3136
ECP = PPT * NW
PCH = PPT // 16

ZR = 632
ZR_LAST = N - (NS - 1) * ZR

_MESH = plsc.VectorSubcoreMesh(core_axis_name="c", subcore_axis_name="s",
                               num_cores=NC, num_subcores=NS)


def _wid():
    return lax.axis_index("c") * NS + lax.axis_index("s")


def _rowcopy(fn_main, fn_last, s):
    base = pl.multiple_of(s * ZR, 8)

    @pl.when(s < NS - 1)
    def _():
        fn_main(base)

    @pl.when(s == NS - 1)
    def _():
        fn_last()


@functools.partial(
    pl.kernel,
    out_type=jax.ShapeDtypeStruct((NC, N, 16), jnp.float32),
    mesh=_MESH,
    scratch_types=[
        pltpu.VMEM((NCHUNK, K), jnp.int32),
        pltpu.VMEM((K, 16), jnp.float32),
        pltpu.SemaphoreType.DMA,
        pltpu.VMEM_SHARED((N, 16), jnp.float32),
    ],
    compiler_params=pltpu.CompilerParams(use_tc_tiling_on_sc=False),
)
def _sc_degree(dst_hbm, ones_hbm, zeros_hbm, parts_hbm, dst_v, ones_v, sem,
               acc):
    c = lax.axis_index("c")
    s = lax.axis_index("s")
    w = c * NS + s
    pltpu.sync_copy(dst_hbm.at[w], dst_v)
    pltpu.sync_copy(ones_hbm, ones_v)
    _rowcopy(lambda b: pltpu.sync_copy(zeros_hbm.at[pl.ds(b, ZR)],
                                       acc.at[pl.ds(b, ZR)]),
             lambda: pltpu.sync_copy(zeros_hbm.at[pl.ds(N - ZR_LAST, ZR_LAST)],
                                     acc.at[pl.ds(N - ZR_LAST, ZR_LAST)]),
             s)
    plsc.subcore_barrier()

    def body(j, _):
        pltpu.async_copy(ones_v, acc.at[dst_v.at[j]], sem, add=True)
        return 0

    lax.fori_loop(0, NCHUNK, body, 0)

    def drain(j, _):
        pltpu.make_async_copy(ones_v, acc.at[dst_v.at[0]], sem).wait()
        return 0

    lax.fori_loop(0, NCHUNK, drain, 0)
    plsc.subcore_barrier()
    _rowcopy(lambda b: pltpu.sync_copy(acc.at[pl.ds(b, ZR)],
                                       parts_hbm.at[c, pl.ds(b, ZR)]),
             lambda: pltpu.sync_copy(acc.at[pl.ds(N - ZR_LAST, ZR_LAST)],
                                     parts_hbm.at[c, pl.ds(N - ZR_LAST, ZR_LAST)]),
             s)


HW = H // NC
NCT = 2 * NCHUNK


NBUF = 5
NGRP = NCT // NBUF
ND = 4
WG = NBUF - ND


@functools.partial(
    pl.kernel,
    out_type=jax.ShapeDtypeStruct((NC, N, HW), jnp.float32),
    mesh=_MESH,
    scratch_types=[
        pltpu.VMEM((NCT, K), jnp.int32),
        pltpu.VMEM((NCT, K), jnp.int32),
        pltpu.VMEM((NBUF, K, HW), jnp.float32),
        pltpu.SemaphoreType.DMA((NBUF,)),
        pltpu.SemaphoreType.DMA((NBUF,)),
        pltpu.VMEM_SHARED((N, HW), jnp.float32),
    ],
    compiler_params=pltpu.CompilerParams(use_tc_tiling_on_sc=False),
)
def _sc_scatter(g_hbm, src_hbm, dst_hbm, zeros_hbm, parts_hbm,
                src_v, dst_v, rows, gsem, ssem, acc):
    c = lax.axis_index("c")
    s = lax.axis_index("s")
    gh = g_hbm.at[c]
    pltpu.sync_copy(src_hbm.at[2 * s], src_v.at[pl.ds(0, NCHUNK)])
    pltpu.sync_copy(src_hbm.at[2 * s + 1], src_v.at[pl.ds(NCHUNK, NCHUNK)])
    pltpu.sync_copy(dst_hbm.at[2 * s], dst_v.at[pl.ds(0, NCHUNK)])
    pltpu.sync_copy(dst_hbm.at[2 * s + 1], dst_v.at[pl.ds(NCHUNK, NCHUNK)])
    _rowcopy(lambda b: pltpu.sync_copy(zeros_hbm.at[pl.ds(b, ZR)],
                                       acc.at[pl.ds(b, ZR)]),
             lambda: pltpu.sync_copy(zeros_hbm.at[pl.ds(N - ZR_LAST, ZR_LAST)],
                                     acc.at[pl.ds(N - ZR_LAST, ZR_LAST)]),
             s)
    plsc.subcore_barrier()

    for b in range(ND):
        pltpu.async_copy(gh.at[src_v.at[b]], rows.at[b], gsem.at[b])

    def body(grp, _):
        for b in range(NBUF):
            i = grp * NBUF + b
            pltpu.make_async_copy(gh.at[src_v.at[i]], rows.at[b],
                                  gsem.at[b]).wait()
            pltpu.async_copy(rows.at[b], acc.at[dst_v.at[i]], ssem.at[b],
                             add=True)
            bg = (b + ND) % NBUF

            def _advance():
                def _drain():
                    pltpu.make_async_copy(rows.at[bg], acc.at[dst_v.at[i]],
                                          ssem.at[bg]).wait()
                if b >= WG:
                    _drain()
                else:
                    pl.when(grp > 0)(_drain)
                pltpu.async_copy(gh.at[src_v.at[i + ND]], rows.at[bg],
                                 gsem.at[bg])

            if b < WG:
                _advance()
            else:
                pl.when(grp < NGRP - 1)(_advance)
        return 0

    lax.fori_loop(0, NGRP, body, 0)
    for b in range(NBUF):
        pltpu.make_async_copy(rows.at[b], acc.at[dst_v.at[0]],
                              ssem.at[b]).wait()
    plsc.subcore_barrier()
    _rowcopy(lambda b: pltpu.sync_copy(acc.at[pl.ds(b, ZR)],
                                       parts_hbm.at[c, pl.ds(b, ZR)]),
             lambda: pltpu.sync_copy(acc.at[pl.ds(N - ZR_LAST, ZR_LAST)],
                                     parts_hbm.at[c, pl.ds(N - ZR_LAST, ZR_LAST)]),
             s)


@functools.partial(
    pl.kernel,
    out_type=jax.ShapeDtypeStruct((ECP,), jnp.float32),
    mesh=_MESH,
    scratch_types=[
        pltpu.VMEM((N,), jnp.float32),
        pltpu.VMEM((N,), jnp.float32),
        pltpu.VMEM((PPT,), jnp.int32),
        pltpu.VMEM((PPT,), jnp.int32),
        pltpu.VMEM((PPT,), jnp.float32),
    ],
    compiler_params=pltpu.CompilerParams(needs_layout_passes=False),
)
def _sc_pairs(s_hbm, t_hbm, ei0_hbm, ei1_hbm, out_hbm,
              s_v, t_v, i0_v, i1_v, ob_v):
    w = _wid()
    base = pl.multiple_of(w * PPT, 8)
    pltpu.sync_copy(s_hbm, s_v)
    pltpu.sync_copy(t_hbm, t_v)
    pltpu.sync_copy(ei0_hbm.at[pl.ds(base, PPT)], i0_v)
    pltpu.sync_copy(ei1_hbm.at[pl.ds(base, PPT)], i1_v)

    def body(j, _):
        sl = pl.ds(j * 16, 16)
        v0 = plsc.load_gather(s_v, [i0_v[sl]])
        v1 = plsc.load_gather(t_v, [i1_v[sl]])
        z = v0 + v1
        ob_v[sl] = 1.0 / (1.0 + jnp.exp(-z))
        return 0

    lax.fori_loop(0, PCH, body, 0)
    pltpu.sync_copy(ob_v, out_hbm.at[pl.ds(base, PPT)])


BN = 2000


def _dinv_of(deg_ref):
    deg = deg_ref[0, :, 0:1] + deg_ref[1, :, 0:1] + 1.0
    return lax.rsqrt(deg)


_DEG_SPEC = pl.BlockSpec((NC, BN, 16), lambda i: (0, i, 0))


def _split_store(out_ref, g):
    out_ref[0] = g[:, :HW]
    out_ref[1] = g[:, HW:]


def _scale_mm_body(x_ref, w_ref, deg_ref, g_ref):
    xw = jnp.dot(x_ref[...], w_ref[...], preferred_element_type=jnp.float32)
    _split_store(g_ref, _dinv_of(deg_ref) * xw)


def _tc_scale_mm(x, W, deg_parts):
    return pl.pallas_call(
        _scale_mm_body,
        grid=(N // BN,),
        in_specs=[
            pl.BlockSpec((BN, D), lambda i: (i, 0)),
            pl.BlockSpec((D, H), lambda i: (0, 0)),
            _DEG_SPEC,
        ],
        out_specs=pl.BlockSpec((NC, BN, HW), lambda i: (0, i, 0)),
        out_shape=jax.ShapeDtypeStruct((NC, N, HW), jnp.float32),
    )(x, W, deg_parts)


def _layer_body(parts_ref, g_ref, deg_ref, b_ref, w_ref, out_ref):
    dinv = _dinv_of(deg_ref)
    tot = jnp.concatenate([parts_ref[0] + g_ref[0], parts_ref[1] + g_ref[1]],
                          axis=1)
    h = jnp.maximum(dinv * tot + b_ref[...], 0.0)
    hw = jnp.dot(h, w_ref[...], preferred_element_type=jnp.float32)
    _split_store(out_ref, dinv * hw)


def _tc_layer(parts, g, deg_parts, b, W):
    return pl.pallas_call(
        _layer_body,
        grid=(N // BN,),
        in_specs=[
            pl.BlockSpec((NC, BN, HW), lambda i: (0, i, 0)),
            pl.BlockSpec((NC, BN, HW), lambda i: (0, i, 0)),
            _DEG_SPEC,
            pl.BlockSpec((1, H), lambda i: (0, 0)),
            pl.BlockSpec((H, H), lambda i: (0, 0)),
        ],
        out_specs=pl.BlockSpec((NC, BN, HW), lambda i: (0, i, 0)),
        out_shape=jax.ShapeDtypeStruct((NC, N, HW), jnp.float32),
    )(parts, g, deg_parts, b, W)


def _final_body(parts_ref, g_ref, deg_ref, b_ref, wc0_ref, wc1_ref, bc_ref,
                h_ref, s_ref, t_ref):
    dinv = _dinv_of(deg_ref)
    tot = jnp.concatenate([parts_ref[0] + g_ref[0], parts_ref[1] + g_ref[1]],
                          axis=1)
    h = jnp.maximum(dinv * tot + b_ref[...], 0.0)
    h_ref[...] = h
    s_ref[...] = jnp.sum(h * wc0_ref[...], axis=1, keepdims=True) + bc_ref[0]
    t_ref[...] = jnp.sum(h * wc1_ref[...], axis=1, keepdims=True)


def _tc_final(parts, g, deg_parts, b, wc0, wc1, bc):
    return pl.pallas_call(
        _final_body,
        grid=(N // BN,),
        in_specs=[
            pl.BlockSpec((NC, BN, HW), lambda i: (0, i, 0)),
            pl.BlockSpec((NC, BN, HW), lambda i: (0, i, 0)),
            _DEG_SPEC,
            pl.BlockSpec((1, H), lambda i: (0, 0)),
            pl.BlockSpec((1, H), lambda i: (0, 0)),
            pl.BlockSpec((1, H), lambda i: (0, 0)),
            pl.BlockSpec(memory_space=pltpu.SMEM),
        ],
        out_specs=[
            pl.BlockSpec((BN, H), lambda i: (i, 0)),
            pl.BlockSpec((BN, 1), lambda i: (i, 0)),
            pl.BlockSpec((BN, 1), lambda i: (i, 0)),
        ],
        out_shape=[
            jax.ShapeDtypeStruct((N, H), jnp.float32),
            jax.ShapeDtypeStruct((N, 1), jnp.float32),
            jax.ShapeDtypeStruct((N, 1), jnp.float32),
        ],
    )(parts, g, deg_parts, b, wc0, wc1, bc)


def kernel(x, edge_index_ppi, edge_index, W1, b1, W2, b2, Wc, bc):
    src = edge_index_ppi[0].reshape(NW, NCHUNK, K)
    dst = edge_index_ppi[1].reshape(NW, NCHUNK, K)

    ones16 = jnp.ones((K, 16), jnp.float32)
    zeros16 = jnp.zeros((N, 16), jnp.float32)
    zerosHW = jnp.zeros((N, HW), jnp.float32)

    deg_parts = _sc_degree(dst, ones16, zeros16)

    g1 = _tc_scale_mm(x, W1, deg_parts)
    p1 = _sc_scatter(g1, src, dst, zerosHW)
    g2 = _tc_layer(p1, g1, deg_parts, b1.reshape(1, H), W2)
    p2 = _sc_scatter(g2, src, dst, zerosHW)

    wc0 = Wc[:H, 0].reshape(1, H)
    wc1 = Wc[H:, 0].reshape(1, H)
    h2, s_col, t_col = _tc_final(p2, g2, deg_parts, b2.reshape(1, H), wc0,
                                 wc1, bc)

    pad = ECP - EC
    ei0 = jnp.pad(edge_index[0], (0, pad))
    ei1 = jnp.pad(edge_index[1], (0, pad))
    probs = _sc_pairs(s_col.reshape(N), t_col.reshape(N), ei0, ei1)
    return (h2, probs[:EC].reshape(EC, 1))

# --- scband reference (transcript-rebuilt; emitter-appended) ---
"""Pipeline reference for scband-hgcn-87351044866138 (READ-ONLY COPY).

The authoritative reference and input builder live on the scoring server;
editing this copy changes nothing except your own understanding.
"""

import jax, jax.numpy as jnp
import numpy as np

N = 10000
E = 320000
EC = 100000
D = 128
H = 128
OUT = 1


def setup_inputs(seed: int = 0) -> dict:
    key = jax.random.key(seed)
    ks = jax.random.split(key, 10)
    x = jax.random.normal(ks[0], (N, D), dtype=jnp.float32)
    edge_index_ppi = jax.random.randint(ks[1], (2, E), 0, N, dtype=jnp.int32)
    edge_index = jax.random.randint(ks[2], (2, EC), 0, N, dtype=jnp.int32)
    W1 = jax.random.normal(ks[3], (D, H), dtype=jnp.float32) * 0.05
    b1 = jnp.zeros((H,), dtype=jnp.float32)
    W2 = jax.random.normal(ks[4], (H, H), dtype=jnp.float32) * 0.05
    b2 = jnp.zeros((H,), dtype=jnp.float32)
    Wc = jax.random.normal(ks[5], (2 * H, OUT), dtype=jnp.float32) * 0.05
    bc = jnp.zeros((OUT,), dtype=jnp.float32)
    return {"x": x, "edge_index_ppi": edge_index_ppi, "edge_index": edge_index,
            "W1": W1, "b1": b1, "W2": W2, "b2": b2, "Wc": Wc, "bc": bc}


def gcn_conv(x, ei, W, b):
    # GCNConv with add_self_loops=True, normalize=True (symmetric norm)
    n = x.shape[0]
    sl = jnp.arange(n, dtype=ei.dtype)
    src = jnp.concatenate([ei[0], sl])
    dst = jnp.concatenate([ei[1], sl])
    h = x @ W
    deg = jnp.zeros((n,), dtype=x.dtype).at[dst].add(1.0)
    dinv = jnp.where(deg > 0, 1.0 / jnp.sqrt(deg), 0.0)
    norm = dinv[src] * dinv[dst]
    out = jnp.zeros((n, W.shape[1]), dtype=x.dtype).at[dst].add(norm[:, None] * h[src])
    return out + b


def reference(x, edge_index_ppi, edge_index, W1, b1, W2, b2, Wc, bc):
    # HeteroConv with a single relation + aggr='mean' reduces to one GCNConv per layer
    h = jax.nn.relu(gcn_conv(x, edge_index_ppi, W1, b1))
    h = jax.nn.relu(gcn_conv(h, edge_index_ppi, W2, b2))
    hs = h[edge_index[0]]
    hd = h[edge_index[1]]
    h_pair = jnp.concatenate([hs, hd], axis=1)
    logits = h_pair @ Wc + bc
    return (h, jax.nn.sigmoid(logits))

if __name__ == "__main__":
    import jax
    _d = setup_inputs()
    print(jax.jit(kernel)(*tuple(_d.values())))

</pallas_src>

<mosaic_0001>
#map = affine_map<(d0, d1) -> (0, 0, 0)>
#map1 = affine_map<(d0, d1) -> (0, 0)>
module attributes {stable_mosaic.version = 14 : i64} {
  func.func @_sc_scatter(%arg0: i32, %arg1: i32, %arg2: memref<2x10000x64xf32, #tpu.memory_space<hbm>>, %arg3: memref<32x80x125xi32, #tpu.memory_space<hbm>>, %arg4: memref<32x80x125xi32, #tpu.memory_space<hbm>>, %arg5: memref<10000x64xf32, #tpu.memory_space<hbm>>, %arg6: memref<2x10000x64xf32, #tpu.memory_space<hbm>>, %arg7: memref<160x125xi32, #tpu.memory_space<vmem>>, %arg8: memref<160x125xi32, #tpu.memory_space<vmem>>, %arg9: memref<5x125x64xf32, #tpu.memory_space<vmem>>, %arg10: memref<5x!tpu.dma_semaphore, #tpu.memory_space<semaphore_mem>>, %arg11: memref<5x!tpu.dma_semaphore, #tpu.memory_space<semaphore_mem>>, %arg12: memref<10000x64xf32, #tpu.memory_space<vmem_shared>>) attributes {dimension_semantics = [#tpu.dimension_semantics<core_parallel>, #tpu.dimension_semantics<subcore_parallel>], iteration_bounds = array<i64: 2, 16>, scalar_prefetch = 0 : i64, scratch_operands = 6 : i64, tpu.core_type = #tpu.core_type<sc_vector_subcore>, window_params = [{transform_indices = #map}, {transform_indices = #map}, {transform_indices = #map}, {transform_indices = #map1}, {transform_indices = #map}]} {
    %mul3A = arith.constant 2 : i32
    %mul3A_0 = arith.muli %mul3A, %arg1 : i32
    "tpu.region"() ({
      %run_scoped3A = tpu.sem_alloc : memref<!tpu.dma_semaphore, #tpu.memory_space<semaphore_mem>>
      %dma_start3A_187 = arith.constant 0 : i32
      %dma_start3A_188 = arith.constant 0 : i32
      %dma_start3A_189 = tpu.memref_slice %arg7[%dma_start3A_187, %dma_start3A_188] : memref<160x125xi32, #tpu.memory_space<vmem>> -> memref<80x125xi32, #tpu.memory_space<vmem>>
      %dma_start3A_190 = arith.constant 0 : i32
      %dma_start3A_191 = arith.constant 0 : i32
      %dma_start3A_192 = tpu.memref_slice %arg3[%mul3A_0, %dma_start3A_190, %dma_start3A_191] : memref<32x80x125xi32, #tpu.memory_space<hbm>> -> memref<1x80x125xi32, #tpu.memory_space<hbm>>
      %dma_start3A_193 = tpu.memref_squeeze %dma_start3A_192 : memref<1x80x125xi32, #tpu.memory_space<hbm>> -> memref<80x125xi32, #tpu.memory_space<hbm>>
      %dma_start3A_194 = arith.constant 0 : i32
      %dma_start3A_195 = arith.constant 0 : i32
      %dma_start3A_196 = tpu.memref_slice %arg7[%dma_start3A_194, %dma_start3A_195] : memref<160x125xi32, #tpu.memory_space<vmem>> -> memref<80x125xi32, #tpu.memory_space<vmem>>
      %dma_start3A_197 = arith.constant 0 : i32
      %dma_start3A_198 = arith.constant 0 : i32
      %dma_start3A_199 = tpu.memref_slice %arg3[%mul3A_0, %dma_start3A_197, %dma_start3A_198] : memref<32x80x125xi32, #tpu.memory_space<hbm>> -> memref<1x80x125xi32, #tpu.memory_space<hbm>>
      %dma_start3A_200 = tpu.memref_squeeze %dma_start3A_199 : memref<1x80x125xi32, #tpu.memory_space<hbm>> -> memref<80x125xi32, #tpu.memory_space<hbm>>
      tpu.enqueue_dma source(%dma_start3A_200 : memref<80x125xi32, #tpu.memory_space<hbm>>) target(%dma_start3A_196 : memref<80x125xi32, #tpu.memory_space<vmem>>) target_semaphore(%run_scoped3A : memref<!tpu.dma_semaphore, #tpu.memory_space<semaphore_mem>>)
      %dma_wait3A_201 = arith.constant 0 : i32
      %dma_wait3A_202 = arith.constant 0 : i32
      %dma_wait3A_203 = tpu.memref_slice %arg7[%dma_wait3A_201, %dma_wait3A_202] : memref<160x125xi32, #tpu.memory_space<vmem>> -> memref<80x125xi32, #tpu.memory_space<vmem>>
      %dma_wait3A_204 = arith.constant 0 : i32
      %dma_wait3A_205 = arith.constant 0 : i32
      %dma_wait3A_206 = tpu.memref_slice %arg3[%mul3A_0, %dma_wait3A_204, %dma_wait3A_205] : memref<32x80x125xi32, #tpu.memory_space<hbm>> -> memref<1x80x125xi32, #tpu.memory_space<hbm>>
      %dma_wait3A_207 = tpu.memref_squeeze %dma_wait3A_206 : memref<1x80x125xi32, #tpu.memory_space<hbm>> -> memref<80x125xi32, #tpu.memory_space<hbm>>
      %dma_wait3A_208 = arith.constant 0 : i32
      %dma_wait3A_209 = arith.constant 0 : i32
      %dma_wait3A_210 = tpu.memref_slice %arg7[%dma_wait3A_208, %dma_wait3A_209] : memref<160x125xi32, #tpu.memory_space<vmem>> -> memref<80x125xi32, #tpu.memory_space<vmem>>
      %dma_wait3A_211 = arith.constant 0 : i32
      %dma_wait3A_212 = arith.constant 0 : i32
      %dma_wait3A_213 = tpu.memref_slice %arg3[%mul3A_0, %dma_wait3A_211, %dma_wait3A_212] : memref<32x80x125xi32, #tpu.memory_space<hbm>> -> memref<1x80x125xi32, #tpu.memory_space<hbm>>
      %dma_wait3A_214 = tpu.memref_squeeze %dma_wait3A_213 : memref<1x80x125xi32, #tpu.memory_space<hbm>> -> memref<80x125xi32, #tpu.memory_space<hbm>>
      tpu.wait_dma2 semaphore(%run_scoped3A : memref<!tpu.dma_semaphore, #tpu.memory_space<semaphore_mem>>) src(%dma_wait3A_214 : memref<80x125xi32, #tpu.memory_space<hbm>>) dst(%dma_wait3A_210 : memref<80x125xi32, #tpu.memory_space<vmem>>)
      tpu.yield
    }) : () -> ()
    %mul3A_1 = arith.constant 2 : i32
    %mul3A_2 = arith.muli %mul3A_1, %arg1 : i32
    %add3A = arith.constant 1 : i32
    %add3A_3 = arith.addi %mul3A_2, %add3A : i32
    "tpu.region"() ({
      %run_scoped3A = tpu.sem_alloc : memref<!tpu.dma_semaphore, #tpu.memory_space<semaphore_mem>>
      %dma_start3A_187 = arith.constant 80 : i32
      %dma_start3A_188 = arith.constant 0 : i32
      %dma_start3A_189 = tpu.memref_slice %arg7[%dma_start3A_187, %dma_start3A_188] : memref<160x125xi32, #tpu.memory_space<vmem>> -> memref<80x125xi32, #tpu.memory_space<vmem>>
      %dma_start3A_190 = arith.constant 0 : i32
      %dma_start3A_191 = arith.constant 0 : i32
      %dma_start3A_192 = tpu.memref_slice %arg3[%add3A_3, %dma_start3A_190, %dma_start3A_191] : memref<32x80x125xi32, #tpu.memory_space<hbm>> -> memref<1x80x125xi32, #tpu.memory_space<hbm>>
      %dma_start3A_193 = tpu.memref_squeeze %dma_start3A_192 : memref<1x80x125xi32, #tpu.memory_space<hbm>> -> memref<80x125xi32, #tpu.memory_space<hbm>>
      %dma_start3A_194 = arith.constant 80 : i32
      %dma_start3A_195 = arith.constant 0 : i32
      %dma_start3A_196 = tpu.memref_slice %arg7[%dma_start3A_194, %dma_start3A_195] : memref<160x125xi32, #tpu.memory_space<vmem>> -> memref<80x125xi32, #tpu.memory_space<vmem>>
      %dma_start3A_197 = arith.constant 0 : i32
      %dma_start3A_198 = arith.constant 0 : i32
      %dma_start3A_199 = tpu.memref_slice %arg3[%add3A_3, %dma_start3A_197, %dma_start3A_198] : memref<32x80x125xi32, #tpu.memory_space<hbm>> -> memref<1x80x125xi32, #tpu.memory_space<hbm>>
      %dma_start3A_200 = tpu.memref_squeeze %dma_start3A_199 : memref<1x80x125xi32, #tpu.memory_space<hbm>> -> memref<80x125xi32, #tpu.memory_space<hbm>>
      tpu.enqueue_dma source(%dma_start3A_200 : memref<80x125xi32, #tpu.memory_space<hbm>>) target(%dma_start3A_196 : memref<80x125xi32, #tpu.memory_space<vmem>>) target_semaphore(%run_scoped3A : memref<!tpu.dma_semaphore, #tpu.memory_space<semaphore_mem>>)
      %dma_wait3A_201 = arith.constant 80 : i32
      %dma_wait3A_202 = arith.constant 0 : i32
      %dma_wait3A_203 = tpu.memref_slice %arg7[%dma_wait3A_201, %dma_wait3A_202] : memref<160x125xi32, #tpu.memory_space<vmem>> -> memref<80x125xi32, #tpu.memory_space<vmem>>
      %dma_wait3A_204 = arith.constant 0 : i32
      %dma_wait3A_205 = arith.constant 0 : i32
      %dma_wait3A_206 = tpu.memref_slice %arg3[%add3A_3, %dma_wait3A_204, %dma_wait3A_205] : memref<32x80x125xi32, #tpu.memory_space<hbm>> -> memref<1x80x125xi32, #tpu.memory_space<hbm>>
      %dma_wait3A_207 = tpu.memref_squeeze %dma_wait3A_206 : memref<1x80x125xi32, #tpu.memory_space<hbm>> -> memref<80x125xi32, #tpu.memory_space<hbm>>
      %dma_wait3A_208 = arith.constant 80 : i32
      %dma_wait3A_209 = arith.constant 0 : i32
      %dma_wait3A_210 = tpu.memref_slice %arg7[%dma_wait3A_208, %dma_wait3A_209] : memref<160x125xi32, #tpu.memory_space<vmem>> -> memref<80x125xi32, #tpu.memory_space<vmem>>
      %dma_wait3A_211 = arith.constant 0 : i32
      %dma_wait3A_212 = arith.constant 0 : i32
      %dma_wait3A_213 = tpu.memref_slice %arg3[%add3A_3, %dma_wait3A_211, %dma_wait3A_212] : memref<32x80x125xi32, #tpu.memory_space<hbm>> -> memref<1x80x125xi32, #tpu.memory_space<hbm>>
      %dma_wait3A_214 = tpu.memref_squeeze %dma_wait3A_213 : memref<1x80x125xi32, #tpu.memory_space<hbm>> -> memref<80x125xi32, #tpu.memory_space<hbm>>
      tpu.wait_dma2 semaphore(%run_scoped3A : memref<!tpu.dma_semaphore, #tpu.memory_space<semaphore_mem>>) src(%dma_wait3A_214 : memref<80x125xi32, #tpu.memory_space<hbm>>) dst(%dma_wait3A_210 : memref<80x125xi32, #tpu.memory_space<vmem>>)
      tpu.yield
    }) : () -> ()
    %mul3A_4 = arith.constant 2 : i32
    %mul3A_5 = arith.muli %mul3A_4, %arg1 : i32
    "tpu.region"() ({
      %run_scoped3A = tpu.sem_alloc : memref<!tpu.dma_semaphore, #tpu.memory_space<semaphore_mem>>
      %dma_start3A_187 = arith.constant 0 : i32
      %dma_start3A_188 = arith.constant 0 : i32
      %dma_start3A_189 = tpu.memref_slice %arg8[%dma_start3A_187, %dma_start3A_188] : memref<160x125xi32, #tpu.memory_space<vmem>> -> memref<80x125xi32, #tpu.memory_space<vmem>>
      %dma_start3A_190 = arith.constant 0 : i32
      %dma_start3A_191 = arith.constant 0 : i32
      %dma_start3A_192 = tpu.memref_slice %arg4[%mul3A_5, %dma_start3A_190, %dma_start3A_191] : memref<32x80x125xi32, #tpu.memory_space<hbm>> -> memref<1x80x125xi32, #tpu.memory_space<hbm>>
      %dma_start3A_193 = tpu.memref_squeeze %dma_start3A_192 : memref<1x80x125xi32, #tpu.memory_space<hbm>> -> memref<80x125xi32, #tpu.memory_space<hbm>>
      %dma_start3A_194 = arith.constant 0 : i32
      %dma_start3A_195 = arith.constant 0 : i32
      %dma_start3A_196 = tpu.memref_slice %arg8[%dma_start3A_194, %dma_start3A_195] : memref<160x125xi32, #tpu.memory_space<vmem>> -> memref<80x125xi32, #tpu.memory_space<vmem>>
      %dma_start3A_197 = arith.constant 0 : i32
      %dma_start3A_198 = arith.constant 0 : i32
      %dma_start3A_199 = tpu.memref_slice %arg4[%mul3A_5, %dma_start3A_197, %dma_start3A_198] : memref<32x80x125xi32, #tpu.memory_space<hbm>> -> memref<1x80x125xi32, #tpu.memory_space<hbm>>
      %dma_start3A_200 = tpu.memref_squeeze %dma_start3A_199 : memref<1x80x125xi32, #tpu.memory_space<hbm>> -> memref<80x125xi32, #tpu.memory_space<hbm>>
      tpu.enqueue_dma source(%dma_start3A_200 : memref<80x125xi32, #tpu.memory_space<hbm>>) target(%dma_start3A_196 : memref<80x125xi32, #tpu.memory_space<vmem>>) target_semaphore(%run_scoped3A : memref<!tpu.dma_semaphore, #tpu.memory_space<semaphore_mem>>)
      %dma_wait3A_201 = arith.constant 0 : i32
      %dma_wait3A_202 = arith.constant 0 : i32
      %dma_wait3A_203 = tpu.memref_slice %arg8[%dma_wait3A_201, %dma_wait3A_202] : memref<160x125xi32, #tpu.memory_space<vmem>> -> memref<80x125xi32, #tpu.memory_space<vmem>>
      %dma_wait3A_204 = arith.constant 0 : i32
      %dma_wait3A_205 = arith.constant 0 : i32
      %dma_wait3A_206 = tpu.memref_slice %arg4[%mul3A_5, %dma_wait3A_204, %dma_wait3A_205] : memref<32x80x125xi32, #tpu.memory_space<hbm>> -> memref<1x80x125xi32, #tpu.memory_space<hbm>>
      %dma_wait3A_207 = tpu.memref_squeeze %dma_wait3A_206 : memref<1x80x125xi32, #tpu.memory_space<hbm>> -> memref<80x125xi32, #tpu.memory_space<hbm>>
      %dma_wait3A_208 = arith.constant 0 : i32
      %dma_wait3A_209 = arith.constant 0 : i32
      %dma_wait3A_210 = tpu.memref_slice %arg8[%dma_wait3A_208, %dma_wait3A_209] : memref<160x125xi32, #tpu.memory_space<vmem>> -> memref<80x125xi32, #tpu.memory_space<vmem>>
      %dma_wait3A_211 = arith.constant 0 : i32
      %dma_wait3A_212 = arith.constant 0 : i32
      %dma_wait3A_213 = tpu.memref_slice %arg4[%mul3A_5, %dma_wait3A_211, %dma_wait3A_212] : memref<32x80x125xi32, #tpu.memory_space<hbm>> -> memref<1x80x125xi32, #tpu.memory_space<hbm>>
      %dma_wait3A_214 = tpu.memref_squeeze %dma_wait3A_213 : memref<1x80x125xi32, #tpu.memory_space<hbm>> -> memref<80x125xi32, #tpu.memory_space<hbm>>
      tpu.wait_dma2 semaphore(%run_scoped3A : memref<!tpu.dma_semaphore, #tpu.memory_space<semaphore_mem>>) src(%dma_wait3A_214 : memref<80x125xi32, #tpu.memory_space<hbm>>) dst(%dma_wait3A_210 : memref<80x125xi32, #tpu.memory_space<vmem>>)
      tpu.yield
    }) : () -> ()
    %mul3A_6 = arith.constant 2 : i32
    %mul3A_7 = arith.muli %mul3A_6, %arg1 : i32
    %add3A_8 = arith.constant 1 : i32
    %add3A_9 = arith.addi %mul3A_7, %add3A_8 : i32
    "tpu.region"() ({
      %run_scoped3A = tpu.sem_alloc : memref<!tpu.dma_semaphore, #tpu.memory_space<semaphore_mem>>
      %dma_start3A_187 = arith.constant 80 : i32
      %dma_start3A_188 = arith.constant 0 : i32
      %dma_start3A_189 = tpu.memref_slice %arg8[%dma_start3A_187, %dma_start3A_188] : memref<160x125xi32, #tpu.memory_space<vmem>> -> memref<80x125xi32, #tpu.memory_space<vmem>>
      %dma_start3A_190 = arith.constant 0 : i32
      %dma_start3A_191 = arith.constant 0 : i32
      %dma_start3A_192 = tpu.memref_slice %arg4[%add3A_9, %dma_start3A_190, %dma_start3A_191] : memref<32x80x125xi32, #tpu.memory_space<hbm>> -> memref<1x80x125xi32, #tpu.memory_space<hbm>>
      %dma_start3A_193 = tpu.memref_squeeze %dma_start3A_192 : memref<1x80x125xi32, #tpu.memory_space<hbm>> -> memref<80x125xi32, #tpu.memory_space<hbm>>
      %dma_start3A_194 = arith.constant 80 : i32
      %dma_start3A_195 = arith.constant 0 : i32
      %dma_start3A_196 = tpu.memref_slice %arg8[%dma_start3A_194, %dma_start3A_195] : memref<160x125xi32, #tpu.memory_space<vmem>> -> memref<80x125xi32, #tpu.memory_space<vmem>>
      %dma_start3A_197 = arith.constant 0 : i32
      %dma_start3A_198 = arith.constant 0 : i32
      %dma_start3A_199 = tpu.memref_slice %arg4[%add3A_9, %dma_start3A_197, %dma_start3A_198] : memref<32x80x125xi32, #tpu.memory_space<hbm>> -> memref<1x80x125xi32, #tpu.memory_space<hbm>>
      %dma_start3A_200 = tpu.memref_squeeze %dma_start3A_199 : memref<1x80x125xi32, #tpu.memory_space<hbm>> -> memref<80x125xi32, #tpu.memory_space<hbm>>
      tpu.enqueue_dma source(%dma_start3A_200 : memref<80x125xi32, #tpu.memory_space<hbm>>) target(%dma_start3A_196 : memref<80x125xi32, #tpu.memory_space<vmem>>) target_semaphore(%run_scoped3A : memref<!tpu.dma_semaphore, #tpu.memory_space<semaphore_mem>>)
      %dma_wait3A_201 = arith.constant 80 : i32
      %dma_wait3A_202 = arith.constant 0 : i32
      %dma_wait3A_203 = tpu.memref_slice %arg8[%dma_wait3A_201, %dma_wait3A_202] : memref<160x125xi32, #tpu.memory_space<vmem>> -> memref<80x125xi32, #tpu.memory_space<vmem>>
      %dma_wait3A_204 = arith.constant 0 : i32
      %dma_wait3A_205 = arith.constant 0 : i32
      %dma_wait3A_206 = tpu.memref_slice %arg4[%add3A_9, %dma_wait3A_204, %dma_wait3A_205] : memref<32x80x125xi32, #tpu.memory_space<hbm>> -> memref<1x80x125xi32, #tpu.memory_space<hbm>>
      %dma_wait3A_207 = tpu.memref_squeeze %dma_wait3A_206 : memref<1x80x125xi32, #tpu.memory_space<hbm>> -> memref<80x125xi32, #tpu.memory_space<hbm>>
      %dma_wait3A_208 = arith.constant 80 : i32
      %dma_wait3A_209 = arith.constant 0 : i32
      %dma_wait3A_210 = tpu.memref_slice %arg8[%dma_wait3A_208, %dma_wait3A_209] : memref<160x125xi32, #tpu.memory_space<vmem>> -> memref<80x125xi32, #tpu.memory_space<vmem>>
      %dma_wait3A_211 = arith.constant 0 : i32
      %dma_wait3A_212 = arith.constant 0 : i32
      %dma_wait3A_213 = tpu.memref_slice %arg4[%add3A_9, %dma_wait3A_211, %dma_wait3A_212] : memref<32x80x125xi32, #tpu.memory_space<hbm>> -> memref<1x80x125xi32, #tpu.memory_space<hbm>>
      %dma_wait3A_214 = tpu.memref_squeeze %dma_wait3A_213 : memref<1x80x125xi32, #tpu.memory_space<hbm>> -> memref<80x125xi32, #tpu.memory_space<hbm>>
      tpu.wait_dma2 semaphore(%run_scoped3A : memref<!tpu.dma_semaphore, #tpu.memory_space<semaphore_mem>>) src(%dma_wait3A_214 : memref<80x125xi32, #tpu.memory_space<hbm>>) dst(%dma_wait3A_210 : memref<80x125xi32, #tpu.memory_space<vmem>>)
      tpu.yield
    }) : () -> ()
    %mul3A_10 = arith.constant 632 : i32
    %mul3A_11 = arith.muli %arg1, %mul3A_10 : i32
    %multiple_of3A = tpu.assume_multiple %mul3A_11, 8 : i32
    %lt3A = arith.constant 15 : i32
    %lt3A_12 = arith.cmpi slt, %arg1, %lt3A : i32
    %convert_element_type3A = arith.extui %lt3A_12 : i1 to i32
    %cond3A = arith.constant 0 : i32
    %cond3A_13 = arith.cmpi ne, %convert_element_type3A, %cond3A : i32
    scf.if %cond3A_13 {
      "tpu.region"() ({
        %run_scoped3A = tpu.sem_alloc : memref<!tpu.dma_semaphore, #tpu.memory_space<semaphore_mem>>
        %dma_start3A_187 = arith.constant 0 : i32
        %dma_start3A_188 = tpu.memref_slice %arg12[%multiple_of3A, %dma_start3A_187] : memref<10000x64xf32, #tpu.memory_space<vmem_shared>> -> memref<632x64xf32, #tpu.memory_space<vmem_shared>>
        %dma_start3A_189 = arith.constant 0 : i32
        %dma_start3A_190 = tpu.memref_slice %arg5[%multiple_of3A, %dma_start3A_189] : memref<10000x64xf32, #tpu.memory_space<hbm>> -> memref<632x64xf32, #tpu.memory_space<hbm>>
        tpu.enqueue_dma source(%dma_start3A_190 : memref<632x64xf32, #tpu.memory_space<hbm>>) target(%dma_start3A_188 : memref<632x64xf32, #tpu.memory_space<vmem_shared>>) target_semaphore(%run_scoped3A : memref<!tpu.dma_semaphore, #tpu.memory_space<semaphore_mem>>)
        %dma_wait3A_191 = arith.constant 0 : i32
        %dma_wait3A_192 = tpu.memref_slice %arg12[%multiple_of3A, %dma_wait3A_191] : memref<10000x64xf32, #tpu.memory_space<vmem_shared>> -> memref<632x64xf32, #tpu.memory_space<vmem_shared>>
        %dma_wait3A_193 = arith.constant 0 : i32
        %dma_wait3A_194 = tpu.memref_slice %arg5[%multiple_of3A, %dma_wait3A_193] : memref<10000x64xf32, #tpu.memory_space<hbm>> -> memref<632x64xf32, #tpu.memory_space<hbm>>
        tpu.wait_dma2 semaphore(%run_scoped3A : memref<!tpu.dma_semaphore, #tpu.memory_space<semaphore_mem>>) src(%dma_wait3A_194 : memref<632x64xf32, #tpu.memory_space<hbm>>) dst(%dma_wait3A_192 : memref<632x64xf32, #tpu.memory_space<vmem_shared>>)
        tpu.yield
      }) : () -> ()
    } else {
    }
    %eq3A = arith.constant 15 : i32
    %eq3A_14 = arith.cmpi eq, %arg1, %eq3A : i32
    %convert_element_type3A_15 = arith.extui %eq3A_14 : i1 to i32
    %cond3A_16 = arith.constant 0 : i32
    %cond3A_17 = arith.cmpi ne, %convert_element_type3A_15, %cond3A_16 : i32
    scf.if %cond3A_17 {
      "tpu.region"() ({
        %run_scoped3A = tpu.sem_alloc : memref<!tpu.dma_semaphore, #tpu.memory_space<semaphore_mem>>
        %dma_start3A_187 = arith.constant 9480 : i32
        %dma_start3A_188 = arith.constant 0 : i32
        %dma_start3A_189 = tpu.memref_slice %arg12[%dma_start3A_187, %dma_start3A_188] : memref<10000x64xf32, #tpu.memory_space<vmem_shared>> -> memref<520x64xf32, #tpu.memory_space<vmem_shared>>
        %dma_start3A_190 = arith.constant 9480 : i32
        %dma_start3A_191 = arith.constant 0 : i32
        %dma_start3A_192 = tpu.memref_slice %arg5[%dma_start3A_190, %dma_start3A_191] : memref<10000x64xf32, #tpu.memory_space<hbm>> -> memref<520x64xf32, #tpu.memory_space<hbm>>
        tpu.enqueue_dma source(%dma_start3A_192 : memref<520x64xf32, #tpu.memory_space<hbm>>) target(%dma_start3A_189 : memref<520x64xf32, #tpu.memory_space<vmem_shared>>) target_semaphore(%run_scoped3A : memref<!tpu.dma_semaphore, #tpu.memory_space<semaphore_mem>>)
        %dma_wait3A_193 = arith.constant 9480 : i32
        %dma_wait3A_194 = arith.constant 0 : i32
        %dma_wait3A_195 = tpu.memref_slice %arg12[%dma_wait3A_193, %dma_wait3A_194] : memref<10000x64xf32, #tpu.memory_space<vmem_shared>> -> memref<520x64xf32, #tpu.memory_space<vmem_shared>>
        %dma_wait3A_196 = arith.constant 9480 : i32
        %dma_wait3A_197 = arith.constant 0 : i32
        %dma_wait3A_198 = tpu.memref_slice %arg5[%dma_wait3A_196, %dma_wait3A_197] : memref<10000x64xf32, #tpu.memory_space<hbm>> -> memref<520x64xf32, #tpu.memory_space<hbm>>
        tpu.wait_dma2 semaphore(%run_scoped3A : memref<!tpu.dma_semaphore, #tpu.memory_space<semaphore_mem>>) src(%dma_wait3A_198 : memref<520x64xf32, #tpu.memory_space<hbm>>) dst(%dma_wait3A_195 : memref<520x64xf32, #tpu.memory_space<vmem_shared>>)
        tpu.yield
      }) : () -> ()
    } else {
    }
    %barrier3A = arith.constant 0 : index
    tpu.barrier barrier_id(%barrier3A)
    %dma_start3A = arith.constant 0 : i32
    %dma_start3A_18 = arith.constant 0 : i32
    %dma_start3A_19 = arith.constant 0 : i32
    %dma_start3A_20 = arith.constant 0 : i32
    %dma_start3A_21 = arith.constant 0 : i32
    %dma_start3A_22 = tpu.memref_slice %arg9[%dma_start3A_18, %dma_start3A_20, %dma_start3A_21] : memref<5x125x64xf32, #tpu.memory_space<vmem>> -> memref<1x125x64xf32, #tpu.memory_space<vmem>>
    %dma_start3A_23 = tpu.memref_squeeze %dma_start3A_22 : memref<1x125x64xf32, #tpu.memory_space<vmem>> -> memref<125x64xf32, #tpu.memory_space<vmem>>
    %dma_start3A_24 = arith.constant 0 : i32
    %dma_start3A_25 = tpu.memref_slice %arg7[%dma_start3A, %dma_start3A_24] : memref<160x125xi32, #tpu.memory_space<vmem>> -> memref<1x125xi32, #tpu.memory_space<vmem>>
    %dma_start3A_26 = tpu.memref_squeeze %dma_start3A_25 : memref<1x125xi32, #tpu.memory_space<vmem>> -> memref<125xi32, #tpu.memory_space<vmem>>
    %dma_start3A_27 = arith.constant 0 : i32
    %dma_start3A_28 = arith.constant 0 : i32
    %dma_start3A_29 = tpu.memref_slice %arg2[%arg0, %dma_start3A_27, %dma_start3A_28] : memref<2x10000x64xf32, #tpu.memory_space<hbm>> -> memref<1x10000x64xf32, #tpu.memory_space<hbm>>
    %dma_start3A_30 = tpu.memref_squeeze %dma_start3A_29 : memref<1x10000x64xf32, #tpu.memory_space<hbm>> -> memref<10000x64xf32, #tpu.memory_space<hbm>>
    %dma_start3A_31 = arith.constant 0 : i32
    %dma_start3A_32 = arith.constant 0 : i32
    %dma_start3A_33 = tpu.memref_slice %dma_start3A_30[%dma_start3A_31, %dma_start3A_32] : memref<10000x64xf32, #tpu.memory_space<hbm>> -> memref<10000x64xf32, #tpu.memory_space<hbm>>
    %dma_start3A_34 = tpu.memref_slice %arg10[%dma_start3A_19] : memref<5x!tpu.dma_semaphore, #tpu.memory_space<semaphore_mem>> -> memref<1x!tpu.dma_semaphore, #tpu.memory_space<semaphore_mem>>
    %dma_start3A_35 = tpu.memref_squeeze %dma_start3A_34 : memref<1x!tpu.dma_semaphore, #tpu.memory_space<semaphore_mem>> -> memref<!tpu.dma_semaphore, #tpu.memory_space<semaphore_mem>>
    tpu.enqueue_indirect_dma source(%dma_start3A_33 : memref<10000x64xf32, #tpu.memory_space<hbm>>) target(%dma_start3A_23 : memref<125x64xf32, #tpu.memory_space<vmem>>) offsets(%dma_start3A_26 : memref<125xi32, #tpu.memory_space<vmem>>) semaphore(%dma_start3A_35 : memref<!tpu.dma_semaphore, #tpu.memory_space<semaphore_mem>>)
    %dma_start3A_36 = arith.constant 1 : i32
    %dma_start3A_37 = arith.constant 1 : i32
    %dma_start3A_38 = arith.constant 1 : i32
    %dma_start3A_39 = arith.constant 0 : i32
    %dma_start3A_40 = arith.constant 0 : i32
    %dma_start3A_41 = tpu.memref_slice %arg9[%dma_start3A_37, %dma_start3A_39, %dma_start3A_40] : memref<5x125x64xf32, #tpu.memory_space<vmem>> -> memref<1x125x64xf32, #tpu.memory_space<vmem>>
    %dma_start3A_42 = tpu.memref_squeeze %dma_start3A_41 : memref<1x125x64xf32, #tpu.memory_space<vmem>> -> memref<125x64xf32, #tpu.memory_space<vmem>>
    %dma_start3A_43 = arith.constant 0 : i32
    %dma_start3A_44 = tpu.memref_slice %arg7[%dma_start3A_36, %dma_start3A_43] : memref<160x125xi32, #tpu.memory_space<vmem>> -> memref<1x125xi32, #tpu.memory_space<vmem>>
    %dma_start3A_45 = tpu.memref_squeeze %dma_start3A_44 : memref<1x125xi32, #tpu.memory_space<vmem>> -> memref<125xi32, #tpu.memory_space<vmem>>
    %dma_start3A_46 = arith.constant 0 : i32
    %dma_start3A_47 = arith.constant 0 : i32
    %dma_start3A_48 = tpu.memref_slice %arg2[%arg0, %dma_start3A_46, %dma_start3A_47] : memref<2x10000x64xf32, #tpu.memory_space<hbm>> -> memref<1x10000x64xf32, #tpu.memory_space<hbm>>
    %dma_start3A_49 = tpu.memref_squeeze %dma_start3A_48 : memref<1x10000x64xf32, #tpu.memory_space<hbm>> -> memref<10000x64xf32, #tpu.memory_space<hbm>>
    %dma_start3A_50 = arith.constant 0 : i32
    %dma_start3A_51 = arith.constant 0 : i32
    %dma_start3A_52 = tpu.memref_slice %dma_start3A_49[%dma_start3A_50, %dma_start3A_51] : memref<10000x64xf32, #tpu.memory_space<hbm>> -> memref<10000x64xf32, #tpu.memory_space<hbm>>
    %dma_start3A_53 = tpu.memref_slice %arg10[%dma_start3A_38] : memref<5x!tpu.dma_semaphore, #tpu.memory_space<semaphore_mem>> -> memref<1x!tpu.dma_semaphore, #tpu.memory_space<semaphore_mem>>
    %dma_start3A_54 = tpu.memref_squeeze %dma_start3A_53 : memref<1x!tpu.dma_semaphore, #tpu.memory_space<semaphore_mem>> -> memref<!tpu.dma_semaphore, #tpu.memory_space<semaphore_mem>>
    tpu.enqueue_indirect_dma source(%dma_start3A_52 : memref<10000x64xf32, #tpu.memory_space<hbm>>) target(%dma_start3A_42 : memref<125x64xf32, #tpu.memory_space<vmem>>) offsets(%dma_start3A_45 : memref<125xi32, #tpu.memory_space<vmem>>) semaphore(%dma_start3A_54 : memref<!tpu.dma_semaphore, #tpu.memory_space<semaphore_mem>>)
    %dma_start3A_55 = arith.constant 2 : i32
    %dma_start3A_56 = arith.constant 2 : i32
    %dma_start3A_57 = arith.constant 2 : i32
    %dma_start3A_58 = arith.constant 0 : i32
    %dma_start3A_59 = arith.constant 0 : i32
    %dma_start3A_60 = tpu.memref_slice %arg9[%dma_start3A_56, %dma_start3A_58, %dma_start3A_59] : memref<5x125x64xf32, #tpu.memory_space<vmem>> -> memref<1x125x64xf32, #tpu.memory_space<vmem>>
    %dma_start3A_61 = tpu.memref_squeeze %dma_start3A_60 : memref<1x125x64xf32, #tpu.memory_space<vmem>> -> memref<125x64xf32, #tpu.memory_space<vmem>>
    %dma_start3A_62 = arith.constant 0 : i32
    %dma_start3A_63 = tpu.memref_slice %arg7[%dma_start3A_55, %dma_start3A_62] : memref<160x125xi32, #tpu.memory_space<vmem>> -> memref<1x125xi32, #tpu.memory_space<vmem>>
    %dma_start3A_64 = tpu.memref_squeeze %dma_start3A_63 : memref<1x125xi32, #tpu.memory_space<vmem>> -> memref<125xi32, #tpu.memory_space<vmem>>
    %dma_start3A_65 = arith.constant 0 : i32
    %dma_start3A_66 = arith.constant 0 : i32
    %dma_start3A_67 = tpu.memref_slice %arg2[%arg0, %dma_start3A_65, %dma_start3A_66] : memref<2x10000x64xf32, #tpu.memory_space<hbm>> -> memref<1x10000x64xf32, #tpu.memory_space<hbm>>
    %dma_start3A_68 = tpu.memref_squeeze %dma_start3A_67 : memref<1x10000x64xf32, #tpu.memory_space<hbm>> -> memref<10000x64xf32, #tpu.memory_space<hbm>>
    %dma_start3A_69 = arith.constant 0 : i32
    %dma_start3A_70 = arith.constant 0 : i32
    %dma_start3A_71 = tpu.memref_slice %dma_start3A_68[%dma_start3A_69, %dma_start3A_70] : memref<10000x64xf32, #tpu.memory_space<hbm>> -> memref<10000x64xf32, #tpu.memory_space<hbm>>
    %dma_start3A_72 = tpu.memref_slice %arg10[%dma_start3A_57] : memref<5x!tpu.dma_semaphore, #tpu.memory_space<semaphore_mem>> -> memref<1x!tpu.dma_semaphore, #tpu.memory_space<semaphore_mem>>
    %dma_start3A_73 = tpu.memref_squeeze %dma_start3A_72 : memref<1x!tpu.dma_semaphore, #tpu.memory_space<semaphore_mem>> -> memref<!tpu.dma_semaphore, #tpu.memory_space<semaphore_mem>>
    tpu.enqueue_indirect_dma source(%dma_start3A_71 : memref<10000x64xf32, #tpu.memory_space<hbm>>) target(%dma_start3A_61 : memref<125x64xf32, #tpu.memory_space<vmem>>) offsets(%dma_start3A_64 : memref<125xi32, #tpu.memory_space<vmem>>) semaphore(%dma_start3A_73 : memref<!tpu.dma_semaphore, #tpu.memory_space<semaphore_mem>>)
    %dma_start3A_74 = arith.constant 3 : i32
    %dma_start3A_75 = arith.constant 3 : i32
    %dma_start3A_76 = arith.constant 3 : i32
    %dma_start3A_77 = arith.constant 0 : i32
    %dma_start3A_78 = arith.constant 0 : i32
    %dma_start3A_79 = tpu.memref_slice %arg9[%dma_start3A_75, %dma_start3A_77, %dma_start3A_78] : memref<5x125x64xf32, #tpu.memory_space<vmem>> -> memref<1x125x64xf32, #tpu.memory_space<vmem>>
    %dma_start3A_80 = tpu.memref_squeeze %dma_start3A_79 : memref<1x125x64xf32, #tpu.memory_space<vmem>> -> memref<125x64xf32, #tpu.memory_space<vmem>>
    %dma_start3A_81 = arith.constant 0 : i32
    %dma_start3A_82 = tpu.memref_slice %arg7[%dma_start3A_74, %dma_start3A_81] : memref<160x125xi32, #tpu.memory_space<vmem>> -> memref<1x125xi32, #tpu.memory_space<vmem>>
    %dma_start3A_83 = tpu.memref_squeeze %dma_start3A_82 : memref<1x125xi32, #tpu.memory_space<vmem>> -> memref<125xi32, #tpu.memory_space<vmem>>
    %dma_start3A_84 = arith.constant 0 : i32
    %dma_start3A_85 = arith.constant 0 : i32
    %dma_start3A_86 = tpu.memref_slice %arg2[%arg0, %dma_start3A_84, %dma_start3A_85] : memref<2x10000x64xf32, #tpu.memory_space<hbm>> -> memref<1x10000x64xf32, #tpu.memory_space<hbm>>
    %dma_start3A_87 = tpu.memref_squeeze %dma_start3A_86 : memref<1x10000x64xf32, #tpu.memory_space<hbm>> -> memref<10000x64xf32, #tpu.memory_space<hbm>>
    %dma_start3A_88 = arith.constant 0 : i32
    %dma_start3A_89 = arith.constant 0 : i32
    %dma_start3A_90 = tpu.memref_slice %dma_start3A_87[%dma_start3A_88, %dma_start3A_89] : memref<10000x64xf32, #tpu.memory_space<hbm>> -> memref<10000x64xf32, #tpu.memory_space<hbm>>
    %dma_start3A_91 = tpu.memref_slice %arg10[%dma_start3A_76] : memref<5x!tpu.dma_semaphore, #tpu.memory_space<semaphore_mem>> -> memref<1x!tpu.dma_semaphore, #tpu.memory_space<semaphore_mem>>
    %dma_start3A_92 = tpu.memref_squeeze %dma_start3A_91 : memref<1x!tpu.dma_semaphore, #tpu.memory_space<semaphore_mem>> -> memref<!tpu.dma_semaphore, #tpu.memory_space<semaphore_mem>>
    tpu.enqueue_indirect_dma source(%dma_start3A_90 : memref<10000x64xf32, #tpu.memory_space<hbm>>) target(%dma_start3A_80 : memref<125x64xf32, #tpu.memory_space<vmem>>) offsets(%dma_start3A_83 : memref<125xi32, #tpu.memory_space<vmem>>) semaphore(%dma_start3A_92 : memref<!tpu.dma_semaphore, #tpu.memory_space<semaphore_mem>>)
    %scan3A = arith.constant 0 : i32
    %scan3A_93 = arith.constant 0 : i32
    %scan3A_94 = arith.constant 32 : i32
    %scan3A_95 = arith.addi %scan3A_93, %scan3A_94 : i32
    %scan3A_96 = arith.constant 1 : i32
    %scan3A_97 = scf.for %scan3A_187 = %scan3A_93 to %scan3A_95 step %scan3A_96 iter_args(%scan3A_188 = %scan3A) -> (i32)  : i32 {
      %mul3A_189 = arith.constant 5 : i32
      %mul3A_190 = arith.muli %scan3A_187, %mul3A_189 : i32
      %add3A_191 = arith.constant 0 : i32
      %add3A_192 = arith.addi %mul3A_190, %add3A_191 : i32
      %dma_wait3A_193 = arith.constant 0 : i32
      %dma_wait3A_194 = arith.constant 0 : i32
      %dma_wait3A_195 = arith.constant 0 : i32
      %dma_wait3A_196 = arith.constant 0 : i32
      %dma_wait3A_197 = tpu.memref_slice %arg9[%dma_wait3A_193, %dma_wait3A_195, %dma_wait3A_196] : memref<5x125x64xf32, #tpu.memory_space<vmem>> -> memref<1x125x64xf32, #tpu.memory_space<vmem>>
      %dma_wait3A_198 = tpu.memref_squeeze %dma_wait3A_197 : memref<1x125x64xf32, #tpu.memory_space<vmem>> -> memref<125x64xf32, #tpu.memory_space<vmem>>
      %dma_wait3A_199 = arith.constant 0 : i32
      %dma_wait3A_200 = tpu.memref_slice %arg7[%add3A_192, %dma_wait3A_199] : memref<160x125xi32, #tpu.memory_space<vmem>> -> memref<1x125xi32, #tpu.memory_space<vmem>>
      %dma_wait3A_201 = tpu.memref_squeeze %dma_wait3A_200 : memref<1x125xi32, #tpu.memory_space<vmem>> -> memref<125xi32, #tpu.memory_space<vmem>>
      %dma_wait3A_202 = arith.constant 0 : i32
      %dma_wait3A_203 = arith.constant 0 : i32
      %dma_wait3A_204 = tpu.memref_slice %arg2[%arg0, %dma_wait3A_202, %dma_wait3A_203] : memref<2x10000x64xf32, #tpu.memory_space<hbm>> -> memref<1x10000x64xf32, #tpu.memory_space<hbm>>
      %dma_wait3A_205 = tpu.memref_squeeze %dma_wait3A_204 : memref<1x10000x64xf32, #tpu.memory_space<hbm>> -> memref<10000x64xf32, #tpu.memory_space<hbm>>
      %dma_wait3A_206 = arith.constant 0 : i32
      %dma_wait3A_207 = arith.constant 0 : i32
      %dma_wait3A_208 = tpu.memref_slice %dma_wait3A_205[%dma_wait3A_206, %dma_wait3A_207] : memref<10000x64xf32, #tpu.memory_space<hbm>> -> memref<10000x64xf32, #tpu.memory_space<hbm>>
      %dma_wait3A_209 = tpu.memref_slice %arg10[%dma_wait3A_194] : memref<5x!tpu.dma_semaphore, #tpu.memory_space<semaphore_mem>> -> memref<1x!tpu.dma_semaphore, #tpu.memory_space<semaphore_mem>>
      %dma_wait3A_210 = tpu.memref_squeeze %dma_wait3A_209 : memref<1x!tpu.dma_semaphore, #tpu.memory_space<semaphore_mem>> -> memref<!tpu.dma_semaphore, #tpu.memory_space<semaphore_mem>>
      tpu.wait_indirect_dma semaphore(%dma_wait3A_210 : memref<!tpu.dma_semaphore, #tpu.memory_space<semaphore_mem>>) src(%dma_wait3A_208 : memref<10000x64xf32, #tpu.memory_space<hbm>>) dst(%dma_wait3A_198 : memref<125x64xf32, #tpu.memory_space<vmem>>)
      %dma_start3A_211 = arith.constant 0 : i32
      %dma_start3A_212 = arith.constant 0 : i32
      %dma_start3A_213 = arith.constant 0 : i32
      %dma_start3A_214 = arith.constant 0 : i32
      %dma_start3A_215 = tpu.memref_slice %arg9[%dma_start3A_211, %dma_start3A_213, %dma_start3A_214] : memref<5x125x64xf32, #tpu.memory_space<vmem>> -> memref<1x125x64xf32, #tpu.memory_space<vmem>>
      %dma_start3A_216 = tpu.memref_squeeze %dma_start3A_215 : memref<1x125x64xf32, #tpu.memory_space<vmem>> -> memref<125x64xf32, #tpu.memory_space<vmem>>
      %dma_start3A_217 = arith.constant 0 : i32
      %dma_start3A_218 = tpu.memref_slice %arg8[%add3A_192, %dma_start3A_217] : memref<160x125xi32, #tpu.memory_space<vmem>> -> memref<1x125xi32, #tpu.memory_space<vmem>>
      %dma_start3A_219 = tpu.memref_squeeze %dma_start3A_218 : memref<1x125xi32, #tpu.memory_space<vmem>> -> memref<125xi32, #tpu.memory_space<vmem>>
      %dma_start3A_220 = arith.constant 0 : i32
      %dma_start3A_221 = arith.constant 0 : i32
      %dma_start3A_222 = tpu.memref_slice %arg12[%dma_start3A_220, %dma_start3A_221] : memref<10000x64xf32, #tpu.memory_space<vmem_shared>> -> memref<10000x64xf32, #tpu.memory_space<vmem_shared>>
      %dma_start3A_223 = tpu.memref_slice %arg11[%dma_start3A_212] : memref<5x!tpu.dma_semaphore, #tpu.memory_space<semaphore_mem>> -> memref<1x!tpu.dma_semaphore, #tpu.memory_space<semaphore_mem>>
      %dma_start3A_224 = tpu.memref_squeeze %dma_start3A_223 : memref<1x!tpu.dma_semaphore, #tpu.memory_space<semaphore_mem>> -> memref<!tpu.dma_semaphore, #tpu.memory_space<semaphore_mem>>
      tpu.enqueue_indirect_dma source(%dma_start3A_216 : memref<125x64xf32, #tpu.memory_space<vmem>>) target(%dma_start3A_222 : memref<10000x64xf32, #tpu.memory_space<vmem_shared>>) offsets(%dma_start3A_219 : memref<125xi32, #tpu.memory_space<vmem>>) semaphore(%dma_start3A_224 : memref<!tpu.dma_semaphore, #tpu.memory_space<semaphore_mem>>) {add = true}
      %gt3A = arith.constant 0 : i32
      %gt3A_225 = arith.cmpi sgt, %scan3A_187, %gt3A : i32
      %convert_element_type3A_226 = arith.extui %gt3A_225 : i1 to i32
      %cond3A_227 = arith.constant 0 : i32
      %cond3A_228 = arith.cmpi ne, %convert_element_type3A_226, %cond3A_227 : i32
      scf.if %cond3A_228 {
        %dma_wait3A_414 = arith.constant 4 : i32
        %dma_wait3A_415 = arith.constant 4 : i32
        %dma_wait3A_416 = arith.constant 0 : i32
        %dma_wait3A_417 = arith.constant 0 : i32
        %dma_wait3A_418 = tpu.memref_slice %arg9[%dma_wait3A_414, %dma_wait3A_416, %dma_wait3A_417] : memref<5x125x64xf32, #tpu.memory_space<vmem>> -> memref<1x125x64xf32, #tpu.memory_space<vmem>>
        %dma_wait3A_419 = tpu.memref_squeeze %dma_wait3A_418 : memref<1x125x64xf32, #tpu.memory_space<vmem>> -> memref<125x64xf32, #tpu.memory_space<vmem>>
        %dma_wait3A_420 = arith.constant 0 : i32
        %dma_wait3A_421 = tpu.memref_slice %arg8[%add3A_192, %dma_wait3A_420] : memref<160x125xi32, #tpu.memory_space<vmem>> -> memref<1x125xi32, #tpu.memory_space<vmem>>
        %dma_wait3A_422 = tpu.memref_squeeze %dma_wait3A_421 : memref<1x125xi32, #tpu.memory_space<vmem>> -> memref<125xi32, #tpu.memory_space<vmem>>
        %dma_wait3A_423 = arith.constant 0 : i32
        %dma_wait3A_424 = arith.constant 0 : i32
        %dma_wait3A_425 = tpu.memref_slice %arg12[%dma_wait3A_423, %dma_wait3A_424] : memref<10000x64xf32, #tpu.memory_space<vmem_shared>> -> memref<10000x64xf32, #tpu.memory_space<vmem_shared>>
        %dma_wait3A_426 = tpu.memref_slice %arg11[%dma_wait3A_415] : memref<5x!tpu.dma_semaphore, #tpu.memory_space<semaphore_mem>> -> memref<1x!tpu.dma_semaphore, #tpu.memory_space<semaphore_mem>>
        %dma_wait3A_427 = tpu.memref_squeeze %dma_wait3A_426 : memref<1x!tpu.dma_semaphore, #tpu.memory_space<semaphore_mem>> -> memref<!tpu.dma_semaphore, #tpu.memory_space<semaphore_mem>>
        tpu.wait_indirect_dma semaphore(%dma_wait3A_427 : memref<!tpu.dma_semaphore, #tpu.memory_space<semaphore_mem>>) src(%dma_wait3A_419 : memref<125x64xf32, #tpu.memory_space<vmem>>) dst(%dma_wait3A_425 : memref<10000x64xf32, #tpu.memory_space<vmem_shared>>)
      } else {
      }
      %add3A_229 = arith.constant 4 : i32
      %add3A_230 = arith.addi %add3A_192, %add3A_229 : i32
      %dma_start3A_231 = arith.constant 4 : i32
      %dma_start3A_232 = arith.constant 4 : i32
      %dma_start3A_233 = arith.constant 0 : i32
      %dma_start3A_234 = arith.constant 0 : i32
      %dma_start3A_235 = tpu.memref_slice %arg9[%dma_start3A_231, %dma_start3A_233, %dma_start3A_234] : memref<5x125x64xf32, #tpu.memory_space<vmem>> -> memref<1x125x64xf32, #tpu.memory_space<vmem>>
      %dma_start3A_236 = tpu.memref_squeeze %dma_start3A_235 : memref<1x125x64xf32, #tpu.memory_space<vmem>> -> memref<125x64xf32, #tpu.memory_space<vmem>>
      %dma_start3A_237 = arith.constant 0 : i32
      %dma_start3A_238 = tpu.memref_slice %arg7[%add3A_230, %dma_start3A_237] : memref<160x125xi32, #tpu.memory_space<vmem>> -> memref<1x125xi32, #tpu.memory_space<vmem>>
      %dma_start3A_239 = tpu.memref_squeeze %dma_start3A_238 : memref<1x125xi32, #tpu.memory_space<vmem>> -> memref<125xi32, #tpu.memory_space<vmem>>
      %dma_start3A_240 = arith.constant 0 : i32
      %dma_start3A_241 = arith.constant 0 : i32
      %dma_start3A_242 = tpu.memref_slice %arg2[%arg0, %dma_start3A_240, %dma_start3A_241] : memref<2x10000x64xf32, #tpu.memory_space<hbm>> -> memref<1x10000x64xf32, #tpu.memory_space<hbm>>
      %dma_start3A_243 = tpu.memref_squeeze %dma_start3A_242 : memref<1x10000x64xf32, #tpu.memory_space<hbm>> -> memref<10000x64xf32, #tpu.memory_space<hbm>>
      %dma_start3A_244 = arith.constant 0 : i32
      %dma_start3A_245 = arith.constant 0 : i32
      %dma_start3A_246 = tpu.memref_slice %dma_start3A_243[%dma_start3A_244, %dma_start3A_245] : memref<10000x64xf32, #tpu.memory_space<hbm>> -> memref<10000x64xf32, #tpu.memory_space<hbm>>
      %dma_start3A_247 = tpu.memref_slice %arg10[%dma_start3A_232] : memref<5x!tpu.dma_semaphore, #tpu.memory_space<semaphore_mem>> -> memref<1x!tpu.dma_semaphore, #tpu.memory_space<semaphore_mem>>
      %dma_start3A_248 = tpu.memref_squeeze %dma_start3A_247 : memref<1x!tpu.dma_semaphore, #tpu.memory_space<semaphore_mem>> -> memref<!tpu.dma_semaphore, #tpu.memory_space<semaphore_mem>>
      tpu.enqueue_indirect_dma source(%dma_start3A_246 : memref<10000x64xf32, #tpu.memory_space<hbm>>) target(%dma_start3A_236 : memref<125x64xf32, #tpu.memory_space<vmem>>) offsets(%dma_start3A_239 : memref<125xi32, #tpu.memory_space<vmem>>) semaphore(%dma_start3A_248 : memref<!tpu.dma_semaphore, #tpu.memory_space<semaphore_mem>>)
      %mul3A_249 = arith.constant 5 : i32
      %mul3A_250 = arith.muli %scan3A_187, %mul3A_249 : i32
      %add3A_251 = arith.constant 1 : i32
      %add3A_252 = arith.addi %mul3A_250, %add3A_251 : i32
      %dma_wait3A_253 = arith.constant 1 : i32
      %dma_wait3A_254 = arith.constant 1 : i32
      %dma_wait3A_255 = arith.constant 0 : i32
      %dma_wait3A_256 = arith.constant 0 : i32
      %dma_wait3A_257 = tpu.memref_slice %arg9[%dma_wait3A_253, %dma_wait3A_255, %dma_wait3A_256] : memref<5x125x64xf32, #tpu.memory_space<vmem>> -> memref<1x125x64xf32, #tpu.memory_space<vmem>>
      %dma_wait3A_258 = tpu.memref_squeeze %dma_wait3A_257 : memref<1x125x64xf32, #tpu.memory_space<vmem>> -> memref<125x64xf32, #tpu.memory_space<vmem>>
      %dma_wait3A_259 = arith.constant 0 : i32
      %dma_wait3A_260 = tpu.memref_slice %arg7[%add3A_252, %dma_wait3A_259] : memref<160x125xi32, #tpu.memory_space<vmem>> -> memref<1x125xi32, #tpu.memory_space<vmem>>
      %dma_wait3A_261 = tpu.memref_squeeze %dma_wait3A_260 : memref<1x125xi32, #tpu.memory_space<vmem>> -> memref<125xi32, #tpu.memory_space<vmem>>
      %dma_wait3A_262 = arith.constant 0 : i32
      %dma_wait3A_263 = arith.constant 0 : i32
      %dma_wait3A_264 = tpu.memref_slice %arg2[%arg0, %dma_wait3A_262, %dma_wait3A_263] : memref<2x10000x64xf32, #tpu.memory_space<hbm>> -> memref<1x10000x64xf32, #tpu.memory_space<hbm>>
      %dma_wait3A_265 = tpu.memref_squeeze %dma_wait3A_264 : memref<1x10000x64xf32, #tpu.memory_space<hbm>> -> memref<10000x64xf32, #tpu.memory_space<hbm>>
      %dma_wait3A_266 = arith.constant 0 : i32
      %dma_wait3A_267 = arith.constant 0 : i32
      %dma_wait3A_268 = tpu.memref_slice %dma_wait3A_265[%dma_wait3A_266, %dma_wait3A_267] : memref<10000x64xf32, #tpu.memory_space<hbm>> -> memref<10000x64xf32, #tpu.memory_space<hbm>>
      %dma_wait3A_269 = tpu.memref_slice %arg10[%dma_wait3A_254] : memref<5x!tpu.dma_semaphore, #tpu.memory_space<semaphore_mem>> -> memref<1x!tpu.dma_semaphore, #tpu.memory_space<semaphore_mem>>
      %dma_wait3A_270 = tpu.memref_squeeze %dma_wait3A_269 : memref<1x!tpu.dma_semaphore, #tpu.memory_space<semaphore_mem>> -> memref<!tpu.dma_semaphore, #tpu.memory_space<semaphore_mem>>
      tpu.wait_indirect_dma semaphore(%dma_wait3A_270 : memref<!tpu.dma_semaphore, #tpu.memory_space<semaphore_mem>>) src(%dma_wait3A_268 : memref<10000x64xf32, #tpu.memory_space<hbm>>) dst(%dma_wait3A_258 : memref<125x64xf32, #tpu.memory_space<vmem>>)
      %dma_start3A_271 = arith.constant 1 : i32
      %dma_start3A_272 = arith.constant 1 : i32
      %dma_start3A_273 = arith.constant 0 : i32
      %dma_start3A_274 = arith.constant 0 : i32
      %dma_start3A_275 = tpu.memref_slice %arg9[%dma_start3A_271, %dma_start3A_273, %dma_start3A_274] : memref<5x125x64xf32, #tpu.memory_space<vmem>> -> memref<1x125x64xf32, #tpu.memory_space<vmem>>
      %dma_start3A_276 = tpu.memref_squeeze %dma_start3A_275 : memref<1x125x64xf32, #tpu.memory_space<vmem>> -> memref<125x64xf32, #tpu.memory_space<vmem>>
      %dma_start3A_277 = arith.constant 0 : i32
      %dma_start3A_278 = tpu.memref_slice %arg8[%add3A_252, %dma_start3A_277] : memref<160x125xi32, #tpu.memory_space<vmem>> -> memref<1x125xi32, #tpu.memory_space<vmem>>
      %dma_start3A_279 = tpu.memref_squeeze %dma_start3A_278 : memref<1x125xi32, #tpu.memory_space<vmem>> -> memref<125xi32, #tpu.memory_space<vmem>>
      %dma_start3A_280 = arith.constant 0 : i32
      %dma_start3A_281 = arith.constant 0 : i32
      %dma_start3A_282 = tpu.memref_slice %arg12[%dma_start3A_280, %dma_start3A_281] : memref<10000x64xf32, #tpu.memory_space<vmem_shared>> -> memref<10000x64xf32, #tpu.memory_space<vmem_shared>>
      %dma_start3A_283 = tpu.memref_slice %arg11[%dma_start3A_272] : memref<5x!tpu.dma_semaphore, #tpu.memory_space<semaphore_mem>> -> memref<1x!tpu.dma_semaphore, #tpu.memory_space<semaphore_mem>>
      %dma_start3A_284 = tpu.memref_squeeze %dma_start3A_283 : memref<1x!tpu.dma_semaphore, #tpu.memory_space<semaphore_mem>> -> memref<!tpu.dma_semaphore, #tpu.memory_space<semaphore_mem>>
      tpu.enqueue_indirect_dma source(%dma_start3A_276 : memref<125x64xf32, #tpu.memory_space<vmem>>) target(%dma_start3A_282 : memref<10000x64xf32, #tpu.memory_space<vmem_shared>>) offsets(%dma_start3A_279 : memref<125xi32, #tpu.memory_space<vmem>>) semaphore(%dma_start3A_284 : memref<!tpu.dma_semaphore, #tpu.memory_space<semaphore_mem>>) {add = true}
      %lt3A_285 = arith.constant 31 : i32
      %lt3A_286 = arith.cmpi slt, %scan3A_187, %lt3A_285 : i32
      %convert_element_type3A_287 = arith.extui %lt3A_286 : i1 to i32
      %cond3A_288 = arith.constant 0 : i32
      %cond3A_289 = arith.cmpi ne, %convert_element_type3A_287, %cond3A_288 : i32
      scf.if %cond3A_289 {
        %dma_wait3A_414 = arith.constant 0 : i32
        %dma_wait3A_415 = arith.constant 0 : i32
        %dma_wait3A_416 = arith.constant 0 : i32
        %dma_wait3A_417 = arith.constant 0 : i32
        %dma_wait3A_418 = tpu.memref_slice %arg9[%dma_wait3A_414, %dma_wait3A_416, %dma_wait3A_417] : memref<5x125x64xf32, #tpu.memory_space<vmem>> -> memref<1x125x64xf32, #tpu.memory_space<vmem>>
        %dma_wait3A_419 = tpu.memref_squeeze %dma_wait3A_418 : memref<1x125x64xf32, #tpu.memory_space<vmem>> -> memref<125x64xf32, #tpu.memory_space<vmem>>
        %dma_wait3A_420 = arith.constant 0 : i32
        %dma_wait3A_421 = tpu.memref_slice %arg8[%add3A_252, %dma_wait3A_420] : memref<160x125xi32, #tpu.memory_space<vmem>> -> memref<1x125xi32, #tpu.memory_space<vmem>>
        %dma_wait3A_422 = tpu.memref_squeeze %dma_wait3A_421 : memref<1x125xi32, #tpu.memory_space<vmem>> -> memref<125xi32, #tpu.memory_space<vmem>>
        %dma_wait3A_423 = arith.constant 0 : i32
        %dma_wait3A_424 = arith.constant 0 : i32
        %dma_wait3A_425 = tpu.memref_slice %arg12[%dma_wait3A_423, %dma_wait3A_424] : memref<10000x64xf32, #tpu.memory_space<vmem_shared>> -> memref<10000x64xf32, #tpu.memory_space<vmem_shared>>
        %dma_wait3A_426 = tpu.memref_slice %arg11[%dma_wait3A_415] : memref<5x!tpu.dma_semaphore, #tpu.memory_space<semaphore_mem>> -> memref<1x!tpu.dma_semaphore, #tpu.memory_space<semaphore_mem>>
        %dma_wait3A_427 = tpu.memref_squeeze %dma_wait3A_426 : memref<1x!tpu.dma_semaphore, #tpu.memory_space<semaphore_mem>> -> memref<!tpu.dma_semaphore, #tpu.memory_space<semaphore_mem>>
        tpu.wait_indirect_dma semaphore(%dma_wait3A_427 : memref<!tpu.dma_semaphore, #tpu.memory_space<semaphore_mem>>) src(%dma_wait3A_419 : memref<125x64xf32, #tpu.memory_space<vmem>>) dst(%dma_wait3A_425 : memref<10000x64xf32, #tpu.memory_space<vmem_shared>>)
        %add3A_428 = arith.constant 4 : i32
        %add3A_429 = arith.addi %add3A_252, %add3A_428 : i32
        %dma_start3A_430 = arith.constant 0 : i32
        %dma_start3A_431 = arith.constant 0 : i32
        %dma_start3A_432 = arith.constant 0 : i32
        %dma_start3A_433 = arith.constant 0 : i32
        %dma_start3A_434 = tpu.memref_slice %arg9[%dma_start3A_430, %dma_start3A_432, %dma_start3A_433] : memref<5x125x64xf32, #tpu.memory_space<vmem>> -> memref<1x125x64xf32, #tpu.memory_space<vmem>>
        %dma_start3A_435 = tpu.memref_squeeze %dma_start3A_434 : memref<1x125x64xf32, #tpu.memory_space<vmem>> -> memref<125x64xf32, #tpu.memory_space<vmem>>
        %dma_start3A_436 = arith.constant 0 : i32
        %dma_start3A_437 = tpu.memref_slice %arg7[%add3A_429, %dma_start3A_436] : memref<160x125xi32, #tpu.memory_space<vmem>> -> memref<1x125xi32, #tpu.memory_space<vmem>>
        %dma_start3A_438 = tpu.memref_squeeze %dma_start3A_437 : memref<1x125xi32, #tpu.memory_space<vmem>> -> memref<125xi32, #tpu.memory_space<vmem>>
        %dma_start3A_439 = arith.constant 0 : i32
        %dma_start3A_440 = arith.constant 0 : i32
        %dma_start3A_441 = tpu.memref_slice %arg2[%arg0, %dma_start3A_439, %dma_start3A_440] : memref<2x10000x64xf32, #tpu.memory_space<hbm>> -> memref<1x10000x64xf32, #tpu.memory_space<hbm>>
        %dma_start3A_442 = tpu.memref_squeeze %dma_start3A_441 : memref<1x10000x64xf32, #tpu.memory_space<hbm>> -> memref<10000x64xf32, #tpu.memory_space<hbm>>
        %dma_start3A_443 = arith.constant 0 : i32
        %dma_start3A_444 = arith.constant 0 : i32
        %dma_start3A_445 = tpu.memref_slice %dma_start3A_442[%dma_start3A_443, %dma_start3A_444] : memref<10000x64xf32, #tpu.memory_space<hbm>> -> memref<10000x64xf32, #tpu.memory_space<hbm>>
        %dma_start3A_446 = tpu.memref_slice %arg10[%dma_start3A_431] : memref<5x!tpu.dma_semaphore, #tpu.memory_space<semaphore_mem>> -> memref<1x!tpu.dma_semaphore, #tpu.memory_space<semaphore_mem>>
        %dma_start3A_447 = tpu.memref_squeeze %dma_start3A_446 : memref<1x!tpu.dma_semaphore, #tpu.memory_space<semaphore_mem>> -> memref<!tpu.dma_semaphore, #tpu.memory_space<semaphore_mem>>
        tpu.enqueue_indirect_dma source(%dma_start3A_445 : memref<10000x64xf32, #tpu.memory_space<hbm>>) target(%dma_start3A_435 : memref<125x64xf32, #tpu.memory_space<vmem>>) offsets(%dma_start3A_438 : memref<125xi32, #tpu.memory_space<vmem>>) semaphore(%dma_start3A_447 : memref<!tpu.dma_semaphore, #tpu.memory_space<semaphore_mem>>)
      } else {
      }
      %mul3A_290 = arith.constant 5 : i32
      %mul3A_291 = arith.muli %scan3A_187, %mul3A_290 : i32
      %add3A_292 = arith.constant 2 : i32
      %add3A_293 = arith.addi %mul3A_291, %add3A_292 : i32
      %dma_wait3A_294 = arith.constant 2 : i32
      %dma_wait3A_295 = arith.constant 2 : i32
      %dma_wait3A_296 = arith.constant 0 : i32
      %dma_wait3A_297 = arith.constant 0 : i32
      %dma_wait3A_298 = tpu.memref_slice %arg9[%dma_wait3A_294, %dma_wait3A_296, %dma_wait3A_297] : memref<5x125x64xf32, #tpu.memory_space<vmem>> -> memref<1x125x64xf32, #tpu.memory_space<vmem>>
      %dma_wait3A_299 = tpu.memref_squeeze %dma_wait3A_298 : memref<1x125x64xf32, #tpu.memory_space<vmem>> -> memref<125x64xf32, #tpu.memory_space<vmem>>
      %dma_wait3A_300 = arith.constant 0 : i32
      %dma_wait3A_301 = tpu.memref_slice %arg7[%add3A_293, %dma_wait3A_300] : memref<160x125xi32, #tpu.memory_space<vmem>> -> memref<1x125xi32, #tpu.memory_space<vmem>>
      %dma_wait3A_302 = tpu.memref_squeeze %dma_wait3A_301 : memref<1x125xi32, #tpu.memory_space<vmem>> -> memref<125xi32, #tpu.memory_space<vmem>>
      %dma_wait3A_303 = arith.constant 0 : i32
      %dma_wait3A_304 = arith.constant 0 : i32
      %dma_wait3A_305 = tpu.memref_slice %arg2[%arg0, %dma_wait3A_303, %dma_wait3A_304] : memref<2x10000x64xf32, #tpu.memory_space<hbm>> -> memref<1x10000x64xf32, #tpu.memory_space<hbm>>
      %dma_wait3A_306 = tpu.memref_squeeze %dma_wait3A_305 : memref<1x10000x64xf32, #tpu.memory_space<hbm>> -> memref<10000x64xf32, #tpu.memory_space<hbm>>
      %dma_wait3A_307 = arith.constant 0 : i32
      %dma_wait3A_308 = arith.constant 0 : i32
      %dma_wait3A_309 = tpu.memref_slice %dma_wait3A_306[%dma_wait3A_307, %dma_wait3A_308] : memref<10000x64xf32, #tpu.memory_space<hbm>> -> memref<10000x64xf32, #tpu.memory_space<hbm>>
      %dma_wait3A_310 = tpu.memref_slice %arg10[%dma_wait3A_295] : memref<5x!tpu.dma_semaphore, #tpu.memory_space<semaphore_mem>> -> memref<1x!tpu.dma_semaphore, #tpu.memory_space<semaphore_mem>>
      %dma_wait3A_311 = tpu.memref_squeeze %dma_wait3A_310 : memref<1x!tpu.dma_semaphore, #tpu.memory_space<semaphore_mem>> -> memref<!tpu.dma_semaphore, #tpu.memory_space<semaphore_mem>>
      tpu.wait_indirect_dma semaphore(%dma_wait3A_311 : memref<!tpu.dma_semaphore, #tpu.memory_space<semaphore_mem>>) src(%dma_wait3A_309 : memref<10000x64xf32, #tpu.memory_space<hbm>>) dst(%dma_wait3A_299 : memref<125x64xf32, #tpu.memory_space<vmem>>)
      %dma_start3A_312 = arith.constant 2 : i32
      %dma_start3A_313 = arith.constant 2 : i32
      %dma_start3A_314 = arith.constant 0 : i32
      %dma_start3A_315 = arith.constant 0 : i32
      %dma_start3A_316 = tpu.memref_slice %arg9[%dma_start3A_312, %dma_start3A_314, %dma_start3A_315] : memref<5x125x64xf32, #tpu.memory_space<vmem>> -> memref<1x125x64xf32, #tpu.memory_space<vmem>>
      %dma_start3A_317 = tpu.memref_squeeze %dma_start3A_316 : memref<1x125x64xf32, #tpu.memory_space<vmem>> -> memref<125x64xf32, #tpu.memory_space<vmem>>
      %dma_start3A_318 = arith.constant 0 : i32
      %dma_start3A_319 = tpu.memref_slice %arg8[%add3A_293, %dma_start3A_318] : memref<160x125xi32, #tpu.memory_space<vmem>> -> memref<1x125xi32, #tpu.memory_space<vmem>>
      %dma_start3A_320 = tpu.memref_squeeze %dma_start3A_319 : memref<1x125xi32, #tpu.memory_space<vmem>> -> memref<125xi32, #tpu.memory_space<vmem>>
      %dma_start3A_321 = arith.constant 0 : i32
      %dma_start3A_322 = arith.constant 0 : i32
      %dma_start3A_323 = tpu.memref_slice %arg12[%dma_start3A_321, %dma_start3A_322] : memref<10000x64xf32, #tpu.memory_space<vmem_shared>> -> memref<10000x64xf32, #tpu.memory_space<vmem_shared>>
      %dma_start3A_324 = tpu.memref_slice %arg11[%dma_start3A_313] : memref<5x!tpu.dma_semaphore, #tpu.memory_space<semaphore_mem>> -> memref<1x!tpu.dma_semaphore, #tpu.memory_space<semaphore_mem>>
      %dma_start3A_325 = tpu.memref_squeeze %dma_start3A_324 : memref<1x!tpu.dma_semaphore, #tpu.memory_space<semaphore_mem>> -> memref<!tpu.dma_semaphore, #tpu.memory_space<semaphore_mem>>
      tpu.enqueue_indirect_dma source(%dma_start3A_317 : memref<125x64xf32, #tpu.memory_space<vmem>>) target(%dma_start3A_323 : memref<10000x64xf32, #tpu.memory_space<vmem_shared>>) offsets(%dma_start3A_320 : memref<125xi32, #tpu.memory_space<vmem>>) semaphore(%dma_start3A_325 : memref<!tpu.dma_semaphore, #tpu.memory_space<semaphore_mem>>) {add = true}
      %lt3A_326 = arith.constant 31 : i32
      %lt3A_327 = arith.cmpi slt, %scan3A_187, %lt3A_326 : i32
      %convert_element_type3A_328 = arith.extui %lt3A_327 : i1 to i32
      %cond3A_329 = arith.constant 0 : i32
      %cond3A_330 = arith.cmpi ne, %convert_element_type3A_328, %cond3A_329 : i32
      scf.if %cond3A_330 {
        %dma_wait3A_414 = arith.constant 1 : i32
        %dma_wait3A_415 = arith.constant 1 : i32
        %dma_wait3A_416 = arith.constant 0 : i32
        %dma_wait3A_417 = arith.constant 0 : i32
        %dma_wait3A_418 = tpu.memref_slice %arg9[%dma_wait3A_414, %dma_wait3A_416, %dma_wait3A_417] : memref<5x125x64xf32, #tpu.memory_space<vmem>> -> memref<1x125x64xf32, #tpu.memory_space<vmem>>
        %dma_wait3A_419 = tpu.memref_squeeze %dma_wait3A_418 : memref<1x125x64xf32, #tpu.memory_space<vmem>> -> memref<125x64xf32, #tpu.memory_space<vmem>>
        %dma_wait3A_420 = arith.constant 0 : i32
        %dma_wait3A_421 = tpu.memref_slice %arg8[%add3A_293, %dma_wait3A_420] : memref<160x125xi32, #tpu.memory_space<vmem>> -> memref<1x125xi32, #tpu.memory_space<vmem>>
        %dma_wait3A_422 = tpu.memref_squeeze %dma_wait3A_421 : memref<1x125xi32, #tpu.memory_space<vmem>> -> memref<125xi32, #tpu.memory_space<vmem>>
        %dma_wait3A_423 = arith.constant 0 : i32
        %dma_wait3A_424 = arith.constant 0 : i32
        %dma_wait3A_425 = tpu.memref_slice %arg12[%dma_wait3A_423, %dma_wait3A_424] : memref<10000x64xf32, #tpu.memory_space<vmem_shared>> -> memref<10000x64xf32, #tpu.memory_space<vmem_shared>>
        %dma_wait3A_426 = tpu.memref_slice %arg11[%dma_wait3A_415] : memref<5x!tpu.dma_semaphore, #tpu.memory_space<semaphore_mem>> -> memref<1x!tpu.dma_semaphore, #tpu.memory_space<semaphore_mem>>
        %dma_wait3A_427 = tpu.memref_squeeze %dma_wait3A_426 : memref<1x!tpu.dma_semaphore, #tpu.memory_space<semaphore_mem>> -> memref<!tpu.dma_semaphore, #tpu.memory_space<semaphore_mem>>
        tpu.wait_indirect_dma semaphore(%dma_wait3A_427 : memref<!tpu.dma_semaphore, #tpu.memory_space<semaphore_mem>>) src(%dma_wait3A_419 : memref<125x64xf32, #tpu.memory_space<vmem>>) dst(%dma_wait3A_425 : memref<10000x64xf32, #tpu.memory_space<vmem_shared>>)
        %add3A_428 = arith.constant 4 : i32
        %add3A_429 = arith.addi %add3A_293, %add3A_428 : i32
        %dma_start3A_430 = arith.constant 1 : i32
        %dma_start3A_431 = arith.constant 1 : i32
        %dma_start3A_432 = arith.constant 0 : i32
        %dma_start3A_433 = arith.constant 0 : i32
        %dma_start3A_434 = tpu.memref_slice %arg9[%dma_start3A_430, %dma_start3A_432, %dma_start3A_433] : memref<5x125x64xf32, #tpu.memory_space<vmem>> -> memref<1x125x64xf32, #tpu.memory_space<vmem>>
        %dma_start3A_435 = tpu.memref_squeeze %dma_start3A_434 : memref<1x125x64xf32, #tpu.memory_space<vmem>> -> memref<125x64xf32, #tpu.memory_space<vmem>>
        %dma_start3A_436 = arith.constant 0 : i32
        %dma_start3A_437 = tpu.memref_slice %arg7[%add3A_429, %dma_start3A_436] : memref<160x125xi32, #tpu.memory_space<vmem>> -> memref<1x125xi32, #tpu.memory_space<vmem>>
        %dma_start3A_438 = tpu.memref_squeeze %dma_start3A_437 : memref<1x125xi32, #tpu.memory_space<vmem>> -> memref<125xi32, #tpu.memory_space<vmem>>
        %dma_start3A_439 = arith.constant 0 : i32
        %dma_start3A_440 = arith.constant 0 : i32
        %dma_start3A_441 = tpu.memref_slice %arg2[%arg0, %dma_start3A_439, %dma_start3A_440] : memref<2x10000x64xf32, #tpu.memory_space<hbm>> -> memref<1x10000x64xf32, #tpu.memory_space<hbm>>
        %dma_start3A_442 = tpu.memref_squeeze %dma_start3A_441 : memref<1x10000x64xf32, #tpu.memory_space<hbm>> -> memref<10000x64xf32, #tpu.memory_space<hbm>>
        %dma_start3A_443 = arith.constant 0 : i32
        %dma_start3A_444 = arith.constant 0 : i32
        %dma_start3A_445 = tpu.memref_slice %dma_start3A_442[%dma_start3A_443, %dma_start3A_444] : memref<10000x64xf32, #tpu.memory_space<hbm>> -> memref<10000x64xf32, #tpu.memory_space<hbm>>
        %dma_start3A_446 = tpu.memref_slice %arg10[%dma_start3A_431] : memref<5x!tpu.dma_semaphore, #tpu.memory_space<semaphore_mem>> -> memref<1x!tpu.dma_semaphore, #tpu.memory_space<semaphore_mem>>
        %dma_start3A_447 = tpu.memref_squeeze %dma_start3A_446 : memref<1x!tpu.dma_semaphore, #tpu.memory_space<semaphore_mem>> -> memref<!tpu.dma_semaphore, #tpu.memory_space<semaphore_mem>>
        tpu.enqueue_indirect_dma source(%dma_start3A_445 : memref<10000x64xf32, #tpu.memory_space<hbm>>) target(%dma_start3A_435 : memref<125x64xf32, #tpu.memory_space<vmem>>) offsets(%dma_start3A_438 : memref<125xi32, #tpu.memory_space<vmem>>) semaphore(%dma_start3A_447 : memref<!tpu.dma_semaphore, #tpu.memory_space<semaphore_mem>>)
      } else {
      }
      %mul3A_331 = arith.constant 5 : i32
      %mul3A_332 = arith.muli %scan3A_187, %mul3A_331 : i32
      %add3A_333 = arith.constant 3 : i32
      %add3A_334 = arith.addi %mul3A_332, %add3A_333 : i32
      %dma_wait3A_335 = arith.constant 3 : i32
      %dma_wait3A_336 = arith.constant 3 : i32
      %dma_wait3A_337 = arith.constant 0 : i32
      %dma_wait3A_338 = arith.constant 0 : i32
      %dma_wait3A_339 = tpu.memref_slice %arg9[%dma_wait3A_335, %dma_wait3A_337, %dma_wait3A_338] : memref<5x125x64xf32, #tpu.memory_space<vmem>> -> memref<1x125x64xf32, #tpu.memory_space<vmem>>
      %dma_wait3A_340 = tpu.memref_squeeze %dma_wait3A_339 : memref<1x125x64xf32, #tpu.memory_space<vmem>> -> memref<125x64xf32, #tpu.memory_space<vmem>>
      %dma_wait3A_341 = arith.constant 0 : i32
      %dma_wait3A_342 = tpu.memref_slice %arg7[%add3A_334, %dma_wait3A_341] : memref<160x125xi32, #tpu.memory_space<vmem>> -> memref<1x125xi32, #tpu.memory_space<vmem>>
      %dma_wait3A_343 = tpu.memref_squeeze %dma_wait3A_342 : memref<1x125xi32, #tpu.memory_space<vmem>> -> memref<125xi32, #tpu.memory_space<vmem>>
      %dma_wait3A_344 = arith.constant 0 : i32
      %dma_wait3A_345 = arith.constant 0 : i32
      %dma_wait3A_346 = tpu.memref_slice %arg2[%arg0, %dma_wait3A_344, %dma_wait3A_345] : memref<2x10000x64xf32, #tpu.memory_space<hbm>> -> memref<1x10000x64xf32, #tpu.memory_space<hbm>>
      %dma_wait3A_347 = tpu.memref_squeeze %dma_wait3A_346 : memref<1x10000x64xf32, #tpu.memory_space<hbm>> -> memref<10000x64xf32, #tpu.memory_space<hbm>>
      %dma_wait3A_348 = arith.constant 0 : i32
      %dma_wait3A_349 = arith.constant 0 : i32
      %dma_wait3A_350 = tpu.memref_slice %dma_wait3A_347[%dma_wait3A_348, %dma_wait3A_349] : memref<10000x64xf32, #tpu.memory_space<hbm>> -> memref<10000x64xf32, #tpu.memory_space<hbm>>
      %dma_wait3A_351 = tpu.memref_slice %arg10[%dma_wait3A_336] : memref<5x!tpu.dma_semaphore, #tpu.memory_space<semaphore_mem>> -> memref<1x!tpu.dma_semaphore, #tpu.memory_space<semaphore_mem>>
      %dma_wait3A_352 = tpu.memref_squeeze %dma_wait3A_351 : memref<1x!tpu.dma_semaphore, #tpu.memory_space<semaphore_mem>> -> memref<!tpu.dma_semaphore, #tpu.memory_space<semaphore_mem>>
      tpu.wait_indirect_dma semaphore(%dma_wait3A_352 : memref<!tpu.dma_semaphore, #tpu.memory_space<semaphore_mem>>) src(%dma_wait3A_350 : memref<10000x64xf32, #tpu.memory_space<hbm>>) dst(%dma_wait3A_340 : memref<125x64xf32, #tpu.memory_space<vmem>>)
      %dma_start3A_353 = arith.constant 3 : i32
      %dma_start3A_354 = arith.constant 3 : i32
      %dma_start3A_355 = arith.constant 0 : i32
      %dma_start3A_356 = arith.constant 0 : i32
      %dma_start3A_357 = tpu.memref_slice %arg9[%dma_start3A_353, %dma_start3A_355, %dma_start3A_356] : memref<5x125x64xf32, #tpu.memory_space<vmem>> -> memref<1x125x64xf32, #tpu.memory_space<vmem>>
      %dma_start3A_358 = tpu.memref_squeeze %dma_start3A_357 : memref<1x125x64xf32, #tpu.memory_space<vmem>> -> memref<125x64xf32, #tpu.memory_space<vmem>>
      %dma_start3A_359 = arith.constant 0 : i32
      %dma_start3A_360 = tpu.memref_slice %arg8[%add3A_334, %dma_start3A_359] : memref<160x125xi32, #tpu.memory_space<vmem>> -> memref<1x125xi32, #tpu.memory_space<vmem>>
      %dma_start3A_361 = tpu.memref_squeeze %dma_start3A_360 : memref<1x125xi32, #tpu.memory_space<vmem>> -> memref<125xi32, #tpu.memory_space<vmem>>
      %dma_start3A_362 = arith.constant 0 : i32
      %dma_start3A_363 = arith.constant 0 : i32
      %dma_start3A_364 = tpu.memref_slice %arg12[%dma_start3A_362, %dma_start3A_363] : memref<10000x64xf32, #tpu.memory_space<vmem_shared>> -> memref<10000x64xf32, #tpu.memory_space<vmem_shared>>
      %dma_start3A_365 = tpu.memref_slice %arg11[%dma_start3A_354] : memref<5x!tpu.dma_semaphore, #tpu.memory_space<semaphore_mem>> -> memref<1x!tpu.dma_semaphore, #tpu.memory_space<semaphore_mem>>
      %dma_start3A_366 = tpu.memref_squeeze %dma_start3A_365 : memref<1x!tpu.dma_semaphore, #tpu.memory_space<semaphore_mem>> -> memref<!tpu.dma_semaphore, #tpu.memory_space<semaphore_mem>>
      tpu.enqueue_indirect_dma source(%dma_start3A_358 : memref<125x64xf32, #tpu.memory_space<vmem>>) target(%dma_start3A_364 : memref<10000x64xf32, #tpu.memory_space<vmem_shared>>) offsets(%dma_start3A_361 : memref<125xi32, #tpu.memory_space<vmem>>) semaphore(%dma_start3A_366 : memref<!tpu.dma_semaphore, #tpu.memory_space<semaphore_mem>>) {add = true}
      %lt3A_367 = arith.constant 31 : i32
      %lt3A_368 = arith.cmpi slt, %scan3A_187, %lt3A_367 : i32
      %convert_element_type3A_369 = arith.extui %lt3A_368 : i1 to i32
      %cond3A_370 = arith.constant 0 : i32
      %cond3A_371 = arith.cmpi ne, %convert_element_type3A_369, %cond3A_370 : i32
      scf.if %cond3A_371 {
        %dma_wait3A_414 = arith.constant 2 : i32
        %dma_wait3A_415 = arith.constant 2 : i32
        %dma_wait3A_416 = arith.constant 0 : i32
        %dma_wait3A_417 = arith.constant 0 : i32
        %dma_wait3A_418 = tpu.memref_slice %arg9[%dma_wait3A_414, %dma_wait3A_416, %dma_wait3A_417] : memref<5x125x64xf32, #tpu.memory_space<vmem>> -> memref<1x125x64xf32, #tpu.memory_space<vmem>>
        %dma_wait3A_419 = tpu.memref_squeeze %dma_wait3A_418 : memref<1x125x64xf32, #tpu.memory_space<vmem>> -> memref<125x64xf32, #tpu.memory_space<vmem>>
        %dma_wait3A_420 = arith.constant 0 : i32
        %dma_wait3A_421 = tpu.memref_slice %arg8[%add3A_334, %dma_wait3A_420] : memref<160x125xi32, #tpu.memory_space<vmem>> -> memref<1x125xi32, #tpu.memory_space<vmem>>
        %dma_wait3A_422 = tpu.memref_squeeze %dma_wait3A_421 : memref<1x125xi32, #tpu.memory_space<vmem>> -> memref<125xi32, #tpu.memory_space<vmem>>
        %dma_wait3A_423 = arith.constant 0 : i32
        %dma_wait3A_424 = arith.constant 0 : i32
        %dma_wait3A_425 = tpu.memref_slice %arg12[%dma_wait3A_423, %dma_wait3A_424] : memref<10000x64xf32, #tpu.memory_space<vmem_shared>> -> memref<10000x64xf32, #tpu.memory_space<vmem_shared>>
        %dma_wait3A_426 = tpu.memref_slice %arg11[%dma_wait3A_415] : memref<5x!tpu.dma_semaphore, #tpu.memory_space<semaphore_mem>> -> memref<1x!tpu.dma_semaphore, #tpu.memory_space<semaphore_mem>>
        %dma_wait3A_427 = tpu.memref_squeeze %dma_wait3A_426 : memref<1x!tpu.dma_semaphore, #tpu.memory_space<semaphore_mem>> -> memref<!tpu.dma_semaphore, #tpu.memory_space<semaphore_mem>>
        tpu.wait_indirect_dma semaphore(%dma_wait3A_427 : memref<!tpu.dma_semaphore, #tpu.memory_space<semaphore_mem>>) src(%dma_wait3A_419 : memref<125x64xf32, #tpu.memory_space<vmem>>) dst(%dma_wait3A_425 : memref<10000x64xf32, #tpu.memory_space<vmem_shared>>)
        %add3A_428 = arith.constant 4 : i32
        %add3A_429 = arith.addi %add3A_334, %add3A_428 : i32
        %dma_start3A_430 = arith.constant 2 : i32
        %dma_start3A_431 = arith.constant 2 : i32
        %dma_start3A_432 = arith.constant 0 : i32
        %dma_start3A_433 = arith.constant 0 : i32
        %dma_start3A_434 = tpu.memref_slice %arg9[%dma_start3A_430, %dma_start3A_432, %dma_start3A_433] : memref<5x125x64xf32, #tpu.memory_space<vmem>> -> memref<1x125x64xf32, #tpu.memory_space<vmem>>
        %dma_start3A_435 = tpu.memref_squeeze %dma_start3A_434 : memref<1x125x64xf32, #tpu.memory_space<vmem>> -> memref<125x64xf32, #tpu.memory_space<vmem>>
        %dma_start3A_436 = arith.constant 0 : i32
        %dma_start3A_437 = tpu.memref_slice %arg7[%add3A_429, %dma_start3A_436] : memref<160x125xi32, #tpu.memory_space<vmem>> -> memref<1x125xi32, #tpu.memory_space<vmem>>
        %dma_start3A_438 = tpu.memref_squeeze %dma_start3A_437 : memref<1x125xi32, #tpu.memory_space<vmem>> -> memref<125xi32, #tpu.memory_space<vmem>>
        %dma_start3A_439 = arith.constant 0 : i32
        %dma_start3A_440 = arith.constant 0 : i32
        %dma_start3A_441 = tpu.memref_slice %arg2[%arg0, %dma_start3A_439, %dma_start3A_440] : memref<2x10000x64xf32, #tpu.memory_space<hbm>> -> memref<1x10000x64xf32, #tpu.memory_space<hbm>>
        %dma_start3A_442 = tpu.memref_squeeze %dma_start3A_441 : memref<1x10000x64xf32, #tpu.memory_space<hbm>> -> memref<10000x64xf32, #tpu.memory_space<hbm>>
        %dma_start3A_443 = arith.constant 0 : i32
        %dma_start3A_444 = arith.constant 0 : i32
        %dma_start3A_445 = tpu.memref_slice %dma_start3A_442[%dma_start3A_443, %dma_start3A_444] : memref<10000x64xf32, #tpu.memory_space<hbm>> -> memref<10000x64xf32, #tpu.memory_space<hbm>>
        %dma_start3A_446 = tpu.memref_slice %arg10[%dma_start3A_431] : memref<5x!tpu.dma_semaphore, #tpu.memory_space<semaphore_mem>> -> memref<1x!tpu.dma_semaphore, #tpu.memory_space<semaphore_mem>>
        %dma_start3A_447 = tpu.memref_squeeze %dma_start3A_446 : memref<1x!tpu.dma_semaphore, #tpu.memory_space<semaphore_mem>> -> memref<!tpu.dma_semaphore, #tpu.memory_space<semaphore_mem>>
        tpu.enqueue_indirect_dma source(%dma_start3A_445 : memref<10000x64xf32, #tpu.memory_space<hbm>>) target(%dma_start3A_435 : memref<125x64xf32, #tpu.memory_space<vmem>>) offsets(%dma_start3A_438 : memref<125xi32, #tpu.memory_space<vmem>>) semaphore(%dma_start3A_447 : memref<!tpu.dma_semaphore, #tpu.memory_space<semaphore_mem>>)
      } else {
      }
      %mul3A_372 = arith.constant 5 : i32
      %mul3A_373 = arith.muli %scan3A_187, %mul3A_372 : i32
      %add3A_374 = arith.constant 4 : i32
      %add3A_375 = arith.addi %mul3A_373, %add3A_374 : i32
      %dma_wait3A_376 = arith.constant 4 : i32
      %dma_wait3A_377 = arith.constant 4 : i32
      %dma_wait3A_378 = arith.constant 0 : i32
      %dma_wait3A_379 = arith.constant 0 : i32
      %dma_wait3A_380 = tpu.memref_slice %arg9[%dma_wait3A_376, %dma_wait3A_378, %dma_wait3A_379] : memref<5x125x64xf32, #tpu.memory_space<vmem>> -> memref<1x125x64xf32, #tpu.memory_space<vmem>>
      %dma_wait3A_381 = tpu.memref_squeeze %dma_wait3A_380 : memref<1x125x64xf32, #tpu.memory_space<vmem>> -> memref<125x64xf32, #tpu.memory_space<vmem>>
      %dma_wait3A_382 = arith.constant 0 : i32
      %dma_wait3A_383 = tpu.memref_slice %arg7[%add3A_375, %dma_wait3A_382] : memref<160x125xi32, #tpu.memory_space<vmem>> -> memref<1x125xi32, #tpu.memory_space<vmem>>
      %dma_wait3A_384 = tpu.memref_squeeze %dma_wait3A_383 : memref<1x125xi32, #tpu.memory_space<vmem>> -> memref<125xi32, #tpu.memory_space<vmem>>
      %dma_wait3A_385 = arith.constant 0 : i32
      %dma_wait3A_386 = arith.constant 0 : i32
      %dma_wait3A_387 = tpu.memref_slice %arg2[%arg0, %dma_wait3A_385, %dma_wait3A_386] : memref<2x10000x64xf32, #tpu.memory_space<hbm>> -> memref<1x10000x64xf32, #tpu.memory_space<hbm>>
      %dma_wait3A_388 = tpu.memref_squeeze %dma_wait3A_387 : memref<1x10000x64xf32, #tpu.memory_space<hbm>> -> memref<10000x64xf32, #tpu.memory_space<hbm>>
      %dma_wait3A_389 = arith.constant 0 : i32
      %dma_wait3A_390 = arith.constant 0 : i32
      %dma_wait3A_391 = tpu.memref_slice %dma_wait3A_388[%dma_wait3A_389, %dma_wait3A_390] : memref<10000x64xf32, #tpu.memory_space<hbm>> -> memref<10000x64xf32, #tpu.memory_space<hbm>>
      %dma_wait3A_392 = tpu.memref_slice %arg10[%dma_wait3A_377] : memref<5x!tpu.dma_semaphore, #tpu.memory_space<semaphore_mem>> -> memref<1x!tpu.dma_semaphore, #tpu.memory_space<semaphore_mem>>
      %dma_wait3A_393 = tpu.memref_squeeze %dma_wait3A_392 : memref<1x!tpu.dma_semaphore, #tpu.memory_space<semaphore_mem>> -> memref<!tpu.dma_semaphore, #tpu.memory_space<semaphore_mem>>
      tpu.wait_indirect_dma semaphore(%dma_wait3A_393 : memref<!tpu.dma_semaphore, #tpu.memory_space<semaphore_mem>>) src(%dma_wait3A_391 : memref<10000x64xf32, #tpu.memory_space<hbm>>) dst(%dma_wait3A_381 : memref<125x64xf32, #tpu.memory_space<vmem>>)
      %dma_start3A_394 = arith.constant 4 : i32
      %dma_start3A_395 = arith.constant 4 : i32
      %dma_start3A_396 = arith.constant 0 : i32
      %dma_start3A_397 = arith.constant 0 : i32
      %dma_start3A_398 = tpu.memref_slice %arg9[%dma_start3A_394, %dma_start3A_396, %dma_start3A_397] : memref<5x125x64xf32, #tpu.memory_space<vmem>> -> memref<1x125x64xf32, #tpu.memory_space<vmem>>
      %dma_start3A_399 = tpu.memref_squeeze %dma_start3A_398 : memref<1x125x64xf32, #tpu.memory_space<vmem>> -> memref<125x64xf32, #tpu.memory_space<vmem>>
      %dma_start3A_400 = arith.constant 0 : i32
      %dma_start3A_401 = tpu.memref_slice %arg8[%add3A_375, %dma_start3A_400] : memref<160x125xi32, #tpu.memory_space<vmem>> -> memref<1x125xi32, #tpu.memory_space<vmem>>
      %dma_start3A_402 = tpu.memref_squeeze %dma_start3A_401 : memref<1x125xi32, #tpu.memory_space<vmem>> -> memref<125xi32, #tpu.memory_space<vmem>>
      %dma_start3A_403 = arith.constant 0 : i32
      %dma_start3A_404 = arith.constant 0 : i32
      %dma_start3A_405 = tpu.memref_slice %arg12[%dma_start3A_403, %dma_start3A_404] : memref<10000x64xf32, #tpu.memory_space<vmem_shared>> -> memref<10000x64xf32, #tpu.memory_space<vmem_shared>>
      %dma_start3A_406 = tpu.memref_slice %arg11[%dma_start3A_395] : memref<5x!tpu.dma_semaphore, #tpu.memory_space<semaphore_mem>> -> memref<1x!tpu.dma_semaphore, #tpu.memory_space<semaphore_mem>>
      %dma_start3A_407 = tpu.memref_squeeze %dma_start3A_406 : memref<1x!tpu.dma_semaphore, #tpu.memory_space<semaphore_mem>> -> memref<!tpu.dma_semaphore, #tpu.memory_space<semaphore_mem>>
      tpu.enqueue_indirect_dma source(%dma_start3A_399 : memref<125x64xf32, #tpu.memory_space<vmem>>) target(%dma_start3A_405 : memref<10000x64xf32, #tpu.memory_space<vmem_shared>>) offsets(%dma_start3A_402 : memref<125xi32, #tpu.memory_space<vmem>>) semaphore(%dma_start3A_407 : memref<!tpu.dma_semaphore, #tpu.memory_space<semaphore_mem>>) {add = true}
      %lt3A_408 = arith.constant 31 : i32
      %lt3A_409 = arith.cmpi slt, %scan3A_187, %lt3A_408 : i32
      %convert_element_type3A_410 = arith.extui %lt3A_409 : i1 to i32
      %cond3A_411 = arith.constant 0 : i32
      %cond3A_412 = arith.cmpi ne, %convert_element_type3A_410, %cond3A_411 : i32
      scf.if %cond3A_412 {
        %dma_wait3A_414 = arith.constant 3 : i32
        %dma_wait3A_415 = arith.constant 3 : i32
        %dma_wait3A_416 = arith.constant 0 : i32
        %dma_wait3A_417 = arith.constant 0 : i32
        %dma_wait3A_418 = tpu.memref_slice %arg9[%dma_wait3A_414, %dma_wait3A_416, %dma_wait3A_417] : memref<5x125x64xf32, #tpu.memory_space<vmem>> -> memref<1x125x64xf32, #tpu.memory_space<vmem>>
        %dma_wait3A_419 = tpu.memref_squeeze %dma_wait3A_418 : memref<1x125x64xf32, #tpu.memory_space<vmem>> -> memref<125x64xf32, #tpu.memory_space<vmem>>
        %dma_wait3A_420 = arith.constant 0 : i32
        %dma_wait3A_421 = tpu.memref_slice %arg8[%add3A_375, %dma_wait3A_420] : memref<160x125xi32, #tpu.memory_space<vmem>> -> memref<1x125xi32, #tpu.memory_space<vmem>>
        %dma_wait3A_422 = tpu.memref_squeeze %dma_wait3A_421 : memref<1x125xi32, #tpu.memory_space<vmem>> -> memref<125xi32, #tpu.memory_space<vmem>>
        %dma_wait3A_423 = arith.constant 0 : i32
        %dma_wait3A_424 = arith.constant 0 : i32
        %dma_wait3A_425 = tpu.memref_slice %arg12[%dma_wait3A_423, %dma_wait3A_424] : memref<10000x64xf32, #tpu.memory_space<vmem_shared>> -> memref<10000x64xf32, #tpu.memory_space<vmem_shared>>
        %dma_wait3A_426 = tpu.memref_slice %arg11[%dma_wait3A_415] : memref<5x!tpu.dma_semaphore, #tpu.memory_space<semaphore_mem>> -> memref<1x!tpu.dma_semaphore, #tpu.memory_space<semaphore_mem>>
        %dma_wait3A_427 = tpu.memref_squeeze %dma_wait3A_426 : memref<1x!tpu.dma_semaphore, #tpu.memory_space<semaphore_mem>> -> memref<!tpu.dma_semaphore, #tpu.memory_space<semaphore_mem>>
        tpu.wait_indirect_dma semaphore(%dma_wait3A_427 : memref<!tpu.dma_semaphore, #tpu.memory_space<semaphore_mem>>) src(%dma_wait3A_419 : memref<125x64xf32, #tpu.memory_space<vmem>>) dst(%dma_wait3A_425 : memref<10000x64xf32, #tpu.memory_space<vmem_shared>>)
        %add3A_428 = arith.constant 4 : i32
        %add3A_429 = arith.addi %add3A_375, %add3A_428 : i32
        %dma_start3A_430 = arith.constant 3 : i32
        %dma_start3A_431 = arith.constant 3 : i32
        %dma_start3A_432 = arith.constant 0 : i32
        %dma_start3A_433 = arith.constant 0 : i32
        %dma_start3A_434 = tpu.memref_slice %arg9[%dma_start3A_430, %dma_start3A_432, %dma_start3A_433] : memref<5x125x64xf32, #tpu.memory_space<vmem>> -> memref<1x125x64xf32, #tpu.memory_space<vmem>>
        %dma_start3A_435 = tpu.memref_squeeze %dma_start3A_434 : memref<1x125x64xf32, #tpu.memory_space<vmem>> -> memref<125x64xf32, #tpu.memory_space<vmem>>
        %dma_start3A_436 = arith.constant 0 : i32
        %dma_start3A_437 = tpu.memref_slice %arg7[%add3A_429, %dma_start3A_436] : memref<160x125xi32, #tpu.memory_space<vmem>> -> memref<1x125xi32, #tpu.memory_space<vmem>>
        %dma_start3A_438 = tpu.memref_squeeze %dma_start3A_437 : memref<1x125xi32, #tpu.memory_space<vmem>> -> memref<125xi32, #tpu.memory_space<vmem>>
        %dma_start3A_439 = arith.constant 0 : i32
        %dma_start3A_440 = arith.constant 0 : i32
        %dma_start3A_441 = tpu.memref_slice %arg2[%arg0, %dma_start3A_439, %dma_start3A_440] : memref<2x10000x64xf32, #tpu.memory_space<hbm>> -> memref<1x10000x64xf32, #tpu.memory_space<hbm>>
        %dma_start3A_442 = tpu.memref_squeeze %dma_start3A_441 : memref<1x10000x64xf32, #tpu.memory_space<hbm>> -> memref<10000x64xf32, #tpu.memory_space<hbm>>
        %dma_start3A_443 = arith.constant 0 : i32
        %dma_start3A_444 = arith.constant 0 : i32
        %dma_start3A_445 = tpu.memref_slice %dma_start3A_442[%dma_start3A_443, %dma_start3A_444] : memref<10000x64xf32, #tpu.memory_space<hbm>> -> memref<10000x64xf32, #tpu.memory_space<hbm>>
        %dma_start3A_446 = tpu.memref_slice %arg10[%dma_start3A_431] : memref<5x!tpu.dma_semaphore, #tpu.memory_space<semaphore_mem>> -> memref<1x!tpu.dma_semaphore, #tpu.memory_space<semaphore_mem>>
        %dma_start3A_447 = tpu.memref_squeeze %dma_start3A_446 : memref<1x!tpu.dma_semaphore, #tpu.memory_space<semaphore_mem>> -> memref<!tpu.dma_semaphore, #tpu.memory_space<semaphore_mem>>
        tpu.enqueue_indirect_dma source(%dma_start3A_445 : memref<10000x64xf32, #tpu.memory_space<hbm>>) target(%dma_start3A_435 : memref<125x64xf32, #tpu.memory_space<vmem>>) offsets(%dma_start3A_438 : memref<125xi32, #tpu.memory_space<vmem>>) semaphore(%dma_start3A_447 : memref<!tpu.dma_semaphore, #tpu.memory_space<semaphore_mem>>)
      } else {
      }
      %scan3A_413 = arith.constant 0 : i32
      scf.yield %scan3A_413 : i32
    }
    %scan3A_98 = arith.constant 32 : i32
    %dma_wait3A = arith.constant 0 : i32
    %dma_wait3A_99 = arith.constant 0 : i32
    %dma_wait3A_100 = arith.constant 0 : i32
    %dma_wait3A_101 = arith.constant 0 : i32
    %dma_wait3A_102 = arith.constant 0 : i32
    %dma_wait3A_103 = tpu.memref_slice %arg9[%dma_wait3A, %dma_wait3A_101, %dma_wait3A_102] : memref<5x125x64xf32, #tpu.memory_space<vmem>> -> memref<1x125x64xf32, #tpu.memory_space<vmem>>
    %dma_wait3A_104 = tpu.memref_squeeze %dma_wait3A_103 : memref<1x125x64xf32, #tpu.memory_space<vmem>> -> memref<125x64xf32, #tpu.memory_space<vmem>>
    %dma_wait3A_105 = arith.constant 0 : i32
    %dma_wait3A_106 = tpu.memref_slice %arg8[%dma_wait3A_99, %dma_wait3A_105] : memref<160x125xi32, #tpu.memory_space<vmem>> -> memref<1x125xi32, #tpu.memory_space<vmem>>
    %dma_wait3A_107 = tpu.memref_squeeze %dma_wait3A_106 : memref<1x125xi32, #tpu.memory_space<vmem>> -> memref<125xi32, #tpu.memory_space<vmem>>
    %dma_wait3A_108 = arith.constant 0 : i32
    %dma_wait3A_109 = arith.constant 0 : i32
    %dma_wait3A_110 = tpu.memref_slice %arg12[%dma_wait3A_108, %dma_wait3A_109] : memref<10000x64xf32, #tpu.memory_space<vmem_shared>> -> memref<10000x64xf32, #tpu.memory_space<vmem_shared>>
    %dma_wait3A_111 = tpu.memref_slice %arg11[%dma_wait3A_100] : memref<5x!tpu.dma_semaphore, #tpu.memory_space<semaphore_mem>> -> memref<1x!tpu.dma_semaphore, #tpu.memory_space<semaphore_mem>>
    %dma_wait3A_112 = tpu.memref_squeeze %dma_wait3A_111 : memref<1x!tpu.dma_semaphore, #tpu.memory_space<semaphore_mem>> -> memref<!tpu.dma_semaphore, #tpu.memory_space<semaphore_mem>>
    tpu.wait_indirect_dma semaphore(%dma_wait3A_112 : memref<!tpu.dma_semaphore, #tpu.memory_space<semaphore_mem>>) src(%dma_wait3A_104 : memref<125x64xf32, #tpu.memory_space<vmem>>) dst(%dma_wait3A_110 : memref<10000x64xf32, #tpu.memory_space<vmem_shared>>)
    %dma_wait3A_113 = arith.constant 1 : i32
    %dma_wait3A_114 = arith.constant 0 : i32
    %dma_wait3A_115 = arith.constant 1 : i32
    %dma_wait3A_116 = arith.constant 0 : i32
    %dma_wait3A_117 = arith.constant 0 : i32
    %dma_wait3A_118 = tpu.memref_slice %arg9[%dma_wait3A_113, %dma_wait3A_116, %dma_wait3A_117] : memref<5x125x64xf32, #tpu.memory_space<vmem>> -> memref<1x125x64xf32, #tpu.memory_space<vmem>>
    %dma_wait3A_119 = tpu.memref_squeeze %dma_wait3A_118 : memref<1x125x64xf32, #tpu.memory_space<vmem>> -> memref<125x64xf32, #tpu.memory_space<vmem>>
    %dma_wait3A_120 = arith.constant 0 : i32
    %dma_wait3A_121 = tpu.memref_slice %arg8[%dma_wait3A_114, %dma_wait3A_120] : memref<160x125xi32, #tpu.memory_space<vmem>> -> memref<1x125xi32, #tpu.memory_space<vmem>>
    %dma_wait3A_122 = tpu.memref_squeeze %dma_wait3A_121 : memref<1x125xi32, #tpu.memory_space<vmem>> -> memref<125xi32, #tpu.memory_space<vmem>>
    %dma_wait3A_123 = arith.constant 0 : i32
    %dma_wait3A_124 = arith.constant 0 : i32
    %dma_wait3A_125 = tpu.memref_slice %arg12[%dma_wait3A_123, %dma_wait3A_124] : memref<10000x64xf32, #tpu.memory_space<vmem_shared>> -> memref<10000x64xf32, #tpu.memory_space<vmem_shared>>
    %dma_wait3A_126 = tpu.memref_slice %arg11[%dma_wait3A_115] : memref<5x!tpu.dma_semaphore, #tpu.memory_space<semaphore_mem>> -> memref<1x!tpu.dma_semaphore, #tpu.memory_space<semaphore_mem>>
    %dma_wait3A_127 = tpu.memref_squeeze %dma_wait3A_126 : memref<1x!tpu.dma_semaphore, #tpu.memory_space<semaphore_mem>> -> memref<!tpu.dma_semaphore, #tpu.memory_space<semaphore_mem>>
    tpu.wait_indirect_dma semaphore(%dma_wait3A_127 : memref<!tpu.dma_semaphore, #tpu.memory_space<semaphore_mem>>) src(%dma_wait3A_119 : memref<125x64xf32, #tpu.memory_space<vmem>>) dst(%dma_wait3A_125 : memref<10000x64xf32, #tpu.memory_space<vmem_shared>>)
    %dma_wait3A_128 = arith.constant 2 : i32
    %dma_wait3A_129 = arith.constant 0 : i32
    %dma_wait3A_130 = arith.constant 2 : i32
    %dma_wait3A_131 = arith.constant 0 : i32
    %dma_wait3A_132 = arith.constant 0 : i32
    %dma_wait3A_133 = tpu.memref_slice %arg9[%dma_wait3A_128, %dma_wait3A_131, %dma_wait3A_132] : memref<5x125x64xf32, #tpu.memory_space<vmem>> -> memref<1x125x64xf32, #tpu.memory_space<vmem>>
    %dma_wait3A_134 = tpu.memref_squeeze %dma_wait3A_133 : memref<1x125x64xf32, #tpu.memory_space<vmem>> -> memref<125x64xf32, #tpu.memory_space<vmem>>
    %dma_wait3A_135 = arith.constant 0 : i32
    %dma_wait3A_136 = tpu.memref_slice %arg8[%dma_wait3A_129, %dma_wait3A_135] : memref<160x125xi32, #tpu.memory_space<vmem>> -> memref<1x125xi32, #tpu.memory_space<vmem>>
    %dma_wait3A_137 = tpu.memref_squeeze %dma_wait3A_136 : memref<1x125xi32, #tpu.memory_space<vmem>> -> memref<125xi32, #tpu.memory_space<vmem>>
    %dma_wait3A_138 = arith.constant 0 : i32
    %dma_wait3A_139 = arith.constant 0 : i32
    %dma_wait3A_140 = tpu.memref_slice %arg12[%dma_wait3A_138, %dma_wait3A_139] : memref<10000x64xf32, #tpu.memory_space<vmem_shared>> -> memref<10000x64xf32, #tpu.memory_space<vmem_shared>>
    %dma_wait3A_141 = tpu.memref_slice %arg11[%dma_wait3A_130] : memref<5x!tpu.dma_semaphore, #tpu.memory_space<semaphore_mem>> -> memref<1x!tpu.dma_semaphore, #tpu.memory_space<semaphore_mem>>
    %dma_wait3A_142 = tpu.memref_squeeze %dma_wait3A_141 : memref<1x!tpu.dma_semaphore, #tpu.memory_space<semaphore_mem>> -> memref<!tpu.dma_semaphore, #tpu.memory_space<semaphore_mem>>
    tpu.wait_indirect_dma semaphore(%dma_wait3A_142 : memref<!tpu.dma_semaphore, #tpu.memory_space<semaphore_mem>>) src(%dma_wait3A_134 : memref<125x64xf32, #tpu.memory_space<vmem>>) dst(%dma_wait3A_140 : memref<10000x64xf32, #tpu.memory_space<vmem_shared>>)
    %dma_wait3A_143 = arith.constant 3 : i32
    %dma_wait3A_144 = arith.constant 0 : i32
    %dma_wait3A_145 = arith.constant 3 : i32
    %dma_wait3A_146 = arith.constant 0 : i32
    %dma_wait3A_147 = arith.constant 0 : i32
    %dma_wait3A_148 = tpu.memref_slice %arg9[%dma_wait3A_143, %dma_wait3A_146, %dma_wait3A_147] : memref<5x125x64xf32, #tpu.memory_space<vmem>> -> memref<1x125x64xf32, #tpu.memory_space<vmem>>
    %dma_wait3A_149 = tpu.memref_squeeze %dma_wait3A_148 : memref<1x125x64xf32, #tpu.memory_space<vmem>> -> memref<125x64xf32, #tpu.memory_space<vmem>>
    %dma_wait3A_150 = arith.constant 0 : i32
    %dma_wait3A_151 = tpu.memref_slice %arg8[%dma_wait3A_144, %dma_wait3A_150] : memref<160x125xi32, #tpu.memory_space<vmem>> -> memref<1x125xi32, #tpu.memory_space<vmem>>
    %dma_wait3A_152 = tpu.memref_squeeze %dma_wait3A_151 : memref<1x125xi32, #tpu.memory_space<vmem>> -> memref<125xi32, #tpu.memory_space<vmem>>
    %dma_wait3A_153 = arith.constant 0 : i32
    %dma_wait3A_154 = arith.constant 0 : i32
    %dma_wait3A_155 = tpu.memref_slice %arg12[%dma_wait3A_153, %dma_wait3A_154] : memref<10000x64xf32, #tpu.memory_space<vmem_shared>> -> memref<10000x64xf32, #tpu.memory_space<vmem_shared>>
    %dma_wait3A_156 = tpu.memref_slice %arg11[%dma_wait3A_145] : memref<5x!tpu.dma_semaphore, #tpu.memory_space<semaphore_mem>> -> memref<1x!tpu.dma_semaphore, #tpu.memory_space<semaphore_mem>>
    %dma_wait3A_157 = tpu.memref_squeeze %dma_wait3A_156 : memref<1x!tpu.dma_semaphore, #tpu.memory_space<semaphore_mem>> -> memref<!tpu.dma_semaphore, #tpu.memory_space<semaphore_mem>>
    tpu.wait_indirect_dma semaphore(%dma_wait3A_157 : memref<!tpu.dma_semaphore, #tpu.memory_space<semaphore_mem>>) src(%dma_wait3A_149 : memref<125x64xf32, #tpu.memory_space<vmem>>) dst(%dma_wait3A_155 : memref<10000x64xf32, #tpu.memory_space<vmem_shared>>)
    %dma_wait3A_158 = arith.constant 4 : i32
    %dma_wait3A_159 = arith.constant 0 : i32
    %dma_wait3A_160 = arith.constant 4 : i32
    %dma_wait3A_161 = arith.constant 0 : i32
    %dma_wait3A_162 = arith.constant 0 : i32
    %dma_wait3A_163 = tpu.memref_slice %arg9[%dma_wait3A_158, %dma_wait3A_161, %dma_wait3A_162] : memref<5x125x64xf32, #tpu.memory_space<vmem>> -> memref<1x125x64xf32, #tpu.memory_space<vmem>>
    %dma_wait3A_164 = tpu.memref_squeeze %dma_wait3A_163 : memref<1x125x64xf32, #tpu.memory_space<vmem>> -> memref<125x64xf32, #tpu.memory_space<vmem>>
    %dma_wait3A_165 = arith.constant 0 : i32
    %dma_wait3A_166 = tpu.memref_slice %arg8[%dma_wait3A_159, %dma_wait3A_165] : memref<160x125xi32, #tpu.memory_space<vmem>> -> memref<1x125xi32, #tpu.memory_space<vmem>>
    %dma_wait3A_167 = tpu.memref_squeeze %dma_wait3A_166 : memref<1x125xi32, #tpu.memory_space<vmem>> -> memref<125xi32, #tpu.memory_space<vmem>>
    %dma_wait3A_168 = arith.constant 0 : i32
    %dma_wait3A_169 = arith.constant 0 : i32
    %dma_wait3A_170 = tpu.memref_slice %arg12[%dma_wait3A_168, %dma_wait3A_169] : memref<10000x64xf32, #tpu.memory_space<vmem_shared>> -> memref<10000x64xf32, #tpu.memory_space<vmem_shared>>
    %dma_wait3A_171 = tpu.memref_slice %arg11[%dma_wait3A_160] : memref<5x!tpu.dma_semaphore, #tpu.memory_space<semaphore_mem>> -> memref<1x!tpu.dma_semaphore, #tpu.memory_space<semaphore_mem>>
    %dma_wait3A_172 = tpu.memref_squeeze %dma_wait3A_171 : memref<1x!tpu.dma_semaphore, #tpu.memory_space<semaphore_mem>> -> memref<!tpu.dma_semaphore, #tpu.memory_space<semaphore_mem>>
    tpu.wait_indirect_dma semaphore(%dma_wait3A_172 : memref<!tpu.dma_semaphore, #tpu.memory_space<semaphore_mem>>) src(%dma_wait3A_164 : memref<125x64xf32, #tpu.memory_space<vmem>>) dst(%dma_wait3A_170 : memref<10000x64xf32, #tpu.memory_space<vmem_shared>>)
    %barrier3A_173 = arith.constant 0 : index
    tpu.barrier barrier_id(%barrier3A_173)
    %mul3A_174 = arith.constant 632 : i32
    %mul3A_175 = arith.muli %arg1, %mul3A_174 : i32
    %multiple_of3A_176 = tpu.assume_multiple %mul3A_175, 8 : i32
    %lt3A_177 = arith.constant 15 : i32
    %lt3A_178 = arith.cmpi slt, %arg1, %lt3A_177 : i32
    %convert_element_type3A_179 = arith.extui %lt3A_178 : i1 to i32
    %cond3A_180 = arith.constant 0 : i32
    %cond3A_181 = arith.cmpi ne, %convert_element_type3A_179, %cond3A_180 : i32
    scf.if %cond3A_181 {
      "tpu.region"() ({
        %run_scoped3A = tpu.sem_alloc : memref<!tpu.dma_semaphore, #tpu.memory_space<semaphore_mem>>
        %dma_start3A_187 = arith.constant 0 : i32
        %dma_start3A_188 = tpu.memref_slice %arg6[%arg0, %multiple_of3A_176, %dma_start3A_187] : memref<2x10000x64xf32, #tpu.memory_space<hbm>> -> memref<1x632x64xf32, #tpu.memory_space<hbm>>
        %dma_start3A_189 = tpu.memref_squeeze %dma_start3A_188 : memref<1x632x64xf32, #tpu.memory_space<hbm>> -> memref<632x64xf32, #tpu.memory_space<hbm>>
        %dma_start3A_190 = arith.constant 0 : i32
        %dma_start3A_191 = tpu.memref_slice %arg12[%multiple_of3A_176, %dma_start3A_190] : memref<10000x64xf32, #tpu.memory_space<vmem_shared>> -> memref<632x64xf32, #tpu.memory_space<vmem_shared>>
        tpu.enqueue_dma source(%dma_start3A_191 : memref<632x64xf32, #tpu.memory_space<vmem_shared>>) target(%dma_start3A_189 : memref<632x64xf32, #tpu.memory_space<hbm>>) target_semaphore(%run_scoped3A : memref<!tpu.dma_semaphore, #tpu.memory_space<semaphore_mem>>)
        %dma_wait3A_192 = arith.constant 0 : i32
        %dma_wait3A_193 = tpu.memref_slice %arg6[%arg0, %multiple_of3A_176, %dma_wait3A_192] : memref<2x10000x64xf32, #tpu.memory_space<hbm>> -> memref<1x632x64xf32, #tpu.memory_space<hbm>>
        %dma_wait3A_194 = tpu.memref_squeeze %dma_wait3A_193 : memref<1x632x64xf32, #tpu.memory_space<hbm>> -> memref<632x64xf32, #tpu.memory_space<hbm>>
        %dma_wait3A_195 = arith.constant 0 : i32
        %dma_wait3A_196 = tpu.memref_slice %arg12[%multiple_of3A_176, %dma_wait3A_195] : memref<10000x64xf32, #tpu.memory_space<vmem_shared>> -> memref<632x64xf32, #tpu.memory_space<vmem_shared>>
        tpu.wait_dma2 semaphore(%run_scoped3A : memref<!tpu.dma_semaphore, #tpu.memory_space<semaphore_mem>>) src(%dma_wait3A_196 : memref<632x64xf32, #tpu.memory_space<vmem_shared>>) dst(%dma_wait3A_194 : memref<632x64xf32, #tpu.memory_space<hbm>>)
        tpu.yield
      }) : () -> ()
    } else {
    }
    %eq3A_182 = arith.constant 15 : i32
    %eq3A_183 = arith.cmpi eq, %arg1, %eq3A_182 : i32
    %convert_element_type3A_184 = arith.extui %eq3A_183 : i1 to i32
    %cond3A_185 = arith.constant 0 : i32
    %cond3A_186 = arith.cmpi ne, %convert_element_type3A_184, %cond3A_185 : i32
    scf.if %cond3A_186 {
      "tpu.region"() ({
        %run_scoped3A = tpu.sem_alloc : memref<!tpu.dma_semaphore, #tpu.memory_space<semaphore_mem>>
        %dma_start3A_187 = arith.constant 9480 : i32
        %dma_start3A_188 = arith.constant 0 : i32
        %dma_start3A_189 = tpu.memref_slice %arg6[%arg0, %dma_start3A_187, %dma_start3A_188] : memref<2x10000x64xf32, #tpu.memory_space<hbm>> -> memref<1x520x64xf32, #tpu.memory_space<hbm>>
        %dma_start3A_190 = tpu.memref_squeeze %dma_start3A_189 : memref<1x520x64xf32, #tpu.memory_space<hbm>> -> memref<520x64xf32, #tpu.memory_space<hbm>>
        %dma_start3A_191 = arith.constant 9480 : i32
        %dma_start3A_192 = arith.constant 0 : i32
        %dma_start3A_193 = tpu.memref_slice %arg12[%dma_start3A_191, %dma_start3A_192] : memref<10000x64xf32, #tpu.memory_space<vmem_shared>> -> memref<520x64xf32, #tpu.memory_space<vmem_shared>>
        tpu.enqueue_dma source(%dma_start3A_193 : memref<520x64xf32, #tpu.memory_space<vmem_shared>>) target(%dma_start3A_190 : memref<520x64xf32, #tpu.memory_space<hbm>>) target_semaphore(%run_scoped3A : memref<!tpu.dma_semaphore, #tpu.memory_space<semaphore_mem>>)
        %dma_wait3A_194 = arith.constant 9480 : i32
        %dma_wait3A_195 = arith.constant 0 : i32
        %dma_wait3A_196 = tpu.memref_slice %arg6[%arg0, %dma_wait3A_194, %dma_wait3A_195] : memref<2x10000x64xf32, #tpu.memory_space<hbm>> -> memref<1x520x64xf32, #tpu.memory_space<hbm>>
        %dma_wait3A_197 = tpu.memref_squeeze %dma_wait3A_196 : memref<1x520x64xf32, #tpu.memory_space<hbm>> -> memref<520x64xf32, #tpu.memory_space<hbm>>
        %dma_wait3A_198 = arith.constant 9480 : i32
        %dma_wait3A_199 = arith.constant 0 : i32
        %dma_wait3A_200 = tpu.memref_slice %arg12[%dma_wait3A_198, %dma_wait3A_199] : memref<10000x64xf32, #tpu.memory_space<vmem_shared>> -> memref<520x64xf32, #tpu.memory_space<vmem_shared>>
        tpu.wait_dma2 semaphore(%run_scoped3A : memref<!tpu.dma_semaphore, #tpu.memory_space<semaphore_mem>>) src(%dma_wait3A_200 : memref<520x64xf32, #tpu.memory_space<vmem_shared>>) dst(%dma_wait3A_197 : memref<520x64xf32, #tpu.memory_space<hbm>>)
        tpu.yield
      }) : () -> ()
    } else {
    }
    return
  }
}

#map = affine_map<(d0, d1) -> (0, 0, 0)>
#map1 = affine_map<(d0, d1) -> (0, 0)>
module attributes {stable_mosaic.version = 14 : i64} {
  func.func @_sc_degree(%arg0: i32, %arg1: i32, %arg2: memref<32x80x125xi32, #tpu.memory_space<hbm>>, %arg3: memref<125x16xf32, #tpu.memory_space<hbm>>, %arg4: memref<10000x16xf32, #tpu.memory_space<hbm>>, %arg5: memref<2x10000x16xf32, #tpu.memory_space<hbm>>, %arg6: memref<80x125xi32, #tpu.memory_space<vmem>>, %arg7: memref<125x16xf32, #tpu.memory_space<vmem>>, %arg8: memref<!tpu.dma_semaphore, #tpu.memory_space<semaphore_mem>>, %arg9: memref<10000x16xf32, #tpu.memory_space<vmem_shared>>) attributes {dimension_semantics = [#tpu.dimension_semantics<core_parallel>, #tpu.dimension_semantics<subcore_parallel>], iteration_bounds = array<i64: 2, 16>, scalar_prefetch = 0 : i64, scratch_operands = 4 : i64, tpu.core_type = #tpu.core_type<sc_vector_subcore>, window_params = [{transform_indices = #map}, {transform_indices = #map1}, {transform_indices = #map1}, {transform_indices = #map}]} {
    %mul3A = arith.constant 16 : i32
    %mul3A_0 = arith.muli %arg0, %mul3A : i32
    %add3A = arith.addi %mul3A_0, %arg1 : i32
    "tpu.region"() ({
      %run_scoped3A = tpu.sem_alloc : memref<!tpu.dma_semaphore, #tpu.memory_space<semaphore_mem>>
      %dma_start3A = arith.constant 0 : i32
      %dma_start3A_36 = arith.constant 0 : i32
      %dma_start3A_37 = tpu.memref_slice %arg2[%add3A, %dma_start3A, %dma_start3A_36] : memref<32x80x125xi32, #tpu.memory_space<hbm>> -> memref<1x80x125xi32, #tpu.memory_space<hbm>>
      %dma_start3A_38 = tpu.memref_squeeze %dma_start3A_37 : memref<1x80x125xi32, #tpu.memory_space<hbm>> -> memref<80x125xi32, #tpu.memory_space<hbm>>
      %dma_start3A_39 = arith.constant 0 : i32
      %dma_start3A_40 = arith.constant 0 : i32
      %dma_start3A_41 = tpu.memref_slice %arg2[%add3A, %dma_start3A_39, %dma_start3A_40] : memref<32x80x125xi32, #tpu.memory_space<hbm>> -> memref<1x80x125xi32, #tpu.memory_space<hbm>>
      %dma_start3A_42 = tpu.memref_squeeze %dma_start3A_41 : memref<1x80x125xi32, #tpu.memory_space<hbm>> -> memref<80x125xi32, #tpu.memory_space<hbm>>
      tpu.enqueue_dma source(%dma_start3A_42 : memref<80x125xi32, #tpu.memory_space<hbm>>) target(%arg6 : memref<80x125xi32, #tpu.memory_space<vmem>>) target_semaphore(%run_scoped3A : memref<!tpu.dma_semaphore, #tpu.memory_space<semaphore_mem>>)
      %dma_wait3A = arith.constant 0 : i32
      %dma_wait3A_43 = arith.constant 0 : i32
      %dma_wait3A_44 = tpu.memref_slice %arg2[%add3A, %dma_wait3A, %dma_wait3A_43] : memref<32x80x125xi32, #tpu.memory_space<hbm>> -> memref<1x80x125xi32, #tpu.memory_space<hbm>>
      %dma_wait3A_45 = tpu.memref_squeeze %dma_wait3A_44 : memref<1x80x125xi32, #tpu.memory_space<hbm>> -> memref<80x125xi32, #tpu.memory_space<hbm>>
      %dma_wait3A_46 = arith.constant 0 : i32
      %dma_wait3A_47 = arith.constant 0 : i32
      %dma_wait3A_48 = tpu.memref_slice %arg2[%add3A, %dma_wait3A_46, %dma_wait3A_47] : memref<32x80x125xi32, #tpu.memory_space<hbm>> -> memref<1x80x125xi32, #tpu.memory_space<hbm>>
      %dma_wait3A_49 = tpu.memref_squeeze %dma_wait3A_48 : memref<1x80x125xi32, #tpu.memory_space<hbm>> -> memref<80x125xi32, #tpu.memory_space<hbm>>
      tpu.wait_dma2 semaphore(%run_scoped3A : memref<!tpu.dma_semaphore, #tpu.memory_space<semaphore_mem>>) src(%dma_wait3A_49 : memref<80x125xi32, #tpu.memory_space<hbm>>) dst(%arg6 : memref<80x125xi32, #tpu.memory_space<vmem>>)
      tpu.yield
    }) : () -> ()
    "tpu.region"() ({
      %run_scoped3A = tpu.sem_alloc : memref<!tpu.dma_semaphore, #tpu.memory_space<semaphore_mem>>
      tpu.enqueue_dma source(%arg3 : memref<125x16xf32, #tpu.memory_space<hbm>>) target(%arg7 : memref<125x16xf32, #tpu.memory_space<vmem>>) target_semaphore(%run_scoped3A : memref<!tpu.dma_semaphore, #tpu.memory_space<semaphore_mem>>)
      tpu.wait_dma2 semaphore(%run_scoped3A : memref<!tpu.dma_semaphore, #tpu.memory_space<semaphore_mem>>) src(%arg3 : memref<125x16xf32, #tpu.memory_space<hbm>>) dst(%arg7 : memref<125x16xf32, #tpu.memory_space<vmem>>)
      tpu.yield
    }) : () -> ()
    %mul3A_1 = arith.constant 632 : i32
    %mul3A_2 = arith.muli %arg1, %mul3A_1 : i32
    %multiple_of3A = tpu.assume_multiple %mul3A_2, 8 : i32
    %lt3A = arith.constant 15 : i32
    %lt3A_3 = arith.cmpi slt, %arg1, %lt3A : i32
    %convert_element_type3A = arith.extui %lt3A_3 : i1 to i32
    %cond3A = arith.constant 0 : i32
    %cond3A_4 = arith.cmpi ne, %convert_element_type3A, %cond3A : i32
    scf.if %cond3A_4 {
      "tpu.region"() ({
        %run_scoped3A = tpu.sem_alloc : memref<!tpu.dma_semaphore, #tpu.memory_space<semaphore_mem>>
        %dma_start3A = arith.constant 0 : i32
        %dma_start3A_36 = tpu.memref_slice %arg9[%multiple_of3A, %dma_start3A] : memref<10000x16xf32, #tpu.memory_space<vmem_shared>> -> memref<632x16xf32, #tpu.memory_space<vmem_shared>>
        %dma_start3A_37 = arith.constant 0 : i32
        %dma_start3A_38 = tpu.memref_slice %arg4[%multiple_of3A, %dma_start3A_37] : memref<10000x16xf32, #tpu.memory_space<hbm>> -> memref<632x16xf32, #tpu.memory_space<hbm>>
        tpu.enqueue_dma source(%dma_start3A_38 : memref<632x16xf32, #tpu.memory_space<hbm>>) target(%dma_start3A_36 : memref<632x16xf32, #tpu.memory_space<vmem_shared>>) target_semaphore(%run_scoped3A : memref<!tpu.dma_semaphore, #tpu.memory_space<semaphore_mem>>)
        %dma_wait3A = arith.constant 0 : i32
        %dma_wait3A_39 = tpu.memref_slice %arg9[%multiple_of3A, %dma_wait3A] : memref<10000x16xf32, #tpu.memory_space<vmem_shared>> -> memref<632x16xf32, #tpu.memory_space<vmem_shared>>
        %dma_wait3A_40 = arith.constant 0 : i32
        %dma_wait3A_41 = tpu.memref_slice %arg4[%multiple_of3A, %dma_wait3A_40] : memref<10000x16xf32, #tpu.memory_space<hbm>> -> memref<632x16xf32, #tpu.memory_space<hbm>>
        tpu.wait_dma2 semaphore(%run_scoped3A : memref<!tpu.dma_semaphore, #tpu.memory_space<semaphore_mem>>) src(%dma_wait3A_41 : memref<632x16xf32, #tpu.memory_space<hbm>>) dst(%dma_wait3A_39 : memref<632x16xf32, #tpu.memory_space<vmem_shared>>)
        tpu.yield
      }) : () -> ()
    } else {
    }
    %eq3A = arith.constant 15 : i32
    %eq3A_5 = arith.cmpi eq, %arg1, %eq3A : i32
    %convert_element_type3A_6 = arith.extui %eq3A_5 : i1 to i32
    %cond3A_7 = arith.constant 0 : i32
    %cond3A_8 = arith.cmpi ne, %convert_element_type3A_6, %cond3A_7 : i32
    scf.if %cond3A_8 {
      "tpu.region"() ({
        %run_scoped3A = tpu.sem_alloc : memref<!tpu.dma_semaphore, #tpu.memory_space<semaphore_mem>>
        %dma_start3A = arith.constant 9480 : i32
        %dma_start3A_36 = arith.constant 0 : i32
        %dma_start3A_37 = tpu.memref_slice %arg9[%dma_start3A, %dma_start3A_36] : memref<10000x16xf32, #tpu.memory_space<vmem_shared>> -> memref<520x16xf32, #tpu.memory_space<vmem_shared>>
        %dma_start3A_38 = arith.constant 9480 : i32
        %dma_start3A_39 = arith.constant 0 : i32
        %dma_start3A_40 = tpu.memref_slice %arg4[%dma_start3A_38, %dma_start3A_39] : memref<10000x16xf32, #tpu.memory_space<hbm>> -> memref<520x16xf32, #tpu.memory_space<hbm>>
        tpu.enqueue_dma source(%dma_start3A_40 : memref<520x16xf32, #tpu.memory_space<hbm>>) target(%dma_start3A_37 : memref<520x16xf32, #tpu.memory_space<vmem_shared>>) target_semaphore(%run_scoped3A : memref<!tpu.dma_semaphore, #tpu.memory_space<semaphore_mem>>)
        %dma_wait3A = arith.constant 9480 : i32
        %dma_wait3A_41 = arith.constant 0 : i32
        %dma_wait3A_42 = tpu.memref_slice %arg9[%dma_wait3A, %dma_wait3A_41] : memref<10000x16xf32, #tpu.memory_space<vmem_shared>> -> memref<520x16xf32, #tpu.memory_space<vmem_shared>>
        %dma_wait3A_43 = arith.constant 9480 : i32
        %dma_wait3A_44 = arith.constant 0 : i32
        %dma_wait3A_45 = tpu.memref_slice %arg4[%dma_wait3A_43, %dma_wait3A_44] : memref<10000x16xf32, #tpu.memory_space<hbm>> -> memref<520x16xf32, #tpu.memory_space<hbm>>
        tpu.wait_dma2 semaphore(%run_scoped3A : memref<!tpu.dma_semaphore, #tpu.memory_space<semaphore_mem>>) src(%dma_wait3A_45 : memref<520x16xf32, #tpu.memory_space<hbm>>) dst(%dma_wait3A_42 : memref<520x16xf32, #tpu.memory_space<vmem_shared>>)
        tpu.yield
      }) : () -> ()
    } else {
    }
    %barrier3A = arith.constant 0 : index
    tpu.barrier barrier_id(%barrier3A)
    %scan3A = arith.constant 0 : i32
    %scan3A_9 = arith.constant 0 : i32
    %scan3A_10 = arith.constant 80 : i32
    %scan3A_11 = arith.addi %scan3A_9, %scan3A_10 : i32
    %scan3A_12 = arith.constant 1 : i32
    %scan3A_13 = scf.for %scan3A_36 = %scan3A_9 to %scan3A_11 step %scan3A_12 iter_args(%scan3A_37 = %scan3A) -> (i32)  : i32 {
      %dma_start3A = arith.constant 0 : i32
      %dma_start3A_38 = tpu.memref_slice %arg6[%scan3A_36, %dma_start3A] : memref<80x125xi32, #tpu.memory_space<vmem>> -> memref<1x125xi32, #tpu.memory_space<vmem>>
      %dma_start3A_39 = tpu.memref_squeeze %dma_start3A_38 : memref<1x125xi32, #tpu.memory_space<vmem>> -> memref<125xi32, #tpu.memory_space<vmem>>
      %dma_start3A_40 = arith.constant 0 : i32
      %dma_start3A_41 = arith.constant 0 : i32
      %dma_start3A_42 = tpu.memref_slice %arg9[%dma_start3A_40, %dma_start3A_41] : memref<10000x16xf32, #tpu.memory_space<vmem_shared>> -> memref<10000x16xf32, #tpu.memory_space<vmem_shared>>
      tpu.enqueue_indirect_dma source(%arg7 : memref<125x16xf32, #tpu.memory_space<vmem>>) target(%dma_start3A_42 : memref<10000x16xf32, #tpu.memory_space<vmem_shared>>) offsets(%dma_start3A_39 : memref<125xi32, #tpu.memory_space<vmem>>) semaphore(%arg8 : memref<!tpu.dma_semaphore, #tpu.memory_space<semaphore_mem>>) {add = true}
      %scan3A_43 = arith.constant 0 : i32
      scf.yield %scan3A_43 : i32
    }
    %scan3A_14 = arith.constant 80 : i32
    %scan3A_15 = arith.constant 0 : i32
    %scan3A_16 = arith.constant 0 : i32
    %scan3A_17 = arith.constant 80 : i32
    %scan3A_18 = arith.addi %scan3A_16, %scan3A_17 : i32
    %scan3A_19 = arith.constant 1 : i32
    %scan3A_20 = scf.for %scan3A_36 = %scan3A_16 to %scan3A_18 step %scan3A_19 iter_args(%scan3A_37 = %scan3A_15) -> (i32)  : i32 {
      %dma_wait3A = arith.constant 0 : i32
      %dma_wait3A_38 = arith.constant 0 : i32
      %dma_wait3A_39 = tpu.memref_slice %arg6[%dma_wait3A, %dma_wait3A_38] : memref<80x125xi32, #tpu.memory_space<vmem>> -> memref<1x125xi32, #tpu.memory_space<vmem>>
      %dma_wait3A_40 = tpu.memref_squeeze %dma_wait3A_39 : memref<1x125xi32, #tpu.memory_space<vmem>> -> memref<125xi32, #tpu.memory_space<vmem>>
      %dma_wait3A_41 = arith.constant 0 : i32
      %dma_wait3A_42 = arith.constant 0 : i32
      %dma_wait3A_43 = tpu.memref_slice %arg9[%dma_wait3A_41, %dma_wait3A_42] : memref<10000x16xf32, #tpu.memory_space<vmem_shared>> -> memref<10000x16xf32, #tpu.memory_space<vmem_shared>>
      tpu.wait_indirect_dma semaphore(%arg8 : memref<!tpu.dma_semaphore, #tpu.memory_space<semaphore_mem>>) src(%arg7 : memref<125x16xf32, #tpu.memory_space<vmem>>) dst(%dma_wait3A_43 : memref<10000x16xf32, #tpu.memory_space<vmem_shared>>)
      %scan3A_44 = arith.constant 0 : i32
      scf.yield %scan3A_44 : i32
    }
    %scan3A_21 = arith.constant 80 : i32
    %barrier3A_22 = arith.constant 0 : index
    tpu.barrier barrier_id(%barrier3A_22)
    %mul3A_23 = arith.constant 632 : i32
    %mul3A_24 = arith.muli %arg1, %mul3A_23 : i32
    %multiple_of3A_25 = tpu.assume_multiple %mul3A_24, 8 : i32
    %lt3A_26 = arith.constant 15 : i32
    %lt3A_27 = arith.cmpi slt, %arg1, %lt3A_26 : i32
    %convert_element_type3A_28 = arith.extui %lt3A_27 : i1 to i32
    %cond3A_29 = arith.constant 0 : i32
    %cond3A_30 = arith.cmpi ne, %convert_element_type3A_28, %cond3A_29 : i32
    scf.if %cond3A_30 {
      "tpu.region"() ({
        %run_scoped3A = tpu.sem_alloc : memref<!tpu.dma_semaphore, #tpu.memory_space<semaphore_mem>>
        %dma_start3A = arith.constant 0 : i32
        %dma_start3A_36 = tpu.memref_slice %arg5[%arg0, %multiple_of3A_25, %dma_start3A] : memref<2x10000x16xf32, #tpu.memory_space<hbm>> -> memref<1x632x16xf32, #tpu.memory_space<hbm>>
        %dma_start3A_37 = tpu.memref_squeeze %dma_start3A_36 : memref<1x632x16xf32, #tpu.memory_space<hbm>> -> memref<632x16xf32, #tpu.memory_space<hbm>>
        %dma_start3A_38 = arith.constant 0 : i32
        %dma_start3A_39 = tpu.memref_slice %arg9[%multiple_of3A_25, %dma_start3A_38] : memref<10000x16xf32, #tpu.memory_space<vmem_shared>> -> memref<632x16xf32, #tpu.memory_space<vmem_shared>>
        tpu.enqueue_dma source(%dma_start3A_39 : memref<632x16xf32, #tpu.memory_space<vmem_shared>>) target(%dma_start3A_37 : memref<632x16xf32, #tpu.memory_space<hbm>>) target_semaphore(%run_scoped3A : memref<!tpu.dma_semaphore, #tpu.memory_space<semaphore_mem>>)
        %dma_wait3A = arith.constant 0 : i32
        %dma_wait3A_40 = tpu.memref_slice %arg5[%arg0, %multiple_of3A_25, %dma_wait3A] : memref<2x10000x16xf32, #tpu.memory_space<hbm>> -> memref<1x632x16xf32, #tpu.memory_space<hbm>>
        %dma_wait3A_41 = tpu.memref_squeeze %dma_wait3A_40 : memref<1x632x16xf32, #tpu.memory_space<hbm>> -> memref<632x16xf32, #tpu.memory_space<hbm>>
        %dma_wait3A_42 = arith.constant 0 : i32
        %dma_wait3A_43 = tpu.memref_slice %arg9[%multiple_of3A_25, %dma_wait3A_42] : memref<10000x16xf32, #tpu.memory_space<vmem_shared>> -> memref<632x16xf32, #tpu.memory_space<vmem_shared>>
        tpu.wait_dma2 semaphore(%run_scoped3A : memref<!tpu.dma_semaphore, #tpu.memory_space<semaphore_mem>>) src(%dma_wait3A_43 : memref<632x16xf32, #tpu.memory_space<vmem_shared>>) dst(%dma_wait3A_41 : memref<632x16xf32, #tpu.memory_space<hbm>>)
        tpu.yield
      }) : () -> ()
    } else {
    }
    %eq3A_31 = arith.constant 15 : i32
    %eq3A_32 = arith.cmpi eq, %arg1, %eq3A_31 : i32
    %convert_element_type3A_33 = arith.extui %eq3A_32 : i1 to i32
    %cond3A_34 = arith.constant 0 : i32
    %cond3A_35 = arith.cmpi ne, %convert_element_type3A_33, %cond3A_34 : i32
    scf.if %cond3A_35 {
      "tpu.region"() ({
        %run_scoped3A = tpu.sem_alloc : memref<!tpu.dma_semaphore, #tpu.memory_space<semaphore_mem>>
        %dma_start3A = arith.constant 9480 : i32
        %dma_start3A_36 = arith.constant 0 : i32
        %dma_start3A_37 = tpu.memref_slice %arg5[%arg0, %dma_start3A, %dma_start3A_36] : memref<2x10000x16xf32, #tpu.memory_space<hbm>> -> memref<1x520x16xf32, #tpu.memory_space<hbm>>
        %dma_start3A_38 = tpu.memref_squeeze %dma_start3A_37 : memref<1x520x16xf32, #tpu.memory_space<hbm>> -> memref<520x16xf32, #tpu.memory_space<hbm>>
        %dma_start3A_39 = arith.constant 9480 : i32
        %dma_start3A_40 = arith.constant 0 : i32
        %dma_start3A_41 = tpu.memref_slice %arg9[%dma_start3A_39, %dma_start3A_40] : memref<10000x16xf32, #tpu.memory_space<vmem_shared>> -> memref<520x16xf32, #tpu.memory_space<vmem_shared>>
        tpu.enqueue_dma source(%dma_start3A_41 : memref<520x16xf32, #tpu.memory_space<vmem_shared>>) target(%dma_start3A_38 : memref<520x16xf32, #tpu.memory_space<hbm>>) target_semaphore(%run_scoped3A : memref<!tpu.dma_semaphore, #tpu.memory_space<semaphore_mem>>)
        %dma_wait3A = arith.constant 9480 : i32
        %dma_wait3A_42 = arith.constant 0 : i32
        %dma_wait3A_43 = tpu.memref_slice %arg5[%arg0, %dma_wait3A, %dma_wait3A_42] : memref<2x10000x16xf32, #tpu.memory_space<hbm>> -> memref<1x520x16xf32, #tpu.memory_space<hbm>>
        %dma_wait3A_44 = tpu.memref_squeeze %dma_wait3A_43 : memref<1x520x16xf32, #tpu.memory_space<hbm>> -> memref<520x16xf32, #tpu.memory_space<hbm>>
        %dma_wait3A_45 = arith.constant 9480 : i32
        %dma_wait3A_46 = arith.constant 0 : i32
        %dma_wait3A_47 = tpu.memref_slice %arg9[%dma_wait3A_45, %dma_wait3A_46] : memref<10000x16xf32, #tpu.memory_space<vmem_shared>> -> memref<520x16xf32, #tpu.memory_space<vmem_shared>>
        tpu.wait_dma2 semaphore(%run_scoped3A : memref<!tpu.dma_semaphore, #tpu.memory_space<semaphore_mem>>) src(%dma_wait3A_47 : memref<520x16xf32, #tpu.memory_space<vmem_shared>>) dst(%dma_wait3A_44 : memref<520x16xf32, #tpu.memory_space<hbm>>)
        tpu.yield
      }) : () -> ()
    } else {
    }
    return
  }
}

#map = affine_map<(d0, d1) -> (0)>
module attributes {stable_mosaic.version = 14 : i64} {
  func.func @_sc_pairs(%arg0: i32, %arg1: i32, %arg2: memref<10000xf32, #tpu.memory_space<hbm>>, %arg3: memref<10000xf32, #tpu.memory_space<hbm>>, %arg4: memref<100352xi32, #tpu.memory_space<hbm>>, %arg5: memref<100352xi32, #tpu.memory_space<hbm>>, %arg6: memref<100352xf32, #tpu.memory_space<hbm>>, %arg7: memref<10000xf32, #tpu.memory_space<vmem>>, %arg8: memref<10000xf32, #tpu.memory_space<vmem>>, %arg9: memref<3136xi32, #tpu.memory_space<vmem>>, %arg10: memref<3136xi32, #tpu.memory_space<vmem>>, %arg11: memref<3136xf32, #tpu.memory_space<vmem>>) attributes {dimension_semantics = [#tpu.dimension_semantics<core_parallel>, #tpu.dimension_semantics<subcore_parallel>], iteration_bounds = array<i64: 2, 16>, scalar_prefetch = 0 : i64, scratch_operands = 5 : i64, tpu.core_type = #tpu.core_type<sc_vector_subcore>, window_params = [{transform_indices = #map}, {transform_indices = #map}, {transform_indices = #map}, {transform_indices = #map}, {transform_indices = #map}]} {
    %mul3A = arith.constant 16 : i32
    %mul3A_0 = arith.muli %arg0, %mul3A : i32
    %add3A = arith.addi %mul3A_0, %arg1 : i32
    %mul3A_1 = arith.constant 3136 : i32
    %mul3A_2 = arith.muli %add3A, %mul3A_1 : i32
    %multiple_of3A = tpu.assume_multiple %mul3A_2, 8 : i32
    "tpu.region"() ({
      %run_scoped3A = tpu.sem_alloc : memref<!tpu.dma_semaphore, #tpu.memory_space<semaphore_mem>>
      tpu.enqueue_dma source(%arg2 : memref<10000xf32, #tpu.memory_space<hbm>>) target(%arg7 : memref<10000xf32, #tpu.memory_space<vmem>>) target_semaphore(%run_scoped3A : memref<!tpu.dma_semaphore, #tpu.memory_space<semaphore_mem>>)
      tpu.wait_dma2 semaphore(%run_scoped3A : memref<!tpu.dma_semaphore, #tpu.memory_space<semaphore_mem>>) src(%arg2 : memref<10000xf32, #tpu.memory_space<hbm>>) dst(%arg7 : memref<10000xf32, #tpu.memory_space<vmem>>)
      tpu.yield
    }) : () -> ()
    "tpu.region"() ({
      %run_scoped3A = tpu.sem_alloc : memref<!tpu.dma_semaphore, #tpu.memory_space<semaphore_mem>>
      tpu.enqueue_dma source(%arg3 : memref<10000xf32, #tpu.memory_space<hbm>>) target(%arg8 : memref<10000xf32, #tpu.memory_space<vmem>>) target_semaphore(%run_scoped3A : memref<!tpu.dma_semaphore, #tpu.memory_space<semaphore_mem>>)
      tpu.wait_dma2 semaphore(%run_scoped3A : memref<!tpu.dma_semaphore, #tpu.memory_space<semaphore_mem>>) src(%arg3 : memref<10000xf32, #tpu.memory_space<hbm>>) dst(%arg8 : memref<10000xf32, #tpu.memory_space<vmem>>)
      tpu.yield
    }) : () -> ()
    "tpu.region"() ({
      %run_scoped3A = tpu.sem_alloc : memref<!tpu.dma_semaphore, #tpu.memory_space<semaphore_mem>>
      %dma_start3A = tpu.memref_slice %arg4[%multiple_of3A] : memref<100352xi32, #tpu.memory_space<hbm>> -> memref<3136xi32, #tpu.memory_space<hbm>>
      %dma_start3A_9 = tpu.memref_slice %arg4[%multiple_of3A] : memref<100352xi32, #tpu.memory_space<hbm>> -> memref<3136xi32, #tpu.memory_space<hbm>>
      tpu.enqueue_dma source(%dma_start3A_9 : memref<3136xi32, #tpu.memory_space<hbm>>) target(%arg9 : memref<3136xi32, #tpu.memory_space<vmem>>) target_semaphore(%run_scoped3A : memref<!tpu.dma_semaphore, #tpu.memory_space<semaphore_mem>>)
      %dma_wait3A = tpu.memref_slice %arg4[%multiple_of3A] : memref<100352xi32, #tpu.memory_space<hbm>> -> memref<3136xi32, #tpu.memory_space<hbm>>
      %dma_wait3A_10 = tpu.memref_slice %arg4[%multiple_of3A] : memref<100352xi32, #tpu.memory_space<hbm>> -> memref<3136xi32, #tpu.memory_space<hbm>>
      tpu.wait_dma2 semaphore(%run_scoped3A : memref<!tpu.dma_semaphore, #tpu.memory_space<semaphore_mem>>) src(%dma_wait3A_10 : memref<3136xi32, #tpu.memory_space<hbm>>) dst(%arg9 : memref<3136xi32, #tpu.memory_space<vmem>>)
      tpu.yield
    }) : () -> ()
    "tpu.region"() ({
      %run_scoped3A = tpu.sem_alloc : memref<!tpu.dma_semaphore, #tpu.memory_space<semaphore_mem>>
      %dma_start3A = tpu.memref_slice %arg5[%multiple_of3A] : memref<100352xi32, #tpu.memory_space<hbm>> -> memref<3136xi32, #tpu.memory_space<hbm>>
      %dma_start3A_9 = tpu.memref_slice %arg5[%multiple_of3A] : memref<100352xi32, #tpu.memory_space<hbm>> -> memref<3136xi32, #tpu.memory_space<hbm>>
      tpu.enqueue_dma source(%dma_start3A_9 : memref<3136xi32, #tpu.memory_space<hbm>>) target(%arg10 : memref<3136xi32, #tpu.memory_space<vmem>>) target_semaphore(%run_scoped3A : memref<!tpu.dma_semaphore, #tpu.memory_space<semaphore_mem>>)
      %dma_wait3A = tpu.memref_slice %arg5[%multiple_of3A] : memref<100352xi32, #tpu.memory_space<hbm>> -> memref<3136xi32, #tpu.memory_space<hbm>>
      %dma_wait3A_10 = tpu.memref_slice %arg5[%multiple_of3A] : memref<100352xi32, #tpu.memory_space<hbm>> -> memref<3136xi32, #tpu.memory_space<hbm>>
      tpu.wait_dma2 semaphore(%run_scoped3A : memref<!tpu.dma_semaphore, #tpu.memory_space<semaphore_mem>>) src(%dma_wait3A_10 : memref<3136xi32, #tpu.memory_space<hbm>>) dst(%arg10 : memref<3136xi32, #tpu.memory_space<vmem>>)
      tpu.yield
    }) : () -> ()
    %scan3A = arith.constant 0 : i32
    %scan3A_3 = arith.constant 0 : i32
    %scan3A_4 = arith.constant 196 : i32
    %scan3A_5 = arith.addi %scan3A_3, %scan3A_4 : i32
    %scan3A_6 = arith.constant 1 : i32
    %scan3A_7 = scf.for %scan3A_9 = %scan3A_3 to %scan3A_5 step %scan3A_6 iter_args(%scan3A_10 = %scan3A) -> (i32)  : i32 {
      %mul3A_11 = arith.constant 16 : i32
      %mul3A_12 = arith.muli %scan3A_9, %mul3A_11 : i32
      %get3A = arith.index_cast %mul3A_12 : i32 to index
      %get3A_13 = tpu.vector_load %arg9[%get3A] {strides = array<i32>} : memref<3136xi32, #tpu.memory_space<vmem>>, vector<16xi32>,
      %gather3A = tpu.vector_load_idx %arg7[%get3A_13] : memref<10000xf32, #tpu.memory_space<vmem>>[vector<16xi32>], vector<16xf32>,
      %get3A_14 = arith.index_cast %mul3A_12 : i32 to index
      %get3A_15 = tpu.vector_load %arg10[%get3A_14] {strides = array<i32>} : memref<3136xi32, #tpu.memory_space<vmem>>, vector<16xi32>,
      %gather3A_16 = tpu.vector_load_idx %arg8[%get3A_15] : memref<10000xf32, #tpu.memory_space<vmem>>[vector<16xi32>], vector<16xf32>,
      %add3A_17 = arith.addf %gather3A, %gather3A_16 : vector<16xf32>
      %neg3A = arith.constant 0.000000e+00 : f32
      %neg3A_18 = vector.broadcast %neg3A : f32 to vector<16xf32>
      %neg3A_19 = arith.subf %neg3A_18, %add3A_17 : vector<16xf32>
      %exp3A = math.exp %neg3A_19 : vector<16xf32>
      %add3A_20 = arith.constant 1.000000e+00 : f32
      %add3A_21 = vector.broadcast %add3A_20 : f32 to vector<16xf32>
      %add3A_22 = arith.addf %add3A_21, %exp3A : vector<16xf32>
      %div3A = arith.constant 1.000000e+00 : f32
      %div3A_23 = vector.broadcast %div3A : f32 to vector<16xf32>
      %div3A_24 = arith.divf %div3A_23, %add3A_22 : vector<16xf32>
      %swap3A = arith.index_cast %mul3A_12 : i32 to index
      %swap3A_25 = tpu.vector_load %arg11[%swap3A] {strides = array<i32>} : memref<3136xf32, #tpu.memory_space<vmem>>, vector<16xf32>,
      tpu.vector_store %arg11[%swap3A], %div3A_24 {strides = array<i32>} : memref<3136xf32, #tpu.memory_space<vmem>>, vector<16xf32>,
      %scan3A_26 = arith.constant 0 : i32
      scf.yield %scan3A_26 : i32
    }
    %scan3A_8 = arith.constant 196 : i32
    "tpu.region"() ({
      %run_scoped3A = tpu.sem_alloc : memref<!tpu.dma_semaphore, #tpu.memory_space<semaphore_mem>>
      %dma_start3A = tpu.memref_slice %arg6[%multiple_of3A] : memref<100352xf32, #tpu.memory_space<hbm>> -> memref<3136xf32, #tpu.memory_space<hbm>>
      %dma_start3A_9 = tpu.memref_slice %arg6[%multiple_of3A] : memref<100352xf32, #tpu.memory_space<hbm>> -> memref<3136xf32, #tpu.memory_space<hbm>>
      tpu.enqueue_dma source(%arg11 : memref<3136xf32, #tpu.memory_space<vmem>>) target(%dma_start3A_9 : memref<3136xf32, #tpu.memory_space<hbm>>) target_semaphore(%run_scoped3A : memref<!tpu.dma_semaphore, #tpu.memory_space<semaphore_mem>>)
      %dma_wait3A = tpu.memref_slice %arg6[%multiple_of3A] : memref<100352xf32, #tpu.memory_space<hbm>> -> memref<3136xf32, #tpu.memory_space<hbm>>
      %dma_wait3A_10 = tpu.memref_slice %arg6[%multiple_of3A] : memref<100352xf32, #tpu.memory_space<hbm>> -> memref<3136xf32, #tpu.memory_space<hbm>>
      tpu.wait_dma2 semaphore(%run_scoped3A : memref<!tpu.dma_semaphore, #tpu.memory_space<semaphore_mem>>) src(%arg11 : memref<3136xf32, #tpu.memory_space<vmem>>) dst(%dma_wait3A_10 : memref<3136xf32, #tpu.memory_space<hbm>>)
      tpu.yield
    }) : () -> ()
    return
  }
}

#map = affine_map<(d0, d1) -> (0, 0, 0)>
#map1 = affine_map<(d0, d1) -> (0, 0)>
module attributes {stable_mosaic.version = 14 : i64} {
  func.func @_sc_scatter(%arg0: i32, %arg1: i32, %arg2: memref<2x10000x64xf32, #tpu.memory_space<hbm>>, %arg3: memref<32x80x125xi32, #tpu.memory_space<hbm>>, %arg4: memref<32x80x125xi32, #tpu.memory_space<hbm>>, %arg5: memref<10000x64xf32, #tpu.memory_space<hbm>>, %arg6: memref<2x10000x64xf32, #tpu.memory_space<hbm>>, %arg7: memref<160x125xi32, #tpu.memory_space<vmem>>, %arg8: memref<160x125xi32, #tpu.memory_space<vmem>>, %arg9: memref<5x125x64xf32, #tpu.memory_space<vmem>>, %arg10: memref<5x!tpu.dma_semaphore, #tpu.memory_space<semaphore_mem>>, %arg11: memref<5x!tpu.dma_semaphore, #tpu.memory_space<semaphore_mem>>, %arg12: memref<10000x64xf32, #tpu.memory_space<vmem_shared>>) attributes {dimension_semantics = [#tpu.dimension_semantics<core_parallel>, #tpu.dimension_semantics<subcore_parallel>], iteration_bounds = array<i64: 2, 16>, scalar_prefetch = 0 : i64, scratch_operands = 6 : i64, tpu.core_type = #tpu.core_type<sc_vector_subcore>, window_params = [{transform_indices = #map}, {transform_indices = #map}, {transform_indices = #map}, {transform_indices = #map1}, {transform_indices = #map}]} {
    %mul3A = arith.constant 2 : i32
    %mul3A_0 = arith.muli %mul3A, %arg1 : i32
    "tpu.region"() ({
      %run_scoped3A = tpu.sem_alloc : memref<!tpu.dma_semaphore, #tpu.memory_space<semaphore_mem>>
      %dma_start3A_187 = arith.constant 0 : i32
      %dma_start3A_188 = arith.constant 0 : i32
      %dma_start3A_189 = tpu.memref_slice %arg7[%dma_start3A_187, %dma_start3A_188] : memref<160x125xi32, #tpu.memory_space<vmem>> -> memref<80x125xi32, #tpu.memory_space<vmem>>
      %dma_start3A_190 = arith.constant 0 : i32
      %dma_start3A_191 = arith.constant 0 : i32
      %dma_start3A_192 = tpu.memref_slice %arg3[%mul3A_0, %dma_start3A_190, %dma_start3A_191] : memref<32x80x125xi32, #tpu.memory_space<hbm>> -> memref<1x80x125xi32, #tpu.memory_space<hbm>>
      %dma_start3A_193 = tpu.memref_squeeze %dma_start3A_192 : memref<1x80x125xi32, #tpu.memory_space<hbm>> -> memref<80x125xi32, #tpu.memory_space<hbm>>
      %dma_start3A_194 = arith.constant 0 : i32
      %dma_start3A_195 = arith.constant 0 : i32
      %dma_start3A_196 = tpu.memref_slice %arg7[%dma_start3A_194, %dma_start3A_195] : memref<160x125xi32, #tpu.memory_space<vmem>> -> memref<80x125xi32, #tpu.memory_space<vmem>>
      %dma_start3A_197 = arith.constant 0 : i32
      %dma_start3A_198 = arith.constant 0 : i32
      %dma_start3A_199 = tpu.memref_slice %arg3[%mul3A_0, %dma_start3A_197, %dma_start3A_198] : memref<32x80x125xi32, #tpu.memory_space<hbm>> -> memref<1x80x125xi32, #tpu.memory_space<hbm>>
      %dma_start3A_200 = tpu.memref_squeeze %dma_start3A_199 : memref<1x80x125xi32, #tpu.memory_space<hbm>> -> memref<80x125xi32, #tpu.memory_space<hbm>>
      tpu.enqueue_dma source(%dma_start3A_200 : memref<80x125xi32, #tpu.memory_space<hbm>>) target(%dma_start3A_196 : memref<80x125xi32, #tpu.memory_space<vmem>>) target_semaphore(%run_scoped3A : memref<!tpu.dma_semaphore, #tpu.memory_space<semaphore_mem>>)
      %dma_wait3A_201 = arith.constant 0 : i32
      %dma_wait3A_202 = arith.constant 0 : i32
      %dma_wait3A_203 = tpu.memref_slice %arg7[%dma_wait3A_201, %dma_wait3A_202] : memref<160x125xi32, #tpu.memory_space<vmem>> -> memref<80x125xi32, #tpu.memory_space<vmem>>
      %dma_wait3A_204 = arith.constant 0 : i32
      %dma_wait3A_205 = arith.constant 0 : i32
      %dma_wait3A_206 = tpu.memref_slice %arg3[%mul3A_0, %dma_wait3A_204, %dma_wait3A_205] : memref<32x80x125xi32, #tpu.memory_space<hbm>> -> memref<1x80x125xi32, #tpu.memory_space<hbm>>
      %dma_wait3A_207 = tpu.memref_squeeze %dma_wait3A_206 : memref<1x80x125xi32, #tpu.memory_space<hbm>> -> memref<80x125xi32, #tpu.memory_space<hbm>>
      %dma_wait3A_208 = arith.constant 0 : i32
      %dma_wait3A_209 = arith.constant 0 : i32
      %dma_wait3A_210 = tpu.memref_slice %arg7[%dma_wait3A_208, %dma_wait3A_209] : memref<160x125xi32, #tpu.memory_space<vmem>> -> memref<80x125xi32, #tpu.memory_space<vmem>>
      %dma_wait3A_211 = arith.constant 0 : i32
      %dma_wait3A_212 = arith.constant 0 : i32
      %dma_wait3A_213 = tpu.memref_slice %arg3[%mul3A_0, %dma_wait3A_211, %dma_wait3A_212] : memref<32x80x125xi32, #tpu.memory_space<hbm>> -> memref<1x80x125xi32, #tpu.memory_space<hbm>>
      %dma_wait3A_214 = tpu.memref_squeeze %dma_wait3A_213 : memref<1x80x125xi32, #tpu.memory_space<hbm>> -> memref<80x125xi32, #tpu.memory_space<hbm>>
      tpu.wait_dma2 semaphore(%run_scoped3A : memref<!tpu.dma_semaphore, #tpu.memory_space<semaphore_mem>>) src(%dma_wait3A_214 : memref<80x125xi32, #tpu.memory_space<hbm>>) dst(%dma_wait3A_210 : memref<80x125xi32, #tpu.memory_space<vmem>>)
      tpu.yield
    }) : () -> ()
    %mul3A_1 = arith.constant 2 : i32
    %mul3A_2 = arith.muli %mul3A_1, %arg1 : i32
    %add3A = arith.constant 1 : i32
    %add3A_3 = arith.addi %mul3A_2, %add3A : i32
    "tpu.region"() ({
      %run_scoped3A = tpu.sem_alloc : memref<!tpu.dma_semaphore, #tpu.memory_space<semaphore_mem>>
      %dma_start3A_187 = arith.constant 80 : i32
      %dma_start3A_188 = arith.constant 0 : i32
      %dma_start3A_189 = tpu.memref_slice %arg7[%dma_start3A_187, %dma_start3A_188] : memref<160x125xi32, #tpu.memory_space<vmem>> -> memref<80x125xi32, #tpu.memory_space<vmem>>
      %dma_start3A_190 = arith.constant 0 : i32
      %dma_start3A_191 = arith.constant 0 : i32
      %dma_start3A_192 = tpu.memref_slice %arg3[%add3A_3, %dma_start3A_190, %dma_start3A_191] : memref<32x80x125xi32, #tpu.memory_space<hbm>> -> memref<1x80x125xi32, #tpu.memory_space<hbm>>
      %dma_start3A_193 = tpu.memref_squeeze %dma_start3A_192 : memref<1x80x125xi32, #tpu.memory_space<hbm>> -> memref<80x125xi32, #tpu.memory_space<hbm>>
      %dma_start3A_194 = arith.constant 80 : i32
      %dma_start3A_195 = arith.constant 0 : i32
      %dma_start3A_196 = tpu.memref_slice %arg7[%dma_start3A_194, %dma_start3A_195] : memref<160x125xi32, #tpu.memory_space<vmem>> -> memref<80x125xi32, #tpu.memory_space<vmem>>
      %dma_start3A_197 = arith.constant 0 : i32
      %dma_start3A_198 = arith.constant 0 : i32
      %dma_start3A_199 = tpu.memref_slice %arg3[%add3A_3, %dma_start3A_197, %dma_start3A_198] : memref<32x80x125xi32, #tpu.memory_space<hbm>> -> memref<1x80x125xi32, #tpu.memory_space<hbm>>
      %dma_start3A_200 = tpu.memref_squeeze %dma_start3A_199 : memref<1x80x125xi32, #tpu.memory_space<hbm>> -> memref<80x125xi32, #tpu.memory_space<hbm>>
      tpu.enqueue_dma source(%dma_start3A_200 : memref<80x125xi32, #tpu.memory_space<hbm>>) target(%dma_start3A_196 : memref<80x125xi32, #tpu.memory_space<vmem>>) target_semaphore(%run_scoped3A : memref<!tpu.dma_semaphore, #tpu.memory_space<semaphore_mem>>)
      %dma_wait3A_201 = arith.constant 80 : i32
      %dma_wait3A_202 = arith.constant 0 : i32
      %dma_wait3A_203 = tpu.memref_slice %arg7[%dma_wait3A_201, %dma_wait3A_202] : memref<160x125xi32, #tpu.memory_space<vmem>> -> memref<80x125xi32, #tpu.memory_space<vmem>>
      %dma_wait3A_204 = arith.constant 0 : i32
      %dma_wait3A_205 = arith.constant 0 : i32
      %dma_wait3A_206 = tpu.memref_slice %arg3[%add3A_3, %dma_wait3A_204, %dma_wait3A_205] : memref<32x80x125xi32, #tpu.memory_space<hbm>> -> memref<1x80x125xi32, #tpu.memory_space<hbm>>
      %dma_wait3A_207 = tpu.memref_squeeze %dma_wait3A_206 : memref<1x80x125xi32, #tpu.memory_space<hbm>> -> memref<80x125xi32, #tpu.memory_space<hbm>>
      %dma_wait3A_208 = arith.constant 80 : i32
      %dma_wait3A_209 = arith.constant 0 : i32
      %dma_wait3A_210 = tpu.memref_slice %arg7[%dma_wait3A_208, %dma_wait3A_209] : memref<160x125xi32, #tpu.memory_space<vmem>> -> memref<80x125xi32, #tpu.memory_space<vmem>>
      %dma_wait3A_211 = arith.constant 0 : i32
      %dma_wait3A_212 = arith.constant 0 : i32
      %dma_wait3A_213 = tpu.memref_slice %arg3[%add3A_3, %dma_wait3A_211, %dma_wait3A_212] : memref<32x80x125xi32, #tpu.memory_space<hbm>> -> memref<1x80x125xi32, #tpu.memory_space<hbm>>
      %dma_wait3A_214 = tpu.memref_squeeze %dma_wait3A_213 : memref<1x80x125xi32, #tpu.memory_space<hbm>> -> memref<80x125xi32, #tpu.memory_space<hbm>>
      tpu.wait_dma2 semaphore(%run_scoped3A : memref<!tpu.dma_semaphore, #tpu.memory_space<semaphore_mem>>) src(%dma_wait3A_214 : memref<80x125xi32, #tpu.memory_space<hbm>>) dst(%dma_wait3A_210 : memref<80x125xi32, #tpu.memory_space<vmem>>)
      tpu.yield
    }) : () -> ()
    %mul3A_4 = arith.constant 2 : i32
    %mul3A_5 = arith.muli %mul3A_4, %arg1 : i32
    "tpu.region"() ({
      %run_scoped3A = tpu.sem_alloc : memref<!tpu.dma_semaphore, #tpu.memory_space<semaphore_mem>>
      %dma_start3A_187 = arith.constant 0 : i32
      %dma_start3A_188 = arith.constant 0 : i32
      %dma_start3A_189 = tpu.memref_slice %arg8[%dma_start3A_187, %dma_start3A_188] : memref<160x125xi32, #tpu.memory_space<vmem>> -> memref<80x125xi32, #tpu.memory_space<vmem>>
      %dma_start3A_190 = arith.constant 0 : i32
      %dma_start3A_191 = arith.constant 0 : i32
      %dma_start3A_192 = tpu.memref_slice %arg4[%mul3A_5, %dma_start3A_190, %dma_start3A_191] : memref<32x80x125xi32, #tpu.memory_space<hbm>> -> memref<1x80x125xi32, #tpu.memory_space<hbm>>
      %dma_start3A_193 = tpu.memref_squeeze %dma_start3A_192 : memref<1x80x125xi32, #tpu.memory_space<hbm>> -> memref<80x125xi32, #tpu.memory_space<hbm>>
      %dma_start3A_194 = arith.constant 0 : i32
      %dma_start3A_195 = arith.constant 0 : i32
      %dma_start3A_196 = tpu.memref_slice %arg8[%dma_start3A_194, %dma_start3A_195] : memref<160x125xi32, #tpu.memory_space<vmem>> -> memref<80x125xi32, #tpu.memory_space<vmem>>
      %dma_start3A_197 = arith.constant 0 : i32
      %dma_start3A_198 = arith.constant 0 : i32
      %dma_start3A_199 = tpu.memref_slice %arg4[%mul3A_5, %dma_start3A_197, %dma_start3A_198] : memref<32x80x125xi32, #tpu.memory_space<hbm>> -> memref<1x80x125xi32, #tpu.memory_space<hbm>>
      %dma_start3A_200 = tpu.memref_squeeze %dma_start3A_199 : memref<1x80x125xi32, #tpu.memory_space<hbm>> -> memref<80x125xi32, #tpu.memory_space<hbm>>
      tpu.enqueue_dma source(%dma_start3A_200 : memref<80x125xi32, #tpu.memory_space<hbm>>) target(%dma_start3A_196 : memref<80x125xi32, #tpu.memory_space<vmem>>) target_semaphore(%run_scoped3A : memref<!tpu.dma_semaphore, #tpu.memory_space<semaphore_mem>>)
      %dma_wait3A_201 = arith.constant 0 : i32
      %dma_wait3A_202 = arith.constant 0 : i32
      %dma_wait3A_203 = tpu.memref_slice %arg8[%dma_wait3A_201, %dma_wait3A_202] : memref<160x125xi32, #tpu.memory_space<vmem>> -> memref<80x125xi32, #tpu.memory_space<vmem>>
      %dma_wait3A_204 = arith.constant 0 : i32
      %dma_wait3A_205 = arith.constant 0 : i32
      %dma_wait3A_206 = tpu.memref_slice %arg4[%mul3A_5, %dma_wait3A_204, %dma_wait3A_205] : memref<32x80x125xi32, #tpu.memory_space<hbm>> -> memref<1x80x125xi32, #tpu.memory_space<hbm>>
      %dma_wait3A_207 = tpu.memref_squeeze %dma_wait3A_206 : memref<1x80x125xi32, #tpu.memory_space<hbm>> -> memref<80x125xi32, #tpu.memory_space<hbm>>
      %dma_wait3A_208 = arith.constant 0 : i32
      %dma_wait3A_209 = arith.constant 0 : i32
      %dma_wait3A_210 = tpu.memref_slice %arg8[%dma_wait3A_208, %dma_wait3A_209] : memref<160x125xi32, #tpu.memory_space<vmem>> -> memref<80x125xi32, #tpu.memory_space<vmem>>
      %dma_wait3A_211 = arith.constant 0 : i32
      %dma_wait3A_212 = arith.constant 0 : i32
      %dma_wait3A_213 = tpu.memref_slice %arg4[%mul3A_5, %dma_wait3A_211, %dma_wait3A_212] : memref<32x80x125xi32, #tpu.memory_space<hbm>> -> memref<1x80x125xi32, #tpu.memory_space<hbm>>
      %dma_wait3A_214 = tpu.memref_squeeze %dma_wait3A_213 : memref<1x80x125xi32, #tpu.memory_space<hbm>> -> memref<80x125xi32, #tpu.memory_space<hbm>>
      tpu.wait_dma2 semaphore(%run_scoped3A : memref<!tpu.dma_semaphore, #tpu.memory_space<semaphore_mem>>) src(%dma_wait3A_214 : memref<80x125xi32, #tpu.memory_space<hbm>>) dst(%dma_wait3A_210 : memref<80x125xi32, #tpu.memory_space<vmem>>)
      tpu.yield
    }) : () -> ()
    %mul3A_6 = arith.constant 2 : i32
    %mul3A_7 = arith.muli %mul3A_6, %arg1 : i32
    %add3A_8 = arith.constant 1 : i32
    %add3A_9 = arith.addi %mul3A_7, %add3A_8 : i32
    "tpu.region"() ({
      %run_scoped3A = tpu.sem_alloc : memref<!tpu.dma_semaphore, #tpu.memory_space<semaphore_mem>>
      %dma_start3A_187 = arith.constant 80 : i32
      %dma_start3A_188 = arith.constant 0 : i32
      %dma_start3A_189 = tpu.memref_slice %arg8[%dma_start3A_187, %dma_start3A_188] : memref<160x125xi32, #tpu.memory_space<vmem>> -> memref<80x125xi32, #tpu.memory_space<vmem>>
      %dma_start3A_190 = arith.constant 0 : i32
      %dma_start3A_191 = arith.constant 0 : i32
      %dma_start3A_192 = tpu.memref_slice %arg4[%add3A_9, %dma_start3A_190, %dma_start3A_191] : memref<32x80x125xi32, #tpu.memory_space<hbm>> -> memref<1x80x125xi32, #tpu.memory_space<hbm>>
      %dma_start3A_193 = tpu.memref_squeeze %dma_start3A_192 : memref<1x80x125xi32, #tpu.memory_space<hbm>> -> memref<80x125xi32, #tpu.memory_space<hbm>>
      %dma_start3A_194 = arith.constant 80 : i32
      %dma_start3A_195 = arith.constant 0 : i32
      %dma_start3A_196 = tpu.memref_slice %arg8[%dma_start3A_194, %dma_start3A_195] : memref<160x125xi32, #tpu.memory_space<vmem>> -> memref<80x125xi32, #tpu.memory_space<vmem>>
      %dma_start3A_197 = arith.constant 0 : i32
      %dma_start3A_198 = arith.constant 0 : i32
      %dma_start3A_199 = tpu.memref_slice %arg4[%add3A_9, %dma_start3A_197, %dma_start3A_198] : memref<32x80x125xi32, #tpu.memory_space<hbm>> -> memref<1x80x125xi32, #tpu.memory_space<hbm>>
      %dma_start3A_200 = tpu.memref_squeeze %dma_start3A_199 : memref<1x80x125xi32, #tpu.memory_space<hbm>> -> memref<80x125xi32, #tpu.memory_space<hbm>>
      tpu.enqueue_dma source(%dma_start3A_200 : memref<80x125xi32, #tpu.memory_space<hbm>>) target(%dma_start3A_196 : memref<80x125xi32, #tpu.memory_space<vmem>>) target_semaphore(%run_scoped3A : memref<!tpu.dma_semaphore, #tpu.memory_space<semaphore_mem>>)
      %dma_wait3A_201 = arith.constant 80 : i32
      %dma_wait3A_202 = arith.constant 0 : i32
      %dma_wait3A_203 = tpu.memref_slice %arg8[%dma_wait3A_201, %dma_wait3A_202] : memref<160x125xi32, #tpu.memory_space<vmem>> -> memref<80x125xi32, #tpu.memory_space<vmem>>
      %dma_wait3A_204 = arith.constant 0 : i32
      %dma_wait3A_205 = arith.constant 0 : i32
      %dma_wait3A_206 = tpu.memref_slice %arg4[%add3A_9, %dma_wait3A_204, %dma_wait3A_205] : memref<32x80x125xi32, #tpu.memory_space<hbm>> -> memref<1x80x125xi32, #tpu.memory_space<hbm>>
      %dma_wait3A_207 = tpu.memref_squeeze %dma_wait3A_206 : memref<1x80x125xi32, #tpu.memory_space<hbm>> -> memref<80x125xi32, #tpu.memory_space<hbm>>
      %dma_wait3A_208 = arith.constant 80 : i32
      %dma_wait3A_209 = arith.constant 0 : i32
      %dma_wait3A_210 = tpu.memref_slice %arg8[%dma_wait3A_208, %dma_wait3A_209] : memref<160x125xi32, #tpu.memory_space<vmem>> -> memref<80x125xi32, #tpu.memory_space<vmem>>
      %dma_wait3A_211 = arith.constant 0 : i32
      %dma_wait3A_212 = arith.constant 0 : i32
      %dma_wait3A_213 = tpu.memref_slice %arg4[%add3A_9, %dma_wait3A_211, %dma_wait3A_212] : memref<32x80x125xi32, #tpu.memory_space<hbm>> -> memref<1x80x125xi32, #tpu.memory_space<hbm>>
      %dma_wait3A_214 = tpu.memref_squeeze %dma_wait3A_213 : memref<1x80x125xi32, #tpu.memory_space<hbm>> -> memref<80x125xi32, #tpu.memory_space<hbm>>
      tpu.wait_dma2 semaphore(%run_scoped3A : memref<!tpu.dma_semaphore, #tpu.memory_space<semaphore_mem>>) src(%dma_wait3A_214 : memref<80x125xi32, #tpu.memory_space<hbm>>) dst(%dma_wait3A_210 : memref<80x125xi32, #tpu.memory_space<vmem>>)
      tpu.yield
    }) : () -> ()
    %mul3A_10 = arith.constant 632 : i32
    %mul3A_11 = arith.muli %arg1, %mul3A_10 : i32
    %multiple_of3A = tpu.assume_multiple %mul3A_11, 8 : i32
    %lt3A = arith.constant 15 : i32
    %lt3A_12 = arith.cmpi slt, %arg1, %lt3A : i32
    %convert_element_type3A = arith.extui %lt3A_12 : i1 to i32
    %cond3A = arith.constant 0 : i32
    %cond3A_13 = arith.cmpi ne, %convert_element_type3A, %cond3A : i32
    scf.if %cond3A_13 {
      "tpu.region"() ({
        %run_scoped3A = tpu.sem_alloc : memref<!tpu.dma_semaphore, #tpu.memory_space<semaphore_mem>>
        %dma_start3A_187 = arith.constant 0 : i32
        %dma_start3A_188 = tpu.memref_slice %arg12[%multiple_of3A, %dma_start3A_187] : memref<10000x64xf32, #tpu.memory_space<vmem_shared>> -> memref<632x64xf32, #tpu.memory_space<vmem_shared>>
        %dma_start3A_189 = arith.constant 0 : i32
        %dma_start3A_190 = tpu.memref_slice %arg5[%multiple_of3A, %dma_start3A_189] : memref<10000x64xf32, #tpu.memory_space<hbm>> -> memref<632x64xf32, #tpu.memory_space<hbm>>
        tpu.enqueue_dma source(%dma_start3A_190 : memref<632x64xf32, #tpu.memory_space<hbm>>) target(%dma_start3A_188 : memref<632x64xf32, #tpu.memory_space<vmem_shared>>) target_semaphore(%run_scoped3A : memref<!tpu.dma_semaphore, #tpu.memory_space<semaphore_mem>>)
        %dma_wait3A_191 = arith.constant 0 : i32
        %dma_wait3A_192 = tpu.memref_slice %arg12[%multiple_of3A, %dma_wait3A_191] : memref<10000x64xf32, #tpu.memory_space<vmem_shared>> -> memref<632x64xf32, #tpu.memory_space<vmem_shared>>
        %dma_wait3A_193 = arith.constant 0 : i32
        %dma_wait3A_194 = tpu.memref_slice %arg5[%multiple_of3A, %dma_wait3A_193] : memref<10000x64xf32, #tpu.memory_space<hbm>> -> memref<632x64xf32, #tpu.memory_space<hbm>>
        tpu.wait_dma2 semaphore(%run_scoped3A : memref<!tpu.dma_semaphore, #tpu.memory_space<semaphore_mem>>) src(%dma_wait3A_194 : memref<632x64xf32, #tpu.memory_space<hbm>>) dst(%dma_wait3A_192 : memref<632x64xf32, #tpu.memory_space<vmem_shared>>)
        tpu.yield
      }) : () -> ()
    } else {
    }
    %eq3A = arith.constant 15 : i32
    %eq3A_14 = arith.cmpi eq, %arg1, %eq3A : i32
    %convert_element_type3A_15 = arith.extui %eq3A_14 : i1 to i32
    %cond3A_16 = arith.constant 0 : i32
    %cond3A_17 = arith.cmpi ne, %convert_element_type3A_15, %cond3A_16 : i32
    scf.if %cond3A_17 {
      "tpu.region"() ({
        %run_scoped3A = tpu.sem_alloc : memref<!tpu.dma_semaphore, #tpu.memory_space<semaphore_mem>>
        %dma_start3A_187 = arith.constant 9480 : i32
        %dma_start3A_188 = arith.constant 0 : i32
        %dma_start3A_189 = tpu.memref_slice %arg12[%dma_start3A_187, %dma_start3A_188] : memref<10000x64xf32, #tpu.memory_space<vmem_shared>> -> memref<520x64xf32, #tpu.memory_space<vmem_shared>>
        %dma_start3A_190 = arith.constant 9480 : i32
        %dma_start3A_191 = arith.constant 0 : i32
        %dma_start3A_192 = tpu.memref_slice %arg5[%dma_start3A_190, %dma_start3A_191] : memref<10000x64xf32, #tpu.memory_space<hbm>> -> memref<520x64xf32, #tpu.memory_space<hbm>>
        tpu.enqueue_dma source(%dma_start3A_192 : memref<520x64xf32, #tpu.memory_space<hbm>>) target(%dma_start3A_189 : memref<520x64xf32, #tpu.memory_space<vmem_shared>>) target_semaphore(%run_scoped3A : memref<!tpu.dma_semaphore, #tpu.memory_space<semaphore_mem>>)
        %dma_wait3A_193 = arith.constant 9480 : i32
        %dma_wait3A_194 = arith.constant 0 : i32
        %dma_wait3A_195 = tpu.memref_slice %arg12[%dma_wait3A_193, %dma_wait3A_194] : memref<10000x64xf32, #tpu.memory_space<vmem_shared>> -> memref<520x64xf32, #tpu.memory_space<vmem_shared>>
        %dma_wait3A_196 = arith.constant 9480 : i32
        %dma_wait3A_197 = arith.constant 0 : i32
        %dma_wait3A_198 = tpu.memref_slice %arg5[%dma_wait3A_196, %dma_wait3A_197] : memref<10000x64xf32, #tpu.memory_space<hbm>> -> memref<520x64xf32, #tpu.memory_space<hbm>>
        tpu.wait_dma2 semaphore(%run_scoped3A : memref<!tpu.dma_semaphore, #tpu.memory_space<semaphore_mem>>) src(%dma_wait3A_198 : memref<520x64xf32, #tpu.memory_space<hbm>>) dst(%dma_wait3A_195 : memref<520x64xf32, #tpu.memory_space<vmem_shared>>)
        tpu.yield
      }) : () -> ()
    } else {
    }
    %barrier3A = arith.constant 0 : index
    tpu.barrier barrier_id(%barrier3A)
    %dma_start3A = arith.constant 0 : i32
    %dma_start3A_18 = arith.constant 0 : i32
    %dma_start3A_19 = arith.constant 0 : i32
    %dma_start3A_20 = arith.constant 0 : i32
    %dma_start3A_21 = arith.constant 0 : i32
    %dma_start3A_22 = tpu.memref_slice %arg9[%dma_start3A_18, %dma_start3A_20, %dma_start3A_21] : memref<5x125x64xf32, #tpu.memory_space<vmem>> -> memref<1x125x64xf32, #tpu.memory_space<vmem>>
    %dma_start3A_23 = tpu.memref_squeeze %dma_start3A_22 : memref<1x125x64xf32, #tpu.memory_space<vmem>> -> memref<125x64xf32, #tpu.memory_space<vmem>>
    %dma_start3A_24 = arith.constant 0 : i32
    %dma_start3A_25 = tpu.memref_slice %arg7[%dma_start3A, %dma_start3A_24] : memref<160x125xi32, #tpu.memory_space<vmem>> -> memref<1x125xi32, #tpu.memory_space<vmem>>
    %dma_start3A_26 = tpu.memref_squeeze %dma_start3A_25 : memref<1x125xi32, #tpu.memory_space<vmem>> -> memref<125xi32, #tpu.memory_space<vmem>>
    %dma_start3A_27 = arith.constant 0 : i32
    %dma_start3A_28 = arith.constant 0 : i32
    %dma_start3A_29 = tpu.memref_slice %arg2[%arg0, %dma_start3A_27, %dma_start3A_28] : memref<2x10000x64xf32, #tpu.memory_space<hbm>> -> memref<1x10000x64xf32, #tpu.memory_space<hbm>>
    %dma_start3A_30 = tpu.memref_squeeze %dma_start3A_29 : memref<1x10000x64xf32, #tpu.memory_space<hbm>> -> memref<10000x64xf32, #tpu.memory_space<hbm>>
    %dma_start3A_31 = arith.constant 0 : i32
    %dma_start3A_32 = arith.constant 0 : i32
    %dma_start3A_33 = tpu.memref_slice %dma_start3A_30[%dma_start3A_31, %dma_start3A_32] : memref<10000x64xf32, #tpu.memory_space<hbm>> -> memref<10000x64xf32, #tpu.memory_space<hbm>>
    %dma_start3A_34 = tpu.memref_slice %arg10[%dma_start3A_19] : memref<5x!tpu.dma_semaphore, #tpu.memory_space<semaphore_mem>> -> memref<1x!tpu.dma_semaphore, #tpu.memory_space<semaphore_mem>>
    %dma_start3A_35 = tpu.memref_squeeze %dma_start3A_34 : memref<1x!tpu.dma_semaphore, #tpu.memory_space<semaphore_mem>> -> memref<!tpu.dma_semaphore, #tpu.memory_space<semaphore_mem>>
    tpu.enqueue_indirect_dma source(%dma_start3A_33 : memref<10000x64xf32, #tpu.memory_space<hbm>>) target(%dma_start3A_23 : memref<125x64xf32, #tpu.memory_space<vmem>>) offsets(%dma_start3A_26 : memref<125xi32, #tpu.memory_space<vmem>>) semaphore(%dma_start3A_35 : memref<!tpu.dma_semaphore, #tpu.memory_space<semaphore_mem>>)
    %dma_start3A_36 = arith.constant 1 : i32
    %dma_start3A_37 = arith.constant 1 : i32
    %dma_start3A_38 = arith.constant 1 : i32
    %dma_start3A_39 = arith.constant 0 : i32
    %dma_start3A_40 = arith.constant 0 : i32
    %dma_start3A_41 = tpu.memref_slice %arg9[%dma_start3A_37, %dma_start3A_39, %dma_start3A_40] : memref<5x125x64xf32, #tpu.memory_space<vmem>> -> memref<1x125x64xf32, #tpu.memory_space<vmem>>
    %dma_start3A_42 = tpu.memref_squeeze %dma_start3A_41 : memref<1x125x64xf32, #tpu.memory_space<vmem>> -> memref<125x64xf32, #tpu.memory_space<vmem>>
    %dma_start3A_43 = arith.constant 0 : i32
    %dma_start3A_44 = tpu.memref_slice %arg7[%dma_start3A_36, %dma_start3A_43] : memref<160x125xi32, #tpu.memory_space<vmem>> -> memref<1x125xi32, #tpu.memory_space<vmem>>
    %dma_start3A_45 = tpu.memref_squeeze %dma_start3A_44 : memref<1x125xi32, #tpu.memory_space<vmem>> -> memref<125xi32, #tpu.memory_space<vmem>>
    %dma_start3A_46 = arith.constant 0 : i32
    %dma_start3A_47 = arith.constant 0 : i32
    %dma_start3A_48 = tpu.memref_slice %arg2[%arg0, %dma_start3A_46, %dma_start3A_47] : memref<2x10000x64xf32, #tpu.memory_space<hbm>> -> memref<1x10000x64xf32, #tpu.memory_space<hbm>>
    %dma_start3A_49 = tpu.memref_squeeze %dma_start3A_48 : memref<1x10000x64xf32, #tpu.memory_space<hbm>> -> memref<10000x64xf32, #tpu.memory_space<hbm>>
    %dma_start3A_50 = arith.constant 0 : i32
    %dma_start3A_51 = arith.constant 0 : i32
    %dma_start3A_52 = tpu.memref_slice %dma_start3A_49[%dma_start3A_50, %dma_start3A_51] : memref<10000x64xf32, #tpu.memory_space<hbm>> -> memref<10000x64xf32, #tpu.memory_space<hbm>>
    %dma_start3A_53 = tpu.memref_slice %arg10[%dma_start3A_38] : memref<5x!tpu.dma_semaphore, #tpu.memory_space<semaphore_mem>> -> memref<1x!tpu.dma_semaphore, #tpu.memory_space<semaphore_mem>>
    %dma_start3A_54 = tpu.memref_squeeze %dma_start3A_53 : memref<1x!tpu.dma_semaphore, #tpu.memory_space<semaphore_mem>> -> memref<!tpu.dma_semaphore, #tpu.memory_space<semaphore_mem>>
    tpu.enqueue_indirect_dma source(%dma_start3A_52 : memref<10000x64xf32, #tpu.memory_space<hbm>>) target(%dma_start3A_42 : memref<125x64xf32, #tpu.memory_space<vmem>>) offsets(%dma_start3A_45 : memref<125xi32, #tpu.memory_space<vmem>>) semaphore(%dma_start3A_54 : memref<!tpu.dma_semaphore, #tpu.memory_space<semaphore_mem>>)
    %dma_start3A_55 = arith.constant 2 : i32
    %dma_start3A_56 = arith.constant 2 : i32
    %dma_start3A_57 = arith.constant 2 : i32
    %dma_start3A_58 = arith.constant 0 : i32
    %dma_start3A_59 = arith.constant 0 : i32
    %dma_start3A_60 = tpu.memref_slice %arg9[%dma_start3A_56, %dma_start3A_58, %dma_start3A_59] : memref<5x125x64xf32, #tpu.memory_space<vmem>> -> memref<1x125x64xf32, #tpu.memory_space<vmem>>
    %dma_start3A_61 = tpu.memref_squeeze %dma_start3A_60 : memref<1x125x64xf32, #tpu.memory_space<vmem>> -> memref<125x64xf32, #tpu.memory_space<vmem>>
    %dma_start3A_62 = arith.constant 0 : i32
    %dma_start3A_63 = tpu.memref_slice %arg7[%dma_start3A_55, %dma_start3A_62] : memref<160x125xi32, #tpu.memory_space<vmem>> -> memref<1x125xi32, #tpu.memory_space<vmem>>
    %dma_start3A_64 = tpu.memref_squeeze %dma_start3A_63 : memref<1x125xi32, #tpu.memory_space<vmem>> -> memref<125xi32, #tpu.memory_space<vmem>>
    %dma_start3A_65 = arith.constant 0 : i32
    %dma_start3A_66 = arith.constant 0 : i32
    %dma_start3A_67 = tpu.memref_slice %arg2[%arg0, %dma_start3A_65, %dma_start3A_66] : memref<2x10000x64xf32, #tpu.memory_space<hbm>> -> memref<1x10000x64xf32, #tpu.memory_space<hbm>>
    %dma_start3A_68 = tpu.memref_squeeze %dma_start3A_67 : memref<1x10000x64xf32, #tpu.memory_space<hbm>> -> memref<10000x64xf32, #tpu.memory_space<hbm>>
    %dma_start3A_69 = arith.constant 0 : i32
    %dma_start3A_70 = arith.constant 0 : i32
    %dma_start3A_71 = tpu.memref_slice %dma_start3A_68[%dma_start3A_69, %dma_start3A_70] : memref<10000x64xf32, #tpu.memory_space<hbm>> -> memref<10000x64xf32, #tpu.memory_space<hbm>>
    %dma_start3A_72 = tpu.memref_slice %arg10[%dma_start3A_57] : memref<5x!tpu.dma_semaphore, #tpu.memory_space<semaphore_mem>> -> memref<1x!tpu.dma_semaphore, #tpu.memory_space<semaphore_mem>>
    %dma_start3A_73 = tpu.memref_squeeze %dma_start3A_72 : memref<1x!tpu.dma_semaphore, #tpu.memory_space<semaphore_mem>> -> memref<!tpu.dma_semaphore, #tpu.memory_space<semaphore_mem>>
    tpu.enqueue_indirect_dma source(%dma_start3A_71 : memref<10000x64xf32, #tpu.memory_space<hbm>>) target(%dma_start3A_61 : memref<125x64xf32, #tpu.memory_space<vmem>>) offsets(%dma_start3A_64 : memref<125xi32, #tpu.memory_space<vmem>>) semaphore(%dma_start3A_73 : memref<!tpu.dma_semaphore, #tpu.memory_space<semaphore_mem>>)
    %dma_start3A_74 = arith.constant 3 : i32
    %dma_start3A_75 = arith.constant 3 : i32
    %dma_start3A_76 = arith.constant 3 : i32
    %dma_start3A_77 = arith.constant 0 : i32
    %dma_start3A_78 = arith.constant 0 : i32
    %dma_start3A_79 = tpu.memref_slice %arg9[%dma_start3A_75, %dma_start3A_77, %dma_start3A_78] : memref<5x125x64xf32, #tpu.memory_space<vmem>> -> memref<1x125x64xf32, #tpu.memory_space<vmem>>
    %dma_start3A_80 = tpu.memref_squeeze %dma_start3A_79 : memref<1x125x64xf32, #tpu.memory_space<vmem>> -> memref<125x64xf32, #tpu.memory_space<vmem>>
    %dma_start3A_81 = arith.constant 0 : i32
    %dma_start3A_82 = tpu.memref_slice %arg7[%dma_start3A_74, %dma_start3A_81] : memref<160x125xi32, #tpu.memory_space<vmem>> -> memref<1x125xi32, #tpu.memory_space<vmem>>
    %dma_start3A_83 = tpu.memref_squeeze %dma_start3A_82 : memref<1x125xi32, #tpu.memory_space<vmem>> -> memref<125xi32, #tpu.memory_space<vmem>>
    %dma_start3A_84 = arith.constant 0 : i32
    %dma_start3A_85 = arith.constant 0 : i32
    %dma_start3A_86 = tpu.memref_slice %arg2[%arg0, %dma_start3A_84, %dma_start3A_85] : memref<2x10000x64xf32, #tpu.memory_space<hbm>> -> memref<1x10000x64xf32, #tpu.memory_space<hbm>>
    %dma_start3A_87 = tpu.memref_squeeze %dma_start3A_86 : memref<1x10000x64xf32, #tpu.memory_space<hbm>> -> memref<10000x64xf32, #tpu.memory_space<hbm>>
    %dma_start3A_88 = arith.constant 0 : i32
    %dma_start3A_89 = arith.constant 0 : i32
    %dma_start3A_90 = tpu.memref_slice %dma_start3A_87[%dma_start3A_88, %dma_start3A_89] : memref<10000x64xf32, #tpu.memory_space<hbm>> -> memref<10000x64xf32, #tpu.memory_space<hbm>>
    %dma_start3A_91 = tpu.memref_slice %arg10[%dma_start3A_76] : memref<5x!tpu.dma_semaphore, #tpu.memory_space<semaphore_mem>> -> memref<1x!tpu.dma_semaphore, #tpu.memory_space<semaphore_mem>>
    %dma_start3A_92 = tpu.memref_squeeze %dma_start3A_91 : memref<1x!tpu.dma_semaphore, #tpu.memory_space<semaphore_mem>> -> memref<!tpu.dma_semaphore, #tpu.memory_space<semaphore_mem>>
    tpu.enqueue_indirect_dma source(%dma_start3A_90 : memref<10000x64xf32, #tpu.memory_space<hbm>>) target(%dma_start3A_80 : memref<125x64xf32, #tpu.memory_space<vmem>>) offsets(%dma_start3A_83 : memref<125xi32, #tpu.memory_space<vmem>>) semaphore(%dma_start3A_92 : memref<!tpu.dma_semaphore, #tpu.memory_space<semaphore_mem>>)
    %scan3A = arith.constant 0 : i32
    %scan3A_93 = arith.constant 0 : i32
    %scan3A_94 = arith.constant 32 : i32
    %scan3A_95 = arith.addi %scan3A_93, %scan3A_94 : i32
    %scan3A_96 = arith.constant 1 : i32
    %scan3A_97 = scf.for %scan3A_187 = %scan3A_93 to %scan3A_95 step %scan3A_96 iter_args(%scan3A_188 = %scan3A) -> (i32)  : i32 {
      %mul3A_189 = arith.constant 5 : i32
      %mul3A_190 = arith.muli %scan3A_187, %mul3A_189 : i32
      %add3A_191 = arith.constant 0 : i32
      %add3A_192 = arith.addi %mul3A_190, %add3A_191 : i32
      %dma_wait3A_193 = arith.constant 0 : i32
      %dma_wait3A_194 = arith.constant 0 : i32
      %dma_wait3A_195 = arith.constant 0 : i32
      %dma_wait3A_196 = arith.constant 0 : i32
      %dma_wait3A_197 = tpu.memref_slice %arg9[%dma_wait3A_193, %dma_wait3A_195, %dma_wait3A_196] : memref<5x125x64xf32, #tpu.memory_space<vmem>> -> memref<1x125x64xf32, #tpu.memory_space<vmem>>
      %dma_wait3A_198 = tpu.memref_squeeze %dma_wait3A_197 : memref<1x125x64xf32, #tpu.memory_space<vmem>> -> memref<125x64xf32, #tpu.memory_space<vmem>>
      %dma_wait3A_199 = arith.constant 0 : i32
      %dma_wait3A_200 = tpu.memref_slice %arg7[%add3A_192, %dma_wait3A_199] : memref<160x125xi32, #tpu.memory_space<vmem>> -> memref<1x125xi32, #tpu.memory_space<vmem>>
      %dma_wait3A_201 = tpu.memref_squeeze %dma_wait3A_200 : memref<1x125xi32, #tpu.memory_space<vmem>> -> memref<125xi32, #tpu.memory_space<vmem>>
      %dma_wait3A_202 = arith.constant 0 : i32
      %dma_wait3A_203 = arith.constant 0 : i32
      %dma_wait3A_204 = tpu.memref_slice %arg2[%arg0, %dma_wait3A_202, %dma_wait3A_203] : memref<2x10000x64xf32, #tpu.memory_space<hbm>> -> memref<1x10000x64xf32, #tpu.memory_space<hbm>>
      %dma_wait3A_205 = tpu.memref_squeeze %dma_wait3A_204 : memref<1x10000x64xf32, #tpu.memory_space<hbm>> -> memref<10000x64xf32, #tpu.memory_space<hbm>>
      %dma_wait3A_206 = arith.constant 0 : i32
      %dma_wait3A_207 = arith.constant 0 : i32
      %dma_wait3A_208 = tpu.memref_slice %dma_wait3A_205[%dma_wait3A_206, %dma_wait3A_207] : memref<10000x64xf32, #tpu.memory_space<hbm>> -> memref<10000x64xf32, #tpu.memory_space<hbm>>
      %dma_wait3A_209 = tpu.memref_slice %arg10[%dma_wait3A_194] : memref<5x!tpu.dma_semaphore, #tpu.memory_space<semaphore_mem>> -> memref<1x!tpu.dma_semaphore, #tpu.memory_space<semaphore_mem>>
      %dma_wait3A_210 = tpu.memref_squeeze %dma_wait3A_209 : memref<1x!tpu.dma_semaphore, #tpu.memory_space<semaphore_mem>> -> memref<!tpu.dma_semaphore, #tpu.memory_space<semaphore_mem>>
      tpu.wait_indirect_dma semaphore(%dma_wait3A_210 : memref<!tpu.dma_semaphore, #tpu.memory_space<semaphore_mem>>) src(%dma_wait3A_208 : memref<10000x64xf32, #tpu.memory_space<hbm>>) dst(%dma_wait3A_198 : memref<125x64xf32, #tpu.memory_space<vmem>>)
      %dma_start3A_211 = arith.constant 0 : i32
      %dma_start3A_212 = arith.constant 0 : i32
      %dma_start3A_213 = arith.constant 0 : i32
      %dma_start3A_214 = arith.constant 0 : i32
      %dma_start3A_215 = tpu.memref_slice %arg9[%dma_start3A_211, %dma_start3A_213, %dma_start3A_214] : memref<5x125x64xf32, #tpu.memory_space<vmem>> -> memref<1x125x64xf32, #tpu.memory_space<vmem>>
      %dma_start3A_216 = tpu.memref_squeeze %dma_start3A_215 : memref<1x125x64xf32, #tpu.memory_space<vmem>> -> memref<125x64xf32, #tpu.memory_space<vmem>>
      %dma_start3A_217 = arith.constant 0 : i32
      %dma_start3A_218 = tpu.memref_slice %arg8[%add3A_192, %dma_start3A_217] : memref<160x125xi32, #tpu.memory_space<vmem>> -> memref<1x125xi32, #tpu.memory_space<vmem>>
      %dma_start3A_219 = tpu.memref_squeeze %dma_start3A_218 : memref<1x125xi32, #tpu.memory_space<vmem>> -> memref<125xi32, #tpu.memory_space<vmem>>
      %dma_start3A_220 = arith.constant 0 : i32
      %dma_start3A_221 = arith.constant 0 : i32
      %dma_start3A_222 = tpu.memref_slice %arg12[%dma_start3A_220, %dma_start3A_221] : memref<10000x64xf32, #tpu.memory_space<vmem_shared>> -> memref<10000x64xf32, #tpu.memory_space<vmem_shared>>
      %dma_start3A_223 = tpu.memref_slice %arg11[%dma_start3A_212] : memref<5x!tpu.dma_semaphore, #tpu.memory_space<semaphore_mem>> -> memref<1x!tpu.dma_semaphore, #tpu.memory_space<semaphore_mem>>
      %dma_start3A_224 = tpu.memref_squeeze %dma_start3A_223 : memref<1x!tpu.dma_semaphore, #tpu.memory_space<semaphore_mem>> -> memref<!tpu.dma_semaphore, #tpu.memory_space<semaphore_mem>>
      tpu.enqueue_indirect_dma source(%dma_start3A_216 : memref<125x64xf32, #tpu.memory_space<vmem>>) target(%dma_start3A_222 : memref<10000x64xf32, #tpu.memory_space<vmem_shared>>) offsets(%dma_start3A_219 : memref<125xi32, #tpu.memory_space<vmem>>) semaphore(%dma_start3A_224 : memref<!tpu.dma_semaphore, #tpu.memory_space<semaphore_mem>>) {add = true}
      %gt3A = arith.constant 0 : i32
      %gt3A_225 = arith.cmpi sgt, %scan3A_187, %gt3A : i32
      %convert_element_type3A_226 = arith.extui %gt3A_225 : i1 to i32
      %cond3A_227 = arith.constant 0 : i32
      %cond3A_228 = arith.cmpi ne, %convert_element_type3A_226, %cond3A_227 : i32
      scf.if %cond3A_228 {
        %dma_wait3A_414 = arith.constant 4 : i32
        %dma_wait3A_415 = arith.constant 4 : i32
        %dma_wait3A_416 = arith.constant 0 : i32
        %dma_wait3A_417 = arith.constant 0 : i32
        %dma_wait3A_418 = tpu.memref_slice %arg9[%dma_wait3A_414, %dma_wait3A_416, %dma_wait3A_417] : memref<5x125x64xf32, #tpu.memory_space<vmem>> -> memref<1x125x64xf32, #tpu.memory_space<vmem>>
        %dma_wait3A_419 = tpu.memref_squeeze %dma_wait3A_418 : memref<1x125x64xf32, #tpu.memory_space<vmem>> -> memref<125x64xf32, #tpu.memory_space<vmem>>
        %dma_wait3A_420 = arith.constant 0 : i32
        %dma_wait3A_421 = tpu.memref_slice %arg8[%add3A_192, %dma_wait3A_420] : memref<160x125xi32, #tpu.memory_space<vmem>> -> memref<1x125xi32, #tpu.memory_space<vmem>>
        %dma_wait3A_422 = tpu.memref_squeeze %dma_wait3A_421 : memref<1x125xi32, #tpu.memory_space<vmem>> -> memref<125xi32, #tpu.memory_space<vmem>>
        %dma_wait3A_423 = arith.constant 0 : i32
        %dma_wait3A_424 = arith.constant 0 : i32
        %dma_wait3A_425 = tpu.memref_slice %arg12[%dma_wait3A_423, %dma_wait3A_424] : memref<10000x64xf32, #tpu.memory_space<vmem_shared>> -> memref<10000x64xf32, #tpu.memory_space<vmem_shared>>
        %dma_wait3A_426 = tpu.memref_slice %arg11[%dma_wait3A_415] : memref<5x!tpu.dma_semaphore, #tpu.memory_space<semaphore_mem>> -> memref<1x!tpu.dma_semaphore, #tpu.memory_space<semaphore_mem>>
        %dma_wait3A_427 = tpu.memref_squeeze %dma_wait3A_426 : memref<1x!tpu.dma_semaphore, #tpu.memory_space<semaphore_mem>> -> memref<!tpu.dma_semaphore, #tpu.memory_space<semaphore_mem>>
        tpu.wait_indirect_dma semaphore(%dma_wait3A_427 : memref<!tpu.dma_semaphore, #tpu.memory_space<semaphore_mem>>) src(%dma_wait3A_419 : memref<125x64xf32, #tpu.memory_space<vmem>>) dst(%dma_wait3A_425 : memref<10000x64xf32, #tpu.memory_space<vmem_shared>>)
      } else {
      }
      %add3A_229 = arith.constant 4 : i32
      %add3A_230 = arith.addi %add3A_192, %add3A_229 : i32
      %dma_start3A_231 = arith.constant 4 : i32
      %dma_start3A_232 = arith.constant 4 : i32
      %dma_start3A_233 = arith.constant 0 : i32
      %dma_start3A_234 = arith.constant 0 : i32
      %dma_start3A_235 = tpu.memref_slice %arg9[%dma_start3A_231, %dma_start3A_233, %dma_start3A_234] : memref<5x125x64xf32, #tpu.memory_space<vmem>> -> memref<1x125x64xf32, #tpu.memory_space<vmem>>
      %dma_start3A_236 = tpu.memref_squeeze %dma_start3A_235 : memref<1x125x64xf32, #tpu.memory_space<vmem>> -> memref<125x64xf32, #tpu.memory_space<vmem>>
      %dma_start3A_237 = arith.constant 0 : i32
      %dma_start3A_238 = tpu.memref_slice %arg7[%add3A_230, %dma_start3A_237] : memref<160x125xi32, #tpu.memory_space<vmem>> -> memref<1x125xi32, #tpu.memory_space<vmem>>
      %dma_start3A_239 = tpu.memref_squeeze %dma_start3A_238 : memref<1x125xi32, #tpu.memory_space<vmem>> -> memref<125xi32, #tpu.memory_space<vmem>>
      %dma_start3A_240 = arith.constant 0 : i32
      %dma_start3A_241 = arith.constant 0 : i32
      %dma_start3A_242 = tpu.memref_slice %arg2[%arg0, %dma_start3A_240, %dma_start3A_241] : memref<2x10000x64xf32, #tpu.memory_space<hbm>> -> memref<1x10000x64xf32, #tpu.memory_space<hbm>>
      %dma_start3A_243 = tpu.memref_squeeze %dma_start3A_242 : memref<1x10000x64xf32, #tpu.memory_space<hbm>> -> memref<10000x64xf32, #tpu.memory_space<hbm>>
      %dma_start3A_244 = arith.constant 0 : i32
      %dma_start3A_245 = arith.constant 0 : i32
      %dma_start3A_246 = tpu.memref_slice %dma_start3A_243[%dma_start3A_244, %dma_start3A_245] : memref<10000x64xf32, #tpu.memory_space<hbm>> -> memref<10000x64xf32, #tpu.memory_space<hbm>>
      %dma_start3A_247 = tpu.memref_slice %arg10[%dma_start3A_232] : memref<5x!tpu.dma_semaphore, #tpu.memory_space<semaphore_mem>> -> memref<1x!tpu.dma_semaphore, #tpu.memory_space<semaphore_mem>>
      %dma_start3A_248 = tpu.memref_squeeze %dma_start3A_247 : memref<1x!tpu.dma_semaphore, #tpu.memory_space<semaphore_mem>> -> memref<!tpu.dma_semaphore, #tpu.memory_space<semaphore_mem>>
      tpu.enqueue_indirect_dma source(%dma_start3A_246 : memref<10000x64xf32, #tpu.memory_space<hbm>>) target(%dma_start3A_236 : memref<125x64xf32, #tpu.memory_space<vmem>>) offsets(%dma_start3A_239 : memref<125xi32, #tpu.memory_space<vmem>>) semaphore(%dma_start3A_248 : memref<!tpu.dma_semaphore, #tpu.memory_space<semaphore_mem>>)
      %mul3A_249 = arith.constant 5 : i32
      %mul3A_250 = arith.muli %scan3A_187, %mul3A_249 : i32
      %add3A_251 = arith.constant 1 : i32
      %add3A_252 = arith.addi %mul3A_250, %add3A_251 : i32
      %dma_wait3A_253 = arith.constant 1 : i32
      %dma_wait3A_254 = arith.constant 1 : i32
      %dma_wait3A_255 = arith.constant 0 : i32
      %dma_wait3A_256 = arith.constant 0 : i32
      %dma_wait3A_257 = tpu.memref_slice %arg9[%dma_wait3A_253, %dma_wait3A_255, %dma_wait3A_256] : memref<5x125x64xf32, #tpu.memory_space<vmem>> -> memref<1x125x64xf32, #tpu.memory_space<vmem>>
      %dma_wait3A_258 = tpu.memref_squeeze %dma_wait3A_257 : memref<1x125x64xf32, #tpu.memory_space<vmem>> -> memref<125x64xf32, #tpu.memory_space<vmem>>
      %dma_wait3A_259 = arith.constant 0 : i32
      %dma_wait3A_260 = tpu.memref_slice %arg7[%add3A_252, %dma_wait3A_259] : memref<160x125xi32, #tpu.memory_space<vmem>> -> memref<1x125xi32, #tpu.memory_space<vmem>>
      %dma_wait3A_261 = tpu.memref_squeeze %dma_wait3A_260 : memref<1x125xi32, #tpu.memory_space<vmem>> -> memref<125xi32, #tpu.memory_space<vmem>>
      %dma_wait3A_262 = arith.constant 0 : i32
      %dma_wait3A_263 = arith.constant 0 : i32
      %dma_wait3A_264 = tpu.memref_slice %arg2[%arg0, %dma_wait3A_262, %dma_wait3A_263] : memref<2x10000x64xf32, #tpu.memory_space<hbm>> -> memref<1x10000x64xf32, #tpu.memory_space<hbm>>
      %dma_wait3A_265 = tpu.memref_squeeze %dma_wait3A_264 : memref<1x10000x64xf32, #tpu.memory_space<hbm>> -> memref<10000x64xf32, #tpu.memory_space<hbm>>
      %dma_wait3A_266 = arith.constant 0 : i32
      %dma_wait3A_267 = arith.constant 0 : i32
      %dma_wait3A_268 = tpu.memref_slice %dma_wait3A_265[%dma_wait3A_266, %dma_wait3A_267] : memref<10000x64xf32, #tpu.memory_space<hbm>> -> memref<10000x64xf32, #tpu.memory_space<hbm>>
      %dma_wait3A_269 = tpu.memref_slice %arg10[%dma_wait3A_254] : memref<5x!tpu.dma_semaphore, #tpu.memory_space<semaphore_mem>> -> memref<1x!tpu.dma_semaphore, #tpu.memory_space<semaphore_mem>>
      %dma_wait3A_270 = tpu.memref_squeeze %dma_wait3A_269 : memref<1x!tpu.dma_semaphore, #tpu.memory_space<semaphore_mem>> -> memref<!tpu.dma_semaphore, #tpu.memory_space<semaphore_mem>>
      tpu.wait_indirect_dma semaphore(%dma_wait3A_270 : memref<!tpu.dma_semaphore, #tpu.memory_space<semaphore_mem>>) src(%dma_wait3A_268 : memref<10000x64xf32, #tpu.memory_space<hbm>>) dst(%dma_wait3A_258 : memref<125x64xf32, #tpu.memory_space<vmem>>)
      %dma_start3A_271 = arith.constant 1 : i32
      %dma_start3A_272 = arith.constant 1 : i32
      %dma_start3A_273 = arith.constant 0 : i32
      %dma_start3A_274 = arith.constant 0 : i32
      %dma_start3A_275 = tpu.memref_slice %arg9[%dma_start3A_271, %dma_start3A_273, %dma_start3A_274] : memref<5x125x64xf32, #tpu.memory_space<vmem>> -> memref<1x125x64xf32, #tpu.memory_space<vmem>>
      %dma_start3A_276 = tpu.memref_squeeze %dma_start3A_275 : memref<1x125x64xf32, #tpu.memory_space<vmem>> -> memref<125x64xf32, #tpu.memory_space<vmem>>
      %dma_start3A_277 = arith.constant 0 : i32
      %dma_start3A_278 = tpu.memref_slice %arg8[%add3A_252, %dma_start3A_277] : memref<160x125xi32, #tpu.memory_space<vmem>> -> memref<1x125xi32, #tpu.memory_space<vmem>>
      %dma_start3A_279 = tpu.memref_squeeze %dma_start3A_278 : memref<1x125xi32, #tpu.memory_space<vmem>> -> memref<125xi32, #tpu.memory_space<vmem>>
      %dma_start3A_280 = arith.constant 0 : i32
      %dma_start3A_281 = arith.constant 0 : i32
      %dma_start3A_282 = tpu.memref_slice %arg12[%dma_start3A_280, %dma_start3A_281] : memref<10000x64xf32, #tpu.memory_space<vmem_shared>> -> memref<10000x64xf32, #tpu.memory_space<vmem_shared>>
      %dma_start3A_283 = tpu.memref_slice %arg11[%dma_start3A_272] : memref<5x!tpu.dma_semaphore, #tpu.memory_space<semaphore_mem>> -> memref<1x!tpu.dma_semaphore, #tpu.memory_space<semaphore_mem>>
      %dma_start3A_284 = tpu.memref_squeeze %dma_start3A_283 : memref<1x!tpu.dma_semaphore, #tpu.memory_space<semaphore_mem>> -> memref<!tpu.dma_semaphore, #tpu.memory_space<semaphore_mem>>
      tpu.enqueue_indirect_dma source(%dma_start3A_276 : memref<125x64xf32, #tpu.memory_space<vmem>>) target(%dma_start3A_282 : memref<10000x64xf32, #tpu.memory_space<vmem_shared>>) offsets(%dma_start3A_279 : memref<125xi32, #tpu.memory_space<vmem>>) semaphore(%dma_start3A_284 : memref<!tpu.dma_semaphore, #tpu.memory_space<semaphore_mem>>) {add = true}
      %lt3A_285 = arith.constant 31 : i32
      %lt3A_286 = arith.cmpi slt, %scan3A_187, %lt3A_285 : i32
      %convert_element_type3A_287 = arith.extui %lt3A_286 : i1 to i32
      %cond3A_288 = arith.constant 0 : i32
      %cond3A_289 = arith.cmpi ne, %convert_element_type3A_287, %cond3A_288 : i32
      scf.if %cond3A_289 {
        %dma_wait3A_414 = arith.constant 0 : i32
        %dma_wait3A_415 = arith.constant 0 : i32
        %dma_wait3A_416 = arith.constant 0 : i32
        %dma_wait3A_417 = arith.constant 0 : i32
        %dma_wait3A_418 = tpu.memref_slice %arg9[%dma_wait3A_414, %dma_wait3A_416, %dma_wait3A_417] : memref<5x125x64xf32, #tpu.memory_space<vmem>> -> memref<1x125x64xf32, #tpu.memory_space<vmem>>
        %dma_wait3A_419 = tpu.memref_squeeze %dma_wait3A_418 : memref<1x125x64xf32, #tpu.memory_space<vmem>> -> memref<125x64xf32, #tpu.memory_space<vmem>>
        %dma_wait3A_420 = arith.constant 0 : i32
        %dma_wait3A_421 = tpu.memref_slice %arg8[%add3A_252, %dma_wait3A_420] : memref<160x125xi32, #tpu.memory_space<vmem>> -> memref<1x125xi32, #tpu.memory_space<vmem>>
        %dma_wait3A_422 = tpu.memref_squeeze %dma_wait3A_421 : memref<1x125xi32, #tpu.memory_space<vmem>> -> memref<125xi32, #tpu.memory_space<vmem>>
        %dma_wait3A_423 = arith.constant 0 : i32
        %dma_wait3A_424 = arith.constant 0 : i32
        %dma_wait3A_425 = tpu.memref_slice %arg12[%dma_wait3A_423, %dma_wait3A_424] : memref<10000x64xf32, #tpu.memory_space<vmem_shared>> -> memref<10000x64xf32, #tpu.memory_space<vmem_shared>>
        %dma_wait3A_426 = tpu.memref_slice %arg11[%dma_wait3A_415] : memref<5x!tpu.dma_semaphore, #tpu.memory_space<semaphore_mem>> -> memref<1x!tpu.dma_semaphore, #tpu.memory_space<semaphore_mem>>
        %dma_wait3A_427 = tpu.memref_squeeze %dma_wait3A_426 : memref<1x!tpu.dma_semaphore, #tpu.memory_space<semaphore_mem>> -> memref<!tpu.dma_semaphore, #tpu.memory_space<semaphore_mem>>
        tpu.wait_indirect_dma semaphore(%dma_wait3A_427 : memref<!tpu.dma_semaphore, #tpu.memory_space<semaphore_mem>>) src(%dma_wait3A_419 : memref<125x64xf32, #tpu.memory_space<vmem>>) dst(%dma_wait3A_425 : memref<10000x64xf32, #tpu.memory_space<vmem_shared>>)
        %add3A_428 = arith.constant 4 : i32
        %add3A_429 = arith.addi %add3A_252, %add3A_428 : i32
        %dma_start3A_430 = arith.constant 0 : i32
        %dma_start3A_431 = arith.constant 0 : i32
        %dma_start3A_432 = arith.constant 0 : i32
        %dma_start3A_433 = arith.constant 0 : i32
        %dma_start3A_434 = tpu.memref_slice %arg9[%dma_start3A_430, %dma_start3A_432, %dma_start3A_433] : memref<5x125x64xf32, #tpu.memory_space<vmem>> -> memref<1x125x64xf32, #tpu.memory_space<vmem>>
        %dma_start3A_435 = tpu.memref_squeeze %dma_start3A_434 : memref<1x125x64xf32, #tpu.memory_space<vmem>> -> memref<125x64xf32, #tpu.memory_space<vmem>>
        %dma_start3A_436 = arith.constant 0 : i32
        %dma_start3A_437 = tpu.memref_slice %arg7[%add3A_429, %dma_start3A_436] : memref<160x125xi32, #tpu.memory_space<vmem>> -> memref<1x125xi32, #tpu.memory_space<vmem>>
        %dma_start3A_438 = tpu.memref_squeeze %dma_start3A_437 : memref<1x125xi32, #tpu.memory_space<vmem>> -> memref<125xi32, #tpu.memory_space<vmem>>
        %dma_start3A_439 = arith.constant 0 : i32
        %dma_start3A_440 = arith.constant 0 : i32
        %dma_start3A_441 = tpu.memref_slice %arg2[%arg0, %dma_start3A_439, %dma_start3A_440] : memref<2x10000x64xf32, #tpu.memory_space<hbm>> -> memref<1x10000x64xf32, #tpu.memory_space<hbm>>
        %dma_start3A_442 = tpu.memref_squeeze %dma_start3A_441 : memref<1x10000x64xf32, #tpu.memory_space<hbm>> -> memref<10000x64xf32, #tpu.memory_space<hbm>>
        %dma_start3A_443 = arith.constant 0 : i32
        %dma_start3A_444 = arith.constant 0 : i32
        %dma_start3A_445 = tpu.memref_slice %dma_start3A_442[%dma_start3A_443, %dma_start3A_444] : memref<10000x64xf32, #tpu.memory_space<hbm>> -> memref<10000x64xf32, #tpu.memory_space<hbm>>
        %dma_start3A_446 = tpu.memref_slice %arg10[%dma_start3A_431] : memref<5x!tpu.dma_semaphore, #tpu.memory_space<semaphore_mem>> -> memref<1x!tpu.dma_semaphore, #tpu.memory_space<semaphore_mem>>
        %dma_start3A_447 = tpu.memref_squeeze %dma_start3A_446 : memref<1x!tpu.dma_semaphore, #tpu.memory_space<semaphore_mem>> -> memref<!tpu.dma_semaphore, #tpu.memory_space<semaphore_mem>>
        tpu.enqueue_indirect_dma source(%dma_start3A_445 : memref<10000x64xf32, #tpu.memory_space<hbm>>) target(%dma_start3A_435 : memref<125x64xf32, #tpu.memory_space<vmem>>) offsets(%dma_start3A_438 : memref<125xi32, #tpu.memory_space<vmem>>) semaphore(%dma_start3A_447 : memref<!tpu.dma_semaphore, #tpu.memory_space<semaphore_mem>>)
      } else {
      }
      %mul3A_290 = arith.constant 5 : i32
      %mul3A_291 = arith.muli %scan3A_187, %mul3A_290 : i32
      %add3A_292 = arith.constant 2 : i32
      %add3A_293 = arith.addi %mul3A_291, %add3A_292 : i32
      %dma_wait3A_294 = arith.constant 2 : i32
      %dma_wait3A_295 = arith.constant 2 : i32
      %dma_wait3A_296 = arith.constant 0 : i32
      %dma_wait3A_297 = arith.constant 0 : i32
      %dma_wait3A_298 = tpu.memref_slice %arg9[%dma_wait3A_294, %dma_wait3A_296, %dma_wait3A_297] : memref<5x125x64xf32, #tpu.memory_space<vmem>> -> memref<1x125x64xf32, #tpu.memory_space<vmem>>
      %dma_wait3A_299 = tpu.memref_squeeze %dma_wait3A_298 : memref<1x125x64xf32, #tpu.memory_space<vmem>> -> memref<125x64xf32, #tpu.memory_space<vmem>>
      %dma_wait3A_300 = arith.constant 0 : i32
      %dma_wait3A_301 = tpu.memref_slice %arg7[%add3A_293, %dma_wait3A_300] : memref<160x125xi32, #tpu.memory_space<vmem>> -> memref<1x125xi32, #tpu.memory_space<vmem>>
      %dma_wait3A_302 = tpu.memref_squeeze %dma_wait3A_301 : memref<1x125xi32, #tpu.memory_space<vmem>> -> memref<125xi32, #tpu.memory_space<vmem>>
      %dma_wait3A_303 = arith.constant 0 : i32
      %dma_wait3A_304 = arith.constant 0 : i32
      %dma_wait3A_305 = tpu.memref_slice %arg2[%arg0, %dma_wait3A_303, %dma_wait3A_304] : memref<2x10000x64xf32, #tpu.memory_space<hbm>> -> memref<1x10000x64xf32, #tpu.memory_space<hbm>>
      %dma_wait3A_306 = tpu.memref_squeeze %dma_wait3A_305 : memref<1x10000x64xf32, #tpu.memory_space<hbm>> -> memref<10000x64xf32, #tpu.memory_space<hbm>>
      %dma_wait3A_307 = arith.constant 0 : i32
      %dma_wait3A_308 = arith.constant 0 : i32
      %dma_wait3A_309 = tpu.memref_slice %dma_wait3A_306[%dma_wait3A_307, %dma_wait3A_308] : memref<10000x64xf32, #tpu.memory_space<hbm>> -> memref<10000x64xf32, #tpu.memory_space<hbm>>
      %dma_wait3A_310 = tpu.memref_slice %arg10[%dma_wait3A_295] : memref<5x!tpu.dma_semaphore, #tpu.memory_space<semaphore_mem>> -> memref<1x!tpu.dma_semaphore, #tpu.memory_space<semaphore_mem>>
      %dma_wait3A_311 = tpu.memref_squeeze %dma_wait3A_310 : memref<1x!tpu.dma_semaphore, #tpu.memory_space<semaphore_mem>> -> memref<!tpu.dma_semaphore, #tpu.memory_space<semaphore_mem>>
      tpu.wait_indirect_dma semaphore(%dma_wait3A_311 : memref<!tpu.dma_semaphore, #tpu.memory_space<semaphore_mem>>) src(%dma_wait3A_309 : memref<10000x64xf32, #tpu.memory_space<hbm>>) dst(%dma_wait3A_299 : memref<125x64xf32, #tpu.memory_space<vmem>>)
      %dma_start3A_312 = arith.constant 2 : i32
      %dma_start3A_313 = arith.constant 2 : i32
      %dma_start3A_314 = arith.constant 0 : i32
      %dma_start3A_315 = arith.constant 0 : i32
      %dma_start3A_316 = tpu.memref_slice %arg9[%dma_start3A_312, %dma_start3A_314, %dma_start3A_315] : memref<5x125x64xf32, #tpu.memory_space<vmem>> -> memref<1x125x64xf32, #tpu.memory_space<vmem>>
      %dma_start3A_317 = tpu.memref_squeeze %dma_start3A_316 : memref<1x125x64xf32, #tpu.memory_space<vmem>> -> memref<125x64xf32, #tpu.memory_space<vmem>>
      %dma_start3A_318 = arith.constant 0 : i32
      %dma_start3A_319 = tpu.memref_slice %arg8[%add3A_293, %dma_start3A_318] : memref<160x125xi32, #tpu.memory_space<vmem>> -> memref<1x125xi32, #tpu.memory_space<vmem>>
      %dma_start3A_320 = tpu.memref_squeeze %dma_start3A_319 : memref<1x125xi32, #tpu.memory_space<vmem>> -> memref<125xi32, #tpu.memory_space<vmem>>
      %dma_start3A_321 = arith.constant 0 : i32
      %dma_start3A_322 = arith.constant 0 : i32
      %dma_start3A_323 = tpu.memref_slice %arg12[%dma_start3A_321, %dma_start3A_322] : memref<10000x64xf32, #tpu.memory_space<vmem_shared>> -> memref<10000x64xf32, #tpu.memory_space<vmem_shared>>
      %dma_start3A_324 = tpu.memref_slice %arg11[%dma_start3A_313] : memref<5x!tpu.dma_semaphore, #tpu.memory_space<semaphore_mem>> -> memref<1x!tpu.dma_semaphore, #tpu.memory_space<semaphore_mem>>
      %dma_start3A_325 = tpu.memref_squeeze %dma_start3A_324 : memref<1x!tpu.dma_semaphore, #tpu.memory_space<semaphore_mem>> -> memref<!tpu.dma_semaphore, #tpu.memory_space<semaphore_mem>>
      tpu.enqueue_indirect_dma source(%dma_start3A_317 : memref<125x64xf32, #tpu.memory_space<vmem>>) target(%dma_start3A_323 : memref<10000x64xf32, #tpu.memory_space<vmem_shared>>) offsets(%dma_start3A_320 : memref<125xi32, #tpu.memory_space<vmem>>) semaphore(%dma_start3A_325 : memref<!tpu.dma_semaphore, #tpu.memory_space<semaphore_mem>>) {add = true}
      %lt3A_326 = arith.constant 31 : i32
      %lt3A_327 = arith.cmpi slt, %scan3A_187, %lt3A_326 : i32
      %convert_element_type3A_328 = arith.extui %lt3A_327 : i1 to i32
      %cond3A_329 = arith.constant 0 : i32
      %cond3A_330 = arith.cmpi ne, %convert_element_type3A_328, %cond3A_329 : i32
      scf.if %cond3A_330 {
        %dma_wait3A_414 = arith.constant 1 : i32
        %dma_wait3A_415 = arith.constant 1 : i32
        %dma_wait3A_416 = arith.constant 0 : i32
        %dma_wait3A_417 = arith.constant 0 : i32
        %dma_wait3A_418 = tpu.memref_slice %arg9[%dma_wait3A_414, %dma_wait3A_416, %dma_wait3A_417] : memref<5x125x64xf32, #tpu.memory_space<vmem>> -> memref<1x125x64xf32, #tpu.memory_space<vmem>>
        %dma_wait3A_419 = tpu.memref_squeeze %dma_wait3A_418 : memref<1x125x64xf32, #tpu.memory_space<vmem>> -> memref<125x64xf32, #tpu.memory_space<vmem>>
        %dma_wait3A_420 = arith.constant 0 : i32
        %dma_wait3A_421 = tpu.memref_slice %arg8[%add3A_293, %dma_wait3A_420] : memref<160x125xi32, #tpu.memory_space<vmem>> -> memref<1x125xi32, #tpu.memory_space<vmem>>
        %dma_wait3A_422 = tpu.memref_squeeze %dma_wait3A_421 : memref<1x125xi32, #tpu.memory_space<vmem>> -> memref<125xi32, #tpu.memory_space<vmem>>
        %dma_wait3A_423 = arith.constant 0 : i32
        %dma_wait3A_424 = arith.constant 0 : i32
        %dma_wait3A_425 = tpu.memref_slice %arg12[%dma_wait3A_423, %dma_wait3A_424] : memref<10000x64xf32, #tpu.memory_space<vmem_shared>> -> memref<10000x64xf32, #tpu.memory_space<vmem_shared>>
        %dma_wait3A_426 = tpu.memref_slice %arg11[%dma_wait3A_415] : memref<5x!tpu.dma_semaphore, #tpu.memory_space<semaphore_mem>> -> memref<1x!tpu.dma_semaphore, #tpu.memory_space<semaphore_mem>>
        %dma_wait3A_427 = tpu.memref_squeeze %dma_wait3A_426 : memref<1x!tpu.dma_semaphore, #tpu.memory_space<semaphore_mem>> -> memref<!tpu.dma_semaphore, #tpu.memory_space<semaphore_mem>>
        tpu.wait_indirect_dma semaphore(%dma_wait3A_427 : memref<!tpu.dma_semaphore, #tpu.memory_space<semaphore_mem>>) src(%dma_wait3A_419 : memref<125x64xf32, #tpu.memory_space<vmem>>) dst(%dma_wait3A_425 : memref<10000x64xf32, #tpu.memory_space<vmem_shared>>)
        %add3A_428 = arith.constant 4 : i32
        %add3A_429 = arith.addi %add3A_293, %add3A_428 : i32
        %dma_start3A_430 = arith.constant 1 : i32
        %dma_start3A_431 = arith.constant 1 : i32
        %dma_start3A_432 = arith.constant 0 : i32
        %dma_start3A_433 = arith.constant 0 : i32
        %dma_start3A_434 = tpu.memref_slice %arg9[%dma_start3A_430, %dma_start3A_432, %dma_start3A_433] : memref<5x125x64xf32, #tpu.memory_space<vmem>> -> memref<1x125x64xf32, #tpu.memory_space<vmem>>
        %dma_start3A_435 = tpu.memref_squeeze %dma_start3A_434 : memref<1x125x64xf32, #tpu.memory_space<vmem>> -> memref<125x64xf32, #tpu.memory_space<vmem>>
        %dma_start3A_436 = arith.constant 0 : i32
        %dma_start3A_437 = tpu.memref_slice %arg7[%add3A_429, %dma_start3A_436] : memref<160x125xi32, #tpu.memory_space<vmem>> -> memref<1x125xi32, #tpu.memory_space<vmem>>
        %dma_start3A_438 = tpu.memref_squeeze %dma_start3A_437 : memref<1x125xi32, #tpu.memory_space<vmem>> -> memref<125xi32, #tpu.memory_space<vmem>>
        %dma_start3A_439 = arith.constant 0 : i32
        %dma_start3A_440 = arith.constant 0 : i32
        %dma_start3A_441 = tpu.memref_slice %arg2[%arg0, %dma_start3A_439, %dma_start3A_440] : memref<2x10000x64xf32, #tpu.memory_space<hbm>> -> memref<1x10000x64xf32, #tpu.memory_space<hbm>>
        %dma_start3A_442 = tpu.memref_squeeze %dma_start3A_441 : memref<1x10000x64xf32, #tpu.memory_space<hbm>> -> memref<10000x64xf32, #tpu.memory_space<hbm>>
        %dma_start3A_443 = arith.constant 0 : i32
        %dma_start3A_444 = arith.constant 0 : i32
        %dma_start3A_445 = tpu.memref_slice %dma_start3A_442[%dma_start3A_443, %dma_start3A_444] : memref<10000x64xf32, #tpu.memory_space<hbm>> -> memref<10000x64xf32, #tpu.memory_space<hbm>>
        %dma_start3A_446 = tpu.memref_slice %arg10[%dma_start3A_431] : memref<5x!tpu.dma_semaphore, #tpu.memory_space<semaphore_mem>> -> memref<1x!tpu.dma_semaphore, #tpu.memory_space<semaphore_mem>>
        %dma_start3A_447 = tpu.memref_squeeze %dma_start3A_446 : memref<1x!tpu.dma_semaphore, #tpu.memory_space<semaphore_mem>> -> memref<!tpu.dma_semaphore, #tpu.memory_space<semaphore_mem>>
        tpu.enqueue_indirect_dma source(%dma_start3A_445 : memref<10000x64xf32, #tpu.memory_space<hbm>>) target(%dma_start3A_435 : memref<125x64xf32, #tpu.memory_space<vmem>>) offsets(%dma_start3A_438 : memref<125xi32, #tpu.memory_space<vmem>>) semaphore(%dma_start3A_447 : memref<!tpu.dma_semaphore, #tpu.memory_space<semaphore_mem>>)
      } else {
      }
      %mul3A_331 = arith.constant 5 : i32
      %mul3A_332 = arith.muli %scan3A_187, %mul3A_331 : i32
      %add3A_333 = arith.constant 3 : i32
      %add3A_334 = arith.addi %mul3A_332, %add3A_333 : i32
      %dma_wait3A_335 = arith.constant 3 : i32
      %dma_wait3A_336 = arith.constant 3 : i32
      %dma_wait3A_337 = arith.constant 0 : i32
      %dma_wait3A_338 = arith.constant 0 : i32
      %dma_wait3A_339 = tpu.memref_slice %arg9[%dma_wait3A_335, %dma_wait3A_337, %dma_wait3A_338] : memref<5x125x64xf32, #tpu.memory_space<vmem>> -> memref<1x125x64xf32, #tpu.memory_space<vmem>>
      %dma_wait3A_340 = tpu.memref_squeeze %dma_wait3A_339 : memref<1x125x64xf32, #tpu.memory_space<vmem>> -> memref<125x64xf32, #tpu.memory_space<vmem>>
      %dma_wait3A_341 = arith.constant 0 : i32
      %dma_wait3A_342 = tpu.memref_slice %arg7[%add3A_334, %dma_wait3A_341] : memref<160x125xi32, #tpu.memory_space<vmem>> -> memref<1x125xi32, #tpu.memory_space<vmem>>
      %dma_wait3A_343 = tpu.memref_squeeze %dma_wait3A_342 : memref<1x125xi32, #tpu.memory_space<vmem>> -> memref<125xi32, #tpu.memory_space<vmem>>
      %dma_wait3A_344 = arith.constant 0 : i32
      %dma_wait3A_345 = arith.constant 0 : i32
      %dma_wait3A_346 = tpu.memref_slice %arg2[%arg0, %dma_wait3A_344, %dma_wait3A_345] : memref<2x10000x64xf32, #tpu.memory_space<hbm>> -> memref<1x10000x64xf32, #tpu.memory_space<hbm>>
      %dma_wait3A_347 = tpu.memref_squeeze %dma_wait3A_346 : memref<1x10000x64xf32, #tpu.memory_space<hbm>> -> memref<10000x64xf32, #tpu.memory_space<hbm>>
      %dma_wait3A_348 = arith.constant 0 : i32
      %dma_wait3A_349 = arith.constant 0 : i32
      %dma_wait3A_350 = tpu.memref_slice %dma_wait3A_347[%dma_wait3A_348, %dma_wait3A_349] : memref<10000x64xf32, #tpu.memory_space<hbm>> -> memref<10000x64xf32, #tpu.memory_space<hbm>>
      %dma_wait3A_351 = tpu.memref_slice %arg10[%dma_wait3A_336] : memref<5x!tpu.dma_semaphore, #tpu.memory_space<semaphore_mem>> -> memref<1x!tpu.dma_semaphore, #tpu.memory_space<semaphore_mem>>
      %dma_wait3A_352 = tpu.memref_squeeze %dma_wait3A_351 : memref<1x!tpu.dma_semaphore, #tpu.memory_space<semaphore_mem>> -> memref<!tpu.dma_semaphore, #tpu.memory_space<semaphore_mem>>
      tpu.wait_indirect_dma semaphore(%dma_wait3A_352 : memref<!tpu.dma_semaphore, #tpu.memory_space<semaphore_mem>>) src(%dma_wait3A_350 : memref<10000x64xf32, #tpu.memory_space<hbm>>) dst(%dma_wait3A_340 : memref<125x64xf32, #tpu.memory_space<vmem>>)
      %dma_start3A_353 = arith.constant 3 : i32
      %dma_start3A_354 = arith.constant 3 : i32
      %dma_start3A_355 = arith.constant 0 : i32
      %dma_start3A_356 = arith.constant 0 : i32
      %dma_start3A_357 = tpu.memref_slice %arg9[%dma_start3A_353, %dma_start3A_355, %dma_start3A_356] : memref<5x125x64xf32, #tpu.memory_space<vmem>> -> memref<1x125x64xf32, #tpu.memory_space<vmem>>
      %dma_start3A_358 = tpu.memref_squeeze %dma_start3A_357 : memref<1x125x64xf32, #tpu.memory_space<vmem>> -> memref<125x64xf32, #tpu.memory_space<vmem>>
      %dma_start3A_359 = arith.constant 0 : i32
      %dma_start3A_360 = tpu.memref_slice %arg8[%add3A_334, %dma_start3A_359] : memref<160x125xi32, #tpu.memory_space<vmem>> -> memref<1x125xi32, #tpu.memory_space<vmem>>
      %dma_start3A_361 = tpu.memref_squeeze %dma_start3A_360 : memref<1x125xi32, #tpu.memory_space<vmem>> -> memref<125xi32, #tpu.memory_space<vmem>>
      %dma_start3A_362 = arith.constant 0 : i32
      %dma_start3A_363 = arith.constant 0 : i32
      %dma_start3A_364 = tpu.memref_slice %arg12[%dma_start3A_362, %dma_start3A_363] : memref<10000x64xf32, #tpu.memory_space<vmem_shared>> -> memref<10000x64xf32, #tpu.memory_space<vmem_shared>>
      %dma_start3A_365 = tpu.memref_slice %arg11[%dma_start3A_354] : memref<5x!tpu.dma_semaphore, #tpu.memory_space<semaphore_mem>> -> memref<1x!tpu.dma_semaphore, #tpu.memory_space<semaphore_mem>>
      %dma_start3A_366 = tpu.memref_squeeze %dma_start3A_365 : memref<1x!tpu.dma_semaphore, #tpu.memory_space<semaphore_mem>> -> memref<!tpu.dma_semaphore, #tpu.memory_space<semaphore_mem>>
      tpu.enqueue_indirect_dma source(%dma_start3A_358 : memref<125x64xf32, #tpu.memory_space<vmem>>) target(%dma_start3A_364 : memref<10000x64xf32, #tpu.memory_space<vmem_shared>>) offsets(%dma_start3A_361 : memref<125xi32, #tpu.memory_space<vmem>>) semaphore(%dma_start3A_366 : memref<!tpu.dma_semaphore, #tpu.memory_space<semaphore_mem>>) {add = true}
      %lt3A_367 = arith.constant 31 : i32
      %lt3A_368 = arith.cmpi slt, %scan3A_187, %lt3A_367 : i32
      %convert_element_type3A_369 = arith.extui %lt3A_368 : i1 to i32
      %cond3A_370 = arith.constant 0 : i32
      %cond3A_371 = arith.cmpi ne, %convert_element_type3A_369, %cond3A_370 : i32
      scf.if %cond3A_371 {
        %dma_wait3A_414 = arith.constant 2 : i32
        %dma_wait3A_415 = arith.constant 2 : i32
        %dma_wait3A_416 = arith.constant 0 : i32
        %dma_wait3A_417 = arith.constant 0 : i32
        %dma_wait3A_418 = tpu.memref_slice %arg9[%dma_wait3A_414, %dma_wait3A_416, %dma_wait3A_417] : memref<5x125x64xf32, #tpu.memory_space<vmem>> -> memref<1x125x64xf32, #tpu.memory_space<vmem>>
        %dma_wait3A_419 = tpu.memref_squeeze %dma_wait3A_418 : memref<1x125x64xf32, #tpu.memory_space<vmem>> -> memref<125x64xf32, #tpu.memory_space<vmem>>
        %dma_wait3A_420 = arith.constant 0 : i32
        %dma_wait3A_421 = tpu.memref_slice %arg8[%add3A_334, %dma_wait3A_420] : memref<160x125xi32, #tpu.memory_space<vmem>> -> memref<1x125xi32, #tpu.memory_space<vmem>>
        %dma_wait3A_422 = tpu.memref_squeeze %dma_wait3A_421 : memref<1x125xi32, #tpu.memory_space<vmem>> -> memref<125xi32, #tpu.memory_space<vmem>>
        %dma_wait3A_423 = arith.constant 0 : i32
        %dma_wait3A_424 = arith.constant 0 : i32
        %dma_wait3A_425 = tpu.memref_slice %arg12[%dma_wait3A_423, %dma_wait3A_424] : memref<10000x64xf32, #tpu.memory_space<vmem_shared>> -> memref<10000x64xf32, #tpu.memory_space<vmem_shared>>
        %dma_wait3A_426 = tpu.memref_slice %arg11[%dma_wait3A_415] : memref<5x!tpu.dma_semaphore, #tpu.memory_space<semaphore_mem>> -> memref<1x!tpu.dma_semaphore, #tpu.memory_space<semaphore_mem>>
        %dma_wait3A_427 = tpu.memref_squeeze %dma_wait3A_426 : memref<1x!tpu.dma_semaphore, #tpu.memory_space<semaphore_mem>> -> memref<!tpu.dma_semaphore, #tpu.memory_space<semaphore_mem>>
        tpu.wait_indirect_dma semaphore(%dma_wait3A_427 : memref<!tpu.dma_semaphore, #tpu.memory_space<semaphore_mem>>) src(%dma_wait3A_419 : memref<125x64xf32, #tpu.memory_space<vmem>>) dst(%dma_wait3A_425 : memref<10000x64xf32, #tpu.memory_space<vmem_shared>>)
        %add3A_428 = arith.constant 4 : i32
        %add3A_429 = arith.addi %add3A_334, %add3A_428 : i32
        %dma_start3A_430 = arith.constant 2 : i32
        %dma_start3A_431 = arith.constant 2 : i32
        %dma_start3A_432 = arith.constant 0 : i32
        %dma_start3A_433 = arith.constant 0 : i32
        %dma_start3A_434 = tpu.memref_slice %arg9[%dma_start3A_430, %dma_start3A_432, %dma_start3A_433] : memref<5x125x64xf32, #tpu.memory_space<vmem>> -> memref<1x125x64xf32, #tpu.memory_space<vmem>>
        %dma_start3A_435 = tpu.memref_squeeze %dma_start3A_434 : memref<1x125x64xf32, #tpu.memory_space<vmem>> -> memref<125x64xf32, #tpu.memory_space<vmem>>
        %dma_start3A_436 = arith.constant 0 : i32
        %dma_start3A_437 = tpu.memref_slice %arg7[%add3A_429, %dma_start3A_436] : memref<160x125xi32, #tpu.memory_space<vmem>> -> memref<1x125xi32, #tpu.memory_space<vmem>>
        %dma_start3A_438 = tpu.memref_squeeze %dma_start3A_437 : memref<1x125xi32, #tpu.memory_space<vmem>> -> memref<125xi32, #tpu.memory_space<vmem>>
        %dma_start3A_439 = arith.constant 0 : i32
        %dma_start3A_440 = arith.constant 0 : i32
        %dma_start3A_441 = tpu.memref_slice %arg2[%arg0, %dma_start3A_439, %dma_start3A_440] : memref<2x10000x64xf32, #tpu.memory_space<hbm>> -> memref<1x10000x64xf32, #tpu.memory_space<hbm>>
        %dma_start3A_442 = tpu.memref_squeeze %dma_start3A_441 : memref<1x10000x64xf32, #tpu.memory_space<hbm>> -> memref<10000x64xf32, #tpu.memory_space<hbm>>
        %dma_start3A_443 = arith.constant 0 : i32
        %dma_start3A_444 = arith.constant 0 : i32
        %dma_start3A_445 = tpu.memref_slice %dma_start3A_442[%dma_start3A_443, %dma_start3A_444] : memref<10000x64xf32, #tpu.memory_space<hbm>> -> memref<10000x64xf32, #tpu.memory_space<hbm>>
        %dma_start3A_446 = tpu.memref_slice %arg10[%dma_start3A_431] : memref<5x!tpu.dma_semaphore, #tpu.memory_space<semaphore_mem>> -> memref<1x!tpu.dma_semaphore, #tpu.memory_space<semaphore_mem>>
        %dma_start3A_447 = tpu.memref_squeeze %dma_start3A_446 : memref<1x!tpu.dma_semaphore, #tpu.memory_space<semaphore_mem>> -> memref<!tpu.dma_semaphore, #tpu.memory_space<semaphore_mem>>
        tpu.enqueue_indirect_dma source(%dma_start3A_445 : memref<10000x64xf32, #tpu.memory_space<hbm>>) target(%dma_start3A_435 : memref<125x64xf32, #tpu.memory_space<vmem>>) offsets(%dma_start3A_438 : memref<125xi32, #tpu.memory_space<vmem>>) semaphore(%dma_start3A_447 : memref<!tpu.dma_semaphore, #tpu.memory_space<semaphore_mem>>)
      } else {
      }
      %mul3A_372 = arith.constant 5 : i32
      %mul3A_373 = arith.muli %scan3A_187, %mul3A_372 : i32
      %add3A_374 = arith.constant 4 : i32
      %add3A_375 = arith.addi %mul3A_373, %add3A_374 : i32
      %dma_wait3A_376 = arith.constant 4 : i32
      %dma_wait3A_377 = arith.constant 4 : i32
      %dma_wait3A_378 = arith.constant 0 : i32
      %dma_wait3A_379 = arith.constant 0 : i32
      %dma_wait3A_380 = tpu.memref_slice %arg9[%dma_wait3A_376, %dma_wait3A_378, %dma_wait3A_379] : memref<5x125x64xf32, #tpu.memory_space<vmem>> -> memref<1x125x64xf32, #tpu.memory_space<vmem>>
      %dma_wait3A_381 = tpu.memref_squeeze %dma_wait3A_380 : memref<1x125x64xf32, #tpu.memory_space<vmem>> -> memref<125x64xf32, #tpu.memory_space<vmem>>
      %dma_wait3A_382 = arith.constant 0 : i32
      %dma_wait3A_383 = tpu.memref_slice %arg7[%add3A_375, %dma_wait3A_382] : memref<160x125xi32, #tpu.memory_space<vmem>> -> memref<1x125xi32, #tpu.memory_space<vmem>>
      %dma_wait3A_384 = tpu.memref_squeeze %dma_wait3A_383 : memref<1x125xi32, #tpu.memory_space<vmem>> -> memref<125xi32, #tpu.memory_space<vmem>>
      %dma_wait3A_385 = arith.constant 0 : i32
      %dma_wait3A_386 = arith.constant 0 : i32
      %dma_wait3A_387 = tpu.memref_slice %arg2[%arg0, %dma_wait3A_385, %dma_wait3A_386] : memref<2x10000x64xf32, #tpu.memory_space<hbm>> -> memref<1x10000x64xf32, #tpu.memory_space<hbm>>
      %dma_wait3A_388 = tpu.memref_squeeze %dma_wait3A_387 : memref<1x10000x64xf32, #tpu.memory_space<hbm>> -> memref<10000x64xf32, #tpu.memory_space<hbm>>
      %dma_wait3A_389 = arith.constant 0 : i32
      %dma_wait3A_390 = arith.constant 0 : i32
      %dma_wait3A_391 = tpu.memref_slice %dma_wait3A_388[%dma_wait3A_389, %dma_wait3A_390] : memref<10000x64xf32, #tpu.memory_space<hbm>> -> memref<10000x64xf32, #tpu.memory_space<hbm>>
      %dma_wait3A_392 = tpu.memref_slice %arg10[%dma_wait3A_377] : memref<5x!tpu.dma_semaphore, #tpu.memory_space<semaphore_mem>> -> memref<1x!tpu.dma_semaphore, #tpu.memory_space<semaphore_mem>>
      %dma_wait3A_393 = tpu.memref_squeeze %dma_wait3A_392 : memref<1x!tpu.dma_semaphore, #tpu.memory_space<semaphore_mem>> -> memref<!tpu.dma_semaphore, #tpu.memory_space<semaphore_mem>>
      tpu.wait_indirect_dma semaphore(%dma_wait3A_393 : memref<!tpu.dma_semaphore, #tpu.memory_space<semaphore_mem>>) src(%dma_wait3A_391 : memref<10000x64xf32, #tpu.memory_space<hbm>>) dst(%dma_wait3A_381 : memref<125x64xf32, #tpu.memory_space<vmem>>)
      %dma_start3A_394 = arith.constant 4 : i32
      %dma_start3A_395 = arith.constant 4 : i32
      %dma_start3A_396 = arith.constant 0 : i32
      %dma_start3A_397 = arith.constant 0 : i32
      %dma_start3A_398 = tpu.memref_slice %arg9[%dma_start3A_394, %dma_start3A_396, %dma_start3A_397] : memref<5x125x64xf32, #tpu.memory_space<vmem>> -> memref<1x125x64xf32, #tpu.memory_space<vmem>>
      %dma_start3A_399 = tpu.memref_squeeze %dma_start3A_398 : memref<1x125x64xf32, #tpu.memory_space<vmem>> -> memref<125x64xf32, #tpu.memory_space<vmem>>
      %dma_start3A_400 = arith.constant 0 : i32
      %dma_start3A_401 = tpu.memref_slice %arg8[%add3A_375, %dma_start3A_400] : memref<160x125xi32, #tpu.memory_space<vmem>> -> memref<1x125xi32, #tpu.memory_space<vmem>>
      %dma_start3A_402 = tpu.memref_squeeze %dma_start3A_401 : memref<1x125xi32, #tpu.memory_space<vmem>> -> memref<125xi32, #tpu.memory_space<vmem>>
      %dma_start3A_403 = arith.constant 0 : i32
      %dma_start3A_404 = arith.constant 0 : i32
      %dma_start3A_405 = tpu.memref_slice %arg12[%dma_start3A_403, %dma_start3A_404] : memref<10000x64xf32, #tpu.memory_space<vmem_shared>> -> memref<10000x64xf32, #tpu.memory_space<vmem_shared>>
      %dma_start3A_406 = tpu.memref_slice %arg11[%dma_start3A_395] : memref<5x!tpu.dma_semaphore, #tpu.memory_space<semaphore_mem>> -> memref<1x!tpu.dma_semaphore, #tpu.memory_space<semaphore_mem>>
      %dma_start3A_407 = tpu.memref_squeeze %dma_start3A_406 : memref<1x!tpu.dma_semaphore, #tpu.memory_space<semaphore_mem>> -> memref<!tpu.dma_semaphore, #tpu.memory_space<semaphore_mem>>
      tpu.enqueue_indirect_dma source(%dma_start3A_399 : memref<125x64xf32, #tpu.memory_space<vmem>>) target(%dma_start3A_405 : memref<10000x64xf32, #tpu.memory_space<vmem_shared>>) offsets(%dma_start3A_402 : memref<125xi32, #tpu.memory_space<vmem>>) semaphore(%dma_start3A_407 : memref<!tpu.dma_semaphore, #tpu.memory_space<semaphore_mem>>) {add = true}
      %lt3A_408 = arith.constant 31 : i32
      %lt3A_409 = arith.cmpi slt, %scan3A_187, %lt3A_408 : i32
      %convert_element_type3A_410 = arith.extui %lt3A_409 : i1 to i32
      %cond3A_411 = arith.constant 0 : i32
      %cond3A_412 = arith.cmpi ne, %convert_element_type3A_410, %cond3A_411 : i32
      scf.if %cond3A_412 {
        %dma_wait3A_414 = arith.constant 3 : i32
        %dma_wait3A_415 = arith.constant 3 : i32
        %dma_wait3A_416 = arith.constant 0 : i32
        %dma_wait3A_417 = arith.constant 0 : i32
        %dma_wait3A_418 = tpu.memref_slice %arg9[%dma_wait3A_414, %dma_wait3A_416, %dma_wait3A_417] : memref<5x125x64xf32, #tpu.memory_space<vmem>> -> memref<1x125x64xf32, #tpu.memory_space<vmem>>
        %dma_wait3A_419 = tpu.memref_squeeze %dma_wait3A_418 : memref<1x125x64xf32, #tpu.memory_space<vmem>> -> memref<125x64xf32, #tpu.memory_space<vmem>>
        %dma_wait3A_420 = arith.constant 0 : i32
        %dma_wait3A_421 = tpu.memref_slice %arg8[%add3A_375, %dma_wait3A_420] : memref<160x125xi32, #tpu.memory_space<vmem>> -> memref<1x125xi32, #tpu.memory_space<vmem>>
        %dma_wait3A_422 = tpu.memref_squeeze %dma_wait3A_421 : memref<1x125xi32, #tpu.memory_space<vmem>> -> memref<125xi32, #tpu.memory_space<vmem>>
        %dma_wait3A_423 = arith.constant 0 : i32
        %dma_wait3A_424 = arith.constant 0 : i32
        %dma_wait3A_425 = tpu.memref_slice %arg12[%dma_wait3A_423, %dma_wait3A_424] : memref<10000x64xf32, #tpu.memory_space<vmem_shared>> -> memref<10000x64xf32, #tpu.memory_space<vmem_shared>>
        %dma_wait3A_426 = tpu.memref_slice %arg11[%dma_wait3A_415] : memref<5x!tpu.dma_semaphore, #tpu.memory_space<semaphore_mem>> -> memref<1x!tpu.dma_semaphore, #tpu.memory_space<semaphore_mem>>
        %dma_wait3A_427 = tpu.memref_squeeze %dma_wait3A_426 : memref<1x!tpu.dma_semaphore, #tpu.memory_space<semaphore_mem>> -> memref<!tpu.dma_semaphore, #tpu.memory_space<semaphore_mem>>
        tpu.wait_indirect_dma semaphore(%dma_wait3A_427 : memref<!tpu.dma_semaphore, #tpu.memory_space<semaphore_mem>>) src(%dma_wait3A_419 : memref<125x64xf32, #tpu.memory_space<vmem>>) dst(%dma_wait3A_425 : memref<10000x64xf32, #tpu.memory_space<vmem_shared>>)
        %add3A_428 = arith.constant 4 : i32
        %add3A_429 = arith.addi %add3A_375, %add3A_428 : i32
        %dma_start3A_430 = arith.constant 3 : i32
        %dma_start3A_431 = arith.constant 3 : i32
        %dma_start3A_432 = arith.constant 0 : i32
        %dma_start3A_433 = arith.constant 0 : i32
        %dma_start3A_434 = tpu.memref_slice %arg9[%dma_start3A_430, %dma_start3A_432, %dma_start3A_433] : memref<5x125x64xf32, #tpu.memory_space<vmem>> -> memref<1x125x64xf32, #tpu.memory_space<vmem>>
        %dma_start3A_435 = tpu.memref_squeeze %dma_start3A_434 : memref<1x125x64xf32, #tpu.memory_space<vmem>> -> memref<125x64xf32, #tpu.memory_space<vmem>>
        %dma_start3A_436 = arith.constant 0 : i32
        %dma_start3A_437 = tpu.memref_slice %arg7[%add3A_429, %dma_start3A_436] : memref<160x125xi32, #tpu.memory_space<vmem>> -> memref<1x125xi32, #tpu.memory_space<vmem>>
        %dma_start3A_438 = tpu.memref_squeeze %dma_start3A_437 : memref<1x125xi32, #tpu.memory_space<vmem>> -> memref<125xi32, #tpu.memory_space<vmem>>
        %dma_start3A_439 = arith.constant 0 : i32
        %dma_start3A_440 = arith.constant 0 : i32
        %dma_start3A_441 = tpu.memref_slice %arg2[%arg0, %dma_start3A_439, %dma_start3A_440] : memref<2x10000x64xf32, #tpu.memory_space<hbm>> -> memref<1x10000x64xf32, #tpu.memory_space<hbm>>
        %dma_start3A_442 = tpu.memref_squeeze %dma_start3A_441 : memref<1x10000x64xf32, #tpu.memory_space<hbm>> -> memref<10000x64xf32, #tpu.memory_space<hbm>>
        %dma_start3A_443 = arith.constant 0 : i32
        %dma_start3A_444 = arith.constant 0 : i32
        %dma_start3A_445 = tpu.memref_slice %dma_start3A_442[%dma_start3A_443, %dma_start3A_444] : memref<10000x64xf32, #tpu.memory_space<hbm>> -> memref<10000x64xf32, #tpu.memory_space<hbm>>
        %dma_start3A_446 = tpu.memref_slice %arg10[%dma_start3A_431] : memref<5x!tpu.dma_semaphore, #tpu.memory_space<semaphore_mem>> -> memref<1x!tpu.dma_semaphore, #tpu.memory_space<semaphore_mem>>
        %dma_start3A_447 = tpu.memref_squeeze %dma_start3A_446 : memref<1x!tpu.dma_semaphore, #tpu.memory_space<semaphore_mem>> -> memref<!tpu.dma_semaphore, #tpu.memory_space<semaphore_mem>>
        tpu.enqueue_indirect_dma source(%dma_start3A_445 : memref<10000x64xf32, #tpu.memory_space<hbm>>) target(%dma_start3A_435 : memref<125x64xf32, #tpu.memory_space<vmem>>) offsets(%dma_start3A_438 : memref<125xi32, #tpu.memory_space<vmem>>) semaphore(%dma_start3A_447 : memref<!tpu.dma_semaphore, #tpu.memory_space<semaphore_mem>>)
      } else {
      }
      %scan3A_413 = arith.constant 0 : i32
      scf.yield %scan3A_413 : i32
    }
    %scan3A_98 = arith.constant 32 : i32
    %dma_wait3A = arith.constant 0 : i32
    %dma_wait3A_99 = arith.constant 0 : i32
    %dma_wait3A_100 = arith.constant 0 : i32
    %dma_wait3A_101 = arith.constant 0 : i32
    %dma_wait3A_102 = arith.constant 0 : i32
    %dma_wait3A_103 = tpu.memref_slice %arg9[%dma_wait3A, %dma_wait3A_101, %dma_wait3A_102] : memref<5x125x64xf32, #tpu.memory_space<vmem>> -> memref<1x125x64xf32, #tpu.memory_space<vmem>>
    %dma_wait3A_104 = tpu.memref_squeeze %dma_wait3A_103 : memref<1x125x64xf32, #tpu.memory_space<vmem>> -> memref<125x64xf32, #tpu.memory_space<vmem>>
    %dma_wait3A_105 = arith.constant 0 : i32
    %dma_wait3A_106 = tpu.memref_slice %arg8[%dma_wait3A_99, %dma_wait3A_105] : memref<160x125xi32, #tpu.memory_space<vmem>> -> memref<1x125xi32, #tpu.memory_space<vmem>>
    %dma_wait3A_107 = tpu.memref_squeeze %dma_wait3A_106 : memref<1x125xi32, #tpu.memory_space<vmem>> -> memref<125xi32, #tpu.memory_space<vmem>>
    %dma_wait3A_108 = arith.constant 0 : i32
    %dma_wait3A_109 = arith.constant 0 : i32
    %dma_wait3A_110 = tpu.memref_slice %arg12[%dma_wait3A_108, %dma_wait3A_109] : memref<10000x64xf32, #tpu.memory_space<vmem_shared>> -> memref<10000x64xf32, #tpu.memory_space<vmem_shared>>
    %dma_wait3A_111 = tpu.memref_slice %arg11[%dma_wait3A_100] : memref<5x!tpu.dma_semaphore, #tpu.memory_space<semaphore_mem>> -> memref<1x!tpu.dma_semaphore, #tpu.memory_space<semaphore_mem>>
    %dma_wait3A_112 = tpu.memref_squeeze %dma_wait3A_111 : memref<1x!tpu.dma_semaphore, #tpu.memory_space<semaphore_mem>> -> memref<!tpu.dma_semaphore, #tpu.memory_space<semaphore_mem>>
    tpu.wait_indirect_dma semaphore(%dma_wait3A_112 : memref<!tpu.dma_semaphore, #tpu.memory_space<semaphore_mem>>) src(%dma_wait3A_104 : memref<125x64xf32, #tpu.memory_space<vmem>>) dst(%dma_wait3A_110 : memref<10000x64xf32, #tpu.memory_space<vmem_shared>>)
    %dma_wait3A_113 = arith.constant 1 : i32
    %dma_wait3A_114 = arith.constant 0 : i32
    %dma_wait3A_115 = arith.constant 1 : i32
    %dma_wait3A_116 = arith.constant 0 : i32
    %dma_wait3A_117 = arith.constant 0 : i32
    %dma_wait3A_118 = tpu.memref_slice %arg9[%dma_wait3A_113, %dma_wait3A_116, %dma_wait3A_117] : memref<5x125x64xf32, #tpu.memory_space<vmem>> -> memref<1x125x64xf32, #tpu.memory_space<vmem>>
    %dma_wait3A_119 = tpu.memref_squeeze %dma_wait3A_118 : memref<1x125x64xf32, #tpu.memory_space<vmem>> -> memref<125x64xf32, #tpu.memory_space<vmem>>
    %dma_wait3A_120 = arith.constant 0 : i32
    %dma_wait3A_121 = tpu.memref_slice %arg8[%dma_wait3A_114, %dma_wait3A_120] : memref<160x125xi32, #tpu.memory_space<vmem>> -> memref<1x125xi32, #tpu.memory_space<vmem>>
    %dma_wait3A_122 = tpu.memref_squeeze %dma_wait3A_121 : memref<1x125xi32, #tpu.memory_space<vmem>> -> memref<125xi32, #tpu.memory_space<vmem>>
    %dma_wait3A_123 = arith.constant 0 : i32
    %dma_wait3A_124 = arith.constant 0 : i32
    %dma_wait3A_125 = tpu.memref_slice %arg12[%dma_wait3A_123, %dma_wait3A_124] : memref<10000x64xf32, #tpu.memory_space<vmem_shared>> -> memref<10000x64xf32, #tpu.memory_space<vmem_shared>>
    %dma_wait3A_126 = tpu.memref_slice %arg11[%dma_wait3A_115] : memref<5x!tpu.dma_semaphore, #tpu.memory_space<semaphore_mem>> -> memref<1x!tpu.dma_semaphore, #tpu.memory_space<semaphore_mem>>
    %dma_wait3A_127 = tpu.memref_squeeze %dma_wait3A_126 : memref<1x!tpu.dma_semaphore, #tpu.memory_space<semaphore_mem>> -> memref<!tpu.dma_semaphore, #tpu.memory_space<semaphore_mem>>
    tpu.wait_indirect_dma semaphore(%dma_wait3A_127 : memref<!tpu.dma_semaphore, #tpu.memory_space<semaphore_mem>>) src(%dma_wait3A_119 : memref<125x64xf32, #tpu.memory_space<vmem>>) dst(%dma_wait3A_125 : memref<10000x64xf32, #tpu.memory_space<vmem_shared>>)
    %dma_wait3A_128 = arith.constant 2 : i32
    %dma_wait3A_129 = arith.constant 0 : i32
    %dma_wait3A_130 = arith.constant 2 : i32
    %dma_wait3A_131 = arith.constant 0 : i32
    %dma_wait3A_132 = arith.constant 0 : i32
    %dma_wait3A_133 = tpu.memref_slice %arg9[%dma_wait3A_128, %dma_wait3A_131, %dma_wait3A_132] : memref<5x125x64xf32, #tpu.memory_space<vmem>> -> memref<1x125x64xf32, #tpu.memory_space<vmem>>
    %dma_wait3A_134 = tpu.memref_squeeze %dma_wait3A_133 : memref<1x125x64xf32, #tpu.memory_space<vmem>> -> memref<125x64xf32, #tpu.memory_space<vmem>>
    %dma_wait3A_135 = arith.constant 0 : i32
    %dma_wait3A_136 = tpu.memref_slice %arg8[%dma_wait3A_129, %dma_wait3A_135] : memref<160x125xi32, #tpu.memory_space<vmem>> -> memref<1x125xi32, #tpu.memory_space<vmem>>
    %dma_wait3A_137 = tpu.memref_squeeze %dma_wait3A_136 : memref<1x125xi32, #tpu.memory_space<vmem>> -> memref<125xi32, #tpu.memory_space<vmem>>
    %dma_wait3A_138 = arith.constant 0 : i32
    %dma_wait3A_139 = arith.constant 0 : i32
    %dma_wait3A_140 = tpu.memref_slice %arg12[%dma_wait3A_138, %dma_wait3A_139] : memref<10000x64xf32, #tpu.memory_space<vmem_shared>> -> memref<10000x64xf32, #tpu.memory_space<vmem_shared>>
    %dma_wait3A_141 = tpu.memref_slice %arg11[%dma_wait3A_130] : memref<5x!tpu.dma_semaphore, #tpu.memory_space<semaphore_mem>> -> memref<1x!tpu.dma_semaphore, #tpu.memory_space<semaphore_mem>>
    %dma_wait3A_142 = tpu.memref_squeeze %dma_wait3A_141 : memref<1x!tpu.dma_semaphore, #tpu.memory_space<semaphore_mem>> -> memref<!tpu.dma_semaphore, #tpu.memory_space<semaphore_mem>>
    tpu.wait_indirect_dma semaphore(%dma_wait3A_142 : memref<!tpu.dma_semaphore, #tpu.memory_space<semaphore_mem>>) src(%dma_wait3A_134 : memref<125x64xf32, #tpu.memory_space<vmem>>) dst(%dma_wait3A_140 : memref<10000x64xf32, #tpu.memory_space<vmem_shared>>)
    %dma_wait3A_143 = arith.constant 3 : i32
    %dma_wait3A_144 = arith.constant 0 : i32
    %dma_wait3A_145 = arith.constant 3 : i32
    %dma_wait3A_146 = arith.constant 0 : i32
    %dma_wait3A_147 = arith.constant 0 : i32
    %dma_wait3A_148 = tpu.memref_slice %arg9[%dma_wait3A_143, %dma_wait3A_146, %dma_wait3A_147] : memref<5x125x64xf32, #tpu.memory_space<vmem>> -> memref<1x125x64xf32, #tpu.memory_space<vmem>>
    %dma_wait3A_149 = tpu.memref_squeeze %dma_wait3A_148 : memref<1x125x64xf32, #tpu.memory_space<vmem>> -> memref<125x64xf32, #tpu.memory_space<vmem>>
    %dma_wait3A_150 = arith.constant 0 : i32
    %dma_wait3A_151 = tpu.memref_slice %arg8[%dma_wait3A_144, %dma_wait3A_150] : memref<160x125xi32, #tpu.memory_space<vmem>> -> memref<1x125xi32, #tpu.memory_space<vmem>>
    %dma_wait3A_152 = tpu.memref_squeeze %dma_wait3A_151 : memref<1x125xi32, #tpu.memory_space<vmem>> -> memref<125xi32, #tpu.memory_space<vmem>>
    %dma_wait3A_153 = arith.constant 0 : i32
    %dma_wait3A_154 = arith.constant 0 : i32
    %dma_wait3A_155 = tpu.memref_slice %arg12[%dma_wait3A_153, %dma_wait3A_154] : memref<10000x64xf32, #tpu.memory_space<vmem_shared>> -> memref<10000x64xf32, #tpu.memory_space<vmem_shared>>
    %dma_wait3A_156 = tpu.memref_slice %arg11[%dma_wait3A_145] : memref<5x!tpu.dma_semaphore, #tpu.memory_space<semaphore_mem>> -> memref<1x!tpu.dma_semaphore, #tpu.memory_space<semaphore_mem>>
    %dma_wait3A_157 = tpu.memref_squeeze %dma_wait3A_156 : memref<1x!tpu.dma_semaphore, #tpu.memory_space<semaphore_mem>> -> memref<!tpu.dma_semaphore, #tpu.memory_space<semaphore_mem>>
    tpu.wait_indirect_dma semaphore(%dma_wait3A_157 : memref<!tpu.dma_semaphore, #tpu.memory_space<semaphore_mem>>) src(%dma_wait3A_149 : memref<125x64xf32, #tpu.memory_space<vmem>>) dst(%dma_wait3A_155 : memref<10000x64xf32, #tpu.memory_space<vmem_shared>>)
    %dma_wait3A_158 = arith.constant 4 : i32
    %dma_wait3A_159 = arith.constant 0 : i32
    %dma_wait3A_160 = arith.constant 4 : i32
    %dma_wait3A_161 = arith.constant 0 : i32
    %dma_wait3A_162 = arith.constant 0 : i32
    %dma_wait3A_163 = tpu.memref_slice %arg9[%dma_wait3A_158, %dma_wait3A_161, %dma_wait3A_162] : memref<5x125x64xf32, #tpu.memory_space<vmem>> -> memref<1x125x64xf32, #tpu.memory_space<vmem>>
    %dma_wait3A_164 = tpu.memref_squeeze %dma_wait3A_163 : memref<1x125x64xf32, #tpu.memory_space<vmem>> -> memref<125x64xf32, #tpu.memory_space<vmem>>
    %dma_wait3A_165 = arith.constant 0 : i32
    %dma_wait3A_166 = tpu.memref_slice %arg8[%dma_wait3A_159, %dma_wait3A_165] : memref<160x125xi32, #tpu.memory_space<vmem>> -> memref<1x125xi32, #tpu.memory_space<vmem>>
    %dma_wait3A_167 = tpu.memref_squeeze %dma_wait3A_166 : memref<1x125xi32, #tpu.memory_space<vmem>> -> memref<125xi32, #tpu.memory_space<vmem>>
    %dma_wait3A_168 = arith.constant 0 : i32
    %dma_wait3A_169 = arith.constant 0 : i32
    %dma_wait3A_170 = tpu.memref_slice %arg12[%dma_wait3A_168, %dma_wait3A_169] : memref<10000x64xf32, #tpu.memory_space<vmem_shared>> -> memref<10000x64xf32, #tpu.memory_space<vmem_shared>>
    %dma_wait3A_171 = tpu.memref_slice %arg11[%dma_wait3A_160] : memref<5x!tpu.dma_semaphore, #tpu.memory_space<semaphore_mem>> -> memref<1x!tpu.dma_semaphore, #tpu.memory_space<semaphore_mem>>
    %dma_wait3A_172 = tpu.memref_squeeze %dma_wait3A_171 : memref<1x!tpu.dma_semaphore, #tpu.memory_space<semaphore_mem>> -> memref<!tpu.dma_semaphore, #tpu.memory_space<semaphore_mem>>
    tpu.wait_indirect_dma semaphore(%dma_wait3A_172 : memref<!tpu.dma_semaphore, #tpu.memory_space<semaphore_mem>>) src(%dma_wait3A_164 : memref<125x64xf32, #tpu.memory_space<vmem>>) dst(%dma_wait3A_170 : memref<10000x64xf32, #tpu.memory_space<vmem_shared>>)
    %barrier3A_173 = arith.constant 0 : index
    tpu.barrier barrier_id(%barrier3A_173)
    %mul3A_174 = arith.constant 632 : i32
    %mul3A_175 = arith.muli %arg1, %mul3A_174 : i32
    %multiple_of3A_176 = tpu.assume_multiple %mul3A_175, 8 : i32
    %lt3A_177 = arith.constant 15 : i32
    %lt3A_178 = arith.cmpi slt, %arg1, %lt3A_177 : i32
    %convert_element_type3A_179 = arith.extui %lt3A_178 : i1 to i32
    %cond3A_180 = arith.constant 0 : i32
    %cond3A_181 = arith.cmpi ne, %convert_element_type3A_179, %cond3A_180 : i32
    scf.if %cond3A_181 {
      "tpu.region"() ({
        %run_scoped3A = tpu.sem_alloc : memref<!tpu.dma_semaphore, #tpu.memory_space<semaphore_mem>>
        %dma_start3A_187 = arith.constant 0 : i32
        %dma_start3A_188 = tpu.memref_slice %arg6[%arg0, %multiple_of3A_176, %dma_start3A_187] : memref<2x10000x64xf32, #tpu.memory_space<hbm>> -> memref<1x632x64xf32, #tpu.memory_space<hbm>>
        %dma_start3A_189 = tpu.memref_squeeze %dma_start3A_188 : memref<1x632x64xf32, #tpu.memory_space<hbm>> -> memref<632x64xf32, #tpu.memory_space<hbm>>
        %dma_start3A_190 = arith.constant 0 : i32
        %dma_start3A_191 = tpu.memref_slice %arg12[%multiple_of3A_176, %dma_start3A_190] : memref<10000x64xf32, #tpu.memory_space<vmem_shared>> -> memref<632x64xf32, #tpu.memory_space<vmem_shared>>
        tpu.enqueue_dma source(%dma_start3A_191 : memref<632x64xf32, #tpu.memory_space<vmem_shared>>) target(%dma_start3A_189 : memref<632x64xf32, #tpu.memory_space<hbm>>) target_semaphore(%run_scoped3A : memref<!tpu.dma_semaphore, #tpu.memory_space<semaphore_mem>>)
        %dma_wait3A_192 = arith.constant 0 : i32
        %dma_wait3A_193 = tpu.memref_slice %arg6[%arg0, %multiple_of3A_176, %dma_wait3A_192] : memref<2x10000x64xf32, #tpu.memory_space<hbm>> -> memref<1x632x64xf32, #tpu.memory_space<hbm>>
        %dma_wait3A_194 = tpu.memref_squeeze %dma_wait3A_193 : memref<1x632x64xf32, #tpu.memory_space<hbm>> -> memref<632x64xf32, #tpu.memory_space<hbm>>
        %dma_wait3A_195 = arith.constant 0 : i32
        %dma_wait3A_196 = tpu.memref_slice %arg12[%multiple_of3A_176, %dma_wait3A_195] : memref<10000x64xf32, #tpu.memory_space<vmem_shared>> -> memref<632x64xf32, #tpu.memory_space<vmem_shared>>
        tpu.wait_dma2 semaphore(%run_scoped3A : memref<!tpu.dma_semaphore, #tpu.memory_space<semaphore_mem>>) src(%dma_wait3A_196 : memref<632x64xf32, #tpu.memory_space<vmem_shared>>) dst(%dma_wait3A_194 : memref<632x64xf32, #tpu.memory_space<hbm>>)
        tpu.yield
      }) : () -> ()
    } else {
    }
    %eq3A_182 = arith.constant 15 : i32
    %eq3A_183 = arith.cmpi eq, %arg1, %eq3A_182 : i32
    %convert_element_type3A_184 = arith.extui %eq3A_183 : i1 to i32
    %cond3A_185 = arith.constant 0 : i32
    %cond3A_186 = arith.cmpi ne, %convert_element_type3A_184, %cond3A_185 : i32
    scf.if %cond3A_186 {
      "tpu.region"() ({
        %run_scoped3A = tpu.sem_alloc : memref<!tpu.dma_semaphore, #tpu.memory_space<semaphore_mem>>
        %dma_start3A_187 = arith.constant 9480 : i32
        %dma_start3A_188 = arith.constant 0 : i32
        %dma_start3A_189 = tpu.memref_slice %arg6[%arg0, %dma_start3A_187, %dma_start3A_188] : memref<2x10000x64xf32, #tpu.memory_space<hbm>> -> memref<1x520x64xf32, #tpu.memory_space<hbm>>
        %dma_start3A_190 = tpu.memref_squeeze %dma_start3A_189 : memref<1x520x64xf32, #tpu.memory_space<hbm>> -> memref<520x64xf32, #tpu.memory_space<hbm>>
        %dma_start3A_191 = arith.constant 9480 : i32
        %dma_start3A_192 = arith.constant 0 : i32
        %dma_start3A_193 = tpu.memref_slice %arg12[%dma_start3A_191, %dma_start3A_192] : memref<10000x64xf32, #tpu.memory_space<vmem_shared>> -> memref<520x64xf32, #tpu.memory_space<vmem_shared>>
        tpu.enqueue_dma source(%dma_start3A_193 : memref<520x64xf32, #tpu.memory_space<vmem_shared>>) target(%dma_start3A_190 : memref<520x64xf32, #tpu.memory_space<hbm>>) target_semaphore(%run_scoped3A : memref<!tpu.dma_semaphore, #tpu.memory_space<semaphore_mem>>)
        %dma_wait3A_194 = arith.constant 9480 : i32
        %dma_wait3A_195 = arith.constant 0 : i32
        %dma_wait3A_196 = tpu.memref_slice %arg6[%arg0, %dma_wait3A_194, %dma_wait3A_195] : memref<2x10000x64xf32, #tpu.memory_space<hbm>> -> memref<1x520x64xf32, #tpu.memory_space<hbm>>
        %dma_wait3A_197 = tpu.memref_squeeze %dma_wait3A_196 : memref<1x520x64xf32, #tpu.memory_space<hbm>> -> memref<520x64xf32, #tpu.memory_space<hbm>>
        %dma_wait3A_198 = arith.constant 9480 : i32
        %dma_wait3A_199 = arith.constant 0 : i32
        %dma_wait3A_200 = tpu.memref_slice %arg12[%dma_wait3A_198, %dma_wait3A_199] : memref<10000x64xf32, #tpu.memory_space<vmem_shared>> -> memref<520x64xf32, #tpu.memory_space<vmem_shared>>
        tpu.wait_dma2 semaphore(%run_scoped3A : memref<!tpu.dma_semaphore, #tpu.memory_space<semaphore_mem>>) src(%dma_wait3A_200 : memref<520x64xf32, #tpu.memory_space<vmem_shared>>) dst(%dma_wait3A_197 : memref<520x64xf32, #tpu.memory_space<hbm>>)
        tpu.yield
      }) : () -> ()
    } else {
    }
    return
  }
}

module attributes {stable_mosaic.version = 14 : i64} {
  func.func @_scale_mm_body(%arg0: i32, %arg1: memref<2000x128xf32, #tpu.memory_space<vmem>>, %arg2: memref<128x128xf32, #tpu.memory_space<vmem>>, %arg3: memref<2x2000x16xf32, #tpu.memory_space<vmem>>, %arg4: memref<2x2000x64xf32, #tpu.memory_space<vmem>>) attributes {dimension_semantics = [#tpu.dimension_semantics<arbitrary>], iteration_bounds = array<i64: 5>, scalar_prefetch = 0 : i64, scratch_operands = 0 : i64, tpu.core_type = #tpu.core_type<tc>, window_params = [{transform_indices = @transform_0, window_bounds = array<i64: 2000, 128>}, {pipeline_mode = #tpu.pipeline_mode<synchronous>, transform_indices = @transform_1, window_bounds = array<i64: 128, 128>}, {transform_indices = @transform_2, window_bounds = array<i64: 2, 2000, 16>}, {transform_indices = @transform_3, window_bounds = array<i64: 2, 2000, 64>}]} {
    %get3A = arith.constant 0 : index
    %get3A_0 = arith.constant 0 : index
    %get3A_1 = vector.load %arg1[%get3A, %get3A_0] : memref<2000x128xf32, #tpu.memory_space<vmem>>, vector<2000x128xf32>
    %get3A_2 = arith.constant 0 : index
    %get3A_3 = arith.constant 0 : index
    %get3A_4 = vector.load %arg2[%get3A_2, %get3A_3] : memref<128x128xf32, #tpu.memory_space<vmem>>, vector<128x128xf32>
    %dot_general3A = arith.constant dense<0.000000e+00> : vector<2000x128xf32>
    %dot_general3A_5 = tpu.matmul %get3A_1, %get3A_4, %dot_general3A {dimension_numbers = #tpu.dot_dimension_numbers<[1], [0], [0], [1], [0, 0, 1, 1], [], []>, transpose_lhs_hint = false} : vector<2000x128xf32>, vector<128x128xf32>, vector<2000x128xf32> -> vector<2000x128xf32>
    %get3A_6 = arith.constant 0 : index
    %get3A_7 = arith.constant 0 : index
    %get3A_8 = arith.constant 0 : index
    %get3A_9 = vector.load %arg3[%get3A_6, %get3A_7, %get3A_8] : memref<2x2000x16xf32, #tpu.memory_space<vmem>>, vector<1x2000x1xf32>
    %get3A_10 = vector.shape_cast %get3A_9 : vector<1x2000x1xf32> to vector<2000x1xf32>
    %get3A_11 = arith.constant 1 : index
    %get3A_12 = arith.constant 0 : index
    %get3A_13 = arith.constant 0 : index
    %get3A_14 = vector.load %arg3[%get3A_11, %get3A_12, %get3A_13] : memref<2x2000x16xf32, #tpu.memory_space<vmem>>, vector<1x2000x1xf32>
    %get3A_15 = vector.shape_cast %get3A_14 : vector<1x2000x1xf32> to vector<2000x1xf32>
    %add3A = arith.addf %get3A_10, %get3A_15 : vector<2000x1xf32>
    %add3A_16 = arith.constant 1.000000e+00 : f32
    %add3A_17 = vector.broadcast %add3A_16 : f32 to vector<2000x1xf32>
    %add3A_18 = arith.addf %add3A, %add3A_17 : vector<2000x1xf32>
    %rsqrt3A = math.rsqrt %add3A_18 : vector<2000x1xf32>
    %mul3A = vector.broadcast %rsqrt3A : vector<2000x1xf32> to vector<2000x128xf32>
    %mul3A_19 = arith.mulf %mul3A, %dot_general3A_5 : vector<2000x128xf32>
    %slice3A = vector.extract_strided_slice %mul3A_19 {offsets = [0, 0], sizes = [2000, 64], strides = [1, 1]} : vector<2000x128xf32> to vector<2000x64xf32>
    %swap3A = arith.constant 0 : index
    %swap3A_20 = arith.constant 0 : index
    %swap3A_21 = arith.constant 0 : index
    %swap3A_22 = vector.load %arg4[%swap3A, %swap3A_20, %swap3A_21] : memref<2x2000x64xf32, #tpu.memory_space<vmem>>, vector<1x2000x64xf32>
    %swap3A_23 = vector.shape_cast %swap3A_22 : vector<1x2000x64xf32> to vector<2000x64xf32>
    %swap3A_24 = vector.shape_cast %slice3A : vector<2000x64xf32> to vector<1x2000x64xf32>
    tpu.vector_store %arg4[%swap3A, %swap3A_20, %swap3A_21], %swap3A_24 {strides = array<i32>} : memref<2x2000x64xf32, #tpu.memory_space<vmem>>, vector<1x2000x64xf32>,
    %slice3A_25 = vector.extract_strided_slice %mul3A_19 {offsets = [0, 64], sizes = [2000, 64], strides = [1, 1]} : vector<2000x128xf32> to vector<2000x64xf32>
    %swap3A_26 = arith.constant 1 : index
    %swap3A_27 = arith.constant 0 : index
    %swap3A_28 = arith.constant 0 : index
    %swap3A_29 = vector.load %arg4[%swap3A_26, %swap3A_27, %swap3A_28] : memref<2x2000x64xf32, #tpu.memory_space<vmem>>, vector<1x2000x64xf32>
    %swap3A_30 = vector.shape_cast %swap3A_29 : vector<1x2000x64xf32> to vector<2000x64xf32>
    %swap3A_31 = vector.shape_cast %slice3A_25 : vector<2000x64xf32> to vector<1x2000x64xf32>
    tpu.vector_store %arg4[%swap3A_26, %swap3A_27, %swap3A_28], %swap3A_31 {strides = array<i32>} : memref<2x2000x64xf32, #tpu.memory_space<vmem>>, vector<1x2000x64xf32>,
    return
  }
  func.func @transform_0(%arg0: i32) -> (i32, i32) {
    %c0_i32 = arith.constant 0 : i32
    %c0_i32_0 = arith.constant 0 : i32
    return %arg0, %c0_i32 : i32, i32
  }
  func.func @transform_1(%arg0: i32) -> (i32, i32) {
    %c0_i32 = arith.constant 0 : i32
    %c0_i32_0 = arith.constant 0 : i32
    %c0_i32_1 = arith.constant 0 : i32
    return %c0_i32, %c0_i32_0 : i32, i32
  }
  func.func @transform_2(%arg0: i32) -> (i32, i32, i32) {
    %c0_i32 = arith.constant 0 : i32
    %c0_i32_0 = arith.constant 0 : i32
    %c0_i32_1 = arith.constant 0 : i32
    return %c0_i32, %arg0, %c0_i32_0 : i32, i32, i32
  }
  func.func @transform_3(%arg0: i32) -> (i32, i32, i32) {
    %c0_i32 = arith.constant 0 : i32
    %c0_i32_0 = arith.constant 0 : i32
    %c0_i32_1 = arith.constant 0 : i32
    return %c0_i32, %arg0, %c0_i32_0 : i32, i32, i32
  }
}

module attributes {stable_mosaic.version = 14 : i64} {
  func.func @_layer_body(%arg0: i32, %arg1: memref<2x2000x64xf32, #tpu.memory_space<vmem>>, %arg2: memref<2x2000x64xf32, #tpu.memory_space<vmem>>, %arg3: memref<2x2000x16xf32, #tpu.memory_space<vmem>>, %arg4: memref<1x128xf32, #tpu.memory_space<vmem>>, %arg5: memref<128x128xf32, #tpu.memory_space<vmem>>, %arg6: memref<2x2000x64xf32, #tpu.memory_space<vmem>>) attributes {dimension_semantics = [#tpu.dimension_semantics<arbitrary>], iteration_bounds = array<i64: 5>, scalar_prefetch = 0 : i64, scratch_operands = 0 : i64, tpu.core_type = #tpu.core_type<tc>, window_params = [{transform_indices = @transform_0, window_bounds = array<i64: 2, 2000, 64>}, {transform_indices = @transform_1, window_bounds = array<i64: 2, 2000, 64>}, {transform_indices = @transform_2, window_bounds = array<i64: 2, 2000, 16>}, {pipeline_mode = #tpu.pipeline_mode<synchronous>, transform_indices = @transform_3, window_bounds = array<i64: 1, 128>}, {pipeline_mode = #tpu.pipeline_mode<synchronous>, transform_indices = @transform_4, window_bounds = array<i64: 128, 128>}, {transform_indices = @transform_5, window_bounds = array<i64: 2, 2000, 64>}]} {
    %get3A = arith.constant 0 : index
    %get3A_0 = arith.constant 0 : index
    %get3A_1 = arith.constant 0 : index
    %get3A_2 = vector.load %arg3[%get3A, %get3A_0, %get3A_1] : memref<2x2000x16xf32, #tpu.memory_space<vmem>>, vector<1x2000x1xf32>
    %get3A_3 = vector.shape_cast %get3A_2 : vector<1x2000x1xf32> to vector<2000x1xf32>
    %get3A_4 = arith.constant 1 : index
    %get3A_5 = arith.constant 0 : index
    %get3A_6 = arith.constant 0 : index
    %get3A_7 = vector.load %arg3[%get3A_4, %get3A_5, %get3A_6] : memref<2x2000x16xf32, #tpu.memory_space<vmem>>, vector<1x2000x1xf32>
    %get3A_8 = vector.shape_cast %get3A_7 : vector<1x2000x1xf32> to vector<2000x1xf32>
    %add3A = arith.addf %get3A_3, %get3A_8 : vector<2000x1xf32>
    %add3A_9 = arith.constant 1.000000e+00 : f32
    %add3A_10 = vector.broadcast %add3A_9 : f32 to vector<2000x1xf32>
    %add3A_11 = arith.addf %add3A, %add3A_10 : vector<2000x1xf32>
    %rsqrt3A = math.rsqrt %add3A_11 : vector<2000x1xf32>
    %get3A_12 = arith.constant 0 : index
    %get3A_13 = arith.constant 0 : index
    %get3A_14 = arith.constant 0 : index
    %get3A_15 = vector.load %arg1[%get3A_12, %get3A_13, %get3A_14] : memref<2x2000x64xf32, #tpu.memory_space<vmem>>, vector<1x2000x64xf32>
    %get3A_16 = vector.shape_cast %get3A_15 : vector<1x2000x64xf32> to vector<2000x64xf32>
    %get3A_17 = arith.constant 0 : index
    %get3A_18 = arith.constant 0 : index
    %get3A_19 = arith.constant 0 : index
    %get3A_20 = vector.load %arg2[%get3A_17, %get3A_18, %get3A_19] : memref<2x2000x64xf32, #tpu.memory_space<vmem>>, vector<1x2000x64xf32>
    %get3A_21 = vector.shape_cast %get3A_20 : vector<1x2000x64xf32> to vector<2000x64xf32>
    %add3A_22 = arith.addf %get3A_16, %get3A_21 : vector<2000x64xf32>
    %get3A_23 = arith.constant 1 : index
    %get3A_24 = arith.constant 0 : index
    %get3A_25 = arith.constant 0 : index
    %get3A_26 = vector.load %arg1[%get3A_23, %get3A_24, %get3A_25] : memref<2x2000x64xf32, #tpu.memory_space<vmem>>, vector<1x2000x64xf32>
    %get3A_27 = vector.shape_cast %get3A_26 : vector<1x2000x64xf32> to vector<2000x64xf32>
    %get3A_28 = arith.constant 1 : index
    %get3A_29 = arith.constant 0 : index
    %get3A_30 = arith.constant 0 : index
    %get3A_31 = vector.load %arg2[%get3A_28, %get3A_29, %get3A_30] : memref<2x2000x64xf32, #tpu.memory_space<vmem>>, vector<1x2000x64xf32>
    %get3A_32 = vector.shape_cast %get3A_31 : vector<1x2000x64xf32> to vector<2000x64xf32>
    %add3A_33 = arith.addf %get3A_27, %get3A_32 : vector<2000x64xf32>
    %concatenate3A = tpu.concatenate %add3A_22, %add3A_33 in 1 : vector<2000x64xf32>, vector<2000x64xf32> -> vector<2000x128xf32>
    %mul3A = vector.broadcast %rsqrt3A : vector<2000x1xf32> to vector<2000x128xf32>
    %mul3A_34 = arith.mulf %mul3A, %concatenate3A : vector<2000x128xf32>
    %get3A_35 = arith.constant 0 : index
    %get3A_36 = arith.constant 0 : index
    %get3A_37 = vector.load %arg4[%get3A_35, %get3A_36] : memref<1x128xf32, #tpu.memory_space<vmem>>, vector<1x128xf32>
    %add3A_38 = vector.broadcast %get3A_37 : vector<1x128xf32> to vector<2000x128xf32>
    %add3A_39 = arith.addf %mul3A_34, %add3A_38 : vector<2000x128xf32>
    %max3A = arith.constant 0.000000e+00 : f32
    %max3A_40 = vector.broadcast %max3A : f32 to vector<2000x128xf32>
    %max3A_41 = arith.maximumf %add3A_39, %max3A_40 : vector<2000x128xf32>
    %get3A_42 = arith.constant 0 : index
    %get3A_43 = arith.constant 0 : index
    %get3A_44 = vector.load %arg5[%get3A_42, %get3A_43] : memref<128x128xf32, #tpu.memory_space<vmem>>, vector<128x128xf32>
    %dot_general3A = arith.constant dense<0.000000e+00> : vector<2000x128xf32>
    %dot_general3A_45 = tpu.matmul %max3A_41, %get3A_44, %dot_general3A {dimension_numbers = #tpu.dot_dimension_numbers<[1], [0], [0], [1], [0, 0, 1, 1], [], []>, transpose_lhs_hint = false} : vector<2000x128xf32>, vector<128x128xf32>, vector<2000x128xf32> -> vector<2000x128xf32>
    %mul3A_46 = vector.broadcast %rsqrt3A : vector<2000x1xf32> to vector<2000x128xf32>
    %mul3A_47 = arith.mulf %mul3A_46, %dot_general3A_45 : vector<2000x128xf32>
    %slice3A = vector.extract_strided_slice %mul3A_47 {offsets = [0, 0], sizes = [2000, 64], strides = [1, 1]} : vector<2000x128xf32> to vector<2000x64xf32>
    %swap3A = arith.constant 0 : index
    %swap3A_48 = arith.constant 0 : index
    %swap3A_49 = arith.constant 0 : index
    %swap3A_50 = vector.load %arg6[%swap3A, %swap3A_48, %swap3A_49] : memref<2x2000x64xf32, #tpu.memory_space<vmem>>, vector<1x2000x64xf32>
    %swap3A_51 = vector.shape_cast %swap3A_50 : vector<1x2000x64xf32> to vector<2000x64xf32>
    %swap3A_52 = vector.shape_cast %slice3A : vector<2000x64xf32> to vector<1x2000x64xf32>
    tpu.vector_store %arg6[%swap3A, %swap3A_48, %swap3A_49], %swap3A_52 {strides = array<i32>} : memref<2x2000x64xf32, #tpu.memory_space<vmem>>, vector<1x2000x64xf32>,
    %slice3A_53 = vector.extract_strided_slice %mul3A_47 {offsets = [0, 64], sizes = [2000, 64], strides = [1, 1]} : vector<2000x128xf32> to vector<2000x64xf32>
    %swap3A_54 = arith.constant 1 : index
    %swap3A_55 = arith.constant 0 : index
    %swap3A_56 = arith.constant 0 : index
    %swap3A_57 = vector.load %arg6[%swap3A_54, %swap3A_55, %swap3A_56] : memref<2x2000x64xf32, #tpu.memory_space<vmem>>, vector<1x2000x64xf32>
    %swap3A_58 = vector.shape_cast %swap3A_57 : vector<1x2000x64xf32> to vector<2000x64xf32>
    %swap3A_59 = vector.shape_cast %slice3A_53 : vector<2000x64xf32> to vector<1x2000x64xf32>
    tpu.vector_store %arg6[%swap3A_54, %swap3A_55, %swap3A_56], %swap3A_59 {strides = array<i32>} : memref<2x2000x64xf32, #tpu.memory_space<vmem>>, vector<1x2000x64xf32>,
    return
  }
  func.func @transform_0(%arg0: i32) -> (i32, i32, i32) {
    %c0_i32 = arith.constant 0 : i32
    %c0_i32_0 = arith.constant 0 : i32
    %c0_i32_1 = arith.constant 0 : i32
    return %c0_i32, %arg0, %c0_i32_0 : i32, i32, i32
  }
  func.func @transform_1(%arg0: i32) -> (i32, i32, i32) {
    %c0_i32 = arith.constant 0 : i32
    %c0_i32_0 = arith.constant 0 : i32
    %c0_i32_1 = arith.constant 0 : i32
    return %c0_i32, %arg0, %c0_i32_0 : i32, i32, i32
  }
  func.func @transform_2(%arg0: i32) -> (i32, i32, i32) {
    %c0_i32 = arith.constant 0 : i32
    %c0_i32_0 = arith.constant 0 : i32
    %c0_i32_1 = arith.constant 0 : i32
    return %c0_i32, %arg0, %c0_i32_0 : i32, i32, i32
  }
  func.func @transform_3(%arg0: i32) -> (i32, i32) {
    %c0_i32 = arith.constant 0 : i32
    %c0_i32_0 = arith.constant 0 : i32
    %c0_i32_1 = arith.constant 0 : i32
    return %c0_i32, %c0_i32_0 : i32, i32
  }
  func.func @transform_4(%arg0: i32) -> (i32, i32) {
    %c0_i32 = arith.constant 0 : i32
    %c0_i32_0 = arith.constant 0 : i32
    %c0_i32_1 = arith.constant 0 : i32
    return %c0_i32, %c0_i32_0 : i32, i32
  }
  func.func @transform_5(%arg0: i32) -> (i32, i32, i32) {
    %c0_i32 = arith.constant 0 : i32
    %c0_i32_0 = arith.constant 0 : i32
    %c0_i32_1 = arith.constant 0 : i32
    return %c0_i32, %arg0, %c0_i32_0 : i32, i32, i32
  }
}

module attributes {stable_mosaic.version = 14 : i64} {
  func.func @_final_body(%arg0: i32, %arg1: memref<2x2000x64xf32, #tpu.memory_space<vmem>>, %arg2: memref<2x2000x64xf32, #tpu.memory_space<vmem>>, %arg3: memref<2x2000x16xf32, #tpu.memory_space<vmem>>, %arg4: memref<1x128xf32, #tpu.memory_space<vmem>>, %arg5: memref<1x128xf32, #tpu.memory_space<vmem>>, %arg6: memref<1x128xf32, #tpu.memory_space<vmem>>, %arg7: memref<1xf32, #tpu.memory_space<smem>>, %arg8: memref<2000x128xf32, #tpu.memory_space<vmem>>, %arg9: memref<2000x1xf32, #tpu.memory_space<vmem>>, %arg10: memref<2000x1xf32, #tpu.memory_space<vmem>>) attributes {dimension_semantics = [#tpu.dimension_semantics<arbitrary>], iteration_bounds = array<i64: 5>, scalar_prefetch = 0 : i64, scratch_operands = 0 : i64, tpu.core_type = #tpu.core_type<tc>, window_params = [{transform_indices = @transform_0, window_bounds = array<i64: 2, 2000, 64>}, {transform_indices = @transform_1, window_bounds = array<i64: 2, 2000, 64>}, {transform_indices = @transform_2, window_bounds = array<i64: 2, 2000, 16>}, {pipeline_mode = #tpu.pipeline_mode<synchronous>, transform_indices = @transform_3, window_bounds = array<i64: 1, 128>}, {pipeline_mode = #tpu.pipeline_mode<synchronous>, transform_indices = @transform_4, window_bounds = array<i64: 1, 128>}, {pipeline_mode = #tpu.pipeline_mode<synchronous>, transform_indices = @transform_5, window_bounds = array<i64: 1, 128>}, {transform_indices = @transform_6, window_bounds = array<i64: 1>}, {transform_indices = @transform_7, window_bounds = array<i64: 2000, 128>}, {transform_indices = @transform_8, window_bounds = array<i64: 2000, 1>}, {transform_indices = @transform_9, window_bounds = array<i64: 2000, 1>}]} {
    %get3A = arith.constant 0 : index
    %get3A_0 = arith.constant 0 : index
    %get3A_1 = arith.constant 0 : index
    %get3A_2 = vector.load %arg3[%get3A, %get3A_0, %get3A_1] : memref<2x2000x16xf32, #tpu.memory_space<vmem>>, vector<1x2000x1xf32>
    %get3A_3 = vector.shape_cast %get3A_2 : vector<1x2000x1xf32> to vector<2000x1xf32>
    %get3A_4 = arith.constant 1 : index
    %get3A_5 = arith.constant 0 : index
    %get3A_6 = arith.constant 0 : index
    %get3A_7 = vector.load %arg3[%get3A_4, %get3A_5, %get3A_6] : memref<2x2000x16xf32, #tpu.memory_space<vmem>>, vector<1x2000x1xf32>
    %get3A_8 = vector.shape_cast %get3A_7 : vector<1x2000x1xf32> to vector<2000x1xf32>
    %add3A = arith.addf %get3A_3, %get3A_8 : vector<2000x1xf32>
    %add3A_9 = arith.constant 1.000000e+00 : f32
    %add3A_10 = vector.broadcast %add3A_9 : f32 to vector<2000x1xf32>
    %add3A_11 = arith.addf %add3A, %add3A_10 : vector<2000x1xf32>
    %rsqrt3A = math.rsqrt %add3A_11 : vector<2000x1xf32>
    %get3A_12 = arith.constant 0 : index
    %get3A_13 = arith.constant 0 : index
    %get3A_14 = arith.constant 0 : index
    %get3A_15 = vector.load %arg1[%get3A_12, %get3A_13, %get3A_14] : memref<2x2000x64xf32, #tpu.memory_space<vmem>>, vector<1x2000x64xf32>
    %get3A_16 = vector.shape_cast %get3A_15 : vector<1x2000x64xf32> to vector<2000x64xf32>
    %get3A_17 = arith.constant 0 : index
    %get3A_18 = arith.constant 0 : index
    %get3A_19 = arith.constant 0 : index
    %get3A_20 = vector.load %arg2[%get3A_17, %get3A_18, %get3A_19] : memref<2x2000x64xf32, #tpu.memory_space<vmem>>, vector<1x2000x64xf32>
    %get3A_21 = vector.shape_cast %get3A_20 : vector<1x2000x64xf32> to vector<2000x64xf32>
    %add3A_22 = arith.addf %get3A_16, %get3A_21 : vector<2000x64xf32>
    %get3A_23 = arith.constant 1 : index
    %get3A_24 = arith.constant 0 : index
    %get3A_25 = arith.constant 0 : index
    %get3A_26 = vector.load %arg1[%get3A_23, %get3A_24, %get3A_25] : memref<2x2000x64xf32, #tpu.memory_space<vmem>>, vector<1x2000x64xf32>
    %get3A_27 = vector.shape_cast %get3A_26 : vector<1x2000x64xf32> to vector<2000x64xf32>
    %get3A_28 = arith.constant 1 : index
    %get3A_29 = arith.constant 0 : index
    %get3A_30 = arith.constant 0 : index
    %get3A_31 = vector.load %arg2[%get3A_28, %get3A_29, %get3A_30] : memref<2x2000x64xf32, #tpu.memory_space<vmem>>, vector<1x2000x64xf32>
    %get3A_32 = vector.shape_cast %get3A_31 : vector<1x2000x64xf32> to vector<2000x64xf32>
    %add3A_33 = arith.addf %get3A_27, %get3A_32 : vector<2000x64xf32>
    %concatenate3A = tpu.concatenate %add3A_22, %add3A_33 in 1 : vector<2000x64xf32>, vector<2000x64xf32> -> vector<2000x128xf32>
    %mul3A = vector.broadcast %rsqrt3A : vector<2000x1xf32> to vector<2000x128xf32>
    %mul3A_34 = arith.mulf %mul3A, %concatenate3A : vector<2000x128xf32>
    %get3A_35 = arith.constant 0 : index
    %get3A_36 = arith.constant 0 : index
    %get3A_37 = vector.load %arg4[%get3A_35, %get3A_36] : memref<1x128xf32, #tpu.memory_space<vmem>>, vector<1x128xf32>
    %add3A_38 = vector.broadcast %get3A_37 : vector<1x128xf32> to vector<2000x128xf32>
    %add3A_39 = arith.addf %mul3A_34, %add3A_38 : vector<2000x128xf32>
    %max3A = arith.constant 0.000000e+00 : f32
    %max3A_40 = vector.broadcast %max3A : f32 to vector<2000x128xf32>
    %max3A_41 = arith.maximumf %add3A_39, %max3A_40 : vector<2000x128xf32>
    %swap3A = arith.constant 0 : index
    %swap3A_42 = arith.constant 0 : index
    %swap3A_43 = vector.load %arg8[%swap3A, %swap3A_42] : memref<2000x128xf32, #tpu.memory_space<vmem>>, vector<2000x128xf32>
    tpu.vector_store %arg8[%swap3A, %swap3A_42], %max3A_41 {strides = array<i32>} : memref<2000x128xf32, #tpu.memory_space<vmem>>, vector<2000x128xf32>,
    %get3A_44 = arith.constant 0 : index
    %get3A_45 = arith.constant 0 : index
    %get3A_46 = vector.load %arg5[%get3A_44, %get3A_45] : memref<1x128xf32, #tpu.memory_space<vmem>>, vector<1x128xf32>
    %mul3A_47 = vector.broadcast %get3A_46 : vector<1x128xf32> to vector<2000x128xf32>
    %mul3A_48 = arith.mulf %max3A_41, %mul3A_47 : vector<2000x128xf32>
    %reduce_sum3A = arith.constant dense<0.000000e+00> : vector<2000xf32>
    %reduce_sum3A_49 = vector.multi_reduction <add>, %mul3A_48, %reduce_sum3A [1] : vector<2000x128xf32> to vector<2000xf32>
    %broadcast_in_dim3A = vector.shape_cast %reduce_sum3A_49 : vector<2000xf32> to vector<2000x1xf32>
    %get3A_50 = arith.constant 0 : index
    %get3A_51 = memref.load %arg7[%get3A_50] : memref<1xf32, #tpu.memory_space<smem>>
    %add3A_52 = vector.broadcast %get3A_51 : f32 to vector<2000x1xf32>
    %add3A_53 = arith.addf %broadcast_in_dim3A, %add3A_52 : vector<2000x1xf32>
    %swap3A_54 = arith.constant 0 : index
    %swap3A_55 = arith.constant 0 : index
    %swap3A_56 = vector.load %arg9[%swap3A_54, %swap3A_55] : memref<2000x1xf32, #tpu.memory_space<vmem>>, vector<2000x1xf32>
    tpu.vector_store %arg9[%swap3A_54, %swap3A_55], %add3A_53 {strides = array<i32>} : memref<2000x1xf32, #tpu.memory_space<vmem>>, vector<2000x1xf32>,
    %get3A_57 = arith.constant 0 : index
    %get3A_58 = arith.constant 0 : index
    %get3A_59 = vector.load %arg6[%get3A_57, %get3A_58] : memref<1x128xf32, #tpu.memory_space<vmem>>, vector<1x128xf32>
    %mul3A_60 = vector.broadcast %get3A_59 : vector<1x128xf32> to vector<2000x128xf32>
    %mul3A_61 = arith.mulf %max3A_41, %mul3A_60 : vector<2000x128xf32>
    %reduce_sum3A_62 = arith.constant dense<0.000000e+00> : vector<2000xf32>
    %reduce_sum3A_63 = vector.multi_reduction <add>, %mul3A_61, %reduce_sum3A_62 [1] : vector<2000x128xf32> to vector<2000xf32>
    %broadcast_in_dim3A_64 = vector.shape_cast %reduce_sum3A_63 : vector<2000xf32> to vector<2000x1xf32>
    %swap3A_65 = arith.constant 0 : index
    %swap3A_66 = arith.constant 0 : index
    %swap3A_67 = vector.load %arg10[%swap3A_65, %swap3A_66] : memref<2000x1xf32, #tpu.memory_space<vmem>>, vector<2000x1xf32>
    tpu.vector_store %arg10[%swap3A_65, %swap3A_66], %broadcast_in_dim3A_64 {strides = array<i32>} : memref<2000x1xf32, #tpu.memory_space<vmem>>, vector<2000x1xf32>,
    return
  }
  func.func @transform_0(%arg0: i32) -> (i32, i32, i32) {
    %c0_i32 = arith.constant 0 : i32
    %c0_i32_0 = arith.constant 0 : i32
    %c0_i32_1 = arith.constant 0 : i32
    return %c0_i32, %arg0, %c0_i32_0 : i32, i32, i32
  }
  func.func @transform_1(%arg0: i32) -> (i32, i32, i32) {
    %c0_i32 = arith.constant 0 : i32
    %c0_i32_0 = arith.constant 0 : i32
    %c0_i32_1 = arith.constant 0 : i32
    return %c0_i32, %arg0, %c0_i32_0 : i32, i32, i32
  }
  func.func @transform_2(%arg0: i32) -> (i32, i32, i32) {
    %c0_i32 = arith.constant 0 : i32
    %c0_i32_0 = arith.constant 0 : i32
    %c0_i32_1 = arith.constant 0 : i32
    return %c0_i32, %arg0, %c0_i32_0 : i32, i32, i32
  }
  func.func @transform_3(%arg0: i32) -> (i32, i32) {
    %c0_i32 = arith.constant 0 : i32
    %c0_i32_0 = arith.constant 0 : i32
    %c0_i32_1 = arith.constant 0 : i32
    return %c0_i32, %c0_i32_0 : i32, i32
  }
  func.func @transform_4(%arg0: i32) -> (i32, i32) {
    %c0_i32 = arith.constant 0 : i32
    %c0_i32_0 = arith.constant 0 : i32
    %c0_i32_1 = arith.constant 0 : i32
    return %c0_i32, %c0_i32_0 : i32, i32
  }
  func.func @transform_5(%arg0: i32) -> (i32, i32) {
    %c0_i32 = arith.constant 0 : i32
    %c0_i32_0 = arith.constant 0 : i32
    %c0_i32_1 = arith.constant 0 : i32
    return %c0_i32, %c0_i32_0 : i32, i32
  }
  func.func @transform_6(%arg0: i32) -> i32 {
    %c0_i32 = arith.constant 0 : i32
    %c0_i32_0 = arith.constant 0 : i32
    return %c0_i32 : i32
  }
  func.func @transform_7(%arg0: i32) -> (i32, i32) {
    %c0_i32 = arith.constant 0 : i32
    %c0_i32_0 = arith.constant 0 : i32
    return %arg0, %c0_i32 : i32, i32
  }
  func.func @transform_8(%arg0: i32) -> (i32, i32) {
    %c0_i32 = arith.constant 0 : i32
    %c0_i32_0 = arith.constant 0 : i32
    return %arg0, %c0_i32 : i32, i32
  }
  func.func @transform_9(%arg0: i32) -> (i32, i32) {
    %c0_i32 = arith.constant 0 : i32
    %c0_i32_0 = arith.constant 0 : i32
    return %arg0, %c0_i32 : i32, i32
  }
}

</mosaic_0001>

<sc_bundles>
// kernel: kernel.12.cloned.1.call-start
scs
__scs_entry_jumppad:
0x0: {  	(pc) =	sbr.rel $0x88, $3  }
0x1: {  	(tag) =	ssettag $0x0;
	lr =	simm.s32 $0x1  }
0x2: {  	[smem:$0x3F98] =	sst lr;
	_ =	strace $0xD0000000  }
0x3: {  	_ = 	snop  }
0x4: {  	_ = 	snop  }
0x5: {  	_ = 	snop  }
0x6: {  	_ = 	snop  }
0x7: {  	_ = 	snop  }
__scs_overlays_trampoline_lowered:
0x8: {  	[smem:$0x3FA7] =	sst s0  }
0x9: {  	[smem:$0x3FA8] =	sst s1  }
0xa: {  	[smem:$0x3FA9] =	sst s2  }
0xb: {  	[smem:$0x3FAA] =	sst s3  }
0xc: {  	[smem:$0x3FAB] =	sst s4  }
0xd: {  	[smem:$0x3FAC] =	sst s5  }
0xe: {  	[smem:$0x3FAD] =	sst s6  }
0xf: {  	[smem:$0x3FAE] =	sst s7  }
0x10: {  	[smem:$0x3FAF] =	sst s8  }
0x11: {  	[smem:$0x3FB0] =	sst s9;
	s0 =	simm.s32 @!p0 $0x0  }
0x12: {  	s1 =	sld [smem:$0x3F96];
	s0 =	simm.s32 @p0 $0x1  }
0x13: {  	[smem:$0x3FB1] =	sst s0;
	s0 =	simm.s32 @!p1 $0x0  }
0x14: {  	s2 =	sld [smem:$0x3F95];
	s0 =	simm.s32 @p1 $0x1  }
0x15: {  	[smem:$0x3FB2] =	sst s0;
	s0 =	simm.s32 @!p2 $0x0  }
0x16: {  	s3 =	sld [smem:$0x3FDB];
	s0 =	simm.s32 @p2 $0x1  }
0x17: {  	s4 =	simm.s32 $0x1BF5;
	[smem:$0x3FB4] =	sst s0  }
0x18: {  	s0 =	sld [smem:$0x3F97];
	_ =	swait.ge [sflag:s4], $0x0  }
0x19: {  	s7 =	sld [smem:$0x3F98]  }
0x1a: {  	s8 =	sadd.s32 $0xFFFFE003, lr  }
0x1b: {  	s9 =	sadd.s32 $0xFFFFFEF7, lr;
	s5 =	simm.s32 $0xFFFFFFFF;
	p2 =	slt.u32 s8, $0xFFFFF086  }
0x1c: {  	p1 =	slt.u32 s9, $0xF7A;
	s5 =	simm.s32 @!p2 $0x0  }
0x1d: {  	s5 =	simm.s32 @p1 $0x1;
	p0 =	seq.s32 s7, s2  }
0x1e: {  	s7 =	smul.u32 @!p0 $0xF7A, s2;
	p2 =	seq.s32 @!p0 s5, $0x0  }
0x1f: {  	s9 =	smul.u32 $0xF7A, s1;
	s8 =	simm.s32 @!p0 $0x1BF5;
	p2 =	por !p2, p0  }
0x20: {  	[sflag:s8] =	ssyncset.s32 @!p0 $0xFFFFF086;
	s6 =	sadd.s32 @!p0 s3, s7;
	s7 =	simm.s32 @!p0 $0x108  }
0x21: {  	s3 =	sadd.s32 s3, s9;
	s6 =	sadd.s32 @!p0 $0x88, s6;
	s7 =	simm.s32 @p2 $0x1082  }
0x22: {  	[simem:s7], [sflag:s8] =	dma.local @!p0 [hbm:s6], $0xF7A  }
0x23: {  	s9 =	sor.u32 $0xD0000000, s2;
	s6 =	simm.s32 $0x108;
	_ =	swait.ge @!p0 [sflag:s8], $0x0  }
0x24: {  	s3 =	sadd.s32 $0x88, s3;
	s6 =	simm.s32 @!p1 $0x1082;
	[sflag:s4] =	ssyncset.s32 $0xFFFFF086  }
0x25: {  	[simem:s6], [sflag:s4] =	dma.local [hbm:s3], $0xF7A  }
0x26: {  	[smem:$0x3F98] =	sst s1;
	(tag) =	ssettag s2;
	_ =	strace s9  }
0x27: {  	s1 =	sld [smem:$0x3FA8]  }
0x28: {  	s2 =	sld [smem:$0x3FA9]  }
0x29: {  	s4 =	sld [smem:$0x3FAB]  }
0x2a: {  	p0 =	seq.s32 s5, $0x0;
	s5 =	sld [smem:$0x3FAC]  }
0x2b: {  	s6 =	sld [smem:$0x3FAD]  }
0x2c: {  	s7 =	sld [smem:$0x3FAE]  }
0x2d: {  	s3 =	simm.s32 $0x108;
	s8 =	sld [smem:$0x3FAF]  }
0x2e: {  	s3 =	simm.s32 @!p0 $0x1082;
	s9 =	sld [smem:$0x3FB0]  }
0x2f: {  	lr =	sadd.s32 s0, s3;
	s0 =	sld [smem:$0x3FA7]  }
0x30: {  	s3 =	sld [smem:$0x3FAA]  }
0x31: {  	[smem:$0x3FB3] =	sst s10  }
0x32: {  	s10 =	sld [smem:$0x3FB1];
	_ =	sdelay $0x3  }
0x33: {  	p0 =	seq.s32 s10, $0x1;
	s10 =	sld [smem:$0x3FB3];
	_ =	sdelay $0x3  }
0x34: {  	[smem:$0x3FB3] =	sst s10  }
0x35: {  	s10 =	sld [smem:$0x3FB2];
	_ =	sdelay $0x3  }
0x36: {  	p1 =	seq.s32 s10, $0x1;
	s10 =	sld [smem:$0x3FB3];
	_ =	sdelay $0x3  }
0x37: {  	[smem:$0x3FB3] =	sst s10  }
0x38: {  	s10 =	sld [smem:$0x3FB4]  }
0x39: {  	_ = 	snop;
	(pc) =	sbr.ind lr, $3  }
0x3a: {  	_ = 	snop  }
0x3b: {  	_ = 	snop  }
0x3c: {  	p2 =	seq.s32 s10, $0x1;
	s10 =	sld [smem:$0x3FB3]  }
0x3d: {  	_ =	shalt  }
0x3e: {  	_ =	shalt  }
0x3f: {  	_ =	shalt  }
0x40: {  	_ =	shalt  }
0x41: {  	_ =	shalt  }
0x42: {  	_ =	shalt  }
0x43: {  	_ =	shalt  }
0x44: {  	_ =	shalt  }
0x45: {  	_ =	shalt  }
0x46: {  	_ =	shalt  }
0x47: {  	_ =	shalt  }
0x48: {  	_ =	shalt  }
0x49: {  	_ =	shalt  }
0x4a: {  	_ =	shalt  }
0x4b: {  	_ =	shalt  }
0x4c: {  	_ =	shalt  }
0x4d: {  	_ =	shalt  }
0x4e: {  	_ =	shalt  }
0x4f: {  	_ =	shalt  }
0x50: {  	_ =	shalt  }
0x51: {  	_ =	shalt  }
0x52: {  	_ =	shalt  }
0x53: {  	_ =	shalt  }
0x54: {  	_ =	shalt  }
0x55: {  	_ =	shalt  }
0x56: {  	_ =	shalt  }
0x57: {  	_ =	shalt  }
0x58: {  	_ =	shalt  }
0x59: {  	_ =	shalt  }
0x5a: {  	_ =	shalt  }
0x5b: {  	_ =	shalt  }
0x5c: {  	_ =	shalt  }
0x5d: {  	_ =	shalt  }
0x5e: {  	_ =	shalt  }
0x5f: {  	_ =	shalt  }
0x60: {  	_ =	shalt  }
0x61: {  	_ =	shalt  }
0x62: {  	_ =	shalt  }
0x63: {  	_ =	shalt  }
0x64: {  	_ =	shalt  }
0x65: {  	_ =	shalt  }
0x66: {  	_ =	shalt  }
0x67: {  	_ =	shalt  }
0x68: {  	_ =	shalt  }
0x69: {  	_ =	shalt  }
0x6a: {  	_ =	shalt  }
0x6b: {  	_ =	shalt  }
0x6c: {  	_ =	shalt  }
0x6d: {  	_ =	shalt  }
0x6e: {  	_ =	shalt  }
0x6f: {  	_ =	shalt  }
0x70: {  	_ =	shalt  }
0x71: {  	_ =	shalt  }
0x72: {  	_ =	shalt  }
0x73: {  	_ =	shalt  }
0x74: {  	_ =	shalt  }
0x75: {  	_ =	shalt  }
0x76: {  	_ =	shalt  }
0x77: {  	_ =	shalt  }
0x78: {  	_ =	shalt  }
0x79: {  	_ =	shalt  }
0x7a: {  	_ =	shalt  }
0x7b: {  	_ =	shalt  }
0x7c: {  	_ =	shalt  }
0x7d: {  	_ =	shalt  }
0x7e: {  	_ =	shalt  }
0x7f: {  	_ =	shalt  }
0x80: {  	_ =	shalt  }
0x81: {  	_ =	shalt  }
0x82: {  	_ =	shalt  }
0x83: {  	_ =	shalt  }
0x84: {  	_ =	shalt  }
0x85: {  	_ =	shalt  }
0x86: {  	_ =	shalt  }
0x87: {  	_ =	shalt  }
.Lfunc_end0:
.L_simem_size_0:
called_computation.1_lowered:
.L_overlay_start_0:
0x88: {  	s2 =	sld [smem:$0x3FD9]  }
0x89: {  	s3 =	sld [smem:$0x3FFE];
	_ =	sdelay $0x1  }
0x8a: {  	s1 =	srdreg.scid  }
0x8b: {  	s0 =	sand.u32 $0x1, s1  }
0x8c: {  	s14 =	sshll.u32 s0, $0xA;
	s2 =	sadd.s32 s3, s2  }
0x8d: {  	s2 =	sadd.s32 s2, s14  }
0x8e: {  	[smem:$0x3FBF] =	sst s2  }
0x8f: {  	_ = 	snop  }
0x90: {  	s2 =	sld [smem:$0x3FD0];
	_ =	sdelay $0x2  }
0x91: {  	s15 =	simm.s32 $0xA;
	s4 =	simm.s32 $0x10  }
0x92: {  	[smem:s4], [sflag:s15] =	dma.local [hbm:s2], $0x1  }
0x93: {  	_ =	swait.eq [sflag:s15], $0x1  }
0x94: {  	[sflag:s15] =	ssyncset.done $0x0  }
0x95: {  	[sflag:s15] =	ssyncadd.s32 $0xFFFFFFFF  }
0x96: {  	s16 =	sld [smem:$0x10];
	(tm) =	ssettm $0x1  }
0x97: {  	s17 =	sld [smem:$0x3FFB];
	_ =	sdelay $0x3  }
0x98: {  	_ =	strace s17  }
0x99: {  	s3 =	sld [smem:$0x3FFC];
	_ =	sdelay $0x3  }
0x9a: {  	_ =	strace s3  }
0x9b: {  	s3 =	sld [smem:$0x3FFD];
	_ =	sdelay $0x3  }
0x9c: {  	_ =	strace s3  }
0x9d: {  	_ =	strace $0x8FFFFFFF  }
0x9e: {  	s18 =	sld [smem:$0x3FDB];
	_ =	sdelay $0x1  }
0x9f: {  	s19 =	simm.s32 $_scs_section_size  }
0xa0: {  	s5 =	simm.s32 $_size__tile_overlayer_lowered;
	s6 =	simm.s32 $_tile_overlayer_lowered  }
0xa1: {  	s22 =	simm.s32 $0x1BFF;
	s21 =	sshll.u32 s6, $0x1;
	s3 =	sadd.s32 s19, s18  }
0xa2: {  	s7 =	simm.s32 $0x0;
	s20 =	sshll.u32 s5, $0x1;
	s5 =	sadd.s32 s21, s3  }
0xa3: {  	[timem:s7], [sflag:s22] =	dma.local [hbm:s5], s20  }
0xa4: {  	_ =	swait.ge [sflag:s22], s20  }
0xa5: {  	s4 =	ssub.s32 $0x0, s20;
	[sflag:s22] =	ssyncset.done $0x0  }
0xa6: {  	[sflag:s22] =	ssyncadd.s32 s4;
	_ =	sdelay $0x1  }
0xa7: {  	s23 =	simm.s32 $0x1B8B  }
0xa8: {  	_ =	swait.ge [sflag:s23], $0x1  }
0xa9: {  	[sflag:s23] =	ssyncset.done $0x0  }
0xaa: {  	s25 =	simm.s32 $0x1B8E;
	s24 =	sld [smem:$0x3FFE];
	[sflag:s23] =	ssyncadd.s32 $0xFFFFFFFF  }
0xab: {  	s26 =	simm.s32 $execute0_lowered;
	[smem:$0x3FD2] =	sst s25  }
0xac: {  	s5 =	sshll.u32 s26, $0x1;
	_ =	strace $0x80000049;
	[dreg:$0x1] =	wrdreg $0xFFFFFFFF  }
0xad: {  	s28 =	simm.s32 $_size_execute0_lowered;
	s3 =	sadd.s32 s3, s5;
	[dreg:$0x0] =	wrdreg $0x0  }
0xae: {  	s5 =	sshll.u32 s28, $0x1;
	[dreg:$0x2] =	wrdreg s3  }
0xaf: {  	[dreg:$0x3] =	wrdreg s5  }
0xb0: {  	[dreg:$0x4] =	wrdreg $0xC0  }
0xb1: {  	_ =	task [dreg:s7], $0x5FFFF  }
0xb2: {  	[dreg:$0x1] =	wrdreg $0xFFFFFFFF  }
0xb3: {  	[dreg:$0x0] =	wrdreg $0x60  }
0xb4: {  	[dreg:$0x2] =	wrdreg s16  }
0xb5: {  	[dreg:$0x3] =	wrdreg s24  }
0xb6: {  	[dreg:$0x4] =	wrdreg $0x13C400  }
0xb7: {  	[dreg:$0x5] =	wrdreg $0x9  }
0xb8: {  	_ =	task.clear_ibuf [dreg:s7], $0x6FFFF;
	_ =	strace $0x90000049  }
0xb9: {  	s29 =	simm.s32 $0x9;
	_ =	strace $0x8000004B  }
0xba: {  	_ =	swait.ge [sflag:s29], $0x1  }
0xbb: {  	[sflag:s29] =	ssyncadd.s32 $0xFFFFFFFF  }
0xbc: {  	_ =	strace $0x9000004B  }
0xbd: {  	_ =	sfence  }
0xbe: {  	s30 =	sld [smem:$0x0];
	_ =	sdelay $0x2  }
0xbf: {  	s31 =	sshll.u32 s1, $0xD;
	s1 =	sshrl.u32 s1, $0x2  }
0xc0: {  	s3 =	sand.u32 $0x4000, s31;
	s1 =	sadd.s32 s1, s30  }
0xc1: {  	s0 =	sor.u32 s3, s0;
	s1 =	sshll.u32 s1, $0x11  }
0xc2: {  	s0 =	sor.u32 s1, s0  }
0xc3: {  	s0 =	sadd.s32 $0x8F2B, s0  }
0xc4: {  	[sflag:s0] =	ssyncadd.remote.s32 $0x1  }
0xc5: {  	_ =	sfence.sel $0xFFFF  }
0xc6: {  	[dreg:$0x0] =	wrdreg $0xFFFFFFFF;
	(pc) =	sbr.abs _section_cstart, $3  }
0xc7: {  	[dreg:$0x1] =	wrdreg $0xFFFFFFFF  }
0xc8: {  	_ =	task.clear_ibuf [dreg:s7], $0x2FFFF;
	_ =	strace $0x9FFFFFFF  }
0xc9: {  	(tm) =	ssettm $0x7FFFFFFF  }
tec
execute0_lowered:
.L_overlay_start_1:
0x0: {  	(tag) =	ssettag $0x1  }
0x1: {  	s0 =	rddreg [dreg:$0x0]  }
0x2: {  	s1 =	rddreg [dreg:$0x1]  }
0x3: {  	s2 =	rddreg [dreg:$0x2]  }
0x4: {  	s3 =	simm.s32 $0x0;
	s13 =	stileid.u32;
	s6 =	srdreg.scid  }
0x5: {  	s16 =	simm.s32 $0xB;
	s28 =	simm.s32 $0xFDC0;
	s29 =	simm.s32 $0x1  }
0x6: {  	s31 =	simm.s32 $0x11D00;
	s30 =	simm.s32 $0x9;
	s4 =	smul.u32 $0x9E00, s13  }
0x7: {  	[smem:$0x7FF] =	sst s3;
	s5 =	sadd.s32 $0xFE00, s1;
	s8 =	smul.u32 $0x5000, s13  }
0x8: {  	s6 =	sand.u32 $0x1, s6;
	s9 =	sadd.s32 $0xE00, s1;
	s12 =	smul.u32 $0xA00, s13  }
0x9: {  	s14 =	sadd.s32 $0xC9C00, s1;
	s23 =	sadd.s32 $0x94200, s2;
	p0 =	seq.s32 s13, $0xF  }
0xa: {  	_ =	strace $0x8000004A;
	s10 =	ssub.s32 $0x2, s6;
	s18 =	smul.u32 $0x9C400, s6  }
0xb: {  	[dreg:$0xa] =	wrdreg s23;
	s23 =	simm.s32 $0xBF40;
	s7 =	sshrl.u32 s4, $0x3  }
0xc: {  	s11 =	sshrl.u32 s10, $0x1;
	s8 =	sshrl.u32 s8, $0x3;
	s17 =	sadd.s32 s5, s12  }
0xd: {  	s19 =	sadd.s32 s9, s12;
	s21 =	sadd.s32 s4, s2;
	[dreg:$0x4] =	wrdreg s17  }
0xe: {  	s7 =	sadd.s32 s7, s1;
	s10 =	ssub.s32 s10, s11;
	[dreg:$0x6] =	wrdreg s19  }
0xf: {  	s8 =	sadd.s32 $0x500, s8;
	[dreg:$0x8] =	wrdreg s21;
	s4 =	sadd.s32 s4, s18  }
0x10: {  	s1 =	sadd.s32 $0xC8A40, s1;
	s24 =	sshrl.u32 s18, $0x3;
	s18 =	simm.s32 $0x5000  }
0x11: {  	s21 =	simm.s32 $0xA000;
	s17 =	simm.s32 $0x6;
	s19 =	simm.s32 $0x5  }
0x12: {  	s5 =	sadd.s32 s5, s8;
	s20 =	sadd.s32 s9, s8;
	s22 =	sadd.s32 $0xB6200, s7  }
0x13: {  	[dreg:$0xb] =	wrdreg s1;
	s4 =	sshrl.u32 s4, $0x3;
	s12 =	sadd.s32 s0, s24  }
0x14: {  	s26 =	sadd.s32 s14, s24;
	s15 =	smax.u32 s10, $0x1;
	[dreg:$0x5] =	wrdreg s5  }
.Ltmp0:
0x15: {  	s0 =	simm.s32 $0x2;
	[dreg:$0x7] =	wrdreg s20;
	(pc) =	sbr.rel .LBB2_1-.Ltmp0, $4  }
0x16: {  	s1 =	simm.s32 $0x4;
	s24 =	simm.s32 $0x8;
	[dreg:$0x9] =	wrdreg s22  }
0x17: {  	s25 =	sadd.s32 s14, s4;
	s14 =	sadd.s32 $0x12840, s26;
	s20 =	simm.s32 $0x7D  }
0x18: {  	s22 =	simm.s32 $0x3;
	s26 =	simm.s32 $0x7;
	s4 =	simm.s32 $0xA  }
0x19: {  	s5 =	simm.s32 $0x0;
	[dreg:$0xc] =	wrdreg s25;
	s25 =	simm.s32 $0xDE80  }
.LBB2_4:
0x1a: {  	_ =	swait.ge [sflag:s22], $0x1F40  }
0x1b: {  	[sflag:s22] =	ssyncset.done $0x0  }
0x1c: {  	[sflag:s22] =	ssyncadd.s32 $0xFFFFE0C0  }
0x1d: {  	[spmem:s2] =	stream.indirect.scatter.add.f32 [tilespmem:s25], [sflag:$0x8], $0x40, s11, s20, $0xb8;
	[tilespmem:$0x1D880] =	vst v63  }
0x1e: {  	_ =	swait.ge [sflag:s1], $0x1F40  }
0x1f: {  	[sflag:s1] =	ssyncset.done $0x0  }
0x20: {  	s10 =	sadd.s32 $0x5400, s9;
	[sflag:s1] =	ssyncadd.s32 $0xFFFFE0C0  }
0x21: {  	[spmem:s2] =	stream.indirect.scatter.add.f32 [tilespmem:s28], [sflag:$0x9], $0x40, s10, s20, $0xb8;
	[tilespmem:$0x1D880] =	vst v63  }
0x22: {  	_ =	swait.ge [sflag:s19], $0x1F40  }
0x23: {  	[sflag:s19] =	ssyncset.done $0x0  }
0x24: {  	s13 =	sadd.s32 $0x5480, s9;
	[sflag:s19] =	ssyncadd.s32 $0xFFFFE0C0  }
0x25: {  	[spmem:s2] =	stream.indirect.scatter.add.f32 [tilespmem:s31], [sflag:$0xA], $0x40, s13, s20, $0xb8;
	[tilespmem:$0x1D880] =	vst v63  }
0x26: {  	_ =	swait.ge [sflag:s17], $0x1F40  }
0x27: {  	[sflag:s17] =	ssyncset.done $0x0  }
0x28: {  	[sflag:s17] =	ssyncadd.s32 $0xFFFFE0C0  }
0x29: {  	_ =	swait.ge [sflag:s26], $0x1F40  }
0x2a: {  	[sflag:s26] =	ssyncset.done $0x0  }
0x2b: {  	[sflag:s26] =	ssyncadd.s32 $0xFFFFE0C0  }
0x2c: {  	_ =	swait.ge [sflag:s24], $0x1F40  }
0x2d: {  	[sflag:s24] =	ssyncset.done $0x0  }
0x2e: {  	[sflag:s24] =	ssyncadd.s32 $0xFFFFE0C0  }
0x2f: {  	_ =	swait.ge [sflag:s30], $0x1F40  }
0x30: {  	[sflag:s30] =	ssyncset.done $0x0  }
0x31: {  	[sflag:s30] =	ssyncadd.s32 $0xFFFFE0C0  }
0x32: {  	_ =	swait.ge [sflag:s4], $0x1F40  }
0x33: {  	[sflag:s4] =	ssyncset.done $0x0  }
0x34: {  	[sflag:s4] =	ssyncadd.s32 $0xFFFFE0C0  }
0x35: {  	s9 =	simm.s32 @p0 $0x1FCB;
	[bflag:$0x0] =	sbarrier.arrive $0xFFFF  }
0x36: {  	[hbm:s14], [sflag:s9] =	dma.local @p0 [spmem:s6], $0x1040  }
0x37: {  	s6 =	simm.s32 @p0 $0xB  }
0x38: {  	_ =	swait.ge @p0 [sflag:s6], $0x1040  }
0x39: {  	s5 =	sadd.s32 $0x1, s5;
	[sflag:s6] =	ssyncset.done @p0 $0x0  }
0x3a: {  	p1 =	sne.s32 s5, s15;
	[sflag:s6] =	ssyncadd.s32 @p0 $0xFFFFEFC0;
	s6 =	rddreg [dreg:$0xc]  }
0x3b: {  	[hbm:s6], [sflag:s7] =	dma.local @!p0 [spmem:s8], $0x13C0  }
.Ltmp1:
0x3c: {  	_ = 	snop;
	(pc) =	sbr.rel @!p1 .LBB2_5-.Ltmp1, $4  }
0x3d: {  	s6 =	simm.s32 @!p0 $0xB  }
0x3e: {  	_ =	swait.ge @!p0 [sflag:s6], $0x13C0  }
0x3f: {  	[sflag:s6] =	ssyncset.done @!p0 $0x0  }
0x40: {  	[sflag:s6] =	ssyncadd.s32 @!p0 $0xFFFFEC40  }
.LBB2_1:
0x41: {  	s6 =	rddreg [dreg:$0x4]  }
0x42: {  	[tilespmem:s3], [sflag:$0xB] =	stream.linear.gather [hbm4b:s6+s3], $0x2800, $0x38;
	[tilespmem:$0x1D880] =	vst v63  }
0x43: {  	_ =	swait.ge [sflag:s16], $0x2800  }
0x44: {  	[sflag:s16] =	ssyncset.done $0x0  }
0x45: {  	s7 =	simm.s32 $0x2800;
	s13 =	rddreg [dreg:$0x5];
	[sflag:s16] =	ssyncadd.s32 $0xFFFFD800  }
0x46: {  	[tilespmem:s7], [sflag:$0xB] =	stream.linear.gather [hbm4b:s13+s3], $0x2800, $0x38;
	[tilespmem:$0x1D880] =	vst v63  }
0x47: {  	_ =	swait.ge [sflag:s16], $0x2800  }
0x48: {  	[sflag:s16] =	ssyncset.done $0x0  }
0x49: {  	s7 =	rddreg [dreg:$0x6];
	[sflag:s16] =	ssyncadd.s32 $0xFFFFD800  }
0x4a: {  	[tilespmem:s18], [sflag:$0xB] =	stream.linear.gather [hbm4b:s7+s3], $0x2800, $0x38;
	[tilespmem:$0x1D880] =	vst v63  }
0x4b: {  	_ =	swait.ge [sflag:s16], $0x2800  }
0x4c: {  	[sflag:s16] =	ssyncset.done $0x0  }
0x4d: {  	s9 =	simm.s32 $0x7800;
	s8 =	rddreg [dreg:$0x7];
	[sflag:s16] =	ssyncadd.s32 $0xFFFFD800  }
0x4e: {  	[tilespmem:s9], [sflag:$0xB] =	stream.linear.gather [hbm4b:s8+s3], $0x2800, $0x38;
	[tilespmem:$0x1D880] =	vst v63  }
0x4f: {  	_ =	swait.ge [sflag:s16], $0x2800  }
0x50: {  	s7 =	simm.s32 @p0 $0x1FCB;
	[sflag:s16] =	ssyncset.done $0x0;
	s6 =	rddreg [dreg:$0xa]  }
0x51: {  	s8 =	rddreg [dreg:$0xb];
	[sflag:s16] =	ssyncadd.s32 $0xFFFFD800;
	s6 =	sshrl.u32 @p0 s6, $0x3  }
0x52: {  	[spmem:s6], [sflag:s7] =	dma.local @p0 [hbm:s8], $0x1040  }
0x53: {  	s7 =	simm.s32 @p0 $0xB  }
0x54: {  	s8 =	stileid.u32;
	_ =	swait.ge @p0 [sflag:s7], $0x1040  }
0x55: {  	s8 =	sshll.u32 @!p0 s8, $0x6;
	[sflag:s7] =	ssyncset.done @p0 $0x0  }
0x56: {  	[sflag:s7] =	ssyncadd.s32 @p0 $0xFFFFEFC0;
	s7 =	sor.u32 @!p0 $0x1C0B, s8;
	s8 =	rddreg [dreg:$0x8]  }
0x57: {  	s9 =	rddreg [dreg:$0x9];
	s8 =	sshrl.u32 @!p0 s8, $0x3  }
0x58: {  	[spmem:s8], [sflag:s7] =	dma.local @!p0 [hbm:s9], $0x13C0  }
0x59: {  	s9 =	simm.s32 @!p0 $0xB  }
0x5a: {  	_ =	swait.ge @!p0 [sflag:s9], $0x13C0  }
0x5b: {  	[sflag:s9] =	ssyncset.done @!p0 $0x0  }
0x5c: {  	[sflag:s9] =	ssyncadd.s32 @!p0 $0xFFFFEC40  }
0x5d: {  	[bflag:$0x0] =	sbarrier.arrive $0xFFFF  }
0x5e: {  	[tilespmem:s21], [sflag:$0x1] =	stream.indirect.gather [hbm4b:s12+s20], $0x40, s3, s20, $0xb8;
	[tilespmem:$0x1D880] =	vst v63  }
0x5f: {  	s10 =	simm.s32 $0x80  }
0x60: {  	[tilespmem:s23], [sflag:$0x2] =	stream.indirect.gather [hbm4b:s12+s20], $0x40, s10, s20, $0xb8;
	[tilespmem:$0x1D880] =	vst v63  }
0x61: {  	s11 =	simm.s32 $0x100  }
0x62: {  	[tilespmem:s25], [sflag:$0x3] =	stream.indirect.gather [hbm4b:s12+s20], $0x40, s11, s20, $0xb8;
	[tilespmem:$0x1D880] =	vst v63  }
0x63: {  	s13 =	simm.s32 $0x180  }
0x64: {  	[tilespmem:s28], [sflag:$0x4] =	stream.indirect.gather [hbm4b:s12+s20], $0x40, s13, s20, $0xb8;
	[tilespmem:$0x1D880] =	vst v63  }
0x65: {  	_ =	swait.ge [sflag:s29], $0x1F40  }
0x66: {  	[sflag:s29] =	ssyncset.done $0x0  }
0x67: {  	[sflag:s29] =	ssyncadd.s32 $0xFFFFE0C0  }
0x68: {  	[spmem:s2] =	stream.indirect.scatter.add.f32 [tilespmem:s21], [sflag:$0x6], $0x40, s18, s20, $0xb8;
	[tilespmem:$0x1D880] =	vst v63  }
0x69: {  	s10 =	simm.s32 $0x200  }
0x6a: {  	[tilespmem:s31], [sflag:$0x5] =	stream.indirect.gather [hbm4b:s12+s20], $0x40, s10, s20, $0xb8;
	[tilespmem:$0x1D880] =	vst v63  }
0x6b: {  	_ =	swait.ge [sflag:s0], $0x1F40  }
0x6c: {  	[sflag:s0] =	ssyncset.done $0x0  }
0x6d: {  	s11 =	simm.s32 $0x5080;
	[sflag:s0] =	ssyncadd.s32 $0xFFFFE0C0  }
0x6e: {  	[spmem:s2] =	stream.indirect.scatter.add.f32 [tilespmem:s23], [sflag:$0x7], $0x40, s11, s20, $0xb8;
	[tilespmem:$0x1D880] =	vst v63  }
0x6f: {  	_ =	swait.ge [sflag:s17], $0x1F40  }
0x70: {  	[sflag:s17] =	ssyncset.done $0x0  }
0x71: {  	s13 =	simm.s32 $0x280;
	[sflag:s17] =	ssyncadd.s32 $0xFFFFE0C0  }
0x72: {  	[tilespmem:s21], [sflag:$0x1] =	stream.indirect.gather [hbm4b:s12+s20], $0x40, s13, s20, $0xb8;
	[tilespmem:$0x1D880] =	vst v63  }
0x73: {  	_ =	swait.ge [sflag:s22], $0x1F40  }
0x74: {  	[sflag:s22] =	ssyncset.done $0x0  }
0x75: {  	s10 =	simm.s32 $0x5100;
	[sflag:s22] =	ssyncadd.s32 $0xFFFFE0C0  }
0x76: {  	[spmem:s2] =	stream.indirect.scatter.add.f32 [tilespmem:s25], [sflag:$0x8], $0x40, s10, s20, $0xb8;
	[tilespmem:$0x1D880] =	vst v63  }
0x77: {  	_ =	swait.ge [sflag:s26], $0x1F40  }
0x78: {  	[sflag:s26] =	ssyncset.done $0x0  }
0x79: {  	s11 =	simm.s32 $0x300;
	[sflag:s26] =	ssyncadd.s32 $0xFFFFE0C0  }
0x7a: {  	[tilespmem:s23], [sflag:$0x2] =	stream.indirect.gather [hbm4b:s12+s20], $0x40, s11, s20, $0xb8;
	[tilespmem:$0x1D880] =	vst v63  }
0x7b: {  	_ =	swait.ge [sflag:s1], $0x1F40  }
0x7c: {  	[sflag:s1] =	ssyncset.done $0x0  }
0x7d: {  	s13 =	simm.s32 $0x5180;
	[sflag:s1] =	ssyncadd.s32 $0xFFFFE0C0  }
0x7e: {  	[spmem:s2] =	stream.indirect.scatter.add.f32 [tilespmem:s28], [sflag:$0x9], $0x40, s13, s20, $0xb8;
	[tilespmem:$0x1D880] =	vst v63  }
0x7f: {  	_ =	swait.ge [sflag:s24], $0x1F40  }
0x80: {  	[sflag:s24] =	ssyncset.done $0x0  }
0x81: {  	s10 =	simm.s32 $0x380;
	[sflag:s24] =	ssyncadd.s32 $0xFFFFE0C0  }
0x82: {  	[tilespmem:s25], [sflag:$0x3] =	stream.indirect.gather [hbm4b:s12+s20], $0x40, s10, s20, $0xb8;
	[tilespmem:$0x1D880] =	vst v63  }
0x83: {  	_ =	swait.ge [sflag:s19], $0x1F40  }
0x84: {  	[sflag:s19] =	ssyncset.done $0x0  }
0x85: {  	s11 =	simm.s32 $0x5200;
	[sflag:s19] =	ssyncadd.s32 $0xFFFFE0C0  }
0x86: {  	[spmem:s2] =	stream.indirect.scatter.add.f32 [tilespmem:s31], [sflag:$0xA], $0x40, s11, s20, $0xb8;
	[tilespmem:$0x1D880] =	vst v63  }
0x87: {  	_ =	swait.ge [sflag:s30], $0x1F40  }
0x88: {  	[sflag:s30] =	ssyncset.done $0x0  }
0x89: {  	s13 =	simm.s32 $0x400;
	s10 =	simm.s32 $0x0;
	[sflag:s30] =	ssyncadd.s32 $0xFFFFE0C0  }
0x8a: {  	[tilespmem:s28], [sflag:$0x4] =	stream.indirect.gather [hbm4b:s12+s20], $0x40, s13, s20, $0xb8;
	[tilespmem:$0x1D880] =	vst v63  }
.LBB2_2:
0x8b: {  	_ =	swait.ge [sflag:s29], $0x1F40  }
0x8c: {  	s9 =	sshra.s32 s10, $0x2;
	[sflag:s29] =	ssyncset.done $0x0  }
0x8d: {  	s11 =	sadd.s32 $0x5280, s9;
	[sflag:s29] =	ssyncadd.s32 $0xFFFFE0C0  }
0x8e: {  	[spmem:s2] =	stream.indirect.scatter.add.f32 [tilespmem:s21], [sflag:$0x6], $0x40, s11, s20, $0xb8;
	[tilespmem:$0x1D880] =	vst v63  }
0x8f: {  	_ =	swait.ge [sflag:s4], $0x1F40  }
0x90: {  	[sflag:s4] =	ssyncset.done $0x0  }
0x91: {  	p1 =	seq.s32 s10, $0x12C00;
	s13 =	sadd.s32 $0x480, s9;
	[sflag:s4] =	ssyncadd.s32 $0xFFFFE0C0  }
0x92: {  	[tilespmem:s31], [sflag:$0x5] =	stream.indirect.gather [hbm4b:s12+s20], $0x40, s13, s20, $0xb8;
	[tilespmem:$0x1D880] =	vst v63  }
.Ltmp2:
0x93: {  	_ = 	snop;
	(pc) =	sbr.rel @p1 .LBB2_4-.Ltmp2, $4  }
0x94: {  	_ =	swait.ge [sflag:s0], $0x1F40  }
0x95: {  	[sflag:s0] =	ssyncset.done $0x0  }
0x96: {  	s11 =	sadd.s32 $0x5380, s9;
	s13 =	sadd.s32 $0x5300, s9;
	[sflag:s0] =	ssyncadd.s32 $0xFFFFE0C0  }
0x97: {  	[spmem:s2] =	stream.indirect.scatter.add.f32 [tilespmem:s23], [sflag:$0x7], $0x40, s13, s20, $0xb8;
	[tilespmem:$0x1D880] =	vst v63  }
0x98: {  	_ =	swait.ge [sflag:s17], $0x1F40  }
0x99: {  	[sflag:s17] =	ssyncset.done $0x0  }
0x9a: {  	s13 =	sadd.s32 $0x500, s9;
	[sflag:s17] =	ssyncadd.s32 $0xFFFFE0C0  }
0x9b: {  	[tilespmem:s21], [sflag:$0x1] =	stream.indirect.gather [hbm4b:s12+s20], $0x40, s13, s20, $0xb8;
	[tilespmem:$0x1D880] =	vst v63  }
0x9c: {  	_ =	swait.ge [sflag:s22], $0x1F40  }
0x9d: {  	[sflag:s22] =	ssyncset.done $0x0  }
0x9e: {  	[sflag:s22] =	ssyncadd.s32 $0xFFFFE0C0  }
0x9f: {  	[spmem:s2] =	stream.indirect.scatter.add.f32 [tilespmem:s25], [sflag:$0x8], $0x40, s11, s20, $0xb8;
	[tilespmem:$0x1D880] =	vst v63  }
0xa0: {  	_ =	swait.ge [sflag:s26], $0x1F40  }
0xa1: {  	[sflag:s26] =	ssyncset.done $0x0  }
0xa2: {  	s13 =	sadd.s32 $0x580, s9;
	[sflag:s26] =	ssyncadd.s32 $0xFFFFE0C0  }
0xa3: {  	[tilespmem:s23], [sflag:$0x2] =	stream.indirect.gather [hbm4b:s12+s20], $0x40, s13, s20, $0xb8;
	[tilespmem:$0x1D880] =	vst v63  }
0xa4: {  	_ =	swait.ge [sflag:s1], $0x1F40  }
0xa5: {  	[sflag:s1] =	ssyncset.done $0x0  }
0xa6: {  	s13 =	sadd.s32 $0x5400, s9;
	[sflag:s1] =	ssyncadd.s32 $0xFFFFE0C0  }
0xa7: {  	[spmem:s2] =	stream.indirect.scatter.add.f32 [tilespmem:s28], [sflag:$0x9], $0x40, s13, s20, $0xb8;
	[tilespmem:$0x1D880] =	vst v63  }
0xa8: {  	_ =	swait.ge [sflag:s24], $0x1F40  }
0xa9: {  	[sflag:s24] =	ssyncset.done $0x0  }
0xaa: {  	s13 =	sadd.s32 $0x600, s9;
	[sflag:s24] =	ssyncadd.s32 $0xFFFFE0C0  }
0xab: {  	[tilespmem:s25], [sflag:$0x3] =	stream.indirect.gather [hbm4b:s12+s20], $0x40, s13, s20, $0xb8;
	[tilespmem:$0x1D880] =	vst v63  }
0xac: {  	_ =	swait.ge [sflag:s19], $0x1F40  }
0xad: {  	[sflag:s19] =	ssyncset.done $0x0  }
0xae: {  	s13 =	sadd.s32 $0x5480, s9;
	[sflag:s19] =	ssyncadd.s32 $0xFFFFE0C0  }
0xaf: {  	[spmem:s2] =	stream.indirect.scatter.add.f32 [tilespmem:s31], [sflag:$0xA], $0x40, s13, s20, $0xb8;
	[tilespmem:$0x1D880] =	vst v63  }
.Ltmp3:
0xb0: {  	_ = 	snop;
	(pc) =	sbr.rel .LBB2_2-.Ltmp3, $4  }
0xb1: {  	_ =	swait.ge [sflag:s30], $0x1F40  }
0xb2: {  	[sflag:s30] =	ssyncset.done $0x0  }
0xb3: {  	s10 =	sadd.s32 $0xA00, s10;
	s13 =	sadd.s32 $0x680, s9;
	[sflag:s30] =	ssyncadd.s32 $0xFFFFE0C0  }
0xb4: {  	[tilespmem:s28], [sflag:$0x4] =	stream.indirect.gather [hbm4b:s12+s20], $0x40, s13, s20, $0xb8;
	[tilespmem:$0x1D880] =	vst v63  }
.LBB2_5:
0xb5: {  	_ =	sfence.sel $0x180000  }
0xb6: {  	[bflag:$0x0] =	sbarrier.arrive $0xFFFF  }
0xb7: {  	_ =	strace $0x9000004A  }
0xb8: {  	s0 =	stileid.u32;
	[bflag:$0x2] =	sbarrier.arrive $0xFFFF  }
0xb9: {  	p0 =	sne.s32 s0, $0x0;
	s0 =	rddreg [dreg:$0x3]  }
0xba: {  	s0 =	sadd.s32 @!p0 $0x100000, s0  }
0xbb: {  	[sflag:s0] =	ssyncadd.tile.s32 @!p0 $0x1;
	_ =	shalt  }
.Lfunc_end2:
_tile_overlayer_lowered:
.L_overlay_start_2:
0xbc: {  	(tag) =	ssettag $0x2  }
0xbd: {  	s0 =	rddreg [dreg:$0x0];
	s2 =	stileid.u32  }
0xbe: {  	s1 =	rddreg [dreg:$0x1];
	p0 =	sne.s32 s2, $0x0  }
0xbf: {  	s3 =	rddreg [dreg:$0x2];
	[bflag:$0x3] =	sbarrier.arrive $0xFFFF;
	s2 =	simm.s32 @!p0 $0x1C0B  }
0xc0: {  	[timem:s3], [sflag:s2] =	dma.local @!p0 [hbm:s0], s1  }
0xc1: {  	s0 =	simm.s32 @!p0 $0xB  }
0xc2: {  	_ =	swait.ge @!p0 [sflag:s0], s1  }
0xc3: {  	s1 =	ssub.s32 @!p0 $0x0, s1;
	[sflag:s0] =	ssyncset.done @!p0 $0x0  }
0xc4: {  	[sflag:s0] =	ssyncadd.s32 @!p0 s1  }
0xc5: {  	[bflag:$0x3] =	sbarrier.arrive $0xFFFF  }
0xc6: {  	_ =	shalt  }

// kernel: kernel.15.cloned.1.call-start
scs
__scs_entry_jumppad:
0x0: {  	(pc) =	sbr.rel $0x88, $3  }
0x1: {  	(tag) =	ssettag $0x0;
	lr =	simm.s32 $0x1  }
0x2: {  	[smem:$0x3F98] =	sst lr;
	_ =	strace $0xD0000000  }
0x3: {  	_ = 	snop  }
0x4: {  	_ = 	snop  }
0x5: {  	_ = 	snop  }
0x6: {  	_ = 	snop  }
0x7: {  	_ = 	snop  }
__scs_overlays_trampoline_lowered:
0x8: {  	[smem:$0x3FA7] =	sst s0  }
0x9: {  	[smem:$0x3FA8] =	sst s1  }
0xa: {  	[smem:$0x3FA9] =	sst s2  }
0xb: {  	[smem:$0x3FAA] =	sst s3  }
0xc: {  	[smem:$0x3FAB] =	sst s4  }
0xd: {  	[smem:$0x3FAC] =	sst s5  }
0xe: {  	[smem:$0x3FAD] =	sst s6  }
0xf: {  	[smem:$0x3FAE] =	sst s7  }
0x10: {  	[smem:$0x3FAF] =	sst s8  }
0x11: {  	[smem:$0x3FB0] =	sst s9;
	s0 =	simm.s32 @!p0 $0x0  }
0x12: {  	s1 =	sld [smem:$0x3F96];
	s0 =	simm.s32 @p0 $0x1  }
0x13: {  	[smem:$0x3FB1] =	sst s0;
	s0 =	simm.s32 @!p1 $0x0  }
0x14: {  	s2 =	sld [smem:$0x3F95];
	s0 =	simm.s32 @p1 $0x1  }
0x15: {  	[smem:$0x3FB2] =	sst s0;
	s0 =	simm.s32 @!p2 $0x0  }
0x16: {  	s3 =	sld [smem:$0x3FDB];
	s0 =	simm.s32 @p2 $0x1  }
0x17: {  	s4 =	simm.s32 $0x1BF5;
	[smem:$0x3FB4] =	sst s0  }
0x18: {  	s0 =	sld [smem:$0x3F97];
	_ =	swait.ge [sflag:s4], $0x0  }
0x19: {  	s7 =	sld [smem:$0x3F98]  }
0x1a: {  	s8 =	sadd.s32 $0xFFFFE003, lr  }
0x1b: {  	s9 =	sadd.s32 $0xFFFFFEF7, lr;
	s5 =	simm.s32 $0xFFFFFFFF;
	p2 =	slt.u32 s8, $0xFFFFF086  }
0x1c: {  	p1 =	slt.u32 s9, $0xF7A;
	s5 =	simm.s32 @!p2 $0x0  }
0x1d: {  	s5 =	simm.s32 @p1 $0x1;
	p0 =	seq.s32 s7, s2  }
0x1e: {  	s7 =	smul.u32 @!p0 $0xF7A, s2;
	p2 =	seq.s32 @!p0 s5, $0x0  }
0x1f: {  	s9 =	smul.u32 $0xF7A, s1;
	s8 =	simm.s32 @!p0 $0x1BF5;
	p2 =	por !p2, p0  }
0x20: {  	[sflag:s8] =	ssyncset.s32 @!p0 $0xFFFFF086;
	s6 =	sadd.s32 @!p0 s3, s7;
	s7 =	simm.s32 @!p0 $0x108  }
0x21: {  	s3 =	sadd.s32 s3, s9;
	s6 =	sadd.s32 @!p0 $0x88, s6;
	s7 =	simm.s32 @p2 $0x1082  }
0x22: {  	[simem:s7], [sflag:s8] =	dma.local @!p0 [hbm:s6], $0xF7A  }
0x23: {  	s9 =	sor.u32 $0xD0000000, s2;
	s6 =	simm.s32 $0x108;
	_ =	swait.ge @!p0 [sflag:s8], $0x0  }
0x24: {  	s3 =	sadd.s32 $0x88, s3;
	s6 =	simm.s32 @!p1 $0x1082;
	[sflag:s4] =	ssyncset.s32 $0xFFFFF086  }
0x25: {  	[simem:s6], [sflag:s4] =	dma.local [hbm:s3], $0xF7A  }
0x26: {  	[smem:$0x3F98] =	sst s1;
	(tag) =	ssettag s2;
	_ =	strace s9  }
0x27: {  	s1 =	sld [smem:$0x3FA8]  }
0x28: {  	s2 =	sld [smem:$0x3FA9]  }
0x29: {  	s4 =	sld [smem:$0x3FAB]  }
0x2a: {  	p0 =	seq.s32 s5, $0x0;
	s5 =	sld [smem:$0x3FAC]  }
0x2b: {  	s6 =	sld [smem:$0x3FAD]  }
0x2c: {  	s7 =	sld [smem:$0x3FAE]  }
0x2d: {  	s3 =	simm.s32 $0x108;
	s8 =	sld [smem:$0x3FAF]  }
0x2e: {  	s3 =	simm.s32 @!p0 $0x1082;
	s9 =	sld [smem:$0x3FB0]  }
0x2f: {  	lr =	sadd.s32 s0, s3;
	s0 =	sld [smem:$0x3FA7]  }
0x30: {  	s3 =	sld [smem:$0x3FAA]  }
0x31: {  	[smem:$0x3FB3] =	sst s10  }
0x32: {  	s10 =	sld [smem:$0x3FB1];
	_ =	sdelay $0x3  }
0x33: {  	p0 =	seq.s32 s10, $0x1;
	s10 =	sld [smem:$0x3FB3];
	_ =	sdelay $0x3  }
0x34: {  	[smem:$0x3FB3] =	sst s10  }
0x35: {  	s10 =	sld [smem:$0x3FB2];
	_ =	sdelay $0x3  }
0x36: {  	p1 =	seq.s32 s10, $0x1;
	s10 =	sld [smem:$0x3FB3];
	_ =	sdelay $0x3  }
0x37: {  	[smem:$0x3FB3] =	sst s10  }
0x38: {  	s10 =	sld [smem:$0x3FB4]  }
0x39: {  	_ = 	snop;
	(pc) =	sbr.ind lr, $3  }
0x3a: {  	_ = 	snop  }
0x3b: {  	_ = 	snop  }
0x3c: {  	p2 =	seq.s32 s10, $0x1;
	s10 =	sld [smem:$0x3FB3]  }
0x3d: {  	_ =	shalt  }
0x3e: {  	_ =	shalt  }
0x3f: {  	_ =	shalt  }
0x40: {  	_ =	shalt  }
0x41: {  	_ =	shalt  }
0x42: {  	_ =	shalt  }
0x43: {  	_ =	shalt  }
0x44: {  	_ =	shalt  }
0x45: {  	_ =	shalt  }
0x46: {  	_ =	shalt  }
0x47: {  	_ =	shalt  }
0x48: {  	_ =	shalt  }
0x49: {  	_ =	shalt  }
0x4a: {  	_ =	shalt  }
0x4b: {  	_ =	shalt  }
0x4c: {  	_ =	shalt  }
0x4d: {  	_ =	shalt  }
0x4e: {  	_ =	shalt  }
0x4f: {  	_ =	shalt  }
0x50: {  	_ =	shalt  }
0x51: {  	_ =	shalt  }
0x52: {  	_ =	shalt  }
0x53: {  	_ =	shalt  }
0x54: {  	_ =	shalt  }
0x55: {  	_ =	shalt  }
0x56: {  	_ =	shalt  }
0x57: {  	_ =	shalt  }
0x58: {  	_ =	shalt  }
0x59: {  	_ =	shalt  }
0x5a: {  	_ =	shalt  }
0x5b: {  	_ =	shalt  }
0x5c: {  	_ =	shalt  }
0x5d: {  	_ =	shalt  }
0x5e: {  	_ =	shalt  }
0x5f: {  	_ =	shalt  }
0x60: {  	_ =	shalt  }
0x61: {  	_ =	shalt  }
0x62: {  	_ =	shalt  }
0x63: {  	_ =	shalt  }
0x64: {  	_ =	shalt  }
0x65: {  	_ =	shalt  }
0x66: {  	_ =	shalt  }
0x67: {  	_ =	shalt  }
0x68: {  	_ =	shalt  }
0x69: {  	_ =	shalt  }
0x6a: {  	_ =	shalt  }
0x6b: {  	_ =	shalt  }
0x6c: {  	_ =	shalt  }
0x6d: {  	_ =	shalt  }
0x6e: {  	_ =	shalt  }
0x6f: {  	_ =	shalt  }
0x70: {  	_ =	shalt  }
0x71: {  	_ =	shalt  }
0x72: {  	_ =	shalt  }
0x73: {  	_ =	shalt  }
0x74: {  	_ =	shalt  }
0x75: {  	_ =	shalt  }
0x76: {  	_ =	shalt  }
0x77: {  	_ =	shalt  }
0x78: {  	_ =	shalt  }
0x79: {  	_ =	shalt  }
0x7a: {  	_ =	shalt  }
0x7b: {  	_ =	shalt  }
0x7c: {  	_ =	shalt  }
0x7d: {  	_ =	shalt  }
0x7e: {  	_ =	shalt  }
0x7f: {  	_ =	shalt  }
0x80: {  	_ =	shalt  }
0x81: {  	_ =	shalt  }
0x82: {  	_ =	shalt  }
0x83: {  	_ =	shalt  }
0x84: {  	_ =	shalt  }
0x85: {  	_ =	shalt  }
0x86: {  	_ =	shalt  }
0x87: {  	_ =	shalt  }
.Lfunc_end0:
.L_simem_size_0:
called_computation.2_lowered:
.L_overlay_start_0:
0x88: {  	s2 =	sld [smem:$0x3FD9]  }
0x89: {  	s3 =	sld [smem:$0x3FFE];
	_ =	sdelay $0x1  }
0x8a: {  	s1 =	srdreg.scid  }
0x8b: {  	s0 =	sand.u32 $0x1, s1  }
0x8c: {  	s14 =	sshll.u32 s0, $0xA;
	s2 =	sadd.s32 s3, s2  }
0x8d: {  	s2 =	sadd.s32 s2, s14  }
0x8e: {  	[smem:$0x3FBF] =	sst s2  }
0x8f: {  	_ = 	snop  }
0x90: {  	s2 =	sld [smem:$0x3FD0];
	_ =	sdelay $0x2  }
0x91: {  	s15 =	simm.s32 $0xA;
	s4 =	simm.s32 $0x10  }
0x92: {  	[smem:s4], [sflag:s15] =	dma.local [hbm:s2], $0x1  }
0x93: {  	_ =	swait.eq [sflag:s15], $0x1  }
0x94: {  	[sflag:s15] =	ssyncset.done $0x0  }
0x95: {  	[sflag:s15] =	ssyncadd.s32 $0xFFFFFFFF  }
0x96: {  	s16 =	sld [smem:$0x10];
	(tm) =	ssettm $0x1  }
0x97: {  	s17 =	sld [smem:$0x3FFB];
	_ =	sdelay $0x3  }
0x98: {  	_ =	strace s17  }
0x99: {  	s3 =	sld [smem:$0x3FFC];
	_ =	sdelay $0x3  }
0x9a: {  	_ =	strace s3  }
0x9b: {  	s3 =	sld [smem:$0x3FFD];
	_ =	sdelay $0x3  }
0x9c: {  	_ =	strace s3  }
0x9d: {  	_ =	strace $0x8FFFFFFF  }
0x9e: {  	s18 =	sld [smem:$0x3FDB];
	_ =	sdelay $0x1  }
0x9f: {  	s19 =	simm.s32 $_scs_section_size  }
0xa0: {  	s5 =	simm.s32 $_size__tile_overlayer_lowered;
	s6 =	simm.s32 $_tile_overlayer_lowered  }
0xa1: {  	s22 =	simm.s32 $0x1BFF;
	s21 =	sshll.u32 s6, $0x1;
	s3 =	sadd.s32 s19, s18  }
0xa2: {  	s7 =	simm.s32 $0x0;
	s20 =	sshll.u32 s5, $0x1;
	s5 =	sadd.s32 s21, s3  }
0xa3: {  	[timem:s7], [sflag:s22] =	dma.local [hbm:s5], s20  }
0xa4: {  	_ =	swait.ge [sflag:s22], s20  }
0xa5: {  	s4 =	ssub.s32 $0x0, s20;
	[sflag:s22] =	ssyncset.done $0x0  }
0xa6: {  	[sflag:s22] =	ssyncadd.s32 s4;
	_ =	sdelay $0x1  }
0xa7: {  	s23 =	simm.s32 $0x1B8B  }
0xa8: {  	_ =	swait.ge [sflag:s23], $0x1  }
0xa9: {  	[sflag:s23] =	ssyncset.done $0x0  }
0xaa: {  	s25 =	simm.s32 $0x1B8E;
	s24 =	sld [smem:$0x3FFE];
	[sflag:s23] =	ssyncadd.s32 $0xFFFFFFFF  }
0xab: {  	s26 =	simm.s32 $execute0_lowered;
	[smem:$0x3FD2] =	sst s25  }
0xac: {  	s5 =	sshll.u32 s26, $0x1;
	_ =	strace $0x8000004C;
	[dreg:$0x1] =	wrdreg $0xFFFFFFFF  }
0xad: {  	s28 =	simm.s32 $_size_execute0_lowered;
	s3 =	sadd.s32 s3, s5;
	[dreg:$0x0] =	wrdreg $0x0  }
0xae: {  	s5 =	sshll.u32 s28, $0x1;
	[dreg:$0x2] =	wrdreg s3  }
0xaf: {  	[dreg:$0x3] =	wrdreg s5  }
0xb0: {  	[dreg:$0x4] =	wrdreg $0xC0  }
0xb1: {  	_ =	task [dreg:s7], $0x5FFFF  }
0xb2: {  	[dreg:$0x1] =	wrdreg $0xFFFFFFFF  }
0xb3: {  	[dreg:$0x0] =	wrdreg $0x60  }
0xb4: {  	[dreg:$0x2] =	wrdreg s16  }
0xb5: {  	[dreg:$0x3] =	wrdreg s24  }
0xb6: {  	[dreg:$0x4] =	wrdreg $0x13C400  }
0xb7: {  	[dreg:$0x5] =	wrdreg $0x9  }
0xb8: {  	_ =	task.clear_ibuf [dreg:s7], $0x6FFFF;
	_ =	strace $0x9000004C  }
0xb9: {  	s29 =	simm.s32 $0x9;
	_ =	strace $0x8000004E  }
0xba: {  	_ =	swait.ge [sflag:s29], $0x1  }
0xbb: {  	[sflag:s29] =	ssyncadd.s32 $0xFFFFFFFF  }
0xbc: {  	_ =	strace $0x9000004E  }
0xbd: {  	_ =	sfence  }
0xbe: {  	s30 =	sld [smem:$0x0];
	_ =	sdelay $0x2  }
0xbf: {  	s31 =	sshll.u32 s1, $0xD;
	s1 =	sshrl.u32 s1, $0x2  }
0xc0: {  	s3 =	sand.u32 $0x4000, s31;
	s1 =	sadd.s32 s1, s30  }
0xc1: {  	s0 =	sor.u32 s3, s0;
	s1 =	sshll.u32 s1, $0x11  }
0xc2: {  	s0 =	sor.u32 s1, s0  }
0xc3: {  	s0 =	sadd.s32 $0x8F2B, s0  }
0xc4: {  	[sflag:s0] =	ssyncadd.remote.s32 $0x1  }
0xc5: {  	_ =	sfence.sel $0xFFFF  }
0xc6: {  	[dreg:$0x0] =	wrdreg $0xFFFFFFFF;
	(pc) =	sbr.abs _section_cstart, $3  }
0xc7: {  	[dreg:$0x1] =	wrdreg $0xFFFFFFFF  }
0xc8: {  	_ =	task.clear_ibuf [dreg:s7], $0x2FFFF;
	_ =	strace $0x9FFFFFFF  }
0xc9: {  	(tm) =	ssettm $0x7FFFFFFF  }
tec
execute0_lowered:
.L_overlay_start_1:
0x0: {  	(tag) =	ssettag $0x1  }
0x1: {  	s0 =	rddreg [dreg:$0x0]  }
0x2: {  	s1 =	rddreg [dreg:$0x1]  }
0x3: {  	s2 =	rddreg [dreg:$0x2]  }
0x4: {  	s3 =	simm.s32 $0x0;
	s13 =	stileid.u32;
	s6 =	srdreg.scid  }
0x5: {  	s16 =	simm.s32 $0xB;
	s28 =	simm.s32 $0xFDC0;
	s29 =	simm.s32 $0x1  }
0x6: {  	s31 =	simm.s32 $0x11D00;
	s30 =	simm.s32 $0x9;
	s4 =	smul.u32 $0x9E00, s13  }
0x7: {  	[smem:$0x7FF] =	sst s3;
	s5 =	sadd.s32 $0xFE00, s1;
	s8 =	smul.u32 $0x5000, s13  }
0x8: {  	s6 =	sand.u32 $0x1, s6;
	s9 =	sadd.s32 $0xE00, s1;
	s12 =	smul.u32 $0xA00, s13  }
0x9: {  	s14 =	sadd.s32 $0xC9C00, s1;
	s23 =	sadd.s32 $0x94200, s2;
	p0 =	seq.s32 s13, $0xF  }
0xa: {  	_ =	strace $0x8000004D;
	s10 =	ssub.s32 $0x2, s6;
	s18 =	smul.u32 $0x9C400, s6  }
0xb: {  	[dreg:$0xa] =	wrdreg s23;
	s23 =	simm.s32 $0xBF40;
	s7 =	sshrl.u32 s4, $0x3  }
0xc: {  	s11 =	sshrl.u32 s10, $0x1;
	s8 =	sshrl.u32 s8, $0x3;
	s17 =	sadd.s32 s5, s12  }
0xd: {  	s19 =	sadd.s32 s9, s12;
	s21 =	sadd.s32 s4, s2;
	[dreg:$0x4] =	wrdreg s17  }
0xe: {  	s7 =	sadd.s32 s7, s1;
	s10 =	ssub.s32 s10, s11;
	[dreg:$0x6] =	wrdreg s19  }
0xf: {  	s8 =	sadd.s32 $0x500, s8;
	[dreg:$0x8] =	wrdreg s21;
	s4 =	sadd.s32 s4, s18  }
0x10: {  	s1 =	sadd.s32 $0xC8A40, s1;
	s24 =	sshrl.u32 s18, $0x3;
	s18 =	simm.s32 $0x5000  }
0x11: {  	s21 =	simm.s32 $0xA000;
	s17 =	simm.s32 $0x6;
	s19 =	simm.s32 $0x5  }
0x12: {  	s5 =	sadd.s32 s5, s8;
	s20 =	sadd.s32 s9, s8;
	s22 =	sadd.s32 $0xB6200, s7  }
0x13: {  	[dreg:$0xb] =	wrdreg s1;
	s4 =	sshrl.u32 s4, $0x3;
	s12 =	sadd.s32 s0, s24  }
0x14: {  	s26 =	sadd.s32 s14, s24;
	s15 =	smax.u32 s10, $0x1;
	[dreg:$0x5] =	wrdreg s5  }
.Ltmp0:
0x15: {  	s0 =	simm.s32 $0x2;
	[dreg:$0x7] =	wrdreg s20;
	(pc) =	sbr.rel .LBB2_1-.Ltmp0, $4  }
0x16: {  	s1 =	simm.s32 $0x4;
	s24 =	simm.s32 $0x8;
	[dreg:$0x9] =	wrdreg s22  }
0x17: {  	s25 =	sadd.s32 s14, s4;
	s14 =	sadd.s32 $0x12840, s26;
	s20 =	simm.s32 $0x7D  }
0x18: {  	s22 =	simm.s32 $0x3;
	s26 =	simm.s32 $0x7;
	s4 =	simm.s32 $0xA  }
0x19: {  	s5 =	simm.s32 $0x0;
	[dreg:$0xc] =	wrdreg s25;
	s25 =	simm.s32 $0xDE80  }
.LBB2_4:
0x1a: {  	_ =	swait.ge [sflag:s22], $0x1F40  }
0x1b: {  	[sflag:s22] =	ssyncset.done $0x0  }
0x1c: {  	[sflag:s22] =	ssyncadd.s32 $0xFFFFE0C0  }
0x1d: {  	[spmem:s2] =	stream.indirect.scatter.add.f32 [tilespmem:s25], [sflag:$0x8], $0x40, s11, s20, $0xb8;
	[tilespmem:$0x1D880] =	vst v63  }
0x1e: {  	_ =	swait.ge [sflag:s1], $0x1F40  }
0x1f: {  	[sflag:s1] =	ssyncset.done $0x0  }
0x20: {  	s10 =	sadd.s32 $0x5400, s9;
	[sflag:s1] =	ssyncadd.s32 $0xFFFFE0C0  }
0x21: {  	[spmem:s2] =	stream.indirect.scatter.add.f32 [tilespmem:s28], [sflag:$0x9], $0x40, s10, s20, $0xb8;
	[tilespmem:$0x1D880] =	vst v63  }
0x22: {  	_ =	swait.ge [sflag:s19], $0x1F40  }
0x23: {  	[sflag:s19] =	ssyncset.done $0x0  }
0x24: {  	s13 =	sadd.s32 $0x5480, s9;
	[sflag:s19] =	ssyncadd.s32 $0xFFFFE0C0  }
0x25: {  	[spmem:s2] =	stream.indirect.scatter.add.f32 [tilespmem:s31], [sflag:$0xA], $0x40, s13, s20, $0xb8;
	[tilespmem:$0x1D880] =	vst v63  }
0x26: {  	_ =	swait.ge [sflag:s17], $0x1F40  }
0x27: {  	[sflag:s17] =	ssyncset.done $0x0  }
0x28: {  	[sflag:s17] =	ssyncadd.s32 $0xFFFFE0C0  }
0x29: {  	_ =	swait.ge [sflag:s26], $0x1F40  }
0x2a: {  	[sflag:s26] =	ssyncset.done $0x0  }
0x2b: {  	[sflag:s26] =	ssyncadd.s32 $0xFFFFE0C0  }
0x2c: {  	_ =	swait.ge [sflag:s24], $0x1F40  }
0x2d: {  	[sflag:s24] =	ssyncset.done $0x0  }
0x2e: {  	[sflag:s24] =	ssyncadd.s32 $0xFFFFE0C0  }
0x2f: {  	_ =	swait.ge [sflag:s30], $0x1F40  }
0x30: {  	[sflag:s30] =	ssyncset.done $0x0  }
0x31: {  	[sflag:s30] =	ssyncadd.s32 $0xFFFFE0C0  }
0x32: {  	_ =	swait.ge [sflag:s4], $0x1F40  }
0x33: {  	[sflag:s4] =	ssyncset.done $0x0  }
0x34: {  	[sflag:s4] =	ssyncadd.s32 $0xFFFFE0C0  }
0x35: {  	s9 =	simm.s32 @p0 $0x1FCB;
	[bflag:$0x0] =	sbarrier.arrive $0xFFFF  }
0x36: {  	[hbm:s14], [sflag:s9] =	dma.local @p0 [spmem:s6], $0x1040  }
0x37: {  	s6 =	simm.s32 @p0 $0xB  }
0x38: {  	_ =	swait.ge @p0 [sflag:s6], $0x1040  }
0x39: {  	s5 =	sadd.s32 $0x1, s5;
	[sflag:s6] =	ssyncset.done @p0 $0x0  }
0x3a: {  	p1 =	sne.s32 s5, s15;
	[sflag:s6] =	ssyncadd.s32 @p0 $0xFFFFEFC0;
	s6 =	rddreg [dreg:$0xc]  }
0x3b: {  	[hbm:s6], [sflag:s7] =	dma.local @!p0 [spmem:s8], $0x13C0  }
.Ltmp1:
0x3c: {  	_ = 	snop;
	(pc) =	sbr.rel @!p1 .LBB2_5-.Ltmp1, $4  }
0x3d: {  	s6 =	simm.s32 @!p0 $0xB  }
0x3e: {  	_ =	swait.ge @!p0 [sflag:s6], $0x13C0  }
0x3f: {  	[sflag:s6] =	ssyncset.done @!p0 $0x0  }
0x40: {  	[sflag:s6] =	ssyncadd.s32 @!p0 $0xFFFFEC40  }
.LBB2_1:
0x41: {  	s6 =	rddreg [dreg:$0x4]  }
0x42: {  	[tilespmem:s3], [sflag:$0xB] =	stream.linear.gather [hbm4b:s6+s3], $0x2800, $0x38;
	[tilespmem:$0x1D880] =	vst v63  }
0x43: {  	_ =	swait.ge [sflag:s16], $0x2800  }
0x44: {  	[sflag:s16] =	ssyncset.done $0x0  }
0x45: {  	s7 =	simm.s32 $0x2800;
	s13 =	rddreg [dreg:$0x5];
	[sflag:s16] =	ssyncadd.s32 $0xFFFFD800  }
0x46: {  	[tilespmem:s7], [sflag:$0xB] =	stream.linear.gather [hbm4b:s13+s3], $0x2800, $0x38;
	[tilespmem:$0x1D880] =	vst v63  }
0x47: {  	_ =	swait.ge [sflag:s16], $0x2800  }
0x48: {  	[sflag:s16] =	ssyncset.done $0x0  }
0x49: {  	s7 =	rddreg [dreg:$0x6];
	[sflag:s16] =	ssyncadd.s32 $0xFFFFD800  }
0x4a: {  	[tilespmem:s18], [sflag:$0xB] =	stream.linear.gather [hbm4b:s7+s3], $0x2800, $0x38;
	[tilespmem:$0x1D880] =	vst v63  }
0x4b: {  	_ =	swait.ge [sflag:s16], $0x2800  }
0x4c: {  	[sflag:s16] =	ssyncset.done $0x0  }
0x4d: {  	s9 =	simm.s32 $0x7800;
	s8 =	rddreg [dreg:$0x7];
	[sflag:s16] =	ssyncadd.s32 $0xFFFFD800  }
0x4e: {  	[tilespmem:s9], [sflag:$0xB] =	stream.linear.gather [hbm4b:s8+s3], $0x2800, $0x38;
	[tilespmem:$0x1D880] =	vst v63  }
0x4f: {  	_ =	swait.ge [sflag:s16], $0x2800  }
0x50: {  	s7 =	simm.s32 @p0 $0x1FCB;
	[sflag:s16] =	ssyncset.done $0x0;
	s6 =	rddreg [dreg:$0xa]  }
0x51: {  	s8 =	rddreg [dreg:$0xb];
	[sflag:s16] =	ssyncadd.s32 $0xFFFFD800;
	s6 =	sshrl.u32 @p0 s6, $0x3  }
0x52: {  	[spmem:s6], [sflag:s7] =	dma.local @p0 [hbm:s8], $0x1040  }
0x53: {  	s7 =	simm.s32 @p0 $0xB  }
0x54: {  	s8 =	stileid.u32;
	_ =	swait.ge @p0 [sflag:s7], $0x1040  }
0x55: {  	s8 =	sshll.u32 @!p0 s8, $0x6;
	[sflag:s7] =	ssyncset.done @p0 $0x0  }
0x56: {  	[sflag:s7] =	ssyncadd.s32 @p0 $0xFFFFEFC0;
	s7 =	sor.u32 @!p0 $0x1C0B, s8;
	s8 =	rddreg [dreg:$0x8]  }
0x57: {  	s9 =	rddreg [dreg:$0x9];
	s8 =	sshrl.u32 @!p0 s8, $0x3  }
0x58: {  	[spmem:s8], [sflag:s7] =	dma.local @!p0 [hbm:s9], $0x13C0  }
0x59: {  	s9 =	simm.s32 @!p0 $0xB  }
0x5a: {  	_ =	swait.ge @!p0 [sflag:s9], $0x13C0  }
0x5b: {  	[sflag:s9] =	ssyncset.done @!p0 $0x0  }
0x5c: {  	[sflag:s9] =	ssyncadd.s32 @!p0 $0xFFFFEC40  }
0x5d: {  	[bflag:$0x0] =	sbarrier.arrive $0xFFFF  }
0x5e: {  	[tilespmem:s21], [sflag:$0x1] =	stream.indirect.gather [hbm4b:s12+s20], $0x40, s3, s20, $0xb8;
	[tilespmem:$0x1D880] =	vst v63  }
0x5f: {  	s10 =	simm.s32 $0x80  }
0x60: {  	[tilespmem:s23], [sflag:$0x2] =	stream.indirect.gather [hbm4b:s12+s20], $0x40, s10, s20, $0xb8;
	[tilespmem:$0x1D880] =	vst v63  }
0x61: {  	s11 =	simm.s32 $0x100  }
0x62: {  	[tilespmem:s25], [sflag:$0x3] =	stream.indirect.gather [hbm4b:s12+s20], $0x40, s11, s20, $0xb8;
	[tilespmem:$0x1D880] =	vst v63  }
0x63: {  	s13 =	simm.s32 $0x180  }
0x64: {  	[tilespmem:s28], [sflag:$0x4] =	stream.indirect.gather [hbm4b:s12+s20], $0x40, s13, s20, $0xb8;
	[tilespmem:$0x1D880] =	vst v63  }
0x65: {  	_ =	swait.ge [sflag:s29], $0x1F40  }
0x66: {  	[sflag:s29] =	ssyncset.done $0x0  }
0x67: {  	[sflag:s29] =	ssyncadd.s32 $0xFFFFE0C0  }
0x68: {  	[spmem:s2] =	stream.indirect.scatter.add.f32 [tilespmem:s21], [sflag:$0x6], $0x40, s18, s20, $0xb8;
	[tilespmem:$0x1D880] =	vst v63  }
0x69: {  	s10 =	simm.s32 $0x200  }
0x6a: {  	[tilespmem:s31], [sflag:$0x5] =	stream.indirect.gather [hbm4b:s12+s20], $0x40, s10, s20, $0xb8;
	[tilespmem:$0x1D880] =	vst v63  }
0x6b: {  	_ =	swait.ge [sflag:s0], $0x1F40  }
0x6c: {  	[sflag:s0] =	ssyncset.done $0x0  }
0x6d: {  	s11 =	simm.s32 $0x5080;
	[sflag:s0] =	ssyncadd.s32 $0xFFFFE0C0  }
0x6e: {  	[spmem:s2] =	stream.indirect.scatter.add.f32 [tilespmem:s23], [sflag:$0x7], $0x40, s11, s20, $0xb8;
	[tilespmem:$0x1D880] =	vst v63  }
0x6f: {  	_ =	swait.ge [sflag:s17], $0x1F40  }
0x70: {  	[sflag:s17] =	ssyncset.done $0x0  }
0x71: {  	s13 =	simm.s32 $0x280;
	[sflag:s17] =	ssyncadd.s32 $0xFFFFE0C0  }
0x72: {  	[tilespmem:s21], [sflag:$0x1] =	stream.indirect.gather [hbm4b:s12+s20], $0x40, s13, s20, $0xb8;
	[tilespmem:$0x1D880] =	vst v63  }
0x73: {  	_ =	swait.ge [sflag:s22], $0x1F40  }
0x74: {  	[sflag:s22] =	ssyncset.done $0x0  }
0x75: {  	s10 =	simm.s32 $0x5100;
	[sflag:s22] =	ssyncadd.s32 $0xFFFFE0C0  }
0x76: {  	[spmem:s2] =	stream.indirect.scatter.add.f32 [tilespmem:s25], [sflag:$0x8], $0x40, s10, s20, $0xb8;
	[tilespmem:$0x1D880] =	vst v63  }
0x77: {  	_ =	swait.ge [sflag:s26], $0x1F40  }
0x78: {  	[sflag:s26] =	ssyncset.done $0x0  }
0x79: {  	s11 =	simm.s32 $0x300;
	[sflag:s26] =	ssyncadd.s32 $0xFFFFE0C0  }
0x7a: {  	[tilespmem:s23], [sflag:$0x2] =	stream.indirect.gather [hbm4b:s12+s20], $0x40, s11, s20, $0xb8;
	[tilespmem:$0x1D880] =	vst v63  }
0x7b: {  	_ =	swait.ge [sflag:s1], $0x1F40  }
0x7c: {  	[sflag:s1] =	ssyncset.done $0x0  }
0x7d: {  	s13 =	simm.s32 $0x5180;
	[sflag:s1] =	ssyncadd.s32 $0xFFFFE0C0  }
0x7e: {  	[spmem:s2] =	stream.indirect.scatter.add.f32 [tilespmem:s28], [sflag:$0x9], $0x40, s13, s20, $0xb8;
	[tilespmem:$0x1D880] =	vst v63  }
0x7f: {  	_ =	swait.ge [sflag:s24], $0x1F40  }
0x80: {  	[sflag:s24] =	ssyncset.done $0x0  }
0x81: {  	s10 =	simm.s32 $0x380;
	[sflag:s24] =	ssyncadd.s32 $0xFFFFE0C0  }
0x82: {  	[tilespmem:s25], [sflag:$0x3] =	stream.indirect.gather [hbm4b:s12+s20], $0x40, s10, s20, $0xb8;
	[tilespmem:$0x1D880] =	vst v63  }
0x83: {  	_ =	swait.ge [sflag:s19], $0x1F40  }
0x84: {  	[sflag:s19] =	ssyncset.done $0x0  }
0x85: {  	s11 =	simm.s32 $0x5200;
	[sflag:s19] =	ssyncadd.s32 $0xFFFFE0C0  }
0x86: {  	[spmem:s2] =	stream.indirect.scatter.add.f32 [tilespmem:s31], [sflag:$0xA], $0x40, s11, s20, $0xb8;
	[tilespmem:$0x1D880] =	vst v63  }
0x87: {  	_ =	swait.ge [sflag:s30], $0x1F40  }
0x88: {  	[sflag:s30] =	ssyncset.done $0x0  }
0x89: {  	s13 =	simm.s32 $0x400;
	s10 =	simm.s32 $0x0;
	[sflag:s30] =	ssyncadd.s32 $0xFFFFE0C0  }
0x8a: {  	[tilespmem:s28], [sflag:$0x4] =	stream.indirect.gather [hbm4b:s12+s20], $0x40, s13, s20, $0xb8;
	[tilespmem:$0x1D880] =	vst v63  }
.LBB2_2:
0x8b: {  	_ =	swait.ge [sflag:s29], $0x1F40  }
0x8c: {  	s9 =	sshra.s32 s10, $0x2;
	[sflag:s29] =	ssyncset.done $0x0  }
0x8d: {  	s11 =	sadd.s32 $0x5280, s9;
	[sflag:s29] =	ssyncadd.s32 $0xFFFFE0C0  }
0x8e: {  	[spmem:s2] =	stream.indirect.scatter.add.f32 [tilespmem:s21], [sflag:$0x6], $0x40, s11, s20, $0xb8;
	[tilespmem:$0x1D880] =	vst v63  }
0x8f: {  	_ =	swait.ge [sflag:s4], $0x1F40  }
0x90: {  	[sflag:s4] =	ssyncset.done $0x0  }
0x91: {  	p1 =	seq.s32 s10, $0x12C00;
	s13 =	sadd.s32 $0x480, s9;
	[sflag:s4] =	ssyncadd.s32 $0xFFFFE0C0  }
0x92: {  	[tilespmem:s31], [sflag:$0x5] =	stream.indirect.gather [hbm4b:s12+s20], $0x40, s13, s20, $0xb8;
	[tilespmem:$0x1D880] =	vst v63  }
.Ltmp2:
0x93: {  	_ = 	snop;
	(pc) =	sbr.rel @p1 .LBB2_4-.Ltmp2, $4  }
0x94: {  	_ =	swait.ge [sflag:s0], $0x1F40  }
0x95: {  	[sflag:s0] =	ssyncset.done $0x0  }
0x96: {  	s11 =	sadd.s32 $0x5380, s9;
	s13 =	sadd.s32 $0x5300, s9;
	[sflag:s0] =	ssyncadd.s32 $0xFFFFE0C0  }
0x97: {  	[spmem:s2] =	stream.indirect.scatter.add.f32 [tilespmem:s23], [sflag:$0x7], $0x40, s13, s20, $0xb8;
	[tilespmem:$0x1D880] =	vst v63  }
0x98: {  	_ =	swait.ge [sflag:s17], $0x1F40  }
0x99: {  	[sflag:s17] =	ssyncset.done $0x0  }
0x9a: {  	s13 =	sadd.s32 $0x500, s9;
	[sflag:s17] =	ssyncadd.s32 $0xFFFFE0C0  }
0x9b: {  	[tilespmem:s21], [sflag:$0x1] =	stream.indirect.gather [hbm4b:s12+s20], $0x40, s13, s20, $0xb8;
	[tilespmem:$0x1D880] =	vst v63  }
0x9c: {  	_ =	swait.ge [sflag:s22], $0x1F40  }
0x9d: {  	[sflag:s22] =	ssyncset.done $0x0  }
0x9e: {  	[sflag:s22] =	ssyncadd.s32 $0xFFFFE0C0  }
0x9f: {  	[spmem:s2] =	stream.indirect.scatter.add.f32 [tilespmem:s25], [sflag:$0x8], $0x40, s11, s20, $0xb8;
	[tilespmem:$0x1D880] =	vst v63  }
0xa0: {  	_ =	swait.ge [sflag:s26], $0x1F40  }
0xa1: {  	[sflag:s26] =	ssyncset.done $0x0  }
0xa2: {  	s13 =	sadd.s32 $0x580, s9;
	[sflag:s26] =	ssyncadd.s32 $0xFFFFE0C0  }
0xa3: {  	[tilespmem:s23], [sflag:$0x2] =	stream.indirect.gather [hbm4b:s12+s20], $0x40, s13, s20, $0xb8;
	[tilespmem:$0x1D880] =	vst v63  }
0xa4: {  	_ =	swait.ge [sflag:s1], $0x1F40  }
0xa5: {  	[sflag:s1] =	ssyncset.done $0x0  }
0xa6: {  	s13 =	sadd.s32 $0x5400, s9;
	[sflag:s1] =	ssyncadd.s32 $0xFFFFE0C0  }
0xa7: {  	[spmem:s2] =	stream.indirect.scatter.add.f32 [tilespmem:s28], [sflag:$0x9], $0x40, s13, s20, $0xb8;
	[tilespmem:$0x1D880] =	vst v63  }
0xa8: {  	_ =	swait.ge [sflag:s24], $0x1F40  }
0xa9: {  	[sflag:s24] =	ssyncset.done $0x0  }
0xaa: {  	s13 =	sadd.s32 $0x600, s9;
	[sflag:s24] =	ssyncadd.s32 $0xFFFFE0C0  }
0xab: {  	[tilespmem:s25], [sflag:$0x3] =	stream.indirect.gather [hbm4b:s12+s20], $0x40, s13, s20, $0xb8;
	[tilespmem:$0x1D880] =	vst v63  }
0xac: {  	_ =	swait.ge [sflag:s19], $0x1F40  }
0xad: {  	[sflag:s19] =	ssyncset.done $0x0  }
0xae: {  	s13 =	sadd.s32 $0x5480, s9;
	[sflag:s19] =	ssyncadd.s32 $0xFFFFE0C0  }
0xaf: {  	[spmem:s2] =	stream.indirect.scatter.add.f32 [tilespmem:s31], [sflag:$0xA], $0x40, s13, s20, $0xb8;
	[tilespmem:$0x1D880] =	vst v63  }
.Ltmp3:
0xb0: {  	_ = 	snop;
	(pc) =	sbr.rel .LBB2_2-.Ltmp3, $4  }
0xb1: {  	_ =	swait.ge [sflag:s30], $0x1F40  }
0xb2: {  	[sflag:s30] =	ssyncset.done $0x0  }
0xb3: {  	s10 =	sadd.s32 $0xA00, s10;
	s13 =	sadd.s32 $0x680, s9;
	[sflag:s30] =	ssyncadd.s32 $0xFFFFE0C0  }
0xb4: {  	[tilespmem:s28], [sflag:$0x4] =	stream.indirect.gather [hbm4b:s12+s20], $0x40, s13, s20, $0xb8;
	[tilespmem:$0x1D880] =	vst v63  }
.LBB2_5:
0xb5: {  	_ =	sfence.sel $0x180000  }
0xb6: {  	[bflag:$0x0] =	sbarrier.arrive $0xFFFF  }
0xb7: {  	_ =	strace $0x9000004D  }
0xb8: {  	s0 =	stileid.u32;
	[bflag:$0x2] =	sbarrier.arrive $0xFFFF  }
0xb9: {  	p0 =	sne.s32 s0, $0x0;
	s0 =	rddreg [dreg:$0x3]  }
0xba: {  	s0 =	sadd.s32 @!p0 $0x100000, s0  }
0xbb: {  	[sflag:s0] =	ssyncadd.tile.s32 @!p0 $0x1;
	_ =	shalt  }
.Lfunc_end2:
_tile_overlayer_lowered:
.L_overlay_start_2:
0xbc: {  	(tag) =	ssettag $0x2  }
0xbd: {  	s0 =	rddreg [dreg:$0x0];
	s2 =	stileid.u32  }
0xbe: {  	s1 =	rddreg [dreg:$0x1];
	p0 =	sne.s32 s2, $0x0  }
0xbf: {  	s3 =	rddreg [dreg:$0x2];
	[bflag:$0x3] =	sbarrier.arrive $0xFFFF;
	s2 =	simm.s32 @!p0 $0x1C0B  }
0xc0: {  	[timem:s3], [sflag:s2] =	dma.local @!p0 [hbm:s0], s1  }
0xc1: {  	s0 =	simm.s32 @!p0 $0xB  }
0xc2: {  	_ =	swait.ge @!p0 [sflag:s0], s1  }
0xc3: {  	s1 =	ssub.s32 @!p0 $0x0, s1;
	[sflag:s0] =	ssyncset.done @!p0 $0x0  }
0xc4: {  	[sflag:s0] =	ssyncadd.s32 @!p0 s1  }
0xc5: {  	[bflag:$0x3] =	sbarrier.arrive $0xFFFF  }
0xc6: {  	_ =	shalt  }

// kernel: kernel.18.cloned.1.call-start
scs
__scs_entry_jumppad:
0x0: {  	(pc) =	sbr.rel $0x88, $3  }
0x1: {  	(tag) =	ssettag $0x0;
	lr =	simm.s32 $0x1  }
0x2: {  	[smem:$0x3F98] =	sst lr;
	_ =	strace $0xD0000000  }
0x3: {  	_ = 	snop  }
0x4: {  	_ = 	snop  }
0x5: {  	_ = 	snop  }
0x6: {  	_ = 	snop  }
0x7: {  	_ = 	snop  }
__scs_overlays_trampoline_lowered:
0x8: {  	[smem:$0x3FA7] =	sst s0  }
0x9: {  	[smem:$0x3FA8] =	sst s1  }
0xa: {  	[smem:$0x3FA9] =	sst s2  }
0xb: {  	[smem:$0x3FAA] =	sst s3  }
0xc: {  	[smem:$0x3FAB] =	sst s4  }
0xd: {  	[smem:$0x3FAC] =	sst s5  }
0xe: {  	[smem:$0x3FAD] =	sst s6  }
0xf: {  	[smem:$0x3FAE] =	sst s7  }
0x10: {  	[smem:$0x3FAF] =	sst s8  }
0x11: {  	[smem:$0x3FB0] =	sst s9;
	s0 =	simm.s32 @!p0 $0x0  }
0x12: {  	s1 =	sld [smem:$0x3F96];
	s0 =	simm.s32 @p0 $0x1  }
0x13: {  	[smem:$0x3FB1] =	sst s0;
	s0 =	simm.s32 @!p1 $0x0  }
0x14: {  	s2 =	sld [smem:$0x3F95];
	s0 =	simm.s32 @p1 $0x1  }
0x15: {  	[smem:$0x3FB2] =	sst s0;
	s0 =	simm.s32 @!p2 $0x0  }
0x16: {  	s3 =	sld [smem:$0x3FDB];
	s0 =	simm.s32 @p2 $0x1  }
0x17: {  	s4 =	simm.s32 $0x1BF5;
	[smem:$0x3FB4] =	sst s0  }
0x18: {  	s0 =	sld [smem:$0x3F97];
	_ =	swait.ge [sflag:s4], $0x0  }
0x19: {  	s7 =	sld [smem:$0x3F98]  }
0x1a: {  	s8 =	sadd.s32 $0xFFFFE003, lr  }
0x1b: {  	s9 =	sadd.s32 $0xFFFFFEF7, lr;
	s5 =	simm.s32 $0xFFFFFFFF;
	p2 =	slt.u32 s8, $0xFFFFF086  }
0x1c: {  	p1 =	slt.u32 s9, $0xF7A;
	s5 =	simm.s32 @!p2 $0x0  }
0x1d: {  	s5 =	simm.s32 @p1 $0x1;
	p0 =	seq.s32 s7, s2  }
0x1e: {  	s7 =	smul.u32 @!p0 $0xF7A, s2;
	p2 =	seq.s32 @!p0 s5, $0x0  }
0x1f: {  	s9 =	smul.u32 $0xF7A, s1;
	s8 =	simm.s32 @!p0 $0x1BF5;
	p2 =	por !p2, p0  }
0x20: {  	[sflag:s8] =	ssyncset.s32 @!p0 $0xFFFFF086;
	s6 =	sadd.s32 @!p0 s3, s7;
	s7 =	simm.s32 @!p0 $0x108  }
0x21: {  	s3 =	sadd.s32 s3, s9;
	s6 =	sadd.s32 @!p0 $0x88, s6;
	s7 =	simm.s32 @p2 $0x1082  }
0x22: {  	[simem:s7], [sflag:s8] =	dma.local @!p0 [hbm:s6], $0xF7A  }
0x23: {  	s9 =	sor.u32 $0xD0000000, s2;
	s6 =	simm.s32 $0x108;
	_ =	swait.ge @!p0 [sflag:s8], $0x0  }
0x24: {  	s3 =	sadd.s32 $0x88, s3;
	s6 =	simm.s32 @!p1 $0x1082;
	[sflag:s4] =	ssyncset.s32 $0xFFFFF086  }
0x25: {  	[simem:s6], [sflag:s4] =	dma.local [hbm:s3], $0xF7A  }
0x26: {  	[smem:$0x3F98] =	sst s1;
	(tag) =	ssettag s2;
	_ =	strace s9  }
0x27: {  	s1 =	sld [smem:$0x3FA8]  }
0x28: {  	s2 =	sld [smem:$0x3FA9]  }
0x29: {  	s4 =	sld [smem:$0x3FAB]  }
0x2a: {  	p0 =	seq.s32 s5, $0x0;
	s5 =	sld [smem:$0x3FAC]  }
0x2b: {  	s6 =	sld [smem:$0x3FAD]  }
0x2c: {  	s7 =	sld [smem:$0x3FAE]  }
0x2d: {  	s3 =	simm.s32 $0x108;
	s8 =	sld [smem:$0x3FAF]  }
0x2e: {  	s3 =	simm.s32 @!p0 $0x1082;
	s9 =	sld [smem:$0x3FB0]  }
0x2f: {  	lr =	sadd.s32 s0, s3;
	s0 =	sld [smem:$0x3FA7]  }
0x30: {  	s3 =	sld [smem:$0x3FAA]  }
0x31: {  	[smem:$0x3FB3] =	sst s10  }
0x32: {  	s10 =	sld [smem:$0x3FB1];
	_ =	sdelay $0x3  }
0x33: {  	p0 =	seq.s32 s10, $0x1;
	s10 =	sld [smem:$0x3FB3];
	_ =	sdelay $0x3  }
0x34: {  	[smem:$0x3FB3] =	sst s10  }
0x35: {  	s10 =	sld [smem:$0x3FB2];
	_ =	sdelay $0x3  }
0x36: {  	p1 =	seq.s32 s10, $0x1;
	s10 =	sld [smem:$0x3FB3];
	_ =	sdelay $0x3  }
0x37: {  	[smem:$0x3FB3] =	sst s10  }
0x38: {  	s10 =	sld [smem:$0x3FB4]  }
0x39: {  	_ = 	snop;
	(pc) =	sbr.ind lr, $3  }
0x3a: {  	_ = 	snop  }
0x3b: {  	_ = 	snop  }
0x3c: {  	p2 =	seq.s32 s10, $0x1;
	s10 =	sld [smem:$0x3FB3]  }
0x3d: {  	_ =	shalt  }
0x3e: {  	_ =	shalt  }
0x3f: {  	_ =	shalt  }
0x40: {  	_ =	shalt  }
0x41: {  	_ =	shalt  }
0x42: {  	_ =	shalt  }
0x43: {  	_ =	shalt  }
0x44: {  	_ =	shalt  }
0x45: {  	_ =	shalt  }
0x46: {  	_ =	shalt  }
0x47: {  	_ =	shalt  }
0x48: {  	_ =	shalt  }
0x49: {  	_ =	shalt  }
0x4a: {  	_ =	shalt  }
0x4b: {  	_ =	shalt  }
0x4c: {  	_ =	shalt  }
0x4d: {  	_ =	shalt  }
0x4e: {  	_ =	shalt  }
0x4f: {  	_ =	shalt  }
0x50: {  	_ =	shalt  }
0x51: {  	_ =	shalt  }
0x52: {  	_ =	shalt  }
0x53: {  	_ =	shalt  }
0x54: {  	_ =	shalt  }
0x55: {  	_ =	shalt  }
0x56: {  	_ =	shalt  }
0x57: {  	_ =	shalt  }
0x58: {  	_ =	shalt  }
0x59: {  	_ =	shalt  }
0x5a: {  	_ =	shalt  }
0x5b: {  	_ =	shalt  }
0x5c: {  	_ =	shalt  }
0x5d: {  	_ =	shalt  }
0x5e: {  	_ =	shalt  }
0x5f: {  	_ =	shalt  }
0x60: {  	_ =	shalt  }
0x61: {  	_ =	shalt  }
0x62: {  	_ =	shalt  }
0x63: {  	_ =	shalt  }
0x64: {  	_ =	shalt  }
0x65: {  	_ =	shalt  }
0x66: {  	_ =	shalt  }
0x67: {  	_ =	shalt  }
0x68: {  	_ =	shalt  }
0x69: {  	_ =	shalt  }
0x6a: {  	_ =	shalt  }
0x6b: {  	_ =	shalt  }
0x6c: {  	_ =	shalt  }
0x6d: {  	_ =	shalt  }
0x6e: {  	_ =	shalt  }
0x6f: {  	_ =	shalt  }
0x70: {  	_ =	shalt  }
0x71: {  	_ =	shalt  }
0x72: {  	_ =	shalt  }
0x73: {  	_ =	shalt  }
0x74: {  	_ =	shalt  }
0x75: {  	_ =	shalt  }
0x76: {  	_ =	shalt  }
0x77: {  	_ =	shalt  }
0x78: {  	_ =	shalt  }
0x79: {  	_ =	shalt  }
0x7a: {  	_ =	shalt  }
0x7b: {  	_ =	shalt  }
0x7c: {  	_ =	shalt  }
0x7d: {  	_ =	shalt  }
0x7e: {  	_ =	shalt  }
0x7f: {  	_ =	shalt  }
0x80: {  	_ =	shalt  }
0x81: {  	_ =	shalt  }
0x82: {  	_ =	shalt  }
0x83: {  	_ =	shalt  }
0x84: {  	_ =	shalt  }
0x85: {  	_ =	shalt  }
0x86: {  	_ =	shalt  }
0x87: {  	_ =	shalt  }
.Lfunc_end0:
.L_simem_size_0:
called_computation.3_lowered:
.L_overlay_start_0:
0x88: {  	s2 =	sld [smem:$0x3FD9]  }
0x89: {  	s3 =	sld [smem:$0x3FFE];
	_ =	sdelay $0x1  }
0x8a: {  	s1 =	srdreg.scid  }
0x8b: {  	s0 =	sand.u32 $0x1, s1  }
0x8c: {  	s14 =	sshll.u32 s0, $0xA;
	s2 =	sadd.s32 s3, s2  }
0x8d: {  	s2 =	sadd.s32 s2, s14  }
0x8e: {  	[smem:$0x3FBF] =	sst s2  }
0x8f: {  	_ = 	snop  }
0x90: {  	s2 =	sld [smem:$0x3FD0];
	_ =	sdelay $0x2  }
0x91: {  	s15 =	simm.s32 $0xA;
	s4 =	simm.s32 $0x10  }
0x92: {  	[smem:s4], [sflag:s15] =	dma.local [hbm:s2], $0x1  }
0x93: {  	_ =	swait.eq [sflag:s15], $0x1  }
0x94: {  	[sflag:s15] =	ssyncset.done $0x0  }
0x95: {  	[sflag:s15] =	ssyncadd.s32 $0xFFFFFFFF  }
0x96: {  	s16 =	sld [smem:$0x11];
	(tm) =	ssettm $0x1  }
0x97: {  	s17 =	sld [smem:$0x3FFB];
	_ =	sdelay $0x3  }
0x98: {  	_ =	strace s17  }
0x99: {  	s3 =	sld [smem:$0x3FFC];
	_ =	sdelay $0x3  }
0x9a: {  	_ =	strace s3  }
0x9b: {  	s3 =	sld [smem:$0x3FFD];
	_ =	sdelay $0x3  }
0x9c: {  	_ =	strace s3  }
0x9d: {  	_ =	strace $0x8FFFFFFF  }
0x9e: {  	s18 =	sld [smem:$0x3FDB];
	_ =	sdelay $0x1  }
0x9f: {  	s19 =	simm.s32 $_scs_section_size  }
0xa0: {  	s5 =	simm.s32 $_size__tile_overlayer_lowered;
	s6 =	simm.s32 $_tile_overlayer_lowered  }
0xa1: {  	s22 =	simm.s32 $0x1BFF;
	s21 =	sshll.u32 s6, $0x1;
	s3 =	sadd.s32 s19, s18  }
0xa2: {  	s7 =	simm.s32 $0x0;
	s20 =	sshll.u32 s5, $0x1;
	s5 =	sadd.s32 s21, s3  }
0xa3: {  	[timem:s7], [sflag:s22] =	dma.local [hbm:s5], s20  }
0xa4: {  	_ =	swait.ge [sflag:s22], s20  }
0xa5: {  	s4 =	ssub.s32 $0x0, s20;
	[sflag:s22] =	ssyncset.done $0x0  }
0xa6: {  	[sflag:s22] =	ssyncadd.s32 s4;
	_ =	sdelay $0x1  }
0xa7: {  	s23 =	simm.s32 $0x1B8B  }
0xa8: {  	_ =	swait.ge [sflag:s23], $0x1  }
0xa9: {  	[sflag:s23] =	ssyncset.done $0x0  }
0xaa: {  	s25 =	simm.s32 $0x1B8E;
	s24 =	sld [smem:$0x3FFE];
	[sflag:s23] =	ssyncadd.s32 $0xFFFFFFFF  }
0xab: {  	s26 =	simm.s32 $execute0_lowered;
	[smem:$0x3FD2] =	sst s25  }
0xac: {  	s5 =	sshll.u32 s26, $0x1;
	_ =	strace $0x8000004F;
	[dreg:$0x1] =	wrdreg $0xFFFFFFFF  }
0xad: {  	s28 =	simm.s32 $_size_execute0_lowered;
	s3 =	sadd.s32 s3, s5;
	[dreg:$0x0] =	wrdreg $0x0  }
0xae: {  	s5 =	sshll.u32 s28, $0x1;
	[dreg:$0x2] =	wrdreg s3  }
0xaf: {  	[dreg:$0x3] =	wrdreg s5  }
0xb0: {  	[dreg:$0x4] =	wrdreg $0xC0  }
0xb1: {  	_ =	task [dreg:s7], $0x5FFFF  }
0xb2: {  	[dreg:$0x1] =	wrdreg $0xFFFFFFFF  }
0xb3: {  	[dreg:$0x0] =	wrdreg $0x60  }
0xb4: {  	[dreg:$0x2] =	wrdreg s16  }
0xb5: {  	[dreg:$0x3] =	wrdreg s24  }
0xb6: {  	[dreg:$0x4] =	wrdreg $0x9  }
0xb7: {  	_ =	task.clear_ibuf [dreg:s7], $0x5FFFF;
	_ =	strace $0x9000004F  }
0xb8: {  	s29 =	simm.s32 $0x9;
	_ =	strace $0x80000051  }
0xb9: {  	_ =	swait.ge [sflag:s29], $0x1  }
0xba: {  	[sflag:s29] =	ssyncadd.s32 $0xFFFFFFFF  }
0xbb: {  	_ =	strace $0x90000051  }
0xbc: {  	_ =	sfence  }
0xbd: {  	s30 =	sld [smem:$0x0];
	_ =	sdelay $0x2  }
0xbe: {  	s31 =	sshll.u32 s1, $0xD;
	s1 =	sshrl.u32 s1, $0x2  }
0xbf: {  	s3 =	sand.u32 $0x4000, s31;
	s1 =	sadd.s32 s1, s30  }
0xc0: {  	s0 =	sor.u32 s3, s0;
	s1 =	sshll.u32 s1, $0x11  }
0xc1: {  	s0 =	sor.u32 s1, s0  }
0xc2: {  	s0 =	sadd.s32 $0x8F2B, s0  }
0xc3: {  	[sflag:s0] =	ssyncadd.remote.s32 $0x1  }
0xc4: {  	_ =	sfence.sel $0xFFFF  }
0xc5: {  	[dreg:$0x0] =	wrdreg $0xFFFFFFFF;
	(pc) =	sbr.abs _section_cstart, $3  }
0xc6: {  	[dreg:$0x1] =	wrdreg $0xFFFFFFFF  }
0xc7: {  	_ =	task.clear_ibuf [dreg:s7], $0x2FFFF;
	_ =	strace $0x9FFFFFFF  }
0xc8: {  	(tm) =	ssettm $0x7FFFFFFF  }
0xc9: {  	_ =	shalt  }
tec
execute0_lowered:
.L_overlay_start_1:
0x0: {  	(tag) =	ssettag $0x1  }
0x1: {  	s2 =	rddreg [dreg:$0x0]  }
0x2: {  	s0 =	srdreg.scid;
	s5 =	rddreg [dreg:$0x1]  }
0x3: {  	s3 =	simm.s32 $0x0;
	s10 =	simm.s32 $0x2780;
	s4 =	sand.u32 $0x1, s0  }
0x4: {  	s11 =	simm.s32 $0x4F00;
	s0 =	stileid.u32;
	s1 =	sshll.u32 s4, $0x4  }
0x5: {  	s12 =	simm.s32 $0x5B80;
	s13 =	simm.s32 $0x6800;
	s6 =	sor.u32 s0, s1  }
0x6: {  	s14 =	simm.s32 $0x0;
	[smem:$0x7FF] =	sst s3;
	s6 =	smul.u32 $0x188, s6  }
0x7: {  	s7 =	ssub.s32 $0x2, s4;
	s4 =	sadd.s32 $0xE00, s5;
	s1 =	rddreg [dreg:$0x2]  }
0x8: {  	_ =	strace $0x80000050;
	s31 =	sshrl.u32 s7, $0x1;
	s8 =	sadd.s32 s6, s5  }
0x9: {  	s9 =	ssub.s32 s7, s31;
	s5 =	sadd.s32 $0xAE00, s8;
	s6 =	sadd.s32 $0xF0E00, s8  }
0xa: {  	s7 =	sadd.s32 $0x1400, s8;
	s8 =	smax.u32 s9, $0x1;
	s9 =	simm.s32 $0x1  }
.LBB2_1:
0xb: {  	[tilespmem:s3], [sflag:$0x1] =	stream.linear.gather [hbm4b:s2+s3], $0x2780, $0x38;
	[tilespmem:$0x7480] =	vst v63  }
0xc: {  	_ =	swait.ge [sflag:s9], $0x2780  }
0xd: {  	[sflag:s9] =	ssyncset.done $0x0  }
0xe: {  	[sflag:s9] =	ssyncadd.s32 $0xFFFFD880  }
0xf: {  	[tilespmem:s10], [sflag:$0x1] =	stream.linear.gather [hbm4b:s4+s3], $0x2780, $0x38;
	[tilespmem:$0x7480] =	vst v63  }
0x10: {  	_ =	swait.ge [sflag:s9], $0x2780  }
0x11: {  	[sflag:s9] =	ssyncset.done $0x0  }
0x12: {  	[sflag:s9] =	ssyncadd.s32 $0xFFFFD880  }
0x13: {  	[tilespmem:s11], [sflag:$0x1] =	stream.linear.gather [hbm4b:s5+s3], $0xC40, $0x38;
	[tilespmem:$0x7480] =	vst v63  }
0x14: {  	_ =	swait.ge [sflag:s9], $0xC40  }
0x15: {  	[sflag:s9] =	ssyncset.done $0x0  }
0x16: {  	[sflag:s9] =	ssyncadd.s32 $0xFFFFF3C0  }
0x17: {  	[tilespmem:s12], [sflag:$0x1] =	stream.linear.gather [hbm4b:s6+s3], $0xC40, $0x38;
	[tilespmem:$0x7480] =	vst v63  }
0x18: {  	_ =	swait.ge [sflag:s9], $0xC40  }
0x19: {  	[sflag:s9] =	ssyncset.done $0x0  }
0x1a: {  	s15 =	simm.s32 $0x0;
	[sflag:s9] =	ssyncadd.s32 $0xFFFFF3C0  }
0x1b: {  	v0 =	vld [tilespmem:s15+$0x5B80]  }
0x1c: {  	v1 =	vld [tilespmem:s15+$0x4F00];
	_ =	sdelay $0x6  }
0x1d: {  	v0 =	vld.idx.msk [tilespmem:v0+s10+$0x0], $0xffff  }
0x1e: {  	v1 =	vld.idx.msk [tilespmem:v1+s3+$0x0], $0xffff;
	_ =	sdelay $0x4  }
0x1f: {  	v0 =	vadd.f32 v0, v1;
	_ =	sdelay $0x1  }
0x20: {  	v0 =	vsub.f32 $0.0e+00, v0;
	_ =	sdelay $0x1  }
0x21: {  	v0 =	vmul.f32 $1.442695020e+00, v0;
	_ =	sdelay $0x1  }
0x22: {  	(erf) = vpow2.f32 v0;
	_ =	sdelay $0x8  }
0x23: {  	v0 =	vpop (erf)  }
0x24: {  	v0 =	vadd.f32 $1.000000000e+00, v0;
	_ =	sdelay $0x1  }
0x25: {  	(erf) = vrcp.f32 v0;
	_ =	sdelay $0x1  }
0x26: {  	s17 =	simm.s32 $0x10  }
0x27: {  	s16 =	simm.s32 $0x80;
	v0 =	vld [tilespmem:s17+$0x5B80]  }
.LBB2_2:
0x28: {  	p0 =	sne.s32 s16, $0x30C0;
	v1 =	vld [tilespmem:s17+$0x4F00];
	_ =	sdelay $0x4  }
0x29: {  	v2 =	vpop (erf)  }
0x2a: {  	[tilespmem:s15+$0x6800] =	vst v2;
	s15 =	smov.u32 s17  }
0x2b: {  	v0 =	vld.idx.msk [tilespmem:v0+s10+$0x0], $0xffff  }
0x2c: {  	v1 =	vld.idx.msk [tilespmem:v1+s3+$0x0], $0xffff;
	_ =	sdelay $0x5  }
0x2d: {  	v0 =	vadd.f32 v0, v1;
	_ =	sdelay $0x1  }
0x2e: {  	v0 =	vsub.f32 $0.0e+00, v0;
	_ =	sdelay $0x1  }
0x2f: {  	v0 =	vmul.f32 $1.442695020e+00, v0;
	_ =	sdelay $0x1  }
0x30: {  	(erf) = vpow2.f32 v0;
	_ =	sdelay $0x8  }
0x31: {  	v0 =	vpop (erf)  }
0x32: {  	v0 =	vadd.f32 $1.000000000e+00, v0  }
.Ltmp0:
0x33: {  	(pc) =	sbr.rel @p0 .LBB2_2-.Ltmp0, $3  }
0x34: {  	(erf) = vrcp.f32 v0;
	_ =	sdelay $0x1  }
0x35: {  	s17 =	sshra.s32 s16, $0x2  }
0x36: {  	s16 =	sadd.s32 $0x40, s16;
	v0 =	vld [tilespmem:s17+$0x5B80]  }
0x37: {  	_ = 	snop  }
0x38: {  	v1 =	vld [tilespmem:s17+$0x4F00];
	_ =	sdelay $0x4  }
0x39: {  	v2 =	vpop (erf)  }
0x3a: {  	[tilespmem:s15+$0x6800] =	vst v2  }
0x3b: {  	v0 =	vld.idx.msk [tilespmem:v0+s10+$0x0], $0xffff  }
0x3c: {  	v1 =	vld.idx.msk [tilespmem:v1+s3+$0x0], $0xffff;
	_ =	sdelay $0x4  }
0x3d: {  	v0 =	vadd.f32 v0, v1;
	_ =	sdelay $0x1  }
0x3e: {  	v0 =	vsub.f32 $0.0e+00, v0;
	_ =	sdelay $0x1  }
0x3f: {  	v0 =	vmul.f32 $1.442695020e+00, v0;
	_ =	sdelay $0x1  }
0x40: {  	(erf) = vpow2.f32 v0;
	_ =	sdelay $0x8  }
0x41: {  	v0 =	vpop (erf)  }
0x42: {  	v0 =	vadd.f32 $1.000000000e+00, v0;
	_ =	sdelay $0x1  }
0x43: {  	(erf) = vrcp.f32 v0;
	_ =	sdelay $0x7  }
0x44: {  	s14 =	sadd.s32 $0x1, s14  }
0x45: {  	p0 =	sne.s32 s14, s8;
	v0 =	vpop (erf)  }
.Ltmp1:
0x46: {  	[tilespmem:s17+$0x6800] =	vst v0;
	(pc) =	sbr.rel @p0 .LBB2_1-.Ltmp1, $4  }
0x47: {  	[hbm4b:s7+s3] =	stream.linear.scatter [tilespmem:s13], [sflag:$0x1], $0xC40, $0x38;
	[tilespmem:$0x7480] =	vst v63  }
0x48: {  	_ =	swait.ge [sflag:s9], $0xC40  }
0x49: {  	[sflag:s9] =	ssyncset.done $0x0  }
0x4a: {  	[sflag:s9] =	ssyncadd.s32 $0xFFFFF3C0  }
0x4b: {  	_ =	sfence.sel $0x180000  }
0x4c: {  	[bflag:$0x0] =	sbarrier.arrive $0xFFFF  }
0x4d: {  	p0 =	sne.s32 s0, $0x0;
	_ =	strace $0x90000050  }
0x4e: {  	s0 =	sadd.s32 @!p0 $0x100000, s1;
	[bflag:$0x2] =	sbarrier.arrive $0xFFFF  }
0x4f: {  	[sflag:s0] =	ssyncadd.tile.s32 @!p0 $0x1;
	_ =	shalt  }
.Lfunc_end2:
_tile_overlayer_lowered:
.L_overlay_start_2:
0x50: {  	(tag) =	ssettag $0x2  }
0x51: {  	s0 =	rddreg [dreg:$0x0];
	s2 =	stileid.u32  }
0x52: {  	s1 =	rddreg [dreg:$0x1];
	p0 =	sne.s32 s2, $0x0  }
0x53: {  	s3 =	rddreg [dreg:$0x2];
	[bflag:$0x3] =	sbarrier.arrive $0xFFFF;
	s2 =	simm.s32 @!p0 $0x1C01  }
0x54: {  	[timem:s3], [sflag:s2] =	dma.local @!p0 [hbm:s0], s1  }
0x55: {  	s0 =	simm.s32 @!p0 $0x1  }
0x56: {  	_ =	swait.ge @!p0 [sflag:s0], s1  }
0x57: {  	s1 =	ssub.s32 @!p0 $0x0, s1;
	[sflag:s0] =	ssyncset.done @!p0 $0x0  }
0x58: {  	[sflag:s0] =	ssyncadd.s32 @!p0 s1  }
0x59: {  	[bflag:$0x3] =	sbarrier.arrive $0xFFFF  }
0x5a: {  	_ =	shalt  }

// kernel: kernel.9.cloned.1.call-start
scs
__scs_entry_jumppad:
0x0: {  	(pc) =	sbr.rel $0x88, $3  }
0x1: {  	(tag) =	ssettag $0x0;
	lr =	simm.s32 $0x1  }
0x2: {  	[smem:$0x3F98] =	sst lr;
	_ =	strace $0xD0000000  }
0x3: {  	_ = 	snop  }
0x4: {  	_ = 	snop  }
0x5: {  	_ = 	snop  }
0x6: {  	_ = 	snop  }
0x7: {  	_ = 	snop  }
__scs_overlays_trampoline_lowered:
0x8: {  	[smem:$0x3FA7] =	sst s0  }
0x9: {  	[smem:$0x3FA8] =	sst s1  }
0xa: {  	[smem:$0x3FA9] =	sst s2  }
0xb: {  	[smem:$0x3FAA] =	sst s3  }
0xc: {  	[smem:$0x3FAB] =	sst s4  }
0xd: {  	[smem:$0x3FAC] =	sst s5  }
0xe: {  	[smem:$0x3FAD] =	sst s6  }
0xf: {  	[smem:$0x3FAE] =	sst s7  }
0x10: {  	[smem:$0x3FAF] =	sst s8  }
0x11: {  	[smem:$0x3FB0] =	sst s9;
	s0 =	simm.s32 @!p0 $0x0  }
0x12: {  	s1 =	sld [smem:$0x3F96];
	s0 =	simm.s32 @p0 $0x1  }
0x13: {  	[smem:$0x3FB1] =	sst s0;
	s0 =	simm.s32 @!p1 $0x0  }
0x14: {  	s2 =	sld [smem:$0x3F95];
	s0 =	simm.s32 @p1 $0x1  }
0x15: {  	[smem:$0x3FB2] =	sst s0;
	s0 =	simm.s32 @!p2 $0x0  }
0x16: {  	s3 =	sld [smem:$0x3FDB];
	s0 =	simm.s32 @p2 $0x1  }
0x17: {  	s4 =	simm.s32 $0x1BF5;
	[smem:$0x3FB4] =	sst s0  }
0x18: {  	s0 =	sld [smem:$0x3F97];
	_ =	swait.ge [sflag:s4], $0x0  }
0x19: {  	s7 =	sld [smem:$0x3F98]  }
0x1a: {  	s8 =	sadd.s32 $0xFFFFE003, lr  }
0x1b: {  	s9 =	sadd.s32 $0xFFFFFEF7, lr;
	s5 =	simm.s32 $0xFFFFFFFF;
	p2 =	slt.u32 s8, $0xFFFFF086  }
0x1c: {  	p1 =	slt.u32 s9, $0xF7A;
	s5 =	simm.s32 @!p2 $0x0  }
0x1d: {  	s5 =	simm.s32 @p1 $0x1;
	p0 =	seq.s32 s7, s2  }
0x1e: {  	s7 =	smul.u32 @!p0 $0xF7A, s2;
	p2 =	seq.s32 @!p0 s5, $0x0  }
0x1f: {  	s9 =	smul.u32 $0xF7A, s1;
	s8 =	simm.s32 @!p0 $0x1BF5;
	p2 =	por !p2, p0  }
0x20: {  	[sflag:s8] =	ssyncset.s32 @!p0 $0xFFFFF086;
	s6 =	sadd.s32 @!p0 s3, s7;
	s7 =	simm.s32 @!p0 $0x108  }
0x21: {  	s3 =	sadd.s32 s3, s9;
	s6 =	sadd.s32 @!p0 $0x88, s6;
	s7 =	simm.s32 @p2 $0x1082  }
0x22: {  	[simem:s7], [sflag:s8] =	dma.local @!p0 [hbm:s6], $0xF7A  }
0x23: {  	s9 =	sor.u32 $0xD0000000, s2;
	s6 =	simm.s32 $0x108;
	_ =	swait.ge @!p0 [sflag:s8], $0x0  }
0x24: {  	s3 =	sadd.s32 $0x88, s3;
	s6 =	simm.s32 @!p1 $0x1082;
	[sflag:s4] =	ssyncset.s32 $0xFFFFF086  }
0x25: {  	[simem:s6], [sflag:s4] =	dma.local [hbm:s3], $0xF7A  }
0x26: {  	[smem:$0x3F98] =	sst s1;
	(tag) =	ssettag s2;
	_ =	strace s9  }
0x27: {  	s1 =	sld [smem:$0x3FA8]  }
0x28: {  	s2 =	sld [smem:$0x3FA9]  }
0x29: {  	s4 =	sld [smem:$0x3FAB]  }
0x2a: {  	p0 =	seq.s32 s5, $0x0;
	s5 =	sld [smem:$0x3FAC]  }
0x2b: {  	s6 =	sld [smem:$0x3FAD]  }
0x2c: {  	s7 =	sld [smem:$0x3FAE]  }
0x2d: {  	s3 =	simm.s32 $0x108;
	s8 =	sld [smem:$0x3FAF]  }
0x2e: {  	s3 =	simm.s32 @!p0 $0x1082;
	s9 =	sld [smem:$0x3FB0]  }
0x2f: {  	lr =	sadd.s32 s0, s3;
	s0 =	sld [smem:$0x3FA7]  }
0x30: {  	s3 =	sld [smem:$0x3FAA]  }
0x31: {  	[smem:$0x3FB3] =	sst s10  }
0x32: {  	s10 =	sld [smem:$0x3FB1];
	_ =	sdelay $0x3  }
0x33: {  	p0 =	seq.s32 s10, $0x1;
	s10 =	sld [smem:$0x3FB3];
	_ =	sdelay $0x3  }
0x34: {  	[smem:$0x3FB3] =	sst s10  }
0x35: {  	s10 =	sld [smem:$0x3FB2];
	_ =	sdelay $0x3  }
0x36: {  	p1 =	seq.s32 s10, $0x1;
	s10 =	sld [smem:$0x3FB3];
	_ =	sdelay $0x3  }
0x37: {  	[smem:$0x3FB3] =	sst s10  }
0x38: {  	s10 =	sld [smem:$0x3FB4]  }
0x39: {  	_ = 	snop;
	(pc) =	sbr.ind lr, $3  }
0x3a: {  	_ = 	snop  }
0x3b: {  	_ = 	snop  }
0x3c: {  	p2 =	seq.s32 s10, $0x1;
	s10 =	sld [smem:$0x3FB3]  }
0x3d: {  	_ =	shalt  }
0x3e: {  	_ =	shalt  }
0x3f: {  	_ =	shalt  }
0x40: {  	_ =	shalt  }
0x41: {  	_ =	shalt  }
0x42: {  	_ =	shalt  }
0x43: {  	_ =	shalt  }
0x44: {  	_ =	shalt  }
0x45: {  	_ =	shalt  }
0x46: {  	_ =	shalt  }
0x47: {  	_ =	shalt  }
0x48: {  	_ =	shalt  }
0x49: {  	_ =	shalt  }
0x4a: {  	_ =	shalt  }
0x4b: {  	_ =	shalt  }
0x4c: {  	_ =	shalt  }
0x4d: {  	_ =	shalt  }
0x4e: {  	_ =	shalt  }
0x4f: {  	_ =	shalt  }
0x50: {  	_ =	shalt  }
0x51: {  	_ =	shalt  }
0x52: {  	_ =	shalt  }
0x53: {  	_ =	shalt  }
0x54: {  	_ =	shalt  }
0x55: {  	_ =	shalt  }
0x56: {  	_ =	shalt  }
0x57: {  	_ =	shalt  }
0x58: {  	_ =	shalt  }
0x59: {  	_ =	shalt  }
0x5a: {  	_ =	shalt  }
0x5b: {  	_ =	shalt  }
0x5c: {  	_ =	shalt  }
0x5d: {  	_ =	shalt  }
0x5e: {  	_ =	shalt  }
0x5f: {  	_ =	shalt  }
0x60: {  	_ =	shalt  }
0x61: {  	_ =	shalt  }
0x62: {  	_ =	shalt  }
0x63: {  	_ =	shalt  }
0x64: {  	_ =	shalt  }
0x65: {  	_ =	shalt  }
0x66: {  	_ =	shalt  }
0x67: {  	_ =	shalt  }
0x68: {  	_ =	shalt  }
0x69: {  	_ =	shalt  }
0x6a: {  	_ =	shalt  }
0x6b: {  	_ =	shalt  }
0x6c: {  	_ =	shalt  }
0x6d: {  	_ =	shalt  }
0x6e: {  	_ =	shalt  }
0x6f: {  	_ =	shalt  }
0x70: {  	_ =	shalt  }
0x71: {  	_ =	shalt  }
0x72: {  	_ =	shalt  }
0x73: {  	_ =	shalt  }
0x74: {  	_ =	shalt  }
0x75: {  	_ =	shalt  }
0x76: {  	_ =	shalt  }
0x77: {  	_ =	shalt  }
0x78: {  	_ =	shalt  }
0x79: {  	_ =	shalt  }
0x7a: {  	_ =	shalt  }
0x7b: {  	_ =	shalt  }
0x7c: {  	_ =	shalt  }
0x7d: {  	_ =	shalt  }
0x7e: {  	_ =	shalt  }
0x7f: {  	_ =	shalt  }
0x80: {  	_ =	shalt  }
0x81: {  	_ =	shalt  }
0x82: {  	_ =	shalt  }
0x83: {  	_ =	shalt  }
0x84: {  	_ =	shalt  }
0x85: {  	_ =	shalt  }
0x86: {  	_ =	shalt  }
0x87: {  	_ =	shalt  }
.Lfunc_end0:
.L_simem_size_0:
called_computation_lowered:
.L_overlay_start_0:
0x88: {  	s2 =	sld [smem:$0x3FD9]  }
0x89: {  	s3 =	sld [smem:$0x3FFE];
	_ =	sdelay $0x1  }
0x8a: {  	s1 =	srdreg.scid  }
0x8b: {  	s0 =	sand.u32 $0x1, s1  }
0x8c: {  	s14 =	sshll.u32 s0, $0xA;
	s2 =	sadd.s32 s3, s2  }
0x8d: {  	s2 =	sadd.s32 s2, s14  }
0x8e: {  	[smem:$0x3FBF] =	sst s2  }
0x8f: {  	_ = 	snop  }
0x90: {  	s2 =	sld [smem:$0x3FD0];
	_ =	sdelay $0x2  }
0x91: {  	s15 =	simm.s32 $0xA;
	s4 =	simm.s32 $0x10  }
0x92: {  	[smem:s4], [sflag:s15] =	dma.local [hbm:s2], $0x1  }
0x93: {  	_ =	swait.eq [sflag:s15], $0x1  }
0x94: {  	[sflag:s15] =	ssyncset.done $0x0  }
0x95: {  	s16 =	sld [smem:$0x10];
	[sflag:s15] =	ssyncadd.s32 $0xFFFFFFFF  }
0x96: {  	s17 =	sld [smem:$0x11];
	(tm) =	ssettm $0x1  }
0x97: {  	s18 =	sld [smem:$0x3FFB];
	_ =	sdelay $0x3  }
0x98: {  	_ =	strace s18  }
0x99: {  	s4 =	sld [smem:$0x3FFC];
	_ =	sdelay $0x3  }
0x9a: {  	_ =	strace s4  }
0x9b: {  	s4 =	sld [smem:$0x3FFD];
	_ =	sdelay $0x3  }
0x9c: {  	_ =	strace s4  }
0x9d: {  	_ =	strace $0x8FFFFFFF  }
0x9e: {  	s19 =	sld [smem:$0x3FDB];
	_ =	sdelay $0x1  }
0x9f: {  	s5 =	simm.s32 $_scs_section_size  }
0xa0: {  	s6 =	simm.s32 $_size__tile_overlayer_lowered;
	s7 =	simm.s32 $_tile_overlayer_lowered  }
0xa1: {  	s22 =	simm.s32 $0x1BFF;
	s21 =	sshll.u32 s7, $0x1;
	s4 =	sadd.s32 s5, s19  }
0xa2: {  	s8 =	simm.s32 $0x0;
	s20 =	sshll.u32 s6, $0x1;
	s6 =	sadd.s32 s21, s4  }
0xa3: {  	[timem:s8], [sflag:s22] =	dma.local [hbm:s6], s20  }
0xa4: {  	_ =	swait.ge [sflag:s22], s20  }
0xa5: {  	s5 =	ssub.s32 $0x0, s20;
	[sflag:s22] =	ssyncset.done $0x0  }
0xa6: {  	[sflag:s22] =	ssyncadd.s32 s5;
	_ =	sdelay $0x1  }
0xa7: {  	s23 =	simm.s32 $0x1B8B  }
0xa8: {  	_ =	swait.ge [sflag:s23], $0x1  }
0xa9: {  	[sflag:s23] =	ssyncset.done $0x0  }
0xaa: {  	s25 =	simm.s32 $0x1B8E;
	s24 =	sld [smem:$0x3FFE];
	[sflag:s23] =	ssyncadd.s32 $0xFFFFFFFF  }
0xab: {  	s26 =	simm.s32 $execute0_lowered;
	[smem:$0x3FD2] =	sst s25  }
0xac: {  	s6 =	sshll.u32 s26, $0x1;
	_ =	strace $0x80000046;
	[dreg:$0x1] =	wrdreg $0xFFFFFFFF  }
0xad: {  	s28 =	simm.s32 $_size_execute0_lowered;
	s4 =	sadd.s32 s4, s6;
	[dreg:$0x0] =	wrdreg $0x0  }
0xae: {  	s6 =	sshll.u32 s28, $0x1;
	[dreg:$0x2] =	wrdreg s4  }
0xaf: {  	[dreg:$0x3] =	wrdreg s6  }
0xb0: {  	[dreg:$0x4] =	wrdreg $0xC0  }
0xb1: {  	_ =	task [dreg:s8], $0x5FFFF  }
0xb2: {  	[dreg:$0x1] =	wrdreg $0xFFFFFFFF  }
0xb3: {  	[dreg:$0x0] =	wrdreg $0x60  }
0xb4: {  	[dreg:$0x2] =	wrdreg s24  }
0xb5: {  	[dreg:$0x3] =	wrdreg s17  }
0xb6: {  	[dreg:$0x4] =	wrdreg s16  }
0xb7: {  	[dreg:$0x5] =	wrdreg $0x2FD00  }
0xb8: {  	[dreg:$0x6] =	wrdreg $0x9  }
0xb9: {  	_ =	task.clear_ibuf [dreg:s8], $0x7FFFF;
	_ =	strace $0x90000046  }
0xba: {  	s29 =	simm.s32 $0x9;
	_ =	strace $0x80000048  }
0xbb: {  	_ =	swait.ge [sflag:s29], $0x1  }
0xbc: {  	[sflag:s29] =	ssyncadd.s32 $0xFFFFFFFF  }
0xbd: {  	_ =	strace $0x90000048  }
0xbe: {  	_ =	sfence  }
0xbf: {  	s30 =	sld [smem:$0x0];
	_ =	sdelay $0x2  }
0xc0: {  	s31 =	sshll.u32 s1, $0xD;
	s1 =	sshrl.u32 s1, $0x2  }
0xc1: {  	s3 =	sand.u32 $0x4000, s31;
	s1 =	sadd.s32 s1, s30  }
0xc2: {  	s0 =	sor.u32 s3, s0;
	s1 =	sshll.u32 s1, $0x11  }
0xc3: {  	s0 =	sor.u32 s1, s0  }
0xc4: {  	s0 =	sadd.s32 $0x8F2B, s0  }
0xc5: {  	[sflag:s0] =	ssyncadd.remote.s32 $0x1  }
0xc6: {  	_ =	sfence.sel $0xFFFF  }
0xc7: {  	[dreg:$0x0] =	wrdreg $0xFFFFFFFF;
	(pc) =	sbr.abs _section_cstart, $3  }
0xc8: {  	[dreg:$0x1] =	wrdreg $0xFFFFFFFF  }
0xc9: {  	_ =	task.clear_ibuf [dreg:s8], $0x2FFFF;
	_ =	strace $0x9FFFFFFF  }
0xca: {  	(tm) =	ssettm $0x7FFFFFFF  }
0xcb: {  	_ =	shalt  }
tec
execute0_lowered:
.L_overlay_start_1:
0x0: {  	(tag) =	ssettag $0x1  }
0x1: {  	s7 =	rddreg [dreg:$0x0]  }
0x2: {  	s1 =	rddreg [dreg:$0x1]  }
0x3: {  	s9 =	rddreg [dreg:$0x2]  }
0x4: {  	s0 =	srdreg.scid;
	s3 =	rddreg [dreg:$0x3]  }
0x5: {  	s4 =	simm.s32 $0x0;
	s17 =	simm.s32 $0x1;
	s18 =	simm.s32 $0x0  }
0x6: {  	s5 =	sand.u32 $0x1, s0;
	s0 =	stileid.u32;
	[smem:$0x7FF] =	sst s4  }
0x7: {  	s14 =	sadd.s32 $0x25080, s3;
	s2 =	sshll.u32 s5, $0x4;
	s8 =	smul.u32 $0x2780, s0  }
0x8: {  	s10 =	ssub.s32 $0x2, s5;
	s13 =	smul.u32 $0x27100, s5;
	p0 =	seq.s32 s0, $0xF  }
0x9: {  	s6 =	sor.u32 s0, s2;
	s2 =	rddreg [dreg:$0x4];
	_ =	strace $0x80000047  }
0xa: {  	s12 =	sshrl.u32 s10, $0x1;
	s16 =	sshll.u32 @!p0 s0, $0x6;
	s6 =	smul.u32 $0x500, s6  }
0xb: {  	s11 =	sshrl.u32 s8, $0x3;
	s10 =	ssub.s32 s10, s12;
	s15 =	sadd.s32 s8, s3  }
0xc: {  	s8 =	sadd.s32 s8, s13;
	s31 =	sshrl.u32 s13, $0x3;
	s12 =	simm.s32 $0x2800  }
0xd: {  	s13 =	sshrl.u32 @p0 s14, $0x3;
	s14 =	sor.u32 @!p0 $0x1C02, s16;
	s16 =	simm.s32 $0x7D  }
0xe: {  	s11 =	sadd.s32 s11, s7;
	s8 =	sshrl.u32 s8, $0x3;
	s10 =	smax.u32 s10, $0x1  }
0xf: {  	s15 =	sshrl.u32 @!p0 s15, $0x3;
	s6 =	sadd.s32 s6, s7;
	s7 =	sadd.s32 $0xF810, s7  }
0x10: {  	s8 =	sadd.s32 s9, s8;
	s9 =	sadd.s32 s9, s31;
	s5 =	sadd.s32 $0xE00, s6  }
0x11: {  	s6 =	sadd.s32 $0xAE00, s11;
	s9 =	sadd.s32 $0x4A10, s9;
	s11 =	simm.s32 $0x2  }
.LBB2_1:
0x12: {  	[tilespmem:s4], [sflag:$0x2] =	stream.linear.gather [hbm4b:s5+s4], $0x2800, $0x38;
	[tilespmem:$0x56E0] =	vst v63  }
0x13: {  	_ =	swait.ge [sflag:s11], $0x2800  }
0x14: {  	[sflag:s11] =	ssyncset.done $0x0  }
0x15: {  	[sflag:s11] =	ssyncadd.s32 $0xFFFFD800  }
0x16: {  	[tilespmem:s12], [sflag:$0x2] =	stream.linear.gather [hbm4b:s1+s4], $0x7D0, $0x38;
	[tilespmem:$0x56E0] =	vst v63  }
0x17: {  	_ =	swait.ge [sflag:s11], $0x7D0  }
0x18: {  	[sflag:s11] =	ssyncset.done $0x0  }
0x19: {  	s19 =	simm.s32 @p0 $0x1FC2;
	[sflag:s11] =	ssyncadd.s32 $0xFFFFF830  }
0x1a: {  	[spmem:s13], [sflag:s19] =	dma.local @p0 [hbm:s7], $0x410  }
0x1b: {  	s19 =	simm.s32 @p0 $0x2  }
0x1c: {  	_ =	swait.ge @p0 [sflag:s19], $0x410  }
0x1d: {  	[sflag:s19] =	ssyncset.done @p0 $0x0  }
0x1e: {  	[sflag:s19] =	ssyncadd.s32 @p0 $0xFFFFFBF0;
	s19 =	simm.s32 @!p0 $0x2  }
0x1f: {  	[spmem:s15], [sflag:s14] =	dma.local @!p0 [hbm:s6], $0x4F0  }
0x20: {  	_ =	swait.ge @!p0 [sflag:s19], $0x4F0  }
0x21: {  	[sflag:s19] =	ssyncset.done @!p0 $0x0  }
0x22: {  	[sflag:s19] =	ssyncadd.s32 @!p0 $0xFFFFFB10  }
0x23: {  	s19 =	simm.s32 $0x0;
	[bflag:$0x0] =	sbarrier.arrive $0xFFFF  }
.LBB2_2:
0x24: {  	p1 =	sne.s32 s19, $0x9E00  }
.Ltmp0:
0x25: {  	_ = 	snop;
	(pc) =	sbr.rel @p1 .LBB2_2-.Ltmp0, $3  }
0x26: {  	_ =	sdelay $0x1  }
0x27: {  	s20 =	sshra.s32 s19, $0x2;
	s19 =	sadd.s32 $0x200, s19  }
0x28: {  	[spmem:s3] =	stream.indirect.scatter.add.f32 [tilespmem:s12], [sflag:$0x1], $0x10, s20, s16, $0xb8;
	[tilespmem:$0x56E0] =	vst v63  }
0x29: {  	_ =	swait.ge [sflag:s17], $0x7D0  }
0x2a: {  	s19 =	simm.s32 $0x4F;
	[sflag:s17] =	ssyncset.done $0x0  }
.LBB2_4:
0x2b: {  	p1 =	sne.s32 s19, $0x1;
	s19 =	sadd.s32 $0xFFFFFFFF, s19;
	[sflag:s17] =	ssyncadd.s32 $0xFFFFF830  }
.Ltmp1:
0x2c: {  	(pc) =	sbr.rel @p1 .LBB2_4-.Ltmp1, $3  }
0x2d: {  	_ =	sdelay $0x1  }
0x2e: {  	_ =	swait.ge [sflag:s17], $0x7D0  }
0x2f: {  	[sflag:s17] =	ssyncset.done $0x0  }
0x30: {  	[sflag:s17] =	ssyncadd.s32 $0xFFFFF830  }
0x31: {  	s19 =	simm.s32 @p0 $0x1FC2;
	[bflag:$0x0] =	sbarrier.arrive $0xFFFF  }
0x32: {  	[hbm:s9], [sflag:s19] =	dma.local @p0 [spmem:s13], $0x410  }
0x33: {  	s19 =	simm.s32 @p0 $0x2  }
0x34: {  	s18 =	sadd.s32 $0x1, s18;
	_ =	swait.ge @p0 [sflag:s19], $0x410  }
0x35: {  	p1 =	sne.s32 s18, s10;
	[sflag:s19] =	ssyncset.done @p0 $0x0  }
.Ltmp2:
0x36: {  	[sflag:s19] =	ssyncadd.s32 @p0 $0xFFFFFBF0;
	s19 =	simm.s32 @!p0 $0x2;
	(pc) =	sbr.rel @p1 .LBB2_1-.Ltmp2, $4  }
0x37: {  	[hbm:s8], [sflag:s14] =	dma.local @!p0 [spmem:s15], $0x4F0  }
0x38: {  	_ =	swait.ge @!p0 [sflag:s19], $0x4F0  }
0x39: {  	[sflag:s19] =	ssyncset.done @!p0 $0x0  }
0x3a: {  	[sflag:s19] =	ssyncadd.s32 @!p0 $0xFFFFFB10  }
0x3b: {  	_ =	sfence.sel $0x180000  }
0x3c: {  	[bflag:$0x0] =	sbarrier.arrive $0xFFFF  }
0x3d: {  	p0 =	sne.s32 s0, $0x0;
	_ =	strace $0x90000047  }
0x3e: {  	s0 =	sadd.s32 @!p0 $0x100000, s2;
	[bflag:$0x2] =	sbarrier.arrive $0xFFFF  }
0x3f: {  	[sflag:s0] =	ssyncadd.tile.s32 @!p0 $0x1;
	_ =	shalt  }
.Lfunc_end2:
_tile_overlayer_lowered:
.L_overlay_start_2:
0x40: {  	(tag) =	ssettag $0x2  }
0x41: {  	s0 =	rddreg [dreg:$0x0];
	s2 =	stileid.u32  }
0x42: {  	s1 =	rddreg [dreg:$0x1];
	p0 =	sne.s32 s2, $0x0  }
0x43: {  	s3 =	rddreg [dreg:$0x2];
	[bflag:$0x3] =	sbarrier.arrive $0xFFFF;
	s2 =	simm.s32 @!p0 $0x1C02  }
0x44: {  	[timem:s3], [sflag:s2] =	dma.local @!p0 [hbm:s0], s1  }
0x45: {  	s0 =	simm.s32 @!p0 $0x2  }
0x46: {  	_ =	swait.ge @!p0 [sflag:s0], s1  }
0x47: {  	s1 =	ssub.s32 @!p0 $0x0, s1;
	[sflag:s0] =	ssyncset.done @!p0 $0x0  }
0x48: {  	[sflag:s0] =	ssyncadd.s32 @!p0 s1  }
0x49: {  	[bflag:$0x3] =	sbarrier.arrive $0xFFFF  }
0x4a: {  	_ =	shalt  }

</sc_bundles>
